<compile_context>
chip_gen: v7x
topology: tpu7x:2x2x1
jax: 0.10.2.dev20260603
libtpu: 0.0.44.dev20260713+nightly
codegen_flags: <defaults>
</compile_context>

<pallas_src>
import jax
import jax.numpy as jnp
from jax import lax
from jax.experimental import pallas as pl
from jax.experimental.pallas import tpu as pltpu
from jax.experimental.pallas import tpu_sc as plsc

F_ITEMS = 64
L = 512
H = 768
P = 8
S = 6
NIDX = P * S
HV = H // 16

_info = plsc.get_sparse_core_info()
NC, NS = _info.num_cores, _info.num_subcores
NW = NC * NS
IPW = F_ITEMS // NW
NT = 3 * IPW


def _sc_body(emb, iv, ia0, ia1, ov, oa0, oa1, idx_v, rows_v, acc_v,
             gsem, osem, isem):
    wid = lax.axis_index("s") * NC + lax.axis_index("c")
    f0 = wid * IPW
    scale = jnp.float32(1.0 / NIDX)
    idx_refs = (iv, ia0, ia1)
    out_refs = (ov, oa0, oa1)
    tasks = [(a, j) for a in range(3) for j in range(IPW)]

    for t, (a, j) in enumerate(tasks):
        pltpu.async_copy(idx_refs[a].at[f0 + j], idx_v.at[t], isem)

    def drain_idx(t):
        a, j = tasks[t]
        pltpu.make_async_copy(idx_refs[a].at[f0 + j], idx_v.at[t],
                              isem).wait()

    def start(t):
        a, j = tasks[t]
        pltpu.async_copy(emb.at[f0 + j].at[idx_v.at[t]], rows_v.at[t % 3],
                         gsem.at[t % 3])

    drain_idx(0)
    start(0)
    drain_idx(1)
    start(1)
    for t, (a, j) in enumerate(tasks):
        if t + 2 < NT:
            drain_idx(t + 2)
            start(t + 2)
        pltpu.make_async_copy(emb.at[f0 + j].at[idx_v.at[t]],
                              rows_v.at[t % 3], gsem.at[t % 3]).wait()
        rv = rows_v.at[t % 3]

        def hbody(h, _):
            sl = pl.ds(h * 16, 16)
            a4 = [rv[r, sl] for r in range(4)]
            for r in range(4, NIDX, 4):
                for q in range(4):
                    a4[q] = a4[q] + rv[r + q, sl]
            acc_v[t, sl] = ((a4[0] + a4[1]) + (a4[2] + a4[3])) * scale
            return 0

        lax.fori_loop(0, HV, hbody, 0)
        pltpu.async_copy(acc_v.at[t], out_refs[a].at[f0 + j], osem)
    for t, (a, j) in enumerate(tasks):
        pltpu.make_async_copy(acc_v.at[t], out_refs[a].at[f0 + j], osem).wait()


@jax.jit
def _pooled(emb, iv, ia0, ia1):
    mesh = plsc.VectorSubcoreMesh(core_axis_name="c", subcore_axis_name="s")
    row = jax.ShapeDtypeStruct((F_ITEMS, H), jnp.float32)
    return pl.kernel(
        _sc_body,
        out_type=(row, row, row),
        mesh=mesh,
        scratch_types=[
            pltpu.VMEM((NT, NIDX), jnp.int32),
            pltpu.VMEM((3, NIDX, H), jnp.float32),
            pltpu.VMEM((NT, H), jnp.float32),
            pltpu.SemaphoreType.DMA((3,)),
            pltpu.SemaphoreType.DMA,
            pltpu.SemaphoreType.DMA,
        ],
    )(emb, iv, ia0, ia1)


def kernel(token_emb, idx_V, idx_A0, idx_A1, B, N_max):
    Fdim = token_emb.shape[0]
    return _pooled(token_emb,
                   idx_V.reshape(Fdim, NIDX),
                   idx_A0.reshape(Fdim, NIDX),
                   idx_A1.reshape(Fdim, NIDX))

# --- scband reference (transcript-rebuilt; emitter-appended) ---
"""Pipeline reference for scband-srlfeature-extractor-89300960018792 (READ-ONLY COPY).

The authoritative reference and input builder live on the scoring server;
editing this copy changes nothing except your own understanding.
"""

import jax, jax.numpy as jnp
import numpy as np

F_ITEMS = 64  # B * N_max = 8 * 8
L = 512
H = 768
P = 8   # predicates per item
S = 6   # tokens per span


def setup_inputs(seed: int = 0) -> dict:
    key = jax.random.key(seed)
    k1, k2, k3, k4 = jax.random.split(key, 4)
    token_emb = jax.random.normal(k1, (F_ITEMS, L, H), dtype=jnp.float32)
    idx_V = jax.random.randint(k2, (F_ITEMS, P, S), 0, L, dtype=jnp.int32)
    idx_A0 = jax.random.randint(k3, (F_ITEMS, P, S), 0, L, dtype=jnp.int32)
    idx_A1 = jax.random.randint(k4, (F_ITEMS, P, S), 0, L, dtype=jnp.int32)
    return {"token_emb": token_emb, "idx_V": idx_V, "idx_A0": idx_A0,
            "idx_A1": idx_A1, "B": 8, "N_max": 8}


def reference(token_emb, idx_V, idx_A0, idx_A1, B, N_max):
    # token_emb: (B*N_max, L, H). idx_*: (B*N_max, P, S) token positions of each
    # SRL span (dense tensorized form of srl_spans_batch; all spans valid/non-empty).
    # Pooling: mean over span tokens (S), then mean over predicates (P) -> (B*N_max, H),
    # matching _pool_span + torch.stack(...).mean(0) in the original module.
    Fdim, Ldim, Hdim = token_emb.shape

    def pool(idx):
        Pn, Sn = idx.shape[1], idx.shape[2]
        flat = idx.reshape(Fdim, Pn * Sn)
        g = jnp.take_along_axis(token_emb, flat[:, :, None], axis=1)  # (F, P*S, H)
        g = g.reshape(Fdim, Pn, Sn, Hdim)
        span_mean = g.mean(axis=2)        # (F, P, H) -- mean over span tokens
        return span_mean.mean(axis=1)     # (F, H)    -- mean over predicates

    e_V = pool(idx_V)
    e_A0 = pool(idx_A0)
    e_A1 = pool(idx_A1)
    return (e_V, e_A0, e_A1)

if __name__ == "__main__":
    import jax
    _d = setup_inputs()
    print(jax.jit(kernel)(*tuple(_d.values())))

</pallas_src>

<mosaic_0001>
#map = affine_map<(d0, d1) -> (0, 0, 0)>
#map1 = affine_map<(d0, d1) -> (0, 0)>
module attributes {stable_mosaic.version = 14 : i64} {
  func.func @_sc_body(%arg0: i32, %arg1: i32, %arg2: memref<64x512x768xf32, #tpu.memory_space<hbm>>, %arg3: memref<64x48xi32, #tpu.memory_space<hbm>>, %arg4: memref<64x48xi32, #tpu.memory_space<hbm>>, %arg5: memref<64x48xi32, #tpu.memory_space<hbm>>, %arg6: memref<64x768xf32, #tpu.memory_space<hbm>>, %arg7: memref<64x768xf32, #tpu.memory_space<hbm>>, %arg8: memref<64x768xf32, #tpu.memory_space<hbm>>, %arg9: memref<6x48xi32, #tpu.memory_space<vmem>>, %arg10: memref<3x48x768xf32, #tpu.memory_space<vmem>>, %arg11: memref<6x768xf32, #tpu.memory_space<vmem>>, %arg12: memref<3x!tpu.dma_semaphore, #tpu.memory_space<semaphore_mem>>, %arg13: memref<!tpu.dma_semaphore, #tpu.memory_space<semaphore_mem>>, %arg14: memref<!tpu.dma_semaphore, #tpu.memory_space<semaphore_mem>>) attributes {dimension_semantics = [#tpu.dimension_semantics<core_parallel>, #tpu.dimension_semantics<subcore_parallel>], iteration_bounds = array<i64: 2, 16>, scalar_prefetch = 0 : i64, scratch_operands = 6 : i64, tpu.core_type = #tpu.core_type<sc_vector_subcore>, window_params = [{transform_indices = #map}, {transform_indices = #map1}, {transform_indices = #map1}, {transform_indices = #map1}, {transform_indices = #map1}, {transform_indices = #map1}, {transform_indices = #map1}]} {
    %mul3A = arith.constant 2 : i32
    %mul3A_0 = arith.muli %arg1, %mul3A : i32
    %add3A = arith.addi %mul3A_0, %arg0 : i32
    %mul3A_1 = arith.constant 2 : i32
    %mul3A_2 = arith.muli %add3A, %mul3A_1 : i32
    %add3A_3 = arith.constant 0 : i32
    %add3A_4 = arith.addi %mul3A_2, %add3A_3 : i32
    %dma_start3A = arith.constant 0 : i32
    %dma_start3A_5 = arith.constant 0 : i32
    %dma_start3A_6 = tpu.memref_slice %arg9[%dma_start3A, %dma_start3A_5] : memref<6x48xi32, #tpu.memory_space<vmem>> -> memref<1x48xi32, #tpu.memory_space<vmem>>
    %dma_start3A_7 = tpu.memref_squeeze %dma_start3A_6 : memref<1x48xi32, #tpu.memory_space<vmem>> -> memref<48xi32, #tpu.memory_space<vmem>>
    %dma_start3A_8 = arith.constant 0 : i32
    %dma_start3A_9 = tpu.memref_slice %arg3[%add3A_4, %dma_start3A_8] : memref<64x48xi32, #tpu.memory_space<hbm>> -> memref<1x48xi32, #tpu.memory_space<hbm>>
    %dma_start3A_10 = tpu.memref_squeeze %dma_start3A_9 : memref<1x48xi32, #tpu.memory_space<hbm>> -> memref<48xi32, #tpu.memory_space<hbm>>
    %dma_start3A_11 = arith.constant 0 : i32
    %dma_start3A_12 = tpu.memref_slice %arg9[%dma_start3A, %dma_start3A_11] : memref<6x48xi32, #tpu.memory_space<vmem>> -> memref<1x48xi32, #tpu.memory_space<vmem>>
    %dma_start3A_13 = tpu.memref_squeeze %dma_start3A_12 : memref<1x48xi32, #tpu.memory_space<vmem>> -> memref<48xi32, #tpu.memory_space<vmem>>
    %dma_start3A_14 = arith.constant 0 : i32
    %dma_start3A_15 = tpu.memref_slice %arg3[%add3A_4, %dma_start3A_14] : memref<64x48xi32, #tpu.memory_space<hbm>> -> memref<1x48xi32, #tpu.memory_space<hbm>>
    %dma_start3A_16 = tpu.memref_squeeze %dma_start3A_15 : memref<1x48xi32, #tpu.memory_space<hbm>> -> memref<48xi32, #tpu.memory_space<hbm>>
    tpu.enqueue_dma source(%dma_start3A_16 : memref<48xi32, #tpu.memory_space<hbm>>) target(%dma_start3A_13 : memref<48xi32, #tpu.memory_space<vmem>>) target_semaphore(%arg14 : memref<!tpu.dma_semaphore, #tpu.memory_space<semaphore_mem>>)
    %add3A_17 = arith.constant 1 : i32
    %add3A_18 = arith.addi %mul3A_2, %add3A_17 : i32
    %dma_start3A_19 = arith.constant 1 : i32
    %dma_start3A_20 = arith.constant 0 : i32
    %dma_start3A_21 = tpu.memref_slice %arg9[%dma_start3A_19, %dma_start3A_20] : memref<6x48xi32, #tpu.memory_space<vmem>> -> memref<1x48xi32, #tpu.memory_space<vmem>>
    %dma_start3A_22 = tpu.memref_squeeze %dma_start3A_21 : memref<1x48xi32, #tpu.memory_space<vmem>> -> memref<48xi32, #tpu.memory_space<vmem>>
    %dma_start3A_23 = arith.constant 0 : i32
    %dma_start3A_24 = tpu.memref_slice %arg3[%add3A_18, %dma_start3A_23] : memref<64x48xi32, #tpu.memory_space<hbm>> -> memref<1x48xi32, #tpu.memory_space<hbm>>
    %dma_start3A_25 = tpu.memref_squeeze %dma_start3A_24 : memref<1x48xi32, #tpu.memory_space<hbm>> -> memref<48xi32, #tpu.memory_space<hbm>>
    %dma_start3A_26 = arith.constant 0 : i32
    %dma_start3A_27 = tpu.memref_slice %arg9[%dma_start3A_19, %dma_start3A_26] : memref<6x48xi32, #tpu.memory_space<vmem>> -> memref<1x48xi32, #tpu.memory_space<vmem>>
    %dma_start3A_28 = tpu.memref_squeeze %dma_start3A_27 : memref<1x48xi32, #tpu.memory_space<vmem>> -> memref<48xi32, #tpu.memory_space<vmem>>
    %dma_start3A_29 = arith.constant 0 : i32
    %dma_start3A_30 = tpu.memref_slice %arg3[%add3A_18, %dma_start3A_29] : memref<64x48xi32, #tpu.memory_space<hbm>> -> memref<1x48xi32, #tpu.memory_space<hbm>>
    %dma_start3A_31 = tpu.memref_squeeze %dma_start3A_30 : memref<1x48xi32, #tpu.memory_space<hbm>> -> memref<48xi32, #tpu.memory_space<hbm>>
    tpu.enqueue_dma source(%dma_start3A_31 : memref<48xi32, #tpu.memory_space<hbm>>) target(%dma_start3A_28 : memref<48xi32, #tpu.memory_space<vmem>>) target_semaphore(%arg14 : memref<!tpu.dma_semaphore, #tpu.memory_space<semaphore_mem>>)
    %add3A_32 = arith.constant 0 : i32
    %add3A_33 = arith.addi %mul3A_2, %add3A_32 : i32
    %dma_start3A_34 = arith.constant 2 : i32
    %dma_start3A_35 = arith.constant 0 : i32
    %dma_start3A_36 = tpu.memref_slice %arg9[%dma_start3A_34, %dma_start3A_35] : memref<6x48xi32, #tpu.memory_space<vmem>> -> memref<1x48xi32, #tpu.memory_space<vmem>>
    %dma_start3A_37 = tpu.memref_squeeze %dma_start3A_36 : memref<1x48xi32, #tpu.memory_space<vmem>> -> memref<48xi32, #tpu.memory_space<vmem>>
    %dma_start3A_38 = arith.constant 0 : i32
    %dma_start3A_39 = tpu.memref_slice %arg4[%add3A_33, %dma_start3A_38] : memref<64x48xi32, #tpu.memory_space<hbm>> -> memref<1x48xi32, #tpu.memory_space<hbm>>
    %dma_start3A_40 = tpu.memref_squeeze %dma_start3A_39 : memref<1x48xi32, #tpu.memory_space<hbm>> -> memref<48xi32, #tpu.memory_space<hbm>>
    %dma_start3A_41 = arith.constant 0 : i32
    %dma_start3A_42 = tpu.memref_slice %arg9[%dma_start3A_34, %dma_start3A_41] : memref<6x48xi32, #tpu.memory_space<vmem>> -> memref<1x48xi32, #tpu.memory_space<vmem>>
    %dma_start3A_43 = tpu.memref_squeeze %dma_start3A_42 : memref<1x48xi32, #tpu.memory_space<vmem>> -> memref<48xi32, #tpu.memory_space<vmem>>
    %dma_start3A_44 = arith.constant 0 : i32
    %dma_start3A_45 = tpu.memref_slice %arg4[%add3A_33, %dma_start3A_44] : memref<64x48xi32, #tpu.memory_space<hbm>> -> memref<1x48xi32, #tpu.memory_space<hbm>>
    %dma_start3A_46 = tpu.memref_squeeze %dma_start3A_45 : memref<1x48xi32, #tpu.memory_space<hbm>> -> memref<48xi32, #tpu.memory_space<hbm>>
    tpu.enqueue_dma source(%dma_start3A_46 : memref<48xi32, #tpu.memory_space<hbm>>) target(%dma_start3A_43 : memref<48xi32, #tpu.memory_space<vmem>>) target_semaphore(%arg14 : memref<!tpu.dma_semaphore, #tpu.memory_space<semaphore_mem>>)
    %add3A_47 = arith.constant 1 : i32
    %add3A_48 = arith.addi %mul3A_2, %add3A_47 : i32
    %dma_start3A_49 = arith.constant 3 : i32
    %dma_start3A_50 = arith.constant 0 : i32
    %dma_start3A_51 = tpu.memref_slice %arg9[%dma_start3A_49, %dma_start3A_50] : memref<6x48xi32, #tpu.memory_space<vmem>> -> memref<1x48xi32, #tpu.memory_space<vmem>>
    %dma_start3A_52 = tpu.memref_squeeze %dma_start3A_51 : memref<1x48xi32, #tpu.memory_space<vmem>> -> memref<48xi32, #tpu.memory_space<vmem>>
    %dma_start3A_53 = arith.constant 0 : i32
    %dma_start3A_54 = tpu.memref_slice %arg4[%add3A_48, %dma_start3A_53] : memref<64x48xi32, #tpu.memory_space<hbm>> -> memref<1x48xi32, #tpu.memory_space<hbm>>
    %dma_start3A_55 = tpu.memref_squeeze %dma_start3A_54 : memref<1x48xi32, #tpu.memory_space<hbm>> -> memref<48xi32, #tpu.memory_space<hbm>>
    %dma_start3A_56 = arith.constant 0 : i32
    %dma_start3A_57 = tpu.memref_slice %arg9[%dma_start3A_49, %dma_start3A_56] : memref<6x48xi32, #tpu.memory_space<vmem>> -> memref<1x48xi32, #tpu.memory_space<vmem>>
    %dma_start3A_58 = tpu.memref_squeeze %dma_start3A_57 : memref<1x48xi32, #tpu.memory_space<vmem>> -> memref<48xi32, #tpu.memory_space<vmem>>
    %dma_start3A_59 = arith.constant 0 : i32
    %dma_start3A_60 = tpu.memref_slice %arg4[%add3A_48, %dma_start3A_59] : memref<64x48xi32, #tpu.memory_space<hbm>> -> memref<1x48xi32, #tpu.memory_space<hbm>>
    %dma_start3A_61 = tpu.memref_squeeze %dma_start3A_60 : memref<1x48xi32, #tpu.memory_space<hbm>> -> memref<48xi32, #tpu.memory_space<hbm>>
    tpu.enqueue_dma source(%dma_start3A_61 : memref<48xi32, #tpu.memory_space<hbm>>) target(%dma_start3A_58 : memref<48xi32, #tpu.memory_space<vmem>>) target_semaphore(%arg14 : memref<!tpu.dma_semaphore, #tpu.memory_space<semaphore_mem>>)
    %add3A_62 = arith.constant 0 : i32
    %add3A_63 = arith.addi %mul3A_2, %add3A_62 : i32
    %dma_start3A_64 = arith.constant 4 : i32
    %dma_start3A_65 = arith.constant 0 : i32
    %dma_start3A_66 = tpu.memref_slice %arg9[%dma_start3A_64, %dma_start3A_65] : memref<6x48xi32, #tpu.memory_space<vmem>> -> memref<1x48xi32, #tpu.memory_space<vmem>>
    %dma_start3A_67 = tpu.memref_squeeze %dma_start3A_66 : memref<1x48xi32, #tpu.memory_space<vmem>> -> memref<48xi32, #tpu.memory_space<vmem>>
    %dma_start3A_68 = arith.constant 0 : i32
    %dma_start3A_69 = tpu.memref_slice %arg5[%add3A_63, %dma_start3A_68] : memref<64x48xi32, #tpu.memory_space<hbm>> -> memref<1x48xi32, #tpu.memory_space<hbm>>
    %dma_start3A_70 = tpu.memref_squeeze %dma_start3A_69 : memref<1x48xi32, #tpu.memory_space<hbm>> -> memref<48xi32, #tpu.memory_space<hbm>>
    %dma_start3A_71 = arith.constant 0 : i32
    %dma_start3A_72 = tpu.memref_slice %arg9[%dma_start3A_64, %dma_start3A_71] : memref<6x48xi32, #tpu.memory_space<vmem>> -> memref<1x48xi32, #tpu.memory_space<vmem>>
    %dma_start3A_73 = tpu.memref_squeeze %dma_start3A_72 : memref<1x48xi32, #tpu.memory_space<vmem>> -> memref<48xi32, #tpu.memory_space<vmem>>
    %dma_start3A_74 = arith.constant 0 : i32
    %dma_start3A_75 = tpu.memref_slice %arg5[%add3A_63, %dma_start3A_74] : memref<64x48xi32, #tpu.memory_space<hbm>> -> memref<1x48xi32, #tpu.memory_space<hbm>>
    %dma_start3A_76 = tpu.memref_squeeze %dma_start3A_75 : memref<1x48xi32, #tpu.memory_space<hbm>> -> memref<48xi32, #tpu.memory_space<hbm>>
    tpu.enqueue_dma source(%dma_start3A_76 : memref<48xi32, #tpu.memory_space<hbm>>) target(%dma_start3A_73 : memref<48xi32, #tpu.memory_space<vmem>>) target_semaphore(%arg14 : memref<!tpu.dma_semaphore, #tpu.memory_space<semaphore_mem>>)
    %add3A_77 = arith.constant 1 : i32
    %add3A_78 = arith.addi %mul3A_2, %add3A_77 : i32
    %dma_start3A_79 = arith.constant 5 : i32
    %dma_start3A_80 = arith.constant 0 : i32
    %dma_start3A_81 = tpu.memref_slice %arg9[%dma_start3A_79, %dma_start3A_80] : memref<6x48xi32, #tpu.memory_space<vmem>> -> memref<1x48xi32, #tpu.memory_space<vmem>>
    %dma_start3A_82 = tpu.memref_squeeze %dma_start3A_81 : memref<1x48xi32, #tpu.memory_space<vmem>> -> memref<48xi32, #tpu.memory_space<vmem>>
    %dma_start3A_83 = arith.constant 0 : i32
    %dma_start3A_84 = tpu.memref_slice %arg5[%add3A_78, %dma_start3A_83] : memref<64x48xi32, #tpu.memory_space<hbm>> -> memref<1x48xi32, #tpu.memory_space<hbm>>
    %dma_start3A_85 = tpu.memref_squeeze %dma_start3A_84 : memref<1x48xi32, #tpu.memory_space<hbm>> -> memref<48xi32, #tpu.memory_space<hbm>>
    %dma_start3A_86 = arith.constant 0 : i32
    %dma_start3A_87 = tpu.memref_slice %arg9[%dma_start3A_79, %dma_start3A_86] : memref<6x48xi32, #tpu.memory_space<vmem>> -> memref<1x48xi32, #tpu.memory_space<vmem>>
    %dma_start3A_88 = tpu.memref_squeeze %dma_start3A_87 : memref<1x48xi32, #tpu.memory_space<vmem>> -> memref<48xi32, #tpu.memory_space<vmem>>
    %dma_start3A_89 = arith.constant 0 : i32
    %dma_start3A_90 = tpu.memref_slice %arg5[%add3A_78, %dma_start3A_89] : memref<64x48xi32, #tpu.memory_space<hbm>> -> memref<1x48xi32, #tpu.memory_space<hbm>>
    %dma_start3A_91 = tpu.memref_squeeze %dma_start3A_90 : memref<1x48xi32, #tpu.memory_space<hbm>> -> memref<48xi32, #tpu.memory_space<hbm>>
    tpu.enqueue_dma source(%dma_start3A_91 : memref<48xi32, #tpu.memory_space<hbm>>) target(%dma_start3A_88 : memref<48xi32, #tpu.memory_space<vmem>>) target_semaphore(%arg14 : memref<!tpu.dma_semaphore, #tpu.memory_space<semaphore_mem>>)
    %add3A_92 = arith.constant 0 : i32
    %add3A_93 = arith.addi %mul3A_2, %add3A_92 : i32
    %dma_wait3A = arith.constant 0 : i32
    %dma_wait3A_94 = arith.constant 0 : i32
    %dma_wait3A_95 = tpu.memref_slice %arg9[%dma_wait3A, %dma_wait3A_94] : memref<6x48xi32, #tpu.memory_space<vmem>> -> memref<1x48xi32, #tpu.memory_space<vmem>>
    %dma_wait3A_96 = tpu.memref_squeeze %dma_wait3A_95 : memref<1x48xi32, #tpu.memory_space<vmem>> -> memref<48xi32, #tpu.memory_space<vmem>>
    %dma_wait3A_97 = arith.constant 0 : i32
    %dma_wait3A_98 = tpu.memref_slice %arg3[%add3A_93, %dma_wait3A_97] : memref<64x48xi32, #tpu.memory_space<hbm>> -> memref<1x48xi32, #tpu.memory_space<hbm>>
    %dma_wait3A_99 = tpu.memref_squeeze %dma_wait3A_98 : memref<1x48xi32, #tpu.memory_space<hbm>> -> memref<48xi32, #tpu.memory_space<hbm>>
    %dma_wait3A_100 = arith.constant 0 : i32
    %dma_wait3A_101 = tpu.memref_slice %arg9[%dma_wait3A, %dma_wait3A_100] : memref<6x48xi32, #tpu.memory_space<vmem>> -> memref<1x48xi32, #tpu.memory_space<vmem>>
    %dma_wait3A_102 = tpu.memref_squeeze %dma_wait3A_101 : memref<1x48xi32, #tpu.memory_space<vmem>> -> memref<48xi32, #tpu.memory_space<vmem>>
    %dma_wait3A_103 = arith.constant 0 : i32
    %dma_wait3A_104 = tpu.memref_slice %arg3[%add3A_93, %dma_wait3A_103] : memref<64x48xi32, #tpu.memory_space<hbm>> -> memref<1x48xi32, #tpu.memory_space<hbm>>
    %dma_wait3A_105 = tpu.memref_squeeze %dma_wait3A_104 : memref<1x48xi32, #tpu.memory_space<hbm>> -> memref<48xi32, #tpu.memory_space<hbm>>
    tpu.wait_dma2 semaphore(%arg14 : memref<!tpu.dma_semaphore, #tpu.memory_space<semaphore_mem>>) src(%dma_wait3A_105 : memref<48xi32, #tpu.memory_space<hbm>>) dst(%dma_wait3A_102 : memref<48xi32, #tpu.memory_space<vmem>>)
    %add3A_106 = arith.constant 0 : i32
    %add3A_107 = arith.addi %mul3A_2, %add3A_106 : i32
    %dma_start3A_108 = arith.constant 0 : i32
    %dma_start3A_109 = arith.constant 0 : i32
    %dma_start3A_110 = arith.constant 0 : i32
    %dma_start3A_111 = arith.constant 0 : i32
    %dma_start3A_112 = arith.constant 0 : i32
    %dma_start3A_113 = tpu.memref_slice %arg10[%dma_start3A_109, %dma_start3A_111, %dma_start3A_112] : memref<3x48x768xf32, #tpu.memory_space<vmem>> -> memref<1x48x768xf32, #tpu.memory_space<vmem>>
    %dma_start3A_114 = tpu.memref_squeeze %dma_start3A_113 : memref<1x48x768xf32, #tpu.memory_space<vmem>> -> memref<48x768xf32, #tpu.memory_space<vmem>>
    %dma_start3A_115 = arith.constant 0 : i32
    %dma_start3A_116 = tpu.memref_slice %arg9[%dma_start3A_108, %dma_start3A_115] : memref<6x48xi32, #tpu.memory_space<vmem>> -> memref<1x48xi32, #tpu.memory_space<vmem>>
    %dma_start3A_117 = tpu.memref_squeeze %dma_start3A_116 : memref<1x48xi32, #tpu.memory_space<vmem>> -> memref<48xi32, #tpu.memory_space<vmem>>
    %dma_start3A_118 = arith.constant 0 : i32
    %dma_start3A_119 = arith.constant 0 : i32
    %dma_start3A_120 = tpu.memref_slice %arg2[%add3A_107, %dma_start3A_118, %dma_start3A_119] : memref<64x512x768xf32, #tpu.memory_space<hbm>> -> memref<1x512x768xf32, #tpu.memory_space<hbm>>
    %dma_start3A_121 = tpu.memref_squeeze %dma_start3A_120 : memref<1x512x768xf32, #tpu.memory_space<hbm>> -> memref<512x768xf32, #tpu.memory_space<hbm>>
    %dma_start3A_122 = arith.constant 0 : i32
    %dma_start3A_123 = arith.constant 0 : i32
    %dma_start3A_124 = tpu.memref_slice %dma_start3A_121[%dma_start3A_122, %dma_start3A_123] : memref<512x768xf32, #tpu.memory_space<hbm>> -> memref<512x768xf32, #tpu.memory_space<hbm>>
    %dma_start3A_125 = tpu.memref_slice %arg12[%dma_start3A_110] : memref<3x!tpu.dma_semaphore, #tpu.memory_space<semaphore_mem>> -> memref<1x!tpu.dma_semaphore, #tpu.memory_space<semaphore_mem>>
    %dma_start3A_126 = tpu.memref_squeeze %dma_start3A_125 : memref<1x!tpu.dma_semaphore, #tpu.memory_space<semaphore_mem>> -> memref<!tpu.dma_semaphore, #tpu.memory_space<semaphore_mem>>
    tpu.enqueue_indirect_dma source(%dma_start3A_124 : memref<512x768xf32, #tpu.memory_space<hbm>>) target(%dma_start3A_114 : memref<48x768xf32, #tpu.memory_space<vmem>>) offsets(%dma_start3A_117 : memref<48xi32, #tpu.memory_space<vmem>>) semaphore(%dma_start3A_126 : memref<!tpu.dma_semaphore, #tpu.memory_space<semaphore_mem>>)
    %add3A_127 = arith.constant 1 : i32
    %add3A_128 = arith.addi %mul3A_2, %add3A_127 : i32
    %dma_wait3A_129 = arith.constant 1 : i32
    %dma_wait3A_130 = arith.constant 0 : i32
    %dma_wait3A_131 = tpu.memref_slice %arg9[%dma_wait3A_129, %dma_wait3A_130] : memref<6x48xi32, #tpu.memory_space<vmem>> -> memref<1x48xi32, #tpu.memory_space<vmem>>
    %dma_wait3A_132 = tpu.memref_squeeze %dma_wait3A_131 : memref<1x48xi32, #tpu.memory_space<vmem>> -> memref<48xi32, #tpu.memory_space<vmem>>
    %dma_wait3A_133 = arith.constant 0 : i32
    %dma_wait3A_134 = tpu.memref_slice %arg3[%add3A_128, %dma_wait3A_133] : memref<64x48xi32, #tpu.memory_space<hbm>> -> memref<1x48xi32, #tpu.memory_space<hbm>>
    %dma_wait3A_135 = tpu.memref_squeeze %dma_wait3A_134 : memref<1x48xi32, #tpu.memory_space<hbm>> -> memref<48xi32, #tpu.memory_space<hbm>>
    %dma_wait3A_136 = arith.constant 0 : i32
    %dma_wait3A_137 = tpu.memref_slice %arg9[%dma_wait3A_129, %dma_wait3A_136] : memref<6x48xi32, #tpu.memory_space<vmem>> -> memref<1x48xi32, #tpu.memory_space<vmem>>
    %dma_wait3A_138 = tpu.memref_squeeze %dma_wait3A_137 : memref<1x48xi32, #tpu.memory_space<vmem>> -> memref<48xi32, #tpu.memory_space<vmem>>
    %dma_wait3A_139 = arith.constant 0 : i32
    %dma_wait3A_140 = tpu.memref_slice %arg3[%add3A_128, %dma_wait3A_139] : memref<64x48xi32, #tpu.memory_space<hbm>> -> memref<1x48xi32, #tpu.memory_space<hbm>>
    %dma_wait3A_141 = tpu.memref_squeeze %dma_wait3A_140 : memref<1x48xi32, #tpu.memory_space<hbm>> -> memref<48xi32, #tpu.memory_space<hbm>>
    tpu.wait_dma2 semaphore(%arg14 : memref<!tpu.dma_semaphore, #tpu.memory_space<semaphore_mem>>) src(%dma_wait3A_141 : memref<48xi32, #tpu.memory_space<hbm>>) dst(%dma_wait3A_138 : memref<48xi32, #tpu.memory_space<vmem>>)
    %add3A_142 = arith.constant 1 : i32
    %add3A_143 = arith.addi %mul3A_2, %add3A_142 : i32
    %dma_start3A_144 = arith.constant 1 : i32
    %dma_start3A_145 = arith.constant 1 : i32
    %dma_start3A_146 = arith.constant 1 : i32
    %dma_start3A_147 = arith.constant 0 : i32
    %dma_start3A_148 = arith.constant 0 : i32
    %dma_start3A_149 = tpu.memref_slice %arg10[%dma_start3A_145, %dma_start3A_147, %dma_start3A_148] : memref<3x48x768xf32, #tpu.memory_space<vmem>> -> memref<1x48x768xf32, #tpu.memory_space<vmem>>
    %dma_start3A_150 = tpu.memref_squeeze %dma_start3A_149 : memref<1x48x768xf32, #tpu.memory_space<vmem>> -> memref<48x768xf32, #tpu.memory_space<vmem>>
    %dma_start3A_151 = arith.constant 0 : i32
    %dma_start3A_152 = tpu.memref_slice %arg9[%dma_start3A_144, %dma_start3A_151] : memref<6x48xi32, #tpu.memory_space<vmem>> -> memref<1x48xi32, #tpu.memory_space<vmem>>
    %dma_start3A_153 = tpu.memref_squeeze %dma_start3A_152 : memref<1x48xi32, #tpu.memory_space<vmem>> -> memref<48xi32, #tpu.memory_space<vmem>>
    %dma_start3A_154 = arith.constant 0 : i32
    %dma_start3A_155 = arith.constant 0 : i32
    %dma_start3A_156 = tpu.memref_slice %arg2[%add3A_143, %dma_start3A_154, %dma_start3A_155] : memref<64x512x768xf32, #tpu.memory_space<hbm>> -> memref<1x512x768xf32, #tpu.memory_space<hbm>>
    %dma_start3A_157 = tpu.memref_squeeze %dma_start3A_156 : memref<1x512x768xf32, #tpu.memory_space<hbm>> -> memref<512x768xf32, #tpu.memory_space<hbm>>
    %dma_start3A_158 = arith.constant 0 : i32
    %dma_start3A_159 = arith.constant 0 : i32
    %dma_start3A_160 = tpu.memref_slice %dma_start3A_157[%dma_start3A_158, %dma_start3A_159] : memref<512x768xf32, #tpu.memory_space<hbm>> -> memref<512x768xf32, #tpu.memory_space<hbm>>
    %dma_start3A_161 = tpu.memref_slice %arg12[%dma_start3A_146] : memref<3x!tpu.dma_semaphore, #tpu.memory_space<semaphore_mem>> -> memref<1x!tpu.dma_semaphore, #tpu.memory_space<semaphore_mem>>
    %dma_start3A_162 = tpu.memref_squeeze %dma_start3A_161 : memref<1x!tpu.dma_semaphore, #tpu.memory_space<semaphore_mem>> -> memref<!tpu.dma_semaphore, #tpu.memory_space<semaphore_mem>>
    tpu.enqueue_indirect_dma source(%dma_start3A_160 : memref<512x768xf32, #tpu.memory_space<hbm>>) target(%dma_start3A_150 : memref<48x768xf32, #tpu.memory_space<vmem>>) offsets(%dma_start3A_153 : memref<48xi32, #tpu.memory_space<vmem>>) semaphore(%dma_start3A_162 : memref<!tpu.dma_semaphore, #tpu.memory_space<semaphore_mem>>)
    %add3A_163 = arith.constant 0 : i32
    %add3A_164 = arith.addi %mul3A_2, %add3A_163 : i32
    %dma_wait3A_165 = arith.constant 2 : i32
    %dma_wait3A_166 = arith.constant 0 : i32
    %dma_wait3A_167 = tpu.memref_slice %arg9[%dma_wait3A_165, %dma_wait3A_166] : memref<6x48xi32, #tpu.memory_space<vmem>> -> memref<1x48xi32, #tpu.memory_space<vmem>>
    %dma_wait3A_168 = tpu.memref_squeeze %dma_wait3A_167 : memref<1x48xi32, #tpu.memory_space<vmem>> -> memref<48xi32, #tpu.memory_space<vmem>>
    %dma_wait3A_169 = arith.constant 0 : i32
    %dma_wait3A_170 = tpu.memref_slice %arg4[%add3A_164, %dma_wait3A_169] : memref<64x48xi32, #tpu.memory_space<hbm>> -> memref<1x48xi32, #tpu.memory_space<hbm>>
    %dma_wait3A_171 = tpu.memref_squeeze %dma_wait3A_170 : memref<1x48xi32, #tpu.memory_space<hbm>> -> memref<48xi32, #tpu.memory_space<hbm>>
    %dma_wait3A_172 = arith.constant 0 : i32
    %dma_wait3A_173 = tpu.memref_slice %arg9[%dma_wait3A_165, %dma_wait3A_172] : memref<6x48xi32, #tpu.memory_space<vmem>> -> memref<1x48xi32, #tpu.memory_space<vmem>>
    %dma_wait3A_174 = tpu.memref_squeeze %dma_wait3A_173 : memref<1x48xi32, #tpu.memory_space<vmem>> -> memref<48xi32, #tpu.memory_space<vmem>>
    %dma_wait3A_175 = arith.constant 0 : i32
    %dma_wait3A_176 = tpu.memref_slice %arg4[%add3A_164, %dma_wait3A_175] : memref<64x48xi32, #tpu.memory_space<hbm>> -> memref<1x48xi32, #tpu.memory_space<hbm>>
    %dma_wait3A_177 = tpu.memref_squeeze %dma_wait3A_176 : memref<1x48xi32, #tpu.memory_space<hbm>> -> memref<48xi32, #tpu.memory_space<hbm>>
    tpu.wait_dma2 semaphore(%arg14 : memref<!tpu.dma_semaphore, #tpu.memory_space<semaphore_mem>>) src(%dma_wait3A_177 : memref<48xi32, #tpu.memory_space<hbm>>) dst(%dma_wait3A_174 : memref<48xi32, #tpu.memory_space<vmem>>)
    %add3A_178 = arith.constant 0 : i32
    %add3A_179 = arith.addi %mul3A_2, %add3A_178 : i32
    %dma_start3A_180 = arith.constant 2 : i32
    %dma_start3A_181 = arith.constant 2 : i32
    %dma_start3A_182 = arith.constant 2 : i32
    %dma_start3A_183 = arith.constant 0 : i32
    %dma_start3A_184 = arith.constant 0 : i32
    %dma_start3A_185 = tpu.memref_slice %arg10[%dma_start3A_181, %dma_start3A_183, %dma_start3A_184] : memref<3x48x768xf32, #tpu.memory_space<vmem>> -> memref<1x48x768xf32, #tpu.memory_space<vmem>>
    %dma_start3A_186 = tpu.memref_squeeze %dma_start3A_185 : memref<1x48x768xf32, #tpu.memory_space<vmem>> -> memref<48x768xf32, #tpu.memory_space<vmem>>
    %dma_start3A_187 = arith.constant 0 : i32
    %dma_start3A_188 = tpu.memref_slice %arg9[%dma_start3A_180, %dma_start3A_187] : memref<6x48xi32, #tpu.memory_space<vmem>> -> memref<1x48xi32, #tpu.memory_space<vmem>>
    %dma_start3A_189 = tpu.memref_squeeze %dma_start3A_188 : memref<1x48xi32, #tpu.memory_space<vmem>> -> memref<48xi32, #tpu.memory_space<vmem>>
    %dma_start3A_190 = arith.constant 0 : i32
    %dma_start3A_191 = arith.constant 0 : i32
    %dma_start3A_192 = tpu.memref_slice %arg2[%add3A_179, %dma_start3A_190, %dma_start3A_191] : memref<64x512x768xf32, #tpu.memory_space<hbm>> -> memref<1x512x768xf32, #tpu.memory_space<hbm>>
    %dma_start3A_193 = tpu.memref_squeeze %dma_start3A_192 : memref<1x512x768xf32, #tpu.memory_space<hbm>> -> memref<512x768xf32, #tpu.memory_space<hbm>>
    %dma_start3A_194 = arith.constant 0 : i32
    %dma_start3A_195 = arith.constant 0 : i32
    %dma_start3A_196 = tpu.memref_slice %dma_start3A_193[%dma_start3A_194, %dma_start3A_195] : memref<512x768xf32, #tpu.memory_space<hbm>> -> memref<512x768xf32, #tpu.memory_space<hbm>>
    %dma_start3A_197 = tpu.memref_slice %arg12[%dma_start3A_182] : memref<3x!tpu.dma_semaphore, #tpu.memory_space<semaphore_mem>> -> memref<1x!tpu.dma_semaphore, #tpu.memory_space<semaphore_mem>>
    %dma_start3A_198 = tpu.memref_squeeze %dma_start3A_197 : memref<1x!tpu.dma_semaphore, #tpu.memory_space<semaphore_mem>> -> memref<!tpu.dma_semaphore, #tpu.memory_space<semaphore_mem>>
    tpu.enqueue_indirect_dma source(%dma_start3A_196 : memref<512x768xf32, #tpu.memory_space<hbm>>) target(%dma_start3A_186 : memref<48x768xf32, #tpu.memory_space<vmem>>) offsets(%dma_start3A_189 : memref<48xi32, #tpu.memory_space<vmem>>) semaphore(%dma_start3A_198 : memref<!tpu.dma_semaphore, #tpu.memory_space<semaphore_mem>>)
    %add3A_199 = arith.constant 0 : i32
    %add3A_200 = arith.addi %mul3A_2, %add3A_199 : i32
    %dma_wait3A_201 = arith.constant 0 : i32
    %dma_wait3A_202 = arith.constant 0 : i32
    %dma_wait3A_203 = arith.constant 0 : i32
    %dma_wait3A_204 = arith.constant 0 : i32
    %dma_wait3A_205 = arith.constant 0 : i32
    %dma_wait3A_206 = tpu.memref_slice %arg10[%dma_wait3A_202, %dma_wait3A_204, %dma_wait3A_205] : memref<3x48x768xf32, #tpu.memory_space<vmem>> -> memref<1x48x768xf32, #tpu.memory_space<vmem>>
    %dma_wait3A_207 = tpu.memref_squeeze %dma_wait3A_206 : memref<1x48x768xf32, #tpu.memory_space<vmem>> -> memref<48x768xf32, #tpu.memory_space<vmem>>
    %dma_wait3A_208 = arith.constant 0 : i32
    %dma_wait3A_209 = tpu.memref_slice %arg9[%dma_wait3A_201, %dma_wait3A_208] : memref<6x48xi32, #tpu.memory_space<vmem>> -> memref<1x48xi32, #tpu.memory_space<vmem>>
    %dma_wait3A_210 = tpu.memref_squeeze %dma_wait3A_209 : memref<1x48xi32, #tpu.memory_space<vmem>> -> memref<48xi32, #tpu.memory_space<vmem>>
    %dma_wait3A_211 = arith.constant 0 : i32
    %dma_wait3A_212 = arith.constant 0 : i32
    %dma_wait3A_213 = tpu.memref_slice %arg2[%add3A_200, %dma_wait3A_211, %dma_wait3A_212] : memref<64x512x768xf32, #tpu.memory_space<hbm>> -> memref<1x512x768xf32, #tpu.memory_space<hbm>>
    %dma_wait3A_214 = tpu.memref_squeeze %dma_wait3A_213 : memref<1x512x768xf32, #tpu.memory_space<hbm>> -> memref<512x768xf32, #tpu.memory_space<hbm>>
    %dma_wait3A_215 = arith.constant 0 : i32
    %dma_wait3A_216 = arith.constant 0 : i32
    %dma_wait3A_217 = tpu.memref_slice %dma_wait3A_214[%dma_wait3A_215, %dma_wait3A_216] : memref<512x768xf32, #tpu.memory_space<hbm>> -> memref<512x768xf32, #tpu.memory_space<hbm>>
    %dma_wait3A_218 = tpu.memref_slice %arg12[%dma_wait3A_203] : memref<3x!tpu.dma_semaphore, #tpu.memory_space<semaphore_mem>> -> memref<1x!tpu.dma_semaphore, #tpu.memory_space<semaphore_mem>>
    %dma_wait3A_219 = tpu.memref_squeeze %dma_wait3A_218 : memref<1x!tpu.dma_semaphore, #tpu.memory_space<semaphore_mem>> -> memref<!tpu.dma_semaphore, #tpu.memory_space<semaphore_mem>>
    tpu.wait_indirect_dma semaphore(%dma_wait3A_219 : memref<!tpu.dma_semaphore, #tpu.memory_space<semaphore_mem>>) src(%dma_wait3A_217 : memref<512x768xf32, #tpu.memory_space<hbm>>) dst(%dma_wait3A_207 : memref<48x768xf32, #tpu.memory_space<vmem>>)
    %scan3A = arith.constant 0 : i32
    %scan3A_220 = arith.constant 0.020833334 : f32
    %scan3A_221 = arith.constant 0 : i32
    %scan3A_222 = arith.constant 0 : i32
    %scan3A_223 = arith.constant 48 : i32
    %scan3A_224 = arith.addi %scan3A_222, %scan3A_223 : i32
    %scan3A_225 = arith.constant 1 : i32
    %scan3A_226 = scf.for %scan3A_666 = %scan3A_222 to %scan3A_224 step %scan3A_225 iter_args(%scan3A_667 = %scan3A_221) -> (i32)  : i32 {
      %mul3A_668 = arith.constant 16 : i32
      %mul3A_669 = arith.muli %scan3A_666, %mul3A_668 : i32
      %get3A = arith.constant 0 : i32
      %get3A_670 = arith.constant 0 : i32
      %get3A_671 = arith.constant 0 : i32
      %get3A_672 = tpu.memref_slice %arg10[%scan3A, %get3A_670, %get3A_671] : memref<3x48x768xf32, #tpu.memory_space<vmem>> -> memref<1x48x768xf32, #tpu.memory_space<vmem>>
      %get3A_673 = tpu.memref_squeeze %get3A_672 : memref<1x48x768xf32, #tpu.memory_space<vmem>> -> memref<48x768xf32, #tpu.memory_space<vmem>>
      %get3A_674 = arith.index_cast %get3A : i32 to index
      %get3A_675 = arith.index_cast %mul3A_669 : i32 to index
      %get3A_676 = tpu.vector_load %get3A_673[%get3A_674, %get3A_675] {strides = array<i32>} : memref<48x768xf32, #tpu.memory_space<vmem>>, vector<1x16xf32>,
      %get3A_677 = vector.shape_cast %get3A_676 : vector<1x16xf32> to vector<16xf32>
      %get3A_678 = arith.constant 1 : i32
      %get3A_679 = arith.constant 0 : i32
      %get3A_680 = arith.constant 0 : i32
      %get3A_681 = tpu.memref_slice %arg10[%scan3A, %get3A_679, %get3A_680] : memref<3x48x768xf32, #tpu.memory_space<vmem>> -> memref<1x48x768xf32, #tpu.memory_space<vmem>>
      %get3A_682 = tpu.memref_squeeze %get3A_681 : memref<1x48x768xf32, #tpu.memory_space<vmem>> -> memref<48x768xf32, #tpu.memory_space<vmem>>
      %get3A_683 = arith.index_cast %get3A_678 : i32 to index
      %get3A_684 = arith.index_cast %mul3A_669 : i32 to index
      %get3A_685 = tpu.vector_load %get3A_682[%get3A_683, %get3A_684] {strides = array<i32>} : memref<48x768xf32, #tpu.memory_space<vmem>>, vector<1x16xf32>,
      %get3A_686 = vector.shape_cast %get3A_685 : vector<1x16xf32> to vector<16xf32>
      %get3A_687 = arith.constant 2 : i32
      %get3A_688 = arith.constant 0 : i32
      %get3A_689 = arith.constant 0 : i32
      %get3A_690 = tpu.memref_slice %arg10[%scan3A, %get3A_688, %get3A_689] : memref<3x48x768xf32, #tpu.memory_space<vmem>> -> memref<1x48x768xf32, #tpu.memory_space<vmem>>
      %get3A_691 = tpu.memref_squeeze %get3A_690 : memref<1x48x768xf32, #tpu.memory_space<vmem>> -> memref<48x768xf32, #tpu.memory_space<vmem>>
      %get3A_692 = arith.index_cast %get3A_687 : i32 to index
      %get3A_693 = arith.index_cast %mul3A_669 : i32 to index
      %get3A_694 = tpu.vector_load %get3A_691[%get3A_692, %get3A_693] {strides = array<i32>} : memref<48x768xf32, #tpu.memory_space<vmem>>, vector<1x16xf32>,
      %get3A_695 = vector.shape_cast %get3A_694 : vector<1x16xf32> to vector<16xf32>
      %get3A_696 = arith.constant 3 : i32
      %get3A_697 = arith.constant 0 : i32
      %get3A_698 = arith.constant 0 : i32
      %get3A_699 = tpu.memref_slice %arg10[%scan3A, %get3A_697, %get3A_698] : memref<3x48x768xf32, #tpu.memory_space<vmem>> -> memref<1x48x768xf32, #tpu.memory_space<vmem>>
      %get3A_700 = tpu.memref_squeeze %get3A_699 : memref<1x48x768xf32, #tpu.memory_space<vmem>> -> memref<48x768xf32, #tpu.memory_space<vmem>>
      %get3A_701 = arith.index_cast %get3A_696 : i32 to index
      %get3A_702 = arith.index_cast %mul3A_669 : i32 to index
      %get3A_703 = tpu.vector_load %get3A_700[%get3A_701, %get3A_702] {strides = array<i32>} : memref<48x768xf32, #tpu.memory_space<vmem>>, vector<1x16xf32>,
      %get3A_704 = vector.shape_cast %get3A_703 : vector<1x16xf32> to vector<16xf32>
      %get3A_705 = arith.constant 4 : i32
      %get3A_706 = arith.constant 0 : i32
      %get3A_707 = arith.constant 0 : i32
      %get3A_708 = tpu.memref_slice %arg10[%scan3A, %get3A_706, %get3A_707] : memref<3x48x768xf32, #tpu.memory_space<vmem>> -> memref<1x48x768xf32, #tpu.memory_space<vmem>>
      %get3A_709 = tpu.memref_squeeze %get3A_708 : memref<1x48x768xf32, #tpu.memory_space<vmem>> -> memref<48x768xf32, #tpu.memory_space<vmem>>
      %get3A_710 = arith.index_cast %get3A_705 : i32 to index
      %get3A_711 = arith.index_cast %mul3A_669 : i32 to index
      %get3A_712 = tpu.vector_load %get3A_709[%get3A_710, %get3A_711] {strides = array<i32>} : memref<48x768xf32, #tpu.memory_space<vmem>>, vector<1x16xf32>,
      %get3A_713 = vector.shape_cast %get3A_712 : vector<1x16xf32> to vector<16xf32>
      %add3A_714 = arith.addf %get3A_677, %get3A_713 : vector<16xf32>
      %get3A_715 = arith.constant 5 : i32
      %get3A_716 = arith.constant 0 : i32
      %get3A_717 = arith.constant 0 : i32
      %get3A_718 = tpu.memref_slice %arg10[%scan3A, %get3A_716, %get3A_717] : memref<3x48x768xf32, #tpu.memory_space<vmem>> -> memref<1x48x768xf32, #tpu.memory_space<vmem>>
      %get3A_719 = tpu.memref_squeeze %get3A_718 : memref<1x48x768xf32, #tpu.memory_space<vmem>> -> memref<48x768xf32, #tpu.memory_space<vmem>>
      %get3A_720 = arith.index_cast %get3A_715 : i32 to index
      %get3A_721 = arith.index_cast %mul3A_669 : i32 to index
      %get3A_722 = tpu.vector_load %get3A_719[%get3A_720, %get3A_721] {strides = array<i32>} : memref<48x768xf32, #tpu.memory_space<vmem>>, vector<1x16xf32>,
      %get3A_723 = vector.shape_cast %get3A_722 : vector<1x16xf32> to vector<16xf32>
      %add3A_724 = arith.addf %get3A_686, %get3A_723 : vector<16xf32>
      %get3A_725 = arith.constant 6 : i32
      %get3A_726 = arith.constant 0 : i32
      %get3A_727 = arith.constant 0 : i32
      %get3A_728 = tpu.memref_slice %arg10[%scan3A, %get3A_726, %get3A_727] : memref<3x48x768xf32, #tpu.memory_space<vmem>> -> memref<1x48x768xf32, #tpu.memory_space<vmem>>
      %get3A_729 = tpu.memref_squeeze %get3A_728 : memref<1x48x768xf32, #tpu.memory_space<vmem>> -> memref<48x768xf32, #tpu.memory_space<vmem>>
      %get3A_730 = arith.index_cast %get3A_725 : i32 to index
      %get3A_731 = arith.index_cast %mul3A_669 : i32 to index
      %get3A_732 = tpu.vector_load %get3A_729[%get3A_730, %get3A_731] {strides = array<i32>} : memref<48x768xf32, #tpu.memory_space<vmem>>, vector<1x16xf32>,
      %get3A_733 = vector.shape_cast %get3A_732 : vector<1x16xf32> to vector<16xf32>
      %add3A_734 = arith.addf %get3A_695, %get3A_733 : vector<16xf32>
      %get3A_735 = arith.constant 7 : i32
      %get3A_736 = arith.constant 0 : i32
      %get3A_737 = arith.constant 0 : i32
      %get3A_738 = tpu.memref_slice %arg10[%scan3A, %get3A_736, %get3A_737] : memref<3x48x768xf32, #tpu.memory_space<vmem>> -> memref<1x48x768xf32, #tpu.memory_space<vmem>>
      %get3A_739 = tpu.memref_squeeze %get3A_738 : memref<1x48x768xf32, #tpu.memory_space<vmem>> -> memref<48x768xf32, #tpu.memory_space<vmem>>
      %get3A_740 = arith.index_cast %get3A_735 : i32 to index
      %get3A_741 = arith.index_cast %mul3A_669 : i32 to index
      %get3A_742 = tpu.vector_load %get3A_739[%get3A_740, %get3A_741] {strides = array<i32>} : memref<48x768xf32, #tpu.memory_space<vmem>>, vector<1x16xf32>,
      %get3A_743 = vector.shape_cast %get3A_742 : vector<1x16xf32> to vector<16xf32>
      %add3A_744 = arith.addf %get3A_704, %get3A_743 : vector<16xf32>
      %get3A_745 = arith.constant 8 : i32
      %get3A_746 = arith.constant 0 : i32
      %get3A_747 = arith.constant 0 : i32
      %get3A_748 = tpu.memref_slice %arg10[%scan3A, %get3A_746, %get3A_747] : memref<3x48x768xf32, #tpu.memory_space<vmem>> -> memref<1x48x768xf32, #tpu.memory_space<vmem>>
      %get3A_749 = tpu.memref_squeeze %get3A_748 : memref<1x48x768xf32, #tpu.memory_space<vmem>> -> memref<48x768xf32, #tpu.memory_space<vmem>>
      %get3A_750 = arith.index_cast %get3A_745 : i32 to index
      %get3A_751 = arith.index_cast %mul3A_669 : i32 to index
      %get3A_752 = tpu.vector_load %get3A_749[%get3A_750, %get3A_751] {strides = array<i32>} : memref<48x768xf32, #tpu.memory_space<vmem>>, vector<1x16xf32>,
      %get3A_753 = vector.shape_cast %get3A_752 : vector<1x16xf32> to vector<16xf32>
      %add3A_754 = arith.addf %add3A_714, %get3A_753 : vector<16xf32>
      %get3A_755 = arith.constant 9 : i32
      %get3A_756 = arith.constant 0 : i32
      %get3A_757 = arith.constant 0 : i32
      %get3A_758 = tpu.memref_slice %arg10[%scan3A, %get3A_756, %get3A_757] : memref<3x48x768xf32, #tpu.memory_space<vmem>> -> memref<1x48x768xf32, #tpu.memory_space<vmem>>
      %get3A_759 = tpu.memref_squeeze %get3A_758 : memref<1x48x768xf32, #tpu.memory_space<vmem>> -> memref<48x768xf32, #tpu.memory_space<vmem>>
      %get3A_760 = arith.index_cast %get3A_755 : i32 to index
      %get3A_761 = arith.index_cast %mul3A_669 : i32 to index
      %get3A_762 = tpu.vector_load %get3A_759[%get3A_760, %get3A_761] {strides = array<i32>} : memref<48x768xf32, #tpu.memory_space<vmem>>, vector<1x16xf32>,
      %get3A_763 = vector.shape_cast %get3A_762 : vector<1x16xf32> to vector<16xf32>
      %add3A_764 = arith.addf %add3A_724, %get3A_763 : vector<16xf32>
      %get3A_765 = arith.constant 10 : i32
      %get3A_766 = arith.constant 0 : i32
      %get3A_767 = arith.constant 0 : i32
      %get3A_768 = tpu.memref_slice %arg10[%scan3A, %get3A_766, %get3A_767] : memref<3x48x768xf32, #tpu.memory_space<vmem>> -> memref<1x48x768xf32, #tpu.memory_space<vmem>>
      %get3A_769 = tpu.memref_squeeze %get3A_768 : memref<1x48x768xf32, #tpu.memory_space<vmem>> -> memref<48x768xf32, #tpu.memory_space<vmem>>
      %get3A_770 = arith.index_cast %get3A_765 : i32 to index
      %get3A_771 = arith.index_cast %mul3A_669 : i32 to index
      %get3A_772 = tpu.vector_load %get3A_769[%get3A_770, %get3A_771] {strides = array<i32>} : memref<48x768xf32, #tpu.memory_space<vmem>>, vector<1x16xf32>,
      %get3A_773 = vector.shape_cast %get3A_772 : vector<1x16xf32> to vector<16xf32>
      %add3A_774 = arith.addf %add3A_734, %get3A_773 : vector<16xf32>
      %get3A_775 = arith.constant 11 : i32
      %get3A_776 = arith.constant 0 : i32
      %get3A_777 = arith.constant 0 : i32
      %get3A_778 = tpu.memref_slice %arg10[%scan3A, %get3A_776, %get3A_777] : memref<3x48x768xf32, #tpu.memory_space<vmem>> -> memref<1x48x768xf32, #tpu.memory_space<vmem>>
      %get3A_779 = tpu.memref_squeeze %get3A_778 : memref<1x48x768xf32, #tpu.memory_space<vmem>> -> memref<48x768xf32, #tpu.memory_space<vmem>>
      %get3A_780 = arith.index_cast %get3A_775 : i32 to index
      %get3A_781 = arith.index_cast %mul3A_669 : i32 to index
      %get3A_782 = tpu.vector_load %get3A_779[%get3A_780, %get3A_781] {strides = array<i32>} : memref<48x768xf32, #tpu.memory_space<vmem>>, vector<1x16xf32>,
      %get3A_783 = vector.shape_cast %get3A_782 : vector<1x16xf32> to vector<16xf32>
      %add3A_784 = arith.addf %add3A_744, %get3A_783 : vector<16xf32>
      %get3A_785 = arith.constant 12 : i32
      %get3A_786 = arith.constant 0 : i32
      %get3A_787 = arith.constant 0 : i32
      %get3A_788 = tpu.memref_slice %arg10[%scan3A, %get3A_786, %get3A_787] : memref<3x48x768xf32, #tpu.memory_space<vmem>> -> memref<1x48x768xf32, #tpu.memory_space<vmem>>
      %get3A_789 = tpu.memref_squeeze %get3A_788 : memref<1x48x768xf32, #tpu.memory_space<vmem>> -> memref<48x768xf32, #tpu.memory_space<vmem>>
      %get3A_790 = arith.index_cast %get3A_785 : i32 to index
      %get3A_791 = arith.index_cast %mul3A_669 : i32 to index
      %get3A_792 = tpu.vector_load %get3A_789[%get3A_790, %get3A_791] {strides = array<i32>} : memref<48x768xf32, #tpu.memory_space<vmem>>, vector<1x16xf32>,
      %get3A_793 = vector.shape_cast %get3A_792 : vector<1x16xf32> to vector<16xf32>
      %add3A_794 = arith.addf %add3A_754, %get3A_793 : vector<16xf32>
      %get3A_795 = arith.constant 13 : i32
      %get3A_796 = arith.constant 0 : i32
      %get3A_797 = arith.constant 0 : i32
      %get3A_798 = tpu.memref_slice %arg10[%scan3A, %get3A_796, %get3A_797] : memref<3x48x768xf32, #tpu.memory_space<vmem>> -> memref<1x48x768xf32, #tpu.memory_space<vmem>>
      %get3A_799 = tpu.memref_squeeze %get3A_798 : memref<1x48x768xf32, #tpu.memory_space<vmem>> -> memref<48x768xf32, #tpu.memory_space<vmem>>
      %get3A_800 = arith.index_cast %get3A_795 : i32 to index
      %get3A_801 = arith.index_cast %mul3A_669 : i32 to index
      %get3A_802 = tpu.vector_load %get3A_799[%get3A_800, %get3A_801] {strides = array<i32>} : memref<48x768xf32, #tpu.memory_space<vmem>>, vector<1x16xf32>,
      %get3A_803 = vector.shape_cast %get3A_802 : vector<1x16xf32> to vector<16xf32>
      %add3A_804 = arith.addf %add3A_764, %get3A_803 : vector<16xf32>
      %get3A_805 = arith.constant 14 : i32
      %get3A_806 = arith.constant 0 : i32
      %get3A_807 = arith.constant 0 : i32
      %get3A_808 = tpu.memref_slice %arg10[%scan3A, %get3A_806, %get3A_807] : memref<3x48x768xf32, #tpu.memory_space<vmem>> -> memref<1x48x768xf32, #tpu.memory_space<vmem>>
      %get3A_809 = tpu.memref_squeeze %get3A_808 : memref<1x48x768xf32, #tpu.memory_space<vmem>> -> memref<48x768xf32, #tpu.memory_space<vmem>>
      %get3A_810 = arith.index_cast %get3A_805 : i32 to index
      %get3A_811 = arith.index_cast %mul3A_669 : i32 to index
      %get3A_812 = tpu.vector_load %get3A_809[%get3A_810, %get3A_811] {strides = array<i32>} : memref<48x768xf32, #tpu.memory_space<vmem>>, vector<1x16xf32>,
      %get3A_813 = vector.shape_cast %get3A_812 : vector<1x16xf32> to vector<16xf32>
      %add3A_814 = arith.addf %add3A_774, %get3A_813 : vector<16xf32>
      %get3A_815 = arith.constant 15 : i32
      %get3A_816 = arith.constant 0 : i32
      %get3A_817 = arith.constant 0 : i32
      %get3A_818 = tpu.memref_slice %arg10[%scan3A, %get3A_816, %get3A_817] : memref<3x48x768xf32, #tpu.memory_space<vmem>> -> memref<1x48x768xf32, #tpu.memory_space<vmem>>
      %get3A_819 = tpu.memref_squeeze %get3A_818 : memref<1x48x768xf32, #tpu.memory_space<vmem>> -> memref<48x768xf32, #tpu.memory_space<vmem>>
      %get3A_820 = arith.index_cast %get3A_815 : i32 to index
      %get3A_821 = arith.index_cast %mul3A_669 : i32 to index
      %get3A_822 = tpu.vector_load %get3A_819[%get3A_820, %get3A_821] {strides = array<i32>} : memref<48x768xf32, #tpu.memory_space<vmem>>, vector<1x16xf32>,
      %get3A_823 = vector.shape_cast %get3A_822 : vector<1x16xf32> to vector<16xf32>
      %add3A_824 = arith.addf %add3A_784, %get3A_823 : vector<16xf32>
      %get3A_825 = arith.constant 16 : i32
      %get3A_826 = arith.constant 0 : i32
      %get3A_827 = arith.constant 0 : i32
      %get3A_828 = tpu.memref_slice %arg10[%scan3A, %get3A_826, %get3A_827] : memref<3x48x768xf32, #tpu.memory_space<vmem>> -> memref<1x48x768xf32, #tpu.memory_space<vmem>>
      %get3A_829 = tpu.memref_squeeze %get3A_828 : memref<1x48x768xf32, #tpu.memory_space<vmem>> -> memref<48x768xf32, #tpu.memory_space<vmem>>
      %get3A_830 = arith.index_cast %get3A_825 : i32 to index
      %get3A_831 = arith.index_cast %mul3A_669 : i32 to index
      %get3A_832 = tpu.vector_load %get3A_829[%get3A_830, %get3A_831] {strides = array<i32>} : memref<48x768xf32, #tpu.memory_space<vmem>>, vector<1x16xf32>,
      %get3A_833 = vector.shape_cast %get3A_832 : vector<1x16xf32> to vector<16xf32>
      %add3A_834 = arith.addf %add3A_794, %get3A_833 : vector<16xf32>
      %get3A_835 = arith.constant 17 : i32
      %get3A_836 = arith.constant 0 : i32
      %get3A_837 = arith.constant 0 : i32
      %get3A_838 = tpu.memref_slice %arg10[%scan3A, %get3A_836, %get3A_837] : memref<3x48x768xf32, #tpu.memory_space<vmem>> -> memref<1x48x768xf32, #tpu.memory_space<vmem>>
      %get3A_839 = tpu.memref_squeeze %get3A_838 : memref<1x48x768xf32, #tpu.memory_space<vmem>> -> memref<48x768xf32, #tpu.memory_space<vmem>>
      %get3A_840 = arith.index_cast %get3A_835 : i32 to index
      %get3A_841 = arith.index_cast %mul3A_669 : i32 to index
      %get3A_842 = tpu.vector_load %get3A_839[%get3A_840, %get3A_841] {strides = array<i32>} : memref<48x768xf32, #tpu.memory_space<vmem>>, vector<1x16xf32>,
      %get3A_843 = vector.shape_cast %get3A_842 : vector<1x16xf32> to vector<16xf32>
      %add3A_844 = arith.addf %add3A_804, %get3A_843 : vector<16xf32>
      %get3A_845 = arith.constant 18 : i32
      %get3A_846 = arith.constant 0 : i32
      %get3A_847 = arith.constant 0 : i32
      %get3A_848 = tpu.memref_slice %arg10[%scan3A, %get3A_846, %get3A_847] : memref<3x48x768xf32, #tpu.memory_space<vmem>> -> memref<1x48x768xf32, #tpu.memory_space<vmem>>
      %get3A_849 = tpu.memref_squeeze %get3A_848 : memref<1x48x768xf32, #tpu.memory_space<vmem>> -> memref<48x768xf32, #tpu.memory_space<vmem>>
      %get3A_850 = arith.index_cast %get3A_845 : i32 to index
      %get3A_851 = arith.index_cast %mul3A_669 : i32 to index
      %get3A_852 = tpu.vector_load %get3A_849[%get3A_850, %get3A_851] {strides = array<i32>} : memref<48x768xf32, #tpu.memory_space<vmem>>, vector<1x16xf32>,
      %get3A_853 = vector.shape_cast %get3A_852 : vector<1x16xf32> to vector<16xf32>
      %add3A_854 = arith.addf %add3A_814, %get3A_853 : vector<16xf32>
      %get3A_855 = arith.constant 19 : i32
      %get3A_856 = arith.constant 0 : i32
      %get3A_857 = arith.constant 0 : i32
      %get3A_858 = tpu.memref_slice %arg10[%scan3A, %get3A_856, %get3A_857] : memref<3x48x768xf32, #tpu.memory_space<vmem>> -> memref<1x48x768xf32, #tpu.memory_space<vmem>>
      %get3A_859 = tpu.memref_squeeze %get3A_858 : memref<1x48x768xf32, #tpu.memory_space<vmem>> -> memref<48x768xf32, #tpu.memory_space<vmem>>
      %get3A_860 = arith.index_cast %get3A_855 : i32 to index
      %get3A_861 = arith.index_cast %mul3A_669 : i32 to index
      %get3A_862 = tpu.vector_load %get3A_859[%get3A_860, %get3A_861] {strides = array<i32>} : memref<48x768xf32, #tpu.memory_space<vmem>>, vector<1x16xf32>,
      %get3A_863 = vector.shape_cast %get3A_862 : vector<1x16xf32> to vector<16xf32>
      %add3A_864 = arith.addf %add3A_824, %get3A_863 : vector<16xf32>
      %get3A_865 = arith.constant 20 : i32
      %get3A_866 = arith.constant 0 : i32
      %get3A_867 = arith.constant 0 : i32
      %get3A_868 = tpu.memref_slice %arg10[%scan3A, %get3A_866, %get3A_867] : memref<3x48x768xf32, #tpu.memory_space<vmem>> -> memref<1x48x768xf32, #tpu.memory_space<vmem>>
      %get3A_869 = tpu.memref_squeeze %get3A_868 : memref<1x48x768xf32, #tpu.memory_space<vmem>> -> memref<48x768xf32, #tpu.memory_space<vmem>>
      %get3A_870 = arith.index_cast %get3A_865 : i32 to index
      %get3A_871 = arith.index_cast %mul3A_669 : i32 to index
      %get3A_872 = tpu.vector_load %get3A_869[%get3A_870, %get3A_871] {strides = array<i32>} : memref<48x768xf32, #tpu.memory_space<vmem>>, vector<1x16xf32>,
      %get3A_873 = vector.shape_cast %get3A_872 : vector<1x16xf32> to vector<16xf32>
      %add3A_874 = arith.addf %add3A_834, %get3A_873 : vector<16xf32>
      %get3A_875 = arith.constant 21 : i32
      %get3A_876 = arith.constant 0 : i32
      %get3A_877 = arith.constant 0 : i32
      %get3A_878 = tpu.memref_slice %arg10[%scan3A, %get3A_876, %get3A_877] : memref<3x48x768xf32, #tpu.memory_space<vmem>> -> memref<1x48x768xf32, #tpu.memory_space<vmem>>
      %get3A_879 = tpu.memref_squeeze %get3A_878 : memref<1x48x768xf32, #tpu.memory_space<vmem>> -> memref<48x768xf32, #tpu.memory_space<vmem>>
      %get3A_880 = arith.index_cast %get3A_875 : i32 to index
      %get3A_881 = arith.index_cast %mul3A_669 : i32 to index
      %get3A_882 = tpu.vector_load %get3A_879[%get3A_880, %get3A_881] {strides = array<i32>} : memref<48x768xf32, #tpu.memory_space<vmem>>, vector<1x16xf32>,
      %get3A_883 = vector.shape_cast %get3A_882 : vector<1x16xf32> to vector<16xf32>
      %add3A_884 = arith.addf %add3A_844, %get3A_883 : vector<16xf32>
      %get3A_885 = arith.constant 22 : i32
      %get3A_886 = arith.constant 0 : i32
      %get3A_887 = arith.constant 0 : i32
      %get3A_888 = tpu.memref_slice %arg10[%scan3A, %get3A_886, %get3A_887] : memref<3x48x768xf32, #tpu.memory_space<vmem>> -> memref<1x48x768xf32, #tpu.memory_space<vmem>>
      %get3A_889 = tpu.memref_squeeze %get3A_888 : memref<1x48x768xf32, #tpu.memory_space<vmem>> -> memref<48x768xf32, #tpu.memory_space<vmem>>
      %get3A_890 = arith.index_cast %get3A_885 : i32 to index
      %get3A_891 = arith.index_cast %mul3A_669 : i32 to index
      %get3A_892 = tpu.vector_load %get3A_889[%get3A_890, %get3A_891] {strides = array<i32>} : memref<48x768xf32, #tpu.memory_space<vmem>>, vector<1x16xf32>,
      %get3A_893 = vector.shape_cast %get3A_892 : vector<1x16xf32> to vector<16xf32>
      %add3A_894 = arith.addf %add3A_854, %get3A_893 : vector<16xf32>
      %get3A_895 = arith.constant 23 : i32
      %get3A_896 = arith.constant 0 : i32
      %get3A_897 = arith.constant 0 : i32
      %get3A_898 = tpu.memref_slice %arg10[%scan3A, %get3A_896, %get3A_897] : memref<3x48x768xf32, #tpu.memory_space<vmem>> -> memref<1x48x768xf32, #tpu.memory_space<vmem>>
      %get3A_899 = tpu.memref_squeeze %get3A_898 : memref<1x48x768xf32, #tpu.memory_space<vmem>> -> memref<48x768xf32, #tpu.memory_space<vmem>>
      %get3A_900 = arith.index_cast %get3A_895 : i32 to index
      %get3A_901 = arith.index_cast %mul3A_669 : i32 to index
      %get3A_902 = tpu.vector_load %get3A_899[%get3A_900, %get3A_901] {strides = array<i32>} : memref<48x768xf32, #tpu.memory_space<vmem>>, vector<1x16xf32>,
      %get3A_903 = vector.shape_cast %get3A_902 : vector<1x16xf32> to vector<16xf32>
      %add3A_904 = arith.addf %add3A_864, %get3A_903 : vector<16xf32>
      %get3A_905 = arith.constant 24 : i32
      %get3A_906 = arith.constant 0 : i32
      %get3A_907 = arith.constant 0 : i32
      %get3A_908 = tpu.memref_slice %arg10[%scan3A, %get3A_906, %get3A_907] : memref<3x48x768xf32, #tpu.memory_space<vmem>> -> memref<1x48x768xf32, #tpu.memory_space<vmem>>
      %get3A_909 = tpu.memref_squeeze %get3A_908 : memref<1x48x768xf32, #tpu.memory_space<vmem>> -> memref<48x768xf32, #tpu.memory_space<vmem>>
      %get3A_910 = arith.index_cast %get3A_905 : i32 to index
      %get3A_911 = arith.index_cast %mul3A_669 : i32 to index
      %get3A_912 = tpu.vector_load %get3A_909[%get3A_910, %get3A_911] {strides = array<i32>} : memref<48x768xf32, #tpu.memory_space<vmem>>, vector<1x16xf32>,
      %get3A_913 = vector.shape_cast %get3A_912 : vector<1x16xf32> to vector<16xf32>
      %add3A_914 = arith.addf %add3A_874, %get3A_913 : vector<16xf32>
      %get3A_915 = arith.constant 25 : i32
      %get3A_916 = arith.constant 0 : i32
      %get3A_917 = arith.constant 0 : i32
      %get3A_918 = tpu.memref_slice %arg10[%scan3A, %get3A_916, %get3A_917] : memref<3x48x768xf32, #tpu.memory_space<vmem>> -> memref<1x48x768xf32, #tpu.memory_space<vmem>>
      %get3A_919 = tpu.memref_squeeze %get3A_918 : memref<1x48x768xf32, #tpu.memory_space<vmem>> -> memref<48x768xf32, #tpu.memory_space<vmem>>
      %get3A_920 = arith.index_cast %get3A_915 : i32 to index
      %get3A_921 = arith.index_cast %mul3A_669 : i32 to index
      %get3A_922 = tpu.vector_load %get3A_919[%get3A_920, %get3A_921] {strides = array<i32>} : memref<48x768xf32, #tpu.memory_space<vmem>>, vector<1x16xf32>,
      %get3A_923 = vector.shape_cast %get3A_922 : vector<1x16xf32> to vector<16xf32>
      %add3A_924 = arith.addf %add3A_884, %get3A_923 : vector<16xf32>
      %get3A_925 = arith.constant 26 : i32
      %get3A_926 = arith.constant 0 : i32
      %get3A_927 = arith.constant 0 : i32
      %get3A_928 = tpu.memref_slice %arg10[%scan3A, %get3A_926, %get3A_927] : memref<3x48x768xf32, #tpu.memory_space<vmem>> -> memref<1x48x768xf32, #tpu.memory_space<vmem>>
      %get3A_929 = tpu.memref_squeeze %get3A_928 : memref<1x48x768xf32, #tpu.memory_space<vmem>> -> memref<48x768xf32, #tpu.memory_space<vmem>>
      %get3A_930 = arith.index_cast %get3A_925 : i32 to index
      %get3A_931 = arith.index_cast %mul3A_669 : i32 to index
      %get3A_932 = tpu.vector_load %get3A_929[%get3A_930, %get3A_931] {strides = array<i32>} : memref<48x768xf32, #tpu.memory_space<vmem>>, vector<1x16xf32>,
      %get3A_933 = vector.shape_cast %get3A_932 : vector<1x16xf32> to vector<16xf32>
      %add3A_934 = arith.addf %add3A_894, %get3A_933 : vector<16xf32>
      %get3A_935 = arith.constant 27 : i32
      %get3A_936 = arith.constant 0 : i32
      %get3A_937 = arith.constant 0 : i32
      %get3A_938 = tpu.memref_slice %arg10[%scan3A, %get3A_936, %get3A_937] : memref<3x48x768xf32, #tpu.memory_space<vmem>> -> memref<1x48x768xf32, #tpu.memory_space<vmem>>
      %get3A_939 = tpu.memref_squeeze %get3A_938 : memref<1x48x768xf32, #tpu.memory_space<vmem>> -> memref<48x768xf32, #tpu.memory_space<vmem>>
      %get3A_940 = arith.index_cast %get3A_935 : i32 to index
      %get3A_941 = arith.index_cast %mul3A_669 : i32 to index
      %get3A_942 = tpu.vector_load %get3A_939[%get3A_940, %get3A_941] {strides = array<i32>} : memref<48x768xf32, #tpu.memory_space<vmem>>, vector<1x16xf32>,
      %get3A_943 = vector.shape_cast %get3A_942 : vector<1x16xf32> to vector<16xf32>
      %add3A_944 = arith.addf %add3A_904, %get3A_943 : vector<16xf32>
      %get3A_945 = arith.constant 28 : i32
      %get3A_946 = arith.constant 0 : i32
      %get3A_947 = arith.constant 0 : i32
      %get3A_948 = tpu.memref_slice %arg10[%scan3A, %get3A_946, %get3A_947] : memref<3x48x768xf32, #tpu.memory_space<vmem>> -> memref<1x48x768xf32, #tpu.memory_space<vmem>>
      %get3A_949 = tpu.memref_squeeze %get3A_948 : memref<1x48x768xf32, #tpu.memory_space<vmem>> -> memref<48x768xf32, #tpu.memory_space<vmem>>
      %get3A_950 = arith.index_cast %get3A_945 : i32 to index
      %get3A_951 = arith.index_cast %mul3A_669 : i32 to index
      %get3A_952 = tpu.vector_load %get3A_949[%get3A_950, %get3A_951] {strides = array<i32>} : memref<48x768xf32, #tpu.memory_space<vmem>>, vector<1x16xf32>,
      %get3A_953 = vector.shape_cast %get3A_952 : vector<1x16xf32> to vector<16xf32>
      %add3A_954 = arith.addf %add3A_914, %get3A_953 : vector<16xf32>
      %get3A_955 = arith.constant 29 : i32
      %get3A_956 = arith.constant 0 : i32
      %get3A_957 = arith.constant 0 : i32
      %get3A_958 = tpu.memref_slice %arg10[%scan3A, %get3A_956, %get3A_957] : memref<3x48x768xf32, #tpu.memory_space<vmem>> -> memref<1x48x768xf32, #tpu.memory_space<vmem>>
      %get3A_959 = tpu.memref_squeeze %get3A_958 : memref<1x48x768xf32, #tpu.memory_space<vmem>> -> memref<48x768xf32, #tpu.memory_space<vmem>>
      %get3A_960 = arith.index_cast %get3A_955 : i32 to index
      %get3A_961 = arith.index_cast %mul3A_669 : i32 to index
      %get3A_962 = tpu.vector_load %get3A_959[%get3A_960, %get3A_961] {strides = array<i32>} : memref<48x768xf32, #tpu.memory_space<vmem>>, vector<1x16xf32>,
      %get3A_963 = vector.shape_cast %get3A_962 : vector<1x16xf32> to vector<16xf32>
      %add3A_964 = arith.addf %add3A_924, %get3A_963 : vector<16xf32>
      %get3A_965 = arith.constant 30 : i32
      %get3A_966 = arith.constant 0 : i32
      %get3A_967 = arith.constant 0 : i32
      %get3A_968 = tpu.memref_slice %arg10[%scan3A, %get3A_966, %get3A_967] : memref<3x48x768xf32, #tpu.memory_space<vmem>> -> memref<1x48x768xf32, #tpu.memory_space<vmem>>
      %get3A_969 = tpu.memref_squeeze %get3A_968 : memref<1x48x768xf32, #tpu.memory_space<vmem>> -> memref<48x768xf32, #tpu.memory_space<vmem>>
      %get3A_970 = arith.index_cast %get3A_965 : i32 to index
      %get3A_971 = arith.index_cast %mul3A_669 : i32 to index
      %get3A_972 = tpu.vector_load %get3A_969[%get3A_970, %get3A_971] {strides = array<i32>} : memref<48x768xf32, #tpu.memory_space<vmem>>, vector<1x16xf32>,
      %get3A_973 = vector.shape_cast %get3A_972 : vector<1x16xf32> to vector<16xf32>
      %add3A_974 = arith.addf %add3A_934, %get3A_973 : vector<16xf32>
      %get3A_975 = arith.constant 31 : i32
      %get3A_976 = arith.constant 0 : i32
      %get3A_977 = arith.constant 0 : i32
      %get3A_978 = tpu.memref_slice %arg10[%scan3A, %get3A_976, %get3A_977] : memref<3x48x768xf32, #tpu.memory_space<vmem>> -> memref<1x48x768xf32, #tpu.memory_space<vmem>>
      %get3A_979 = tpu.memref_squeeze %get3A_978 : memref<1x48x768xf32, #tpu.memory_space<vmem>> -> memref<48x768xf32, #tpu.memory_space<vmem>>
      %get3A_980 = arith.index_cast %get3A_975 : i32 to index
      %get3A_981 = arith.index_cast %mul3A_669 : i32 to index
      %get3A_982 = tpu.vector_load %get3A_979[%get3A_980, %get3A_981] {strides = array<i32>} : memref<48x768xf32, #tpu.memory_space<vmem>>, vector<1x16xf32>,
      %get3A_983 = vector.shape_cast %get3A_982 : vector<1x16xf32> to vector<16xf32>
      %add3A_984 = arith.addf %add3A_944, %get3A_983 : vector<16xf32>
      %get3A_985 = arith.constant 32 : i32
      %get3A_986 = arith.constant 0 : i32
      %get3A_987 = arith.constant 0 : i32
      %get3A_988 = tpu.memref_slice %arg10[%scan3A, %get3A_986, %get3A_987] : memref<3x48x768xf32, #tpu.memory_space<vmem>> -> memref<1x48x768xf32, #tpu.memory_space<vmem>>
      %get3A_989 = tpu.memref_squeeze %get3A_988 : memref<1x48x768xf32, #tpu.memory_space<vmem>> -> memref<48x768xf32, #tpu.memory_space<vmem>>
      %get3A_990 = arith.index_cast %get3A_985 : i32 to index
      %get3A_991 = arith.index_cast %mul3A_669 : i32 to index
      %get3A_992 = tpu.vector_load %get3A_989[%get3A_990, %get3A_991] {strides = array<i32>} : memref<48x768xf32, #tpu.memory_space<vmem>>, vector<1x16xf32>,
      %get3A_993 = vector.shape_cast %get3A_992 : vector<1x16xf32> to vector<16xf32>
      %add3A_994 = arith.addf %add3A_954, %get3A_993 : vector<16xf32>
      %get3A_995 = arith.constant 33 : i32
      %get3A_996 = arith.constant 0 : i32
      %get3A_997 = arith.constant 0 : i32
      %get3A_998 = tpu.memref_slice %arg10[%scan3A, %get3A_996, %get3A_997] : memref<3x48x768xf32, #tpu.memory_space<vmem>> -> memref<1x48x768xf32, #tpu.memory_space<vmem>>
      %get3A_999 = tpu.memref_squeeze %get3A_998 : memref<1x48x768xf32, #tpu.memory_space<vmem>> -> memref<48x768xf32, #tpu.memory_space<vmem>>
      %get3A_1000 = arith.index_cast %get3A_995 : i32 to index
      %get3A_1001 = arith.index_cast %mul3A_669 : i32 to index
      %get3A_1002 = tpu.vector_load %get3A_999[%get3A_1000, %get3A_1001] {strides = array<i32>} : memref<48x768xf32, #tpu.memory_space<vmem>>, vector<1x16xf32>,
      %get3A_1003 = vector.shape_cast %get3A_1002 : vector<1x16xf32> to vector<16xf32>
      %add3A_1004 = arith.addf %add3A_964, %get3A_1003 : vector<16xf32>
      %get3A_1005 = arith.constant 34 : i32
      %get3A_1006 = arith.constant 0 : i32
      %get3A_1007 = arith.constant 0 : i32
      %get3A_1008 = tpu.memref_slice %arg10[%scan3A, %get3A_1006, %get3A_1007] : memref<3x48x768xf32, #tpu.memory_space<vmem>> -> memref<1x48x768xf32, #tpu.memory_space<vmem>>
      %get3A_1009 = tpu.memref_squeeze %get3A_1008 : memref<1x48x768xf32, #tpu.memory_space<vmem>> -> memref<48x768xf32, #tpu.memory_space<vmem>>
      %get3A_1010 = arith.index_cast %get3A_1005 : i32 to index
      %get3A_1011 = arith.index_cast %mul3A_669 : i32 to index
      %get3A_1012 = tpu.vector_load %get3A_1009[%get3A_1010, %get3A_1011] {strides = array<i32>} : memref<48x768xf32, #tpu.memory_space<vmem>>, vector<1x16xf32>,
      %get3A_1013 = vector.shape_cast %get3A_1012 : vector<1x16xf32> to vector<16xf32>
      %add3A_1014 = arith.addf %add3A_974, %get3A_1013 : vector<16xf32>
      %get3A_1015 = arith.constant 35 : i32
      %get3A_1016 = arith.constant 0 : i32
      %get3A_1017 = arith.constant 0 : i32
      %get3A_1018 = tpu.memref_slice %arg10[%scan3A, %get3A_1016, %get3A_1017] : memref<3x48x768xf32, #tpu.memory_space<vmem>> -> memref<1x48x768xf32, #tpu.memory_space<vmem>>
      %get3A_1019 = tpu.memref_squeeze %get3A_1018 : memref<1x48x768xf32, #tpu.memory_space<vmem>> -> memref<48x768xf32, #tpu.memory_space<vmem>>
      %get3A_1020 = arith.index_cast %get3A_1015 : i32 to index
      %get3A_1021 = arith.index_cast %mul3A_669 : i32 to index
      %get3A_1022 = tpu.vector_load %get3A_1019[%get3A_1020, %get3A_1021] {strides = array<i32>} : memref<48x768xf32, #tpu.memory_space<vmem>>, vector<1x16xf32>,
      %get3A_1023 = vector.shape_cast %get3A_1022 : vector<1x16xf32> to vector<16xf32>
      %add3A_1024 = arith.addf %add3A_984, %get3A_1023 : vector<16xf32>
      %get3A_1025 = arith.constant 36 : i32
      %get3A_1026 = arith.constant 0 : i32
      %get3A_1027 = arith.constant 0 : i32
      %get3A_1028 = tpu.memref_slice %arg10[%scan3A, %get3A_1026, %get3A_1027] : memref<3x48x768xf32, #tpu.memory_space<vmem>> -> memref<1x48x768xf32, #tpu.memory_space<vmem>>
      %get3A_1029 = tpu.memref_squeeze %get3A_1028 : memref<1x48x768xf32, #tpu.memory_space<vmem>> -> memref<48x768xf32, #tpu.memory_space<vmem>>
      %get3A_1030 = arith.index_cast %get3A_1025 : i32 to index
      %get3A_1031 = arith.index_cast %mul3A_669 : i32 to index
      %get3A_1032 = tpu.vector_load %get3A_1029[%get3A_1030, %get3A_1031] {strides = array<i32>} : memref<48x768xf32, #tpu.memory_space<vmem>>, vector<1x16xf32>,
      %get3A_1033 = vector.shape_cast %get3A_1032 : vector<1x16xf32> to vector<16xf32>
      %add3A_1034 = arith.addf %add3A_994, %get3A_1033 : vector<16xf32>
      %get3A_1035 = arith.constant 37 : i32
      %get3A_1036 = arith.constant 0 : i32
      %get3A_1037 = arith.constant 0 : i32
      %get3A_1038 = tpu.memref_slice %arg10[%scan3A, %get3A_1036, %get3A_1037] : memref<3x48x768xf32, #tpu.memory_space<vmem>> -> memref<1x48x768xf32, #tpu.memory_space<vmem>>
      %get3A_1039 = tpu.memref_squeeze %get3A_1038 : memref<1x48x768xf32, #tpu.memory_space<vmem>> -> memref<48x768xf32, #tpu.memory_space<vmem>>
      %get3A_1040 = arith.index_cast %get3A_1035 : i32 to index
      %get3A_1041 = arith.index_cast %mul3A_669 : i32 to index
      %get3A_1042 = tpu.vector_load %get3A_1039[%get3A_1040, %get3A_1041] {strides = array<i32>} : memref<48x768xf32, #tpu.memory_space<vmem>>, vector<1x16xf32>,
      %get3A_1043 = vector.shape_cast %get3A_1042 : vector<1x16xf32> to vector<16xf32>
      %add3A_1044 = arith.addf %add3A_1004, %get3A_1043 : vector<16xf32>
      %get3A_1045 = arith.constant 38 : i32
      %get3A_1046 = arith.constant 0 : i32
      %get3A_1047 = arith.constant 0 : i32
      %get3A_1048 = tpu.memref_slice %arg10[%scan3A, %get3A_1046, %get3A_1047] : memref<3x48x768xf32, #tpu.memory_space<vmem>> -> memref<1x48x768xf32, #tpu.memory_space<vmem>>
      %get3A_1049 = tpu.memref_squeeze %get3A_1048 : memref<1x48x768xf32, #tpu.memory_space<vmem>> -> memref<48x768xf32, #tpu.memory_space<vmem>>
      %get3A_1050 = arith.index_cast %get3A_1045 : i32 to index
      %get3A_1051 = arith.index_cast %mul3A_669 : i32 to index
      %get3A_1052 = tpu.vector_load %get3A_1049[%get3A_1050, %get3A_1051] {strides = array<i32>} : memref<48x768xf32, #tpu.memory_space<vmem>>, vector<1x16xf32>,
      %get3A_1053 = vector.shape_cast %get3A_1052 : vector<1x16xf32> to vector<16xf32>
      %add3A_1054 = arith.addf %add3A_1014, %get3A_1053 : vector<16xf32>
      %get3A_1055 = arith.constant 39 : i32
      %get3A_1056 = arith.constant 0 : i32
      %get3A_1057 = arith.constant 0 : i32
      %get3A_1058 = tpu.memref_slice %arg10[%scan3A, %get3A_1056, %get3A_1057] : memref<3x48x768xf32, #tpu.memory_space<vmem>> -> memref<1x48x768xf32, #tpu.memory_space<vmem>>
      %get3A_1059 = tpu.memref_squeeze %get3A_1058 : memref<1x48x768xf32, #tpu.memory_space<vmem>> -> memref<48x768xf32, #tpu.memory_space<vmem>>
      %get3A_1060 = arith.index_cast %get3A_1055 : i32 to index
      %get3A_1061 = arith.index_cast %mul3A_669 : i32 to index
      %get3A_1062 = tpu.vector_load %get3A_1059[%get3A_1060, %get3A_1061] {strides = array<i32>} : memref<48x768xf32, #tpu.memory_space<vmem>>, vector<1x16xf32>,
      %get3A_1063 = vector.shape_cast %get3A_1062 : vector<1x16xf32> to vector<16xf32>
      %add3A_1064 = arith.addf %add3A_1024, %get3A_1063 : vector<16xf32>
      %get3A_1065 = arith.constant 40 : i32
      %get3A_1066 = arith.constant 0 : i32
      %get3A_1067 = arith.constant 0 : i32
      %get3A_1068 = tpu.memref_slice %arg10[%scan3A, %get3A_1066, %get3A_1067] : memref<3x48x768xf32, #tpu.memory_space<vmem>> -> memref<1x48x768xf32, #tpu.memory_space<vmem>>
      %get3A_1069 = tpu.memref_squeeze %get3A_1068 : memref<1x48x768xf32, #tpu.memory_space<vmem>> -> memref<48x768xf32, #tpu.memory_space<vmem>>
      %get3A_1070 = arith.index_cast %get3A_1065 : i32 to index
      %get3A_1071 = arith.index_cast %mul3A_669 : i32 to index
      %get3A_1072 = tpu.vector_load %get3A_1069[%get3A_1070, %get3A_1071] {strides = array<i32>} : memref<48x768xf32, #tpu.memory_space<vmem>>, vector<1x16xf32>,
      %get3A_1073 = vector.shape_cast %get3A_1072 : vector<1x16xf32> to vector<16xf32>
      %add3A_1074 = arith.addf %add3A_1034, %get3A_1073 : vector<16xf32>
      %get3A_1075 = arith.constant 41 : i32
      %get3A_1076 = arith.constant 0 : i32
      %get3A_1077 = arith.constant 0 : i32
      %get3A_1078 = tpu.memref_slice %arg10[%scan3A, %get3A_1076, %get3A_1077] : memref<3x48x768xf32, #tpu.memory_space<vmem>> -> memref<1x48x768xf32, #tpu.memory_space<vmem>>
      %get3A_1079 = tpu.memref_squeeze %get3A_1078 : memref<1x48x768xf32, #tpu.memory_space<vmem>> -> memref<48x768xf32, #tpu.memory_space<vmem>>
      %get3A_1080 = arith.index_cast %get3A_1075 : i32 to index
      %get3A_1081 = arith.index_cast %mul3A_669 : i32 to index
      %get3A_1082 = tpu.vector_load %get3A_1079[%get3A_1080, %get3A_1081] {strides = array<i32>} : memref<48x768xf32, #tpu.memory_space<vmem>>, vector<1x16xf32>,
      %get3A_1083 = vector.shape_cast %get3A_1082 : vector<1x16xf32> to vector<16xf32>
      %add3A_1084 = arith.addf %add3A_1044, %get3A_1083 : vector<16xf32>
      %get3A_1085 = arith.constant 42 : i32
      %get3A_1086 = arith.constant 0 : i32
      %get3A_1087 = arith.constant 0 : i32
      %get3A_1088 = tpu.memref_slice %arg10[%scan3A, %get3A_1086, %get3A_1087] : memref<3x48x768xf32, #tpu.memory_space<vmem>> -> memref<1x48x768xf32, #tpu.memory_space<vmem>>
      %get3A_1089 = tpu.memref_squeeze %get3A_1088 : memref<1x48x768xf32, #tpu.memory_space<vmem>> -> memref<48x768xf32, #tpu.memory_space<vmem>>
      %get3A_1090 = arith.index_cast %get3A_1085 : i32 to index
      %get3A_1091 = arith.index_cast %mul3A_669 : i32 to index
      %get3A_1092 = tpu.vector_load %get3A_1089[%get3A_1090, %get3A_1091] {strides = array<i32>} : memref<48x768xf32, #tpu.memory_space<vmem>>, vector<1x16xf32>,
      %get3A_1093 = vector.shape_cast %get3A_1092 : vector<1x16xf32> to vector<16xf32>
      %add3A_1094 = arith.addf %add3A_1054, %get3A_1093 : vector<16xf32>
      %get3A_1095 = arith.constant 43 : i32
      %get3A_1096 = arith.constant 0 : i32
      %get3A_1097 = arith.constant 0 : i32
      %get3A_1098 = tpu.memref_slice %arg10[%scan3A, %get3A_1096, %get3A_1097] : memref<3x48x768xf32, #tpu.memory_space<vmem>> -> memref<1x48x768xf32, #tpu.memory_space<vmem>>
      %get3A_1099 = tpu.memref_squeeze %get3A_1098 : memref<1x48x768xf32, #tpu.memory_space<vmem>> -> memref<48x768xf32, #tpu.memory_space<vmem>>
      %get3A_1100 = arith.index_cast %get3A_1095 : i32 to index
      %get3A_1101 = arith.index_cast %mul3A_669 : i32 to index
      %get3A_1102 = tpu.vector_load %get3A_1099[%get3A_1100, %get3A_1101] {strides = array<i32>} : memref<48x768xf32, #tpu.memory_space<vmem>>, vector<1x16xf32>,
      %get3A_1103 = vector.shape_cast %get3A_1102 : vector<1x16xf32> to vector<16xf32>
      %add3A_1104 = arith.addf %add3A_1064, %get3A_1103 : vector<16xf32>
      %get3A_1105 = arith.constant 44 : i32
      %get3A_1106 = arith.constant 0 : i32
      %get3A_1107 = arith.constant 0 : i32
      %get3A_1108 = tpu.memref_slice %arg10[%scan3A, %get3A_1106, %get3A_1107] : memref<3x48x768xf32, #tpu.memory_space<vmem>> -> memref<1x48x768xf32, #tpu.memory_space<vmem>>
      %get3A_1109 = tpu.memref_squeeze %get3A_1108 : memref<1x48x768xf32, #tpu.memory_space<vmem>> -> memref<48x768xf32, #tpu.memory_space<vmem>>
      %get3A_1110 = arith.index_cast %get3A_1105 : i32 to index
      %get3A_1111 = arith.index_cast %mul3A_669 : i32 to index
      %get3A_1112 = tpu.vector_load %get3A_1109[%get3A_1110, %get3A_1111] {strides = array<i32>} : memref<48x768xf32, #tpu.memory_space<vmem>>, vector<1x16xf32>,
      %get3A_1113 = vector.shape_cast %get3A_1112 : vector<1x16xf32> to vector<16xf32>
      %add3A_1114 = arith.addf %add3A_1074, %get3A_1113 : vector<16xf32>
      %get3A_1115 = arith.constant 45 : i32
      %get3A_1116 = arith.constant 0 : i32
      %get3A_1117 = arith.constant 0 : i32
      %get3A_1118 = tpu.memref_slice %arg10[%scan3A, %get3A_1116, %get3A_1117] : memref<3x48x768xf32, #tpu.memory_space<vmem>> -> memref<1x48x768xf32, #tpu.memory_space<vmem>>
      %get3A_1119 = tpu.memref_squeeze %get3A_1118 : memref<1x48x768xf32, #tpu.memory_space<vmem>> -> memref<48x768xf32, #tpu.memory_space<vmem>>
      %get3A_1120 = arith.index_cast %get3A_1115 : i32 to index
      %get3A_1121 = arith.index_cast %mul3A_669 : i32 to index
      %get3A_1122 = tpu.vector_load %get3A_1119[%get3A_1120, %get3A_1121] {strides = array<i32>} : memref<48x768xf32, #tpu.memory_space<vmem>>, vector<1x16xf32>,
      %get3A_1123 = vector.shape_cast %get3A_1122 : vector<1x16xf32> to vector<16xf32>
      %add3A_1124 = arith.addf %add3A_1084, %get3A_1123 : vector<16xf32>
      %get3A_1125 = arith.constant 46 : i32
      %get3A_1126 = arith.constant 0 : i32
      %get3A_1127 = arith.constant 0 : i32
      %get3A_1128 = tpu.memref_slice %arg10[%scan3A, %get3A_1126, %get3A_1127] : memref<3x48x768xf32, #tpu.memory_space<vmem>> -> memref<1x48x768xf32, #tpu.memory_space<vmem>>
      %get3A_1129 = tpu.memref_squeeze %get3A_1128 : memref<1x48x768xf32, #tpu.memory_space<vmem>> -> memref<48x768xf32, #tpu.memory_space<vmem>>
      %get3A_1130 = arith.index_cast %get3A_1125 : i32 to index
      %get3A_1131 = arith.index_cast %mul3A_669 : i32 to index
      %get3A_1132 = tpu.vector_load %get3A_1129[%get3A_1130, %get3A_1131] {strides = array<i32>} : memref<48x768xf32, #tpu.memory_space<vmem>>, vector<1x16xf32>,
      %get3A_1133 = vector.shape_cast %get3A_1132 : vector<1x16xf32> to vector<16xf32>
      %add3A_1134 = arith.addf %add3A_1094, %get3A_1133 : vector<16xf32>
      %get3A_1135 = arith.constant 47 : i32
      %get3A_1136 = arith.constant 0 : i32
      %get3A_1137 = arith.constant 0 : i32
      %get3A_1138 = tpu.memref_slice %arg10[%scan3A, %get3A_1136, %get3A_1137] : memref<3x48x768xf32, #tpu.memory_space<vmem>> -> memref<1x48x768xf32, #tpu.memory_space<vmem>>
      %get3A_1139 = tpu.memref_squeeze %get3A_1138 : memref<1x48x768xf32, #tpu.memory_space<vmem>> -> memref<48x768xf32, #tpu.memory_space<vmem>>
      %get3A_1140 = arith.index_cast %get3A_1135 : i32 to index
      %get3A_1141 = arith.index_cast %mul3A_669 : i32 to index
      %get3A_1142 = tpu.vector_load %get3A_1139[%get3A_1140, %get3A_1141] {strides = array<i32>} : memref<48x768xf32, #tpu.memory_space<vmem>>, vector<1x16xf32>,
      %get3A_1143 = vector.shape_cast %get3A_1142 : vector<1x16xf32> to vector<16xf32>
      %add3A_1144 = arith.addf %add3A_1104, %get3A_1143 : vector<16xf32>
      %add3A_1145 = arith.addf %add3A_1114, %add3A_1124 : vector<16xf32>
      %add3A_1146 = arith.addf %add3A_1134, %add3A_1144 : vector<16xf32>
      %add3A_1147 = arith.addf %add3A_1145, %add3A_1146 : vector<16xf32>
      %mul3A_1148 = vector.broadcast %scan3A_220 : f32 to vector<16xf32>
      %mul3A_1149 = arith.mulf %add3A_1147, %mul3A_1148 : vector<16xf32>
      %swap3A = arith.constant 0 : i32
      %swap3A_1150 = arith.index_cast %swap3A : i32 to index
      %swap3A_1151 = arith.index_cast %mul3A_669 : i32 to index
      %swap3A_1152 = tpu.vector_load %arg11[%swap3A_1150, %swap3A_1151] {strides = array<i32>} : memref<6x768xf32, #tpu.memory_space<vmem>>, vector<1x16xf32>,
      %swap3A_1153 = vector.shape_cast %swap3A_1152 : vector<1x16xf32> to vector<16xf32>
      %swap3A_1154 = vector.shape_cast %mul3A_1149 : vector<16xf32> to vector<1x16xf32>
      tpu.vector_store %arg11[%swap3A_1150, %swap3A_1151], %swap3A_1154 {strides = array<i32>} : memref<6x768xf32, #tpu.memory_space<vmem>>, vector<1x16xf32>,
      %scan3A_1155 = arith.constant 0 : i32
      scf.yield %scan3A_1155 : i32
    }
    %scan3A_227 = arith.constant 48 : i32
    %add3A_228 = arith.constant 0 : i32
    %add3A_229 = arith.addi %mul3A_2, %add3A_228 : i32
    %dma_start3A_230 = arith.constant 0 : i32
    %dma_start3A_231 = arith.constant 0 : i32
    %dma_start3A_232 = tpu.memref_slice %arg11[%dma_start3A_230, %dma_start3A_231] : memref<6x768xf32, #tpu.memory_space<vmem>> -> memref<1x768xf32, #tpu.memory_space<vmem>>
    %dma_start3A_233 = tpu.memref_squeeze %dma_start3A_232 : memref<1x768xf32, #tpu.memory_space<vmem>> -> memref<768xf32, #tpu.memory_space<vmem>>
    %dma_start3A_234 = arith.constant 0 : i32
    %dma_start3A_235 = tpu.memref_slice %arg6[%add3A_229, %dma_start3A_234] : memref<64x768xf32, #tpu.memory_space<hbm>> -> memref<1x768xf32, #tpu.memory_space<hbm>>
    %dma_start3A_236 = tpu.memref_squeeze %dma_start3A_235 : memref<1x768xf32, #tpu.memory_space<hbm>> -> memref<768xf32, #tpu.memory_space<hbm>>
    %dma_start3A_237 = arith.constant 0 : i32
    %dma_start3A_238 = tpu.memref_slice %arg6[%add3A_229, %dma_start3A_237] : memref<64x768xf32, #tpu.memory_space<hbm>> -> memref<1x768xf32, #tpu.memory_space<hbm>>
    %dma_start3A_239 = tpu.memref_squeeze %dma_start3A_238 : memref<1x768xf32, #tpu.memory_space<hbm>> -> memref<768xf32, #tpu.memory_space<hbm>>
    %dma_start3A_240 = arith.constant 0 : i32
    %dma_start3A_241 = tpu.memref_slice %arg11[%dma_start3A_230, %dma_start3A_240] : memref<6x768xf32, #tpu.memory_space<vmem>> -> memref<1x768xf32, #tpu.memory_space<vmem>>
    %dma_start3A_242 = tpu.memref_squeeze %dma_start3A_241 : memref<1x768xf32, #tpu.memory_space<vmem>> -> memref<768xf32, #tpu.memory_space<vmem>>
    tpu.enqueue_dma source(%dma_start3A_242 : memref<768xf32, #tpu.memory_space<vmem>>) target(%dma_start3A_239 : memref<768xf32, #tpu.memory_space<hbm>>) target_semaphore(%arg13 : memref<!tpu.dma_semaphore, #tpu.memory_space<semaphore_mem>>)
    %add3A_243 = arith.constant 1 : i32
    %add3A_244 = arith.addi %mul3A_2, %add3A_243 : i32
    %dma_wait3A_245 = arith.constant 3 : i32
    %dma_wait3A_246 = arith.constant 0 : i32
    %dma_wait3A_247 = tpu.memref_slice %arg9[%dma_wait3A_245, %dma_wait3A_246] : memref<6x48xi32, #tpu.memory_space<vmem>> -> memref<1x48xi32, #tpu.memory_space<vmem>>
    %dma_wait3A_248 = tpu.memref_squeeze %dma_wait3A_247 : memref<1x48xi32, #tpu.memory_space<vmem>> -> memref<48xi32, #tpu.memory_space<vmem>>
    %dma_wait3A_249 = arith.constant 0 : i32
    %dma_wait3A_250 = tpu.memref_slice %arg4[%add3A_244, %dma_wait3A_249] : memref<64x48xi32, #tpu.memory_space<hbm>> -> memref<1x48xi32, #tpu.memory_space<hbm>>
    %dma_wait3A_251 = tpu.memref_squeeze %dma_wait3A_250 : memref<1x48xi32, #tpu.memory_space<hbm>> -> memref<48xi32, #tpu.memory_space<hbm>>
    %dma_wait3A_252 = arith.constant 0 : i32
    %dma_wait3A_253 = tpu.memref_slice %arg9[%dma_wait3A_245, %dma_wait3A_252] : memref<6x48xi32, #tpu.memory_space<vmem>> -> memref<1x48xi32, #tpu.memory_space<vmem>>
    %dma_wait3A_254 = tpu.memref_squeeze %dma_wait3A_253 : memref<1x48xi32, #tpu.memory_space<vmem>> -> memref<48xi32, #tpu.memory_space<vmem>>
    %dma_wait3A_255 = arith.constant 0 : i32
    %dma_wait3A_256 = tpu.memref_slice %arg4[%add3A_244, %dma_wait3A_255] : memref<64x48xi32, #tpu.memory_space<hbm>> -> memref<1x48xi32, #tpu.memory_space<hbm>>
    %dma_wait3A_257 = tpu.memref_squeeze %dma_wait3A_256 : memref<1x48xi32, #tpu.memory_space<hbm>> -> memref<48xi32, #tpu.memory_space<hbm>>
    tpu.wait_dma2 semaphore(%arg14 : memref<!tpu.dma_semaphore, #tpu.memory_space<semaphore_mem>>) src(%dma_wait3A_257 : memref<48xi32, #tpu.memory_space<hbm>>) dst(%dma_wait3A_254 : memref<48xi32, #tpu.memory_space<vmem>>)
    %add3A_258 = arith.constant 1 : i32
    %add3A_259 = arith.addi %mul3A_2, %add3A_258 : i32
    %dma_start3A_260 = arith.constant 3 : i32
    %dma_start3A_261 = arith.constant 0 : i32
    %dma_start3A_262 = arith.constant 0 : i32
    %dma_start3A_263 = arith.constant 0 : i32
    %dma_start3A_264 = arith.constant 0 : i32
    %dma_start3A_265 = tpu.memref_slice %arg10[%dma_start3A_261, %dma_start3A_263, %dma_start3A_264] : memref<3x48x768xf32, #tpu.memory_space<vmem>> -> memref<1x48x768xf32, #tpu.memory_space<vmem>>
    %dma_start3A_266 = tpu.memref_squeeze %dma_start3A_265 : memref<1x48x768xf32, #tpu.memory_space<vmem>> -> memref<48x768xf32, #tpu.memory_space<vmem>>
    %dma_start3A_267 = arith.constant 0 : i32
    %dma_start3A_268 = tpu.memref_slice %arg9[%dma_start3A_260, %dma_start3A_267] : memref<6x48xi32, #tpu.memory_space<vmem>> -> memref<1x48xi32, #tpu.memory_space<vmem>>
    %dma_start3A_269 = tpu.memref_squeeze %dma_start3A_268 : memref<1x48xi32, #tpu.memory_space<vmem>> -> memref<48xi32, #tpu.memory_space<vmem>>
    %dma_start3A_270 = arith.constant 0 : i32
    %dma_start3A_271 = arith.constant 0 : i32
    %dma_start3A_272 = tpu.memref_slice %arg2[%add3A_259, %dma_start3A_270, %dma_start3A_271] : memref<64x512x768xf32, #tpu.memory_space<hbm>> -> memref<1x512x768xf32, #tpu.memory_space<hbm>>
    %dma_start3A_273 = tpu.memref_squeeze %dma_start3A_272 : memref<1x512x768xf32, #tpu.memory_space<hbm>> -> memref<512x768xf32, #tpu.memory_space<hbm>>
    %dma_start3A_274 = arith.constant 0 : i32
    %dma_start3A_275 = arith.constant 0 : i32
    %dma_start3A_276 = tpu.memref_slice %dma_start3A_273[%dma_start3A_274, %dma_start3A_275] : memref<512x768xf32, #tpu.memory_space<hbm>> -> memref<512x768xf32, #tpu.memory_space<hbm>>
    %dma_start3A_277 = tpu.memref_slice %arg12[%dma_start3A_262] : memref<3x!tpu.dma_semaphore, #tpu.memory_space<semaphore_mem>> -> memref<1x!tpu.dma_semaphore, #tpu.memory_space<semaphore_mem>>
    %dma_start3A_278 = tpu.memref_squeeze %dma_start3A_277 : memref<1x!tpu.dma_semaphore, #tpu.memory_space<semaphore_mem>> -> memref<!tpu.dma_semaphore, #tpu.memory_space<semaphore_mem>>
    tpu.enqueue_indirect_dma source(%dma_start3A_276 : memref<512x768xf32, #tpu.memory_space<hbm>>) target(%dma_start3A_266 : memref<48x768xf32, #tpu.memory_space<vmem>>) offsets(%dma_start3A_269 : memref<48xi32, #tpu.memory_space<vmem>>) semaphore(%dma_start3A_278 : memref<!tpu.dma_semaphore, #tpu.memory_space<semaphore_mem>>)
    %add3A_279 = arith.constant 1 : i32
    %add3A_280 = arith.addi %mul3A_2, %add3A_279 : i32
    %dma_wait3A_281 = arith.constant 1 : i32
    %dma_wait3A_282 = arith.constant 1 : i32
    %dma_wait3A_283 = arith.constant 1 : i32
    %dma_wait3A_284 = arith.constant 0 : i32
    %dma_wait3A_285 = arith.constant 0 : i32
    %dma_wait3A_286 = tpu.memref_slice %arg10[%dma_wait3A_282, %dma_wait3A_284, %dma_wait3A_285] : memref<3x48x768xf32, #tpu.memory_space<vmem>> -> memref<1x48x768xf32, #tpu.memory_space<vmem>>
    %dma_wait3A_287 = tpu.memref_squeeze %dma_wait3A_286 : memref<1x48x768xf32, #tpu.memory_space<vmem>> -> memref<48x768xf32, #tpu.memory_space<vmem>>
    %dma_wait3A_288 = arith.constant 0 : i32
    %dma_wait3A_289 = tpu.memref_slice %arg9[%dma_wait3A_281, %dma_wait3A_288] : memref<6x48xi32, #tpu.memory_space<vmem>> -> memref<1x48xi32, #tpu.memory_space<vmem>>
    %dma_wait3A_290 = tpu.memref_squeeze %dma_wait3A_289 : memref<1x48xi32, #tpu.memory_space<vmem>> -> memref<48xi32, #tpu.memory_space<vmem>>
    %dma_wait3A_291 = arith.constant 0 : i32
    %dma_wait3A_292 = arith.constant 0 : i32
    %dma_wait3A_293 = tpu.memref_slice %arg2[%add3A_280, %dma_wait3A_291, %dma_wait3A_292] : memref<64x512x768xf32, #tpu.memory_space<hbm>> -> memref<1x512x768xf32, #tpu.memory_space<hbm>>
    %dma_wait3A_294 = tpu.memref_squeeze %dma_wait3A_293 : memref<1x512x768xf32, #tpu.memory_space<hbm>> -> memref<512x768xf32, #tpu.memory_space<hbm>>
    %dma_wait3A_295 = arith.constant 0 : i32
    %dma_wait3A_296 = arith.constant 0 : i32
    %dma_wait3A_297 = tpu.memref_slice %dma_wait3A_294[%dma_wait3A_295, %dma_wait3A_296] : memref<512x768xf32, #tpu.memory_space<hbm>> -> memref<512x768xf32, #tpu.memory_space<hbm>>
    %dma_wait3A_298 = tpu.memref_slice %arg12[%dma_wait3A_283] : memref<3x!tpu.dma_semaphore, #tpu.memory_space<semaphore_mem>> -> memref<1x!tpu.dma_semaphore, #tpu.memory_space<semaphore_mem>>
    %dma_wait3A_299 = tpu.memref_squeeze %dma_wait3A_298 : memref<1x!tpu.dma_semaphore, #tpu.memory_space<semaphore_mem>> -> memref<!tpu.dma_semaphore, #tpu.memory_space<semaphore_mem>>
    tpu.wait_indirect_dma semaphore(%dma_wait3A_299 : memref<!tpu.dma_semaphore, #tpu.memory_space<semaphore_mem>>) src(%dma_wait3A_297 : memref<512x768xf32, #tpu.memory_space<hbm>>) dst(%dma_wait3A_287 : memref<48x768xf32, #tpu.memory_space<vmem>>)
    %scan3A_300 = arith.constant 1 : i32
    %scan3A_301 = arith.constant 0.020833334 : f32
    %scan3A_302 = arith.constant 0 : i32
    %scan3A_303 = arith.constant 0 : i32
    %scan3A_304 = arith.constant 48 : i32
    %scan3A_305 = arith.addi %scan3A_303, %scan3A_304 : i32
    %scan3A_306 = arith.constant 1 : i32
    %scan3A_307 = scf.for %scan3A_666 = %scan3A_303 to %scan3A_305 step %scan3A_306 iter_args(%scan3A_667 = %scan3A_302) -> (i32)  : i32 {
      %mul3A_668 = arith.constant 16 : i32
      %mul3A_669 = arith.muli %scan3A_666, %mul3A_668 : i32
      %get3A = arith.constant 0 : i32
      %get3A_670 = arith.constant 0 : i32
      %get3A_671 = arith.constant 0 : i32
      %get3A_672 = tpu.memref_slice %arg10[%scan3A_300, %get3A_670, %get3A_671] : memref<3x48x768xf32, #tpu.memory_space<vmem>> -> memref<1x48x768xf32, #tpu.memory_space<vmem>>
      %get3A_673 = tpu.memref_squeeze %get3A_672 : memref<1x48x768xf32, #tpu.memory_space<vmem>> -> memref<48x768xf32, #tpu.memory_space<vmem>>
      %get3A_674 = arith.index_cast %get3A : i32 to index
      %get3A_675 = arith.index_cast %mul3A_669 : i32 to index
      %get3A_676 = tpu.vector_load %get3A_673[%get3A_674, %get3A_675] {strides = array<i32>} : memref<48x768xf32, #tpu.memory_space<vmem>>, vector<1x16xf32>,
      %get3A_677 = vector.shape_cast %get3A_676 : vector<1x16xf32> to vector<16xf32>
      %get3A_678 = arith.constant 1 : i32
      %get3A_679 = arith.constant 0 : i32
      %get3A_680 = arith.constant 0 : i32
      %get3A_681 = tpu.memref_slice %arg10[%scan3A_300, %get3A_679, %get3A_680] : memref<3x48x768xf32, #tpu.memory_space<vmem>> -> memref<1x48x768xf32, #tpu.memory_space<vmem>>
      %get3A_682 = tpu.memref_squeeze %get3A_681 : memref<1x48x768xf32, #tpu.memory_space<vmem>> -> memref<48x768xf32, #tpu.memory_space<vmem>>
      %get3A_683 = arith.index_cast %get3A_678 : i32 to index
      %get3A_684 = arith.index_cast %mul3A_669 : i32 to index
      %get3A_685 = tpu.vector_load %get3A_682[%get3A_683, %get3A_684] {strides = array<i32>} : memref<48x768xf32, #tpu.memory_space<vmem>>, vector<1x16xf32>,
      %get3A_686 = vector.shape_cast %get3A_685 : vector<1x16xf32> to vector<16xf32>
      %get3A_687 = arith.constant 2 : i32
      %get3A_688 = arith.constant 0 : i32
      %get3A_689 = arith.constant 0 : i32
      %get3A_690 = tpu.memref_slice %arg10[%scan3A_300, %get3A_688, %get3A_689] : memref<3x48x768xf32, #tpu.memory_space<vmem>> -> memref<1x48x768xf32, #tpu.memory_space<vmem>>
      %get3A_691 = tpu.memref_squeeze %get3A_690 : memref<1x48x768xf32, #tpu.memory_space<vmem>> -> memref<48x768xf32, #tpu.memory_space<vmem>>
      %get3A_692 = arith.index_cast %get3A_687 : i32 to index
      %get3A_693 = arith.index_cast %mul3A_669 : i32 to index
      %get3A_694 = tpu.vector_load %get3A_691[%get3A_692, %get3A_693] {strides = array<i32>} : memref<48x768xf32, #tpu.memory_space<vmem>>, vector<1x16xf32>,
      %get3A_695 = vector.shape_cast %get3A_694 : vector<1x16xf32> to vector<16xf32>
      %get3A_696 = arith.constant 3 : i32
      %get3A_697 = arith.constant 0 : i32
      %get3A_698 = arith.constant 0 : i32
      %get3A_699 = tpu.memref_slice %arg10[%scan3A_300, %get3A_697, %get3A_698] : memref<3x48x768xf32, #tpu.memory_space<vmem>> -> memref<1x48x768xf32, #tpu.memory_space<vmem>>
      %get3A_700 = tpu.memref_squeeze %get3A_699 : memref<1x48x768xf32, #tpu.memory_space<vmem>> -> memref<48x768xf32, #tpu.memory_space<vmem>>
      %get3A_701 = arith.index_cast %get3A_696 : i32 to index
      %get3A_702 = arith.index_cast %mul3A_669 : i32 to index
      %get3A_703 = tpu.vector_load %get3A_700[%get3A_701, %get3A_702] {strides = array<i32>} : memref<48x768xf32, #tpu.memory_space<vmem>>, vector<1x16xf32>,
      %get3A_704 = vector.shape_cast %get3A_703 : vector<1x16xf32> to vector<16xf32>
      %get3A_705 = arith.constant 4 : i32
      %get3A_706 = arith.constant 0 : i32
      %get3A_707 = arith.constant 0 : i32
      %get3A_708 = tpu.memref_slice %arg10[%scan3A_300, %get3A_706, %get3A_707] : memref<3x48x768xf32, #tpu.memory_space<vmem>> -> memref<1x48x768xf32, #tpu.memory_space<vmem>>
      %get3A_709 = tpu.memref_squeeze %get3A_708 : memref<1x48x768xf32, #tpu.memory_space<vmem>> -> memref<48x768xf32, #tpu.memory_space<vmem>>
      %get3A_710 = arith.index_cast %get3A_705 : i32 to index
      %get3A_711 = arith.index_cast %mul3A_669 : i32 to index
      %get3A_712 = tpu.vector_load %get3A_709[%get3A_710, %get3A_711] {strides = array<i32>} : memref<48x768xf32, #tpu.memory_space<vmem>>, vector<1x16xf32>,
      %get3A_713 = vector.shape_cast %get3A_712 : vector<1x16xf32> to vector<16xf32>
      %add3A_714 = arith.addf %get3A_677, %get3A_713 : vector<16xf32>
      %get3A_715 = arith.constant 5 : i32
      %get3A_716 = arith.constant 0 : i32
      %get3A_717 = arith.constant 0 : i32
      %get3A_718 = tpu.memref_slice %arg10[%scan3A_300, %get3A_716, %get3A_717] : memref<3x48x768xf32, #tpu.memory_space<vmem>> -> memref<1x48x768xf32, #tpu.memory_space<vmem>>
      %get3A_719 = tpu.memref_squeeze %get3A_718 : memref<1x48x768xf32, #tpu.memory_space<vmem>> -> memref<48x768xf32, #tpu.memory_space<vmem>>
      %get3A_720 = arith.index_cast %get3A_715 : i32 to index
      %get3A_721 = arith.index_cast %mul3A_669 : i32 to index
      %get3A_722 = tpu.vector_load %get3A_719[%get3A_720, %get3A_721] {strides = array<i32>} : memref<48x768xf32, #tpu.memory_space<vmem>>, vector<1x16xf32>,
      %get3A_723 = vector.shape_cast %get3A_722 : vector<1x16xf32> to vector<16xf32>
      %add3A_724 = arith.addf %get3A_686, %get3A_723 : vector<16xf32>
      %get3A_725 = arith.constant 6 : i32
      %get3A_726 = arith.constant 0 : i32
      %get3A_727 = arith.constant 0 : i32
      %get3A_728 = tpu.memref_slice %arg10[%scan3A_300, %get3A_726, %get3A_727] : memref<3x48x768xf32, #tpu.memory_space<vmem>> -> memref<1x48x768xf32, #tpu.memory_space<vmem>>
      %get3A_729 = tpu.memref_squeeze %get3A_728 : memref<1x48x768xf32, #tpu.memory_space<vmem>> -> memref<48x768xf32, #tpu.memory_space<vmem>>
      %get3A_730 = arith.index_cast %get3A_725 : i32 to index
      %get3A_731 = arith.index_cast %mul3A_669 : i32 to index
      %get3A_732 = tpu.vector_load %get3A_729[%get3A_730, %get3A_731] {strides = array<i32>} : memref<48x768xf32, #tpu.memory_space<vmem>>, vector<1x16xf32>,
      %get3A_733 = vector.shape_cast %get3A_732 : vector<1x16xf32> to vector<16xf32>
      %add3A_734 = arith.addf %get3A_695, %get3A_733 : vector<16xf32>
      %get3A_735 = arith.constant 7 : i32
      %get3A_736 = arith.constant 0 : i32
      %get3A_737 = arith.constant 0 : i32
      %get3A_738 = tpu.memref_slice %arg10[%scan3A_300, %get3A_736, %get3A_737] : memref<3x48x768xf32, #tpu.memory_space<vmem>> -> memref<1x48x768xf32, #tpu.memory_space<vmem>>
      %get3A_739 = tpu.memref_squeeze %get3A_738 : memref<1x48x768xf32, #tpu.memory_space<vmem>> -> memref<48x768xf32, #tpu.memory_space<vmem>>
      %get3A_740 = arith.index_cast %get3A_735 : i32 to index
      %get3A_741 = arith.index_cast %mul3A_669 : i32 to index
      %get3A_742 = tpu.vector_load %get3A_739[%get3A_740, %get3A_741] {strides = array<i32>} : memref<48x768xf32, #tpu.memory_space<vmem>>, vector<1x16xf32>,
      %get3A_743 = vector.shape_cast %get3A_742 : vector<1x16xf32> to vector<16xf32>
      %add3A_744 = arith.addf %get3A_704, %get3A_743 : vector<16xf32>
      %get3A_745 = arith.constant 8 : i32
      %get3A_746 = arith.constant 0 : i32
      %get3A_747 = arith.constant 0 : i32
      %get3A_748 = tpu.memref_slice %arg10[%scan3A_300, %get3A_746, %get3A_747] : memref<3x48x768xf32, #tpu.memory_space<vmem>> -> memref<1x48x768xf32, #tpu.memory_space<vmem>>
      %get3A_749 = tpu.memref_squeeze %get3A_748 : memref<1x48x768xf32, #tpu.memory_space<vmem>> -> memref<48x768xf32, #tpu.memory_space<vmem>>
      %get3A_750 = arith.index_cast %get3A_745 : i32 to index
      %get3A_751 = arith.index_cast %mul3A_669 : i32 to index
      %get3A_752 = tpu.vector_load %get3A_749[%get3A_750, %get3A_751] {strides = array<i32>} : memref<48x768xf32, #tpu.memory_space<vmem>>, vector<1x16xf32>,
      %get3A_753 = vector.shape_cast %get3A_752 : vector<1x16xf32> to vector<16xf32>
      %add3A_754 = arith.addf %add3A_714, %get3A_753 : vector<16xf32>
      %get3A_755 = arith.constant 9 : i32
      %get3A_756 = arith.constant 0 : i32
      %get3A_757 = arith.constant 0 : i32
      %get3A_758 = tpu.memref_slice %arg10[%scan3A_300, %get3A_756, %get3A_757] : memref<3x48x768xf32, #tpu.memory_space<vmem>> -> memref<1x48x768xf32, #tpu.memory_space<vmem>>
      %get3A_759 = tpu.memref_squeeze %get3A_758 : memref<1x48x768xf32, #tpu.memory_space<vmem>> -> memref<48x768xf32, #tpu.memory_space<vmem>>
      %get3A_760 = arith.index_cast %get3A_755 : i32 to index
      %get3A_761 = arith.index_cast %mul3A_669 : i32 to index
      %get3A_762 = tpu.vector_load %get3A_759[%get3A_760, %get3A_761] {strides = array<i32>} : memref<48x768xf32, #tpu.memory_space<vmem>>, vector<1x16xf32>,
      %get3A_763 = vector.shape_cast %get3A_762 : vector<1x16xf32> to vector<16xf32>
      %add3A_764 = arith.addf %add3A_724, %get3A_763 : vector<16xf32>
      %get3A_765 = arith.constant 10 : i32
      %get3A_766 = arith.constant 0 : i32
      %get3A_767 = arith.constant 0 : i32
      %get3A_768 = tpu.memref_slice %arg10[%scan3A_300, %get3A_766, %get3A_767] : memref<3x48x768xf32, #tpu.memory_space<vmem>> -> memref<1x48x768xf32, #tpu.memory_space<vmem>>
      %get3A_769 = tpu.memref_squeeze %get3A_768 : memref<1x48x768xf32, #tpu.memory_space<vmem>> -> memref<48x768xf32, #tpu.memory_space<vmem>>
      %get3A_770 = arith.index_cast %get3A_765 : i32 to index
      %get3A_771 = arith.index_cast %mul3A_669 : i32 to index
      %get3A_772 = tpu.vector_load %get3A_769[%get3A_770, %get3A_771] {strides = array<i32>} : memref<48x768xf32, #tpu.memory_space<vmem>>, vector<1x16xf32>,
      %get3A_773 = vector.shape_cast %get3A_772 : vector<1x16xf32> to vector<16xf32>
      %add3A_774 = arith.addf %add3A_734, %get3A_773 : vector<16xf32>
      %get3A_775 = arith.constant 11 : i32
      %get3A_776 = arith.constant 0 : i32
      %get3A_777 = arith.constant 0 : i32
      %get3A_778 = tpu.memref_slice %arg10[%scan3A_300, %get3A_776, %get3A_777] : memref<3x48x768xf32, #tpu.memory_space<vmem>> -> memref<1x48x768xf32, #tpu.memory_space<vmem>>
      %get3A_779 = tpu.memref_squeeze %get3A_778 : memref<1x48x768xf32, #tpu.memory_space<vmem>> -> memref<48x768xf32, #tpu.memory_space<vmem>>
      %get3A_780 = arith.index_cast %get3A_775 : i32 to index
      %get3A_781 = arith.index_cast %mul3A_669 : i32 to index
      %get3A_782 = tpu.vector_load %get3A_779[%get3A_780, %get3A_781] {strides = array<i32>} : memref<48x768xf32, #tpu.memory_space<vmem>>, vector<1x16xf32>,
      %get3A_783 = vector.shape_cast %get3A_782 : vector<1x16xf32> to vector<16xf32>
      %add3A_784 = arith.addf %add3A_744, %get3A_783 : vector<16xf32>
      %get3A_785 = arith.constant 12 : i32
      %get3A_786 = arith.constant 0 : i32
      %get3A_787 = arith.constant 0 : i32
      %get3A_788 = tpu.memref_slice %arg10[%scan3A_300, %get3A_786, %get3A_787] : memref<3x48x768xf32, #tpu.memory_space<vmem>> -> memref<1x48x768xf32, #tpu.memory_space<vmem>>
      %get3A_789 = tpu.memref_squeeze %get3A_788 : memref<1x48x768xf32, #tpu.memory_space<vmem>> -> memref<48x768xf32, #tpu.memory_space<vmem>>
      %get3A_790 = arith.index_cast %get3A_785 : i32 to index
      %get3A_791 = arith.index_cast %mul3A_669 : i32 to index
      %get3A_792 = tpu.vector_load %get3A_789[%get3A_790, %get3A_791] {strides = array<i32>} : memref<48x768xf32, #tpu.memory_space<vmem>>, vector<1x16xf32>,
      %get3A_793 = vector.shape_cast %get3A_792 : vector<1x16xf32> to vector<16xf32>
      %add3A_794 = arith.addf %add3A_754, %get3A_793 : vector<16xf32>
      %get3A_795 = arith.constant 13 : i32
      %get3A_796 = arith.constant 0 : i32
      %get3A_797 = arith.constant 0 : i32
      %get3A_798 = tpu.memref_slice %arg10[%scan3A_300, %get3A_796, %get3A_797] : memref<3x48x768xf32, #tpu.memory_space<vmem>> -> memref<1x48x768xf32, #tpu.memory_space<vmem>>
      %get3A_799 = tpu.memref_squeeze %get3A_798 : memref<1x48x768xf32, #tpu.memory_space<vmem>> -> memref<48x768xf32, #tpu.memory_space<vmem>>
      %get3A_800 = arith.index_cast %get3A_795 : i32 to index
      %get3A_801 = arith.index_cast %mul3A_669 : i32 to index
      %get3A_802 = tpu.vector_load %get3A_799[%get3A_800, %get3A_801] {strides = array<i32>} : memref<48x768xf32, #tpu.memory_space<vmem>>, vector<1x16xf32>,
      %get3A_803 = vector.shape_cast %get3A_802 : vector<1x16xf32> to vector<16xf32>
      %add3A_804 = arith.addf %add3A_764, %get3A_803 : vector<16xf32>
      %get3A_805 = arith.constant 14 : i32
      %get3A_806 = arith.constant 0 : i32
      %get3A_807 = arith.constant 0 : i32
      %get3A_808 = tpu.memref_slice %arg10[%scan3A_300, %get3A_806, %get3A_807] : memref<3x48x768xf32, #tpu.memory_space<vmem>> -> memref<1x48x768xf32, #tpu.memory_space<vmem>>
      %get3A_809 = tpu.memref_squeeze %get3A_808 : memref<1x48x768xf32, #tpu.memory_space<vmem>> -> memref<48x768xf32, #tpu.memory_space<vmem>>
      %get3A_810 = arith.index_cast %get3A_805 : i32 to index
      %get3A_811 = arith.index_cast %mul3A_669 : i32 to index
      %get3A_812 = tpu.vector_load %get3A_809[%get3A_810, %get3A_811] {strides = array<i32>} : memref<48x768xf32, #tpu.memory_space<vmem>>, vector<1x16xf32>,
      %get3A_813 = vector.shape_cast %get3A_812 : vector<1x16xf32> to vector<16xf32>
      %add3A_814 = arith.addf %add3A_774, %get3A_813 : vector<16xf32>
      %get3A_815 = arith.constant 15 : i32
      %get3A_816 = arith.constant 0 : i32
      %get3A_817 = arith.constant 0 : i32
      %get3A_818 = tpu.memref_slice %arg10[%scan3A_300, %get3A_816, %get3A_817] : memref<3x48x768xf32, #tpu.memory_space<vmem>> -> memref<1x48x768xf32, #tpu.memory_space<vmem>>
      %get3A_819 = tpu.memref_squeeze %get3A_818 : memref<1x48x768xf32, #tpu.memory_space<vmem>> -> memref<48x768xf32, #tpu.memory_space<vmem>>
      %get3A_820 = arith.index_cast %get3A_815 : i32 to index
      %get3A_821 = arith.index_cast %mul3A_669 : i32 to index
      %get3A_822 = tpu.vector_load %get3A_819[%get3A_820, %get3A_821] {strides = array<i32>} : memref<48x768xf32, #tpu.memory_space<vmem>>, vector<1x16xf32>,
      %get3A_823 = vector.shape_cast %get3A_822 : vector<1x16xf32> to vector<16xf32>
      %add3A_824 = arith.addf %add3A_784, %get3A_823 : vector<16xf32>
      %get3A_825 = arith.constant 16 : i32
      %get3A_826 = arith.constant 0 : i32
      %get3A_827 = arith.constant 0 : i32
      %get3A_828 = tpu.memref_slice %arg10[%scan3A_300, %get3A_826, %get3A_827] : memref<3x48x768xf32, #tpu.memory_space<vmem>> -> memref<1x48x768xf32, #tpu.memory_space<vmem>>
      %get3A_829 = tpu.memref_squeeze %get3A_828 : memref<1x48x768xf32, #tpu.memory_space<vmem>> -> memref<48x768xf32, #tpu.memory_space<vmem>>
      %get3A_830 = arith.index_cast %get3A_825 : i32 to index
      %get3A_831 = arith.index_cast %mul3A_669 : i32 to index
      %get3A_832 = tpu.vector_load %get3A_829[%get3A_830, %get3A_831] {strides = array<i32>} : memref<48x768xf32, #tpu.memory_space<vmem>>, vector<1x16xf32>,
      %get3A_833 = vector.shape_cast %get3A_832 : vector<1x16xf32> to vector<16xf32>
      %add3A_834 = arith.addf %add3A_794, %get3A_833 : vector<16xf32>
      %get3A_835 = arith.constant 17 : i32
      %get3A_836 = arith.constant 0 : i32
      %get3A_837 = arith.constant 0 : i32
      %get3A_838 = tpu.memref_slice %arg10[%scan3A_300, %get3A_836, %get3A_837] : memref<3x48x768xf32, #tpu.memory_space<vmem>> -> memref<1x48x768xf32, #tpu.memory_space<vmem>>
      %get3A_839 = tpu.memref_squeeze %get3A_838 : memref<1x48x768xf32, #tpu.memory_space<vmem>> -> memref<48x768xf32, #tpu.memory_space<vmem>>
      %get3A_840 = arith.index_cast %get3A_835 : i32 to index
      %get3A_841 = arith.index_cast %mul3A_669 : i32 to index
      %get3A_842 = tpu.vector_load %get3A_839[%get3A_840, %get3A_841] {strides = array<i32>} : memref<48x768xf32, #tpu.memory_space<vmem>>, vector<1x16xf32>,
      %get3A_843 = vector.shape_cast %get3A_842 : vector<1x16xf32> to vector<16xf32>
      %add3A_844 = arith.addf %add3A_804, %get3A_843 : vector<16xf32>
      %get3A_845 = arith.constant 18 : i32
      %get3A_846 = arith.constant 0 : i32
      %get3A_847 = arith.constant 0 : i32
      %get3A_848 = tpu.memref_slice %arg10[%scan3A_300, %get3A_846, %get3A_847] : memref<3x48x768xf32, #tpu.memory_space<vmem>> -> memref<1x48x768xf32, #tpu.memory_space<vmem>>
      %get3A_849 = tpu.memref_squeeze %get3A_848 : memref<1x48x768xf32, #tpu.memory_space<vmem>> -> memref<48x768xf32, #tpu.memory_space<vmem>>
      %get3A_850 = arith.index_cast %get3A_845 : i32 to index
      %get3A_851 = arith.index_cast %mul3A_669 : i32 to index
      %get3A_852 = tpu.vector_load %get3A_849[%get3A_850, %get3A_851] {strides = array<i32>} : memref<48x768xf32, #tpu.memory_space<vmem>>, vector<1x16xf32>,
      %get3A_853 = vector.shape_cast %get3A_852 : vector<1x16xf32> to vector<16xf32>
      %add3A_854 = arith.addf %add3A_814, %get3A_853 : vector<16xf32>
      %get3A_855 = arith.constant 19 : i32
      %get3A_856 = arith.constant 0 : i32
      %get3A_857 = arith.constant 0 : i32
      %get3A_858 = tpu.memref_slice %arg10[%scan3A_300, %get3A_856, %get3A_857] : memref<3x48x768xf32, #tpu.memory_space<vmem>> -> memref<1x48x768xf32, #tpu.memory_space<vmem>>
      %get3A_859 = tpu.memref_squeeze %get3A_858 : memref<1x48x768xf32, #tpu.memory_space<vmem>> -> memref<48x768xf32, #tpu.memory_space<vmem>>
      %get3A_860 = arith.index_cast %get3A_855 : i32 to index
      %get3A_861 = arith.index_cast %mul3A_669 : i32 to index
      %get3A_862 = tpu.vector_load %get3A_859[%get3A_860, %get3A_861] {strides = array<i32>} : memref<48x768xf32, #tpu.memory_space<vmem>>, vector<1x16xf32>,
      %get3A_863 = vector.shape_cast %get3A_862 : vector<1x16xf32> to vector<16xf32>
      %add3A_864 = arith.addf %add3A_824, %get3A_863 : vector<16xf32>
      %get3A_865 = arith.constant 20 : i32
      %get3A_866 = arith.constant 0 : i32
      %get3A_867 = arith.constant 0 : i32
      %get3A_868 = tpu.memref_slice %arg10[%scan3A_300, %get3A_866, %get3A_867] : memref<3x48x768xf32, #tpu.memory_space<vmem>> -> memref<1x48x768xf32, #tpu.memory_space<vmem>>
      %get3A_869 = tpu.memref_squeeze %get3A_868 : memref<1x48x768xf32, #tpu.memory_space<vmem>> -> memref<48x768xf32, #tpu.memory_space<vmem>>
      %get3A_870 = arith.index_cast %get3A_865 : i32 to index
      %get3A_871 = arith.index_cast %mul3A_669 : i32 to index
      %get3A_872 = tpu.vector_load %get3A_869[%get3A_870, %get3A_871] {strides = array<i32>} : memref<48x768xf32, #tpu.memory_space<vmem>>, vector<1x16xf32>,
      %get3A_873 = vector.shape_cast %get3A_872 : vector<1x16xf32> to vector<16xf32>
      %add3A_874 = arith.addf %add3A_834, %get3A_873 : vector<16xf32>
      %get3A_875 = arith.constant 21 : i32
      %get3A_876 = arith.constant 0 : i32
      %get3A_877 = arith.constant 0 : i32
      %get3A_878 = tpu.memref_slice %arg10[%scan3A_300, %get3A_876, %get3A_877] : memref<3x48x768xf32, #tpu.memory_space<vmem>> -> memref<1x48x768xf32, #tpu.memory_space<vmem>>
      %get3A_879 = tpu.memref_squeeze %get3A_878 : memref<1x48x768xf32, #tpu.memory_space<vmem>> -> memref<48x768xf32, #tpu.memory_space<vmem>>
      %get3A_880 = arith.index_cast %get3A_875 : i32 to index
      %get3A_881 = arith.index_cast %mul3A_669 : i32 to index
      %get3A_882 = tpu.vector_load %get3A_879[%get3A_880, %get3A_881] {strides = array<i32>} : memref<48x768xf32, #tpu.memory_space<vmem>>, vector<1x16xf32>,
      %get3A_883 = vector.shape_cast %get3A_882 : vector<1x16xf32> to vector<16xf32>
      %add3A_884 = arith.addf %add3A_844, %get3A_883 : vector<16xf32>
      %get3A_885 = arith.constant 22 : i32
      %get3A_886 = arith.constant 0 : i32
      %get3A_887 = arith.constant 0 : i32
      %get3A_888 = tpu.memref_slice %arg10[%scan3A_300, %get3A_886, %get3A_887] : memref<3x48x768xf32, #tpu.memory_space<vmem>> -> memref<1x48x768xf32, #tpu.memory_space<vmem>>
      %get3A_889 = tpu.memref_squeeze %get3A_888 : memref<1x48x768xf32, #tpu.memory_space<vmem>> -> memref<48x768xf32, #tpu.memory_space<vmem>>
      %get3A_890 = arith.index_cast %get3A_885 : i32 to index
      %get3A_891 = arith.index_cast %mul3A_669 : i32 to index
      %get3A_892 = tpu.vector_load %get3A_889[%get3A_890, %get3A_891] {strides = array<i32>} : memref<48x768xf32, #tpu.memory_space<vmem>>, vector<1x16xf32>,
      %get3A_893 = vector.shape_cast %get3A_892 : vector<1x16xf32> to vector<16xf32>
      %add3A_894 = arith.addf %add3A_854, %get3A_893 : vector<16xf32>
      %get3A_895 = arith.constant 23 : i32
      %get3A_896 = arith.constant 0 : i32
      %get3A_897 = arith.constant 0 : i32
      %get3A_898 = tpu.memref_slice %arg10[%scan3A_300, %get3A_896, %get3A_897] : memref<3x48x768xf32, #tpu.memory_space<vmem>> -> memref<1x48x768xf32, #tpu.memory_space<vmem>>
      %get3A_899 = tpu.memref_squeeze %get3A_898 : memref<1x48x768xf32, #tpu.memory_space<vmem>> -> memref<48x768xf32, #tpu.memory_space<vmem>>
      %get3A_900 = arith.index_cast %get3A_895 : i32 to index
      %get3A_901 = arith.index_cast %mul3A_669 : i32 to index
      %get3A_902 = tpu.vector_load %get3A_899[%get3A_900, %get3A_901] {strides = array<i32>} : memref<48x768xf32, #tpu.memory_space<vmem>>, vector<1x16xf32>,
      %get3A_903 = vector.shape_cast %get3A_902 : vector<1x16xf32> to vector<16xf32>
      %add3A_904 = arith.addf %add3A_864, %get3A_903 : vector<16xf32>
      %get3A_905 = arith.constant 24 : i32
      %get3A_906 = arith.constant 0 : i32
      %get3A_907 = arith.constant 0 : i32
      %get3A_908 = tpu.memref_slice %arg10[%scan3A_300, %get3A_906, %get3A_907] : memref<3x48x768xf32, #tpu.memory_space<vmem>> -> memref<1x48x768xf32, #tpu.memory_space<vmem>>
      %get3A_909 = tpu.memref_squeeze %get3A_908 : memref<1x48x768xf32, #tpu.memory_space<vmem>> -> memref<48x768xf32, #tpu.memory_space<vmem>>
      %get3A_910 = arith.index_cast %get3A_905 : i32 to index
      %get3A_911 = arith.index_cast %mul3A_669 : i32 to index
      %get3A_912 = tpu.vector_load %get3A_909[%get3A_910, %get3A_911] {strides = array<i32>} : memref<48x768xf32, #tpu.memory_space<vmem>>, vector<1x16xf32>,
      %get3A_913 = vector.shape_cast %get3A_912 : vector<1x16xf32> to vector<16xf32>
      %add3A_914 = arith.addf %add3A_874, %get3A_913 : vector<16xf32>
      %get3A_915 = arith.constant 25 : i32
      %get3A_916 = arith.constant 0 : i32
      %get3A_917 = arith.constant 0 : i32
      %get3A_918 = tpu.memref_slice %arg10[%scan3A_300, %get3A_916, %get3A_917] : memref<3x48x768xf32, #tpu.memory_space<vmem>> -> memref<1x48x768xf32, #tpu.memory_space<vmem>>
      %get3A_919 = tpu.memref_squeeze %get3A_918 : memref<1x48x768xf32, #tpu.memory_space<vmem>> -> memref<48x768xf32, #tpu.memory_space<vmem>>
      %get3A_920 = arith.index_cast %get3A_915 : i32 to index
      %get3A_921 = arith.index_cast %mul3A_669 : i32 to index
      %get3A_922 = tpu.vector_load %get3A_919[%get3A_920, %get3A_921] {strides = array<i32>} : memref<48x768xf32, #tpu.memory_space<vmem>>, vector<1x16xf32>,
      %get3A_923 = vector.shape_cast %get3A_922 : vector<1x16xf32> to vector<16xf32>
      %add3A_924 = arith.addf %add3A_884, %get3A_923 : vector<16xf32>
      %get3A_925 = arith.constant 26 : i32
      %get3A_926 = arith.constant 0 : i32
      %get3A_927 = arith.constant 0 : i32
      %get3A_928 = tpu.memref_slice %arg10[%scan3A_300, %get3A_926, %get3A_927] : memref<3x48x768xf32, #tpu.memory_space<vmem>> -> memref<1x48x768xf32, #tpu.memory_space<vmem>>
      %get3A_929 = tpu.memref_squeeze %get3A_928 : memref<1x48x768xf32, #tpu.memory_space<vmem>> -> memref<48x768xf32, #tpu.memory_space<vmem>>
      %get3A_930 = arith.index_cast %get3A_925 : i32 to index
      %get3A_931 = arith.index_cast %mul3A_669 : i32 to index
      %get3A_932 = tpu.vector_load %get3A_929[%get3A_930, %get3A_931] {strides = array<i32>} : memref<48x768xf32, #tpu.memory_space<vmem>>, vector<1x16xf32>,
      %get3A_933 = vector.shape_cast %get3A_932 : vector<1x16xf32> to vector<16xf32>
      %add3A_934 = arith.addf %add3A_894, %get3A_933 : vector<16xf32>
      %get3A_935 = arith.constant 27 : i32
      %get3A_936 = arith.constant 0 : i32
      %get3A_937 = arith.constant 0 : i32
      %get3A_938 = tpu.memref_slice %arg10[%scan3A_300, %get3A_936, %get3A_937] : memref<3x48x768xf32, #tpu.memory_space<vmem>> -> memref<1x48x768xf32, #tpu.memory_space<vmem>>
      %get3A_939 = tpu.memref_squeeze %get3A_938 : memref<1x48x768xf32, #tpu.memory_space<vmem>> -> memref<48x768xf32, #tpu.memory_space<vmem>>
      %get3A_940 = arith.index_cast %get3A_935 : i32 to index
      %get3A_941 = arith.index_cast %mul3A_669 : i32 to index
      %get3A_942 = tpu.vector_load %get3A_939[%get3A_940, %get3A_941] {strides = array<i32>} : memref<48x768xf32, #tpu.memory_space<vmem>>, vector<1x16xf32>,
      %get3A_943 = vector.shape_cast %get3A_942 : vector<1x16xf32> to vector<16xf32>
      %add3A_944 = arith.addf %add3A_904, %get3A_943 : vector<16xf32>
      %get3A_945 = arith.constant 28 : i32
      %get3A_946 = arith.constant 0 : i32
      %get3A_947 = arith.constant 0 : i32
      %get3A_948 = tpu.memref_slice %arg10[%scan3A_300, %get3A_946, %get3A_947] : memref<3x48x768xf32, #tpu.memory_space<vmem>> -> memref<1x48x768xf32, #tpu.memory_space<vmem>>
      %get3A_949 = tpu.memref_squeeze %get3A_948 : memref<1x48x768xf32, #tpu.memory_space<vmem>> -> memref<48x768xf32, #tpu.memory_space<vmem>>
      %get3A_950 = arith.index_cast %get3A_945 : i32 to index
      %get3A_951 = arith.index_cast %mul3A_669 : i32 to index
      %get3A_952 = tpu.vector_load %get3A_949[%get3A_950, %get3A_951] {strides = array<i32>} : memref<48x768xf32, #tpu.memory_space<vmem>>, vector<1x16xf32>,
      %get3A_953 = vector.shape_cast %get3A_952 : vector<1x16xf32> to vector<16xf32>
      %add3A_954 = arith.addf %add3A_914, %get3A_953 : vector<16xf32>
      %get3A_955 = arith.constant 29 : i32
      %get3A_956 = arith.constant 0 : i32
      %get3A_957 = arith.constant 0 : i32
      %get3A_958 = tpu.memref_slice %arg10[%scan3A_300, %get3A_956, %get3A_957] : memref<3x48x768xf32, #tpu.memory_space<vmem>> -> memref<1x48x768xf32, #tpu.memory_space<vmem>>
      %get3A_959 = tpu.memref_squeeze %get3A_958 : memref<1x48x768xf32, #tpu.memory_space<vmem>> -> memref<48x768xf32, #tpu.memory_space<vmem>>
      %get3A_960 = arith.index_cast %get3A_955 : i32 to index
      %get3A_961 = arith.index_cast %mul3A_669 : i32 to index
      %get3A_962 = tpu.vector_load %get3A_959[%get3A_960, %get3A_961] {strides = array<i32>} : memref<48x768xf32, #tpu.memory_space<vmem>>, vector<1x16xf32>,
      %get3A_963 = vector.shape_cast %get3A_962 : vector<1x16xf32> to vector<16xf32>
      %add3A_964 = arith.addf %add3A_924, %get3A_963 : vector<16xf32>
      %get3A_965 = arith.constant 30 : i32
      %get3A_966 = arith.constant 0 : i32
      %get3A_967 = arith.constant 0 : i32
      %get3A_968 = tpu.memref_slice %arg10[%scan3A_300, %get3A_966, %get3A_967] : memref<3x48x768xf32, #tpu.memory_space<vmem>> -> memref<1x48x768xf32, #tpu.memory_space<vmem>>
      %get3A_969 = tpu.memref_squeeze %get3A_968 : memref<1x48x768xf32, #tpu.memory_space<vmem>> -> memref<48x768xf32, #tpu.memory_space<vmem>>
      %get3A_970 = arith.index_cast %get3A_965 : i32 to index
      %get3A_971 = arith.index_cast %mul3A_669 : i32 to index
      %get3A_972 = tpu.vector_load %get3A_969[%get3A_970, %get3A_971] {strides = array<i32>} : memref<48x768xf32, #tpu.memory_space<vmem>>, vector<1x16xf32>,
      %get3A_973 = vector.shape_cast %get3A_972 : vector<1x16xf32> to vector<16xf32>
      %add3A_974 = arith.addf %add3A_934, %get3A_973 : vector<16xf32>
      %get3A_975 = arith.constant 31 : i32
      %get3A_976 = arith.constant 0 : i32
      %get3A_977 = arith.constant 0 : i32
      %get3A_978 = tpu.memref_slice %arg10[%scan3A_300, %get3A_976, %get3A_977] : memref<3x48x768xf32, #tpu.memory_space<vmem>> -> memref<1x48x768xf32, #tpu.memory_space<vmem>>
      %get3A_979 = tpu.memref_squeeze %get3A_978 : memref<1x48x768xf32, #tpu.memory_space<vmem>> -> memref<48x768xf32, #tpu.memory_space<vmem>>
      %get3A_980 = arith.index_cast %get3A_975 : i32 to index
      %get3A_981 = arith.index_cast %mul3A_669 : i32 to index
      %get3A_982 = tpu.vector_load %get3A_979[%get3A_980, %get3A_981] {strides = array<i32>} : memref<48x768xf32, #tpu.memory_space<vmem>>, vector<1x16xf32>,
      %get3A_983 = vector.shape_cast %get3A_982 : vector<1x16xf32> to vector<16xf32>
      %add3A_984 = arith.addf %add3A_944, %get3A_983 : vector<16xf32>
      %get3A_985 = arith.constant 32 : i32
      %get3A_986 = arith.constant 0 : i32
      %get3A_987 = arith.constant 0 : i32
      %get3A_988 = tpu.memref_slice %arg10[%scan3A_300, %get3A_986, %get3A_987] : memref<3x48x768xf32, #tpu.memory_space<vmem>> -> memref<1x48x768xf32, #tpu.memory_space<vmem>>
      %get3A_989 = tpu.memref_squeeze %get3A_988 : memref<1x48x768xf32, #tpu.memory_space<vmem>> -> memref<48x768xf32, #tpu.memory_space<vmem>>
      %get3A_990 = arith.index_cast %get3A_985 : i32 to index
      %get3A_991 = arith.index_cast %mul3A_669 : i32 to index
      %get3A_992 = tpu.vector_load %get3A_989[%get3A_990, %get3A_991] {strides = array<i32>} : memref<48x768xf32, #tpu.memory_space<vmem>>, vector<1x16xf32>,
      %get3A_993 = vector.shape_cast %get3A_992 : vector<1x16xf32> to vector<16xf32>
      %add3A_994 = arith.addf %add3A_954, %get3A_993 : vector<16xf32>
      %get3A_995 = arith.constant 33 : i32
      %get3A_996 = arith.constant 0 : i32
      %get3A_997 = arith.constant 0 : i32
      %get3A_998 = tpu.memref_slice %arg10[%scan3A_300, %get3A_996, %get3A_997] : memref<3x48x768xf32, #tpu.memory_space<vmem>> -> memref<1x48x768xf32, #tpu.memory_space<vmem>>
      %get3A_999 = tpu.memref_squeeze %get3A_998 : memref<1x48x768xf32, #tpu.memory_space<vmem>> -> memref<48x768xf32, #tpu.memory_space<vmem>>
      %get3A_1000 = arith.index_cast %get3A_995 : i32 to index
      %get3A_1001 = arith.index_cast %mul3A_669 : i32 to index
      %get3A_1002 = tpu.vector_load %get3A_999[%get3A_1000, %get3A_1001] {strides = array<i32>} : memref<48x768xf32, #tpu.memory_space<vmem>>, vector<1x16xf32>,
      %get3A_1003 = vector.shape_cast %get3A_1002 : vector<1x16xf32> to vector<16xf32>
      %add3A_1004 = arith.addf %add3A_964, %get3A_1003 : vector<16xf32>
      %get3A_1005 = arith.constant 34 : i32
      %get3A_1006 = arith.constant 0 : i32
      %get3A_1007 = arith.constant 0 : i32
      %get3A_1008 = tpu.memref_slice %arg10[%scan3A_300, %get3A_1006, %get3A_1007] : memref<3x48x768xf32, #tpu.memory_space<vmem>> -> memref<1x48x768xf32, #tpu.memory_space<vmem>>
      %get3A_1009 = tpu.memref_squeeze %get3A_1008 : memref<1x48x768xf32, #tpu.memory_space<vmem>> -> memref<48x768xf32, #tpu.memory_space<vmem>>
      %get3A_1010 = arith.index_cast %get3A_1005 : i32 to index
      %get3A_1011 = arith.index_cast %mul3A_669 : i32 to index
      %get3A_1012 = tpu.vector_load %get3A_1009[%get3A_1010, %get3A_1011] {strides = array<i32>} : memref<48x768xf32, #tpu.memory_space<vmem>>, vector<1x16xf32>,
      %get3A_1013 = vector.shape_cast %get3A_1012 : vector<1x16xf32> to vector<16xf32>
      %add3A_1014 = arith.addf %add3A_974, %get3A_1013 : vector<16xf32>
      %get3A_1015 = arith.constant 35 : i32
      %get3A_1016 = arith.constant 0 : i32
      %get3A_1017 = arith.constant 0 : i32
      %get3A_1018 = tpu.memref_slice %arg10[%scan3A_300, %get3A_1016, %get3A_1017] : memref<3x48x768xf32, #tpu.memory_space<vmem>> -> memref<1x48x768xf32, #tpu.memory_space<vmem>>
      %get3A_1019 = tpu.memref_squeeze %get3A_1018 : memref<1x48x768xf32, #tpu.memory_space<vmem>> -> memref<48x768xf32, #tpu.memory_space<vmem>>
      %get3A_1020 = arith.index_cast %get3A_1015 : i32 to index
      %get3A_1021 = arith.index_cast %mul3A_669 : i32 to index
      %get3A_1022 = tpu.vector_load %get3A_1019[%get3A_1020, %get3A_1021] {strides = array<i32>} : memref<48x768xf32, #tpu.memory_space<vmem>>, vector<1x16xf32>,
      %get3A_1023 = vector.shape_cast %get3A_1022 : vector<1x16xf32> to vector<16xf32>
      %add3A_1024 = arith.addf %add3A_984, %get3A_1023 : vector<16xf32>
      %get3A_1025 = arith.constant 36 : i32
      %get3A_1026 = arith.constant 0 : i32
      %get3A_1027 = arith.constant 0 : i32
      %get3A_1028 = tpu.memref_slice %arg10[%scan3A_300, %get3A_1026, %get3A_1027] : memref<3x48x768xf32, #tpu.memory_space<vmem>> -> memref<1x48x768xf32, #tpu.memory_space<vmem>>
      %get3A_1029 = tpu.memref_squeeze %get3A_1028 : memref<1x48x768xf32, #tpu.memory_space<vmem>> -> memref<48x768xf32, #tpu.memory_space<vmem>>
      %get3A_1030 = arith.index_cast %get3A_1025 : i32 to index
      %get3A_1031 = arith.index_cast %mul3A_669 : i32 to index
      %get3A_1032 = tpu.vector_load %get3A_1029[%get3A_1030, %get3A_1031] {strides = array<i32>} : memref<48x768xf32, #tpu.memory_space<vmem>>, vector<1x16xf32>,
      %get3A_1033 = vector.shape_cast %get3A_1032 : vector<1x16xf32> to vector<16xf32>
      %add3A_1034 = arith.addf %add3A_994, %get3A_1033 : vector<16xf32>
      %get3A_1035 = arith.constant 37 : i32
      %get3A_1036 = arith.constant 0 : i32
      %get3A_1037 = arith.constant 0 : i32
      %get3A_1038 = tpu.memref_slice %arg10[%scan3A_300, %get3A_1036, %get3A_1037] : memref<3x48x768xf32, #tpu.memory_space<vmem>> -> memref<1x48x768xf32, #tpu.memory_space<vmem>>
      %get3A_1039 = tpu.memref_squeeze %get3A_1038 : memref<1x48x768xf32, #tpu.memory_space<vmem>> -> memref<48x768xf32, #tpu.memory_space<vmem>>
      %get3A_1040 = arith.index_cast %get3A_1035 : i32 to index
      %get3A_1041 = arith.index_cast %mul3A_669 : i32 to index
      %get3A_1042 = tpu.vector_load %get3A_1039[%get3A_1040, %get3A_1041] {strides = array<i32>} : memref<48x768xf32, #tpu.memory_space<vmem>>, vector<1x16xf32>,
      %get3A_1043 = vector.shape_cast %get3A_1042 : vector<1x16xf32> to vector<16xf32>
      %add3A_1044 = arith.addf %add3A_1004, %get3A_1043 : vector<16xf32>
      %get3A_1045 = arith.constant 38 : i32
      %get3A_1046 = arith.constant 0 : i32
      %get3A_1047 = arith.constant 0 : i32
      %get3A_1048 = tpu.memref_slice %arg10[%scan3A_300, %get3A_1046, %get3A_1047] : memref<3x48x768xf32, #tpu.memory_space<vmem>> -> memref<1x48x768xf32, #tpu.memory_space<vmem>>
      %get3A_1049 = tpu.memref_squeeze %get3A_1048 : memref<1x48x768xf32, #tpu.memory_space<vmem>> -> memref<48x768xf32, #tpu.memory_space<vmem>>
      %get3A_1050 = arith.index_cast %get3A_1045 : i32 to index
      %get3A_1051 = arith.index_cast %mul3A_669 : i32 to index
      %get3A_1052 = tpu.vector_load %get3A_1049[%get3A_1050, %get3A_1051] {strides = array<i32>} : memref<48x768xf32, #tpu.memory_space<vmem>>, vector<1x16xf32>,
      %get3A_1053 = vector.shape_cast %get3A_1052 : vector<1x16xf32> to vector<16xf32>
      %add3A_1054 = arith.addf %add3A_1014, %get3A_1053 : vector<16xf32>
      %get3A_1055 = arith.constant 39 : i32
      %get3A_1056 = arith.constant 0 : i32
      %get3A_1057 = arith.constant 0 : i32
      %get3A_1058 = tpu.memref_slice %arg10[%scan3A_300, %get3A_1056, %get3A_1057] : memref<3x48x768xf32, #tpu.memory_space<vmem>> -> memref<1x48x768xf32, #tpu.memory_space<vmem>>
      %get3A_1059 = tpu.memref_squeeze %get3A_1058 : memref<1x48x768xf32, #tpu.memory_space<vmem>> -> memref<48x768xf32, #tpu.memory_space<vmem>>
      %get3A_1060 = arith.index_cast %get3A_1055 : i32 to index
      %get3A_1061 = arith.index_cast %mul3A_669 : i32 to index
      %get3A_1062 = tpu.vector_load %get3A_1059[%get3A_1060, %get3A_1061] {strides = array<i32>} : memref<48x768xf32, #tpu.memory_space<vmem>>, vector<1x16xf32>,
      %get3A_1063 = vector.shape_cast %get3A_1062 : vector<1x16xf32> to vector<16xf32>
      %add3A_1064 = arith.addf %add3A_1024, %get3A_1063 : vector<16xf32>
      %get3A_1065 = arith.constant 40 : i32
      %get3A_1066 = arith.constant 0 : i32
      %get3A_1067 = arith.constant 0 : i32
      %get3A_1068 = tpu.memref_slice %arg10[%scan3A_300, %get3A_1066, %get3A_1067] : memref<3x48x768xf32, #tpu.memory_space<vmem>> -> memref<1x48x768xf32, #tpu.memory_space<vmem>>
      %get3A_1069 = tpu.memref_squeeze %get3A_1068 : memref<1x48x768xf32, #tpu.memory_space<vmem>> -> memref<48x768xf32, #tpu.memory_space<vmem>>
      %get3A_1070 = arith.index_cast %get3A_1065 : i32 to index
      %get3A_1071 = arith.index_cast %mul3A_669 : i32 to index
      %get3A_1072 = tpu.vector_load %get3A_1069[%get3A_1070, %get3A_1071] {strides = array<i32>} : memref<48x768xf32, #tpu.memory_space<vmem>>, vector<1x16xf32>,
      %get3A_1073 = vector.shape_cast %get3A_1072 : vector<1x16xf32> to vector<16xf32>
      %add3A_1074 = arith.addf %add3A_1034, %get3A_1073 : vector<16xf32>
      %get3A_1075 = arith.constant 41 : i32
      %get3A_1076 = arith.constant 0 : i32
      %get3A_1077 = arith.constant 0 : i32
      %get3A_1078 = tpu.memref_slice %arg10[%scan3A_300, %get3A_1076, %get3A_1077] : memref<3x48x768xf32, #tpu.memory_space<vmem>> -> memref<1x48x768xf32, #tpu.memory_space<vmem>>
      %get3A_1079 = tpu.memref_squeeze %get3A_1078 : memref<1x48x768xf32, #tpu.memory_space<vmem>> -> memref<48x768xf32, #tpu.memory_space<vmem>>
      %get3A_1080 = arith.index_cast %get3A_1075 : i32 to index
      %get3A_1081 = arith.index_cast %mul3A_669 : i32 to index
      %get3A_1082 = tpu.vector_load %get3A_1079[%get3A_1080, %get3A_1081] {strides = array<i32>} : memref<48x768xf32, #tpu.memory_space<vmem>>, vector<1x16xf32>,
      %get3A_1083 = vector.shape_cast %get3A_1082 : vector<1x16xf32> to vector<16xf32>
      %add3A_1084 = arith.addf %add3A_1044, %get3A_1083 : vector<16xf32>
      %get3A_1085 = arith.constant 42 : i32
      %get3A_1086 = arith.constant 0 : i32
      %get3A_1087 = arith.constant 0 : i32
      %get3A_1088 = tpu.memref_slice %arg10[%scan3A_300, %get3A_1086, %get3A_1087] : memref<3x48x768xf32, #tpu.memory_space<vmem>> -> memref<1x48x768xf32, #tpu.memory_space<vmem>>
      %get3A_1089 = tpu.memref_squeeze %get3A_1088 : memref<1x48x768xf32, #tpu.memory_space<vmem>> -> memref<48x768xf32, #tpu.memory_space<vmem>>
      %get3A_1090 = arith.index_cast %get3A_1085 : i32 to index
      %get3A_1091 = arith.index_cast %mul3A_669 : i32 to index
      %get3A_1092 = tpu.vector_load %get3A_1089[%get3A_1090, %get3A_1091] {strides = array<i32>} : memref<48x768xf32, #tpu.memory_space<vmem>>, vector<1x16xf32>,
      %get3A_1093 = vector.shape_cast %get3A_1092 : vector<1x16xf32> to vector<16xf32>
      %add3A_1094 = arith.addf %add3A_1054, %get3A_1093 : vector<16xf32>
      %get3A_1095 = arith.constant 43 : i32
      %get3A_1096 = arith.constant 0 : i32
      %get3A_1097 = arith.constant 0 : i32
      %get3A_1098 = tpu.memref_slice %arg10[%scan3A_300, %get3A_1096, %get3A_1097] : memref<3x48x768xf32, #tpu.memory_space<vmem>> -> memref<1x48x768xf32, #tpu.memory_space<vmem>>
      %get3A_1099 = tpu.memref_squeeze %get3A_1098 : memref<1x48x768xf32, #tpu.memory_space<vmem>> -> memref<48x768xf32, #tpu.memory_space<vmem>>
      %get3A_1100 = arith.index_cast %get3A_1095 : i32 to index
      %get3A_1101 = arith.index_cast %mul3A_669 : i32 to index
      %get3A_1102 = tpu.vector_load %get3A_1099[%get3A_1100, %get3A_1101] {strides = array<i32>} : memref<48x768xf32, #tpu.memory_space<vmem>>, vector<1x16xf32>,
      %get3A_1103 = vector.shape_cast %get3A_1102 : vector<1x16xf32> to vector<16xf32>
      %add3A_1104 = arith.addf %add3A_1064, %get3A_1103 : vector<16xf32>
      %get3A_1105 = arith.constant 44 : i32
      %get3A_1106 = arith.constant 0 : i32
      %get3A_1107 = arith.constant 0 : i32
      %get3A_1108 = tpu.memref_slice %arg10[%scan3A_300, %get3A_1106, %get3A_1107] : memref<3x48x768xf32, #tpu.memory_space<vmem>> -> memref<1x48x768xf32, #tpu.memory_space<vmem>>
      %get3A_1109 = tpu.memref_squeeze %get3A_1108 : memref<1x48x768xf32, #tpu.memory_space<vmem>> -> memref<48x768xf32, #tpu.memory_space<vmem>>
      %get3A_1110 = arith.index_cast %get3A_1105 : i32 to index
      %get3A_1111 = arith.index_cast %mul3A_669 : i32 to index
      %get3A_1112 = tpu.vector_load %get3A_1109[%get3A_1110, %get3A_1111] {strides = array<i32>} : memref<48x768xf32, #tpu.memory_space<vmem>>, vector<1x16xf32>,
      %get3A_1113 = vector.shape_cast %get3A_1112 : vector<1x16xf32> to vector<16xf32>
      %add3A_1114 = arith.addf %add3A_1074, %get3A_1113 : vector<16xf32>
      %get3A_1115 = arith.constant 45 : i32
      %get3A_1116 = arith.constant 0 : i32
      %get3A_1117 = arith.constant 0 : i32
      %get3A_1118 = tpu.memref_slice %arg10[%scan3A_300, %get3A_1116, %get3A_1117] : memref<3x48x768xf32, #tpu.memory_space<vmem>> -> memref<1x48x768xf32, #tpu.memory_space<vmem>>
      %get3A_1119 = tpu.memref_squeeze %get3A_1118 : memref<1x48x768xf32, #tpu.memory_space<vmem>> -> memref<48x768xf32, #tpu.memory_space<vmem>>
      %get3A_1120 = arith.index_cast %get3A_1115 : i32 to index
      %get3A_1121 = arith.index_cast %mul3A_669 : i32 to index
      %get3A_1122 = tpu.vector_load %get3A_1119[%get3A_1120, %get3A_1121] {strides = array<i32>} : memref<48x768xf32, #tpu.memory_space<vmem>>, vector<1x16xf32>,
      %get3A_1123 = vector.shape_cast %get3A_1122 : vector<1x16xf32> to vector<16xf32>
      %add3A_1124 = arith.addf %add3A_1084, %get3A_1123 : vector<16xf32>
      %get3A_1125 = arith.constant 46 : i32
      %get3A_1126 = arith.constant 0 : i32
      %get3A_1127 = arith.constant 0 : i32
      %get3A_1128 = tpu.memref_slice %arg10[%scan3A_300, %get3A_1126, %get3A_1127] : memref<3x48x768xf32, #tpu.memory_space<vmem>> -> memref<1x48x768xf32, #tpu.memory_space<vmem>>
      %get3A_1129 = tpu.memref_squeeze %get3A_1128 : memref<1x48x768xf32, #tpu.memory_space<vmem>> -> memref<48x768xf32, #tpu.memory_space<vmem>>
      %get3A_1130 = arith.index_cast %get3A_1125 : i32 to index
      %get3A_1131 = arith.index_cast %mul3A_669 : i32 to index
      %get3A_1132 = tpu.vector_load %get3A_1129[%get3A_1130, %get3A_1131] {strides = array<i32>} : memref<48x768xf32, #tpu.memory_space<vmem>>, vector<1x16xf32>,
      %get3A_1133 = vector.shape_cast %get3A_1132 : vector<1x16xf32> to vector<16xf32>
      %add3A_1134 = arith.addf %add3A_1094, %get3A_1133 : vector<16xf32>
      %get3A_1135 = arith.constant 47 : i32
      %get3A_1136 = arith.constant 0 : i32
      %get3A_1137 = arith.constant 0 : i32
      %get3A_1138 = tpu.memref_slice %arg10[%scan3A_300, %get3A_1136, %get3A_1137] : memref<3x48x768xf32, #tpu.memory_space<vmem>> -> memref<1x48x768xf32, #tpu.memory_space<vmem>>
      %get3A_1139 = tpu.memref_squeeze %get3A_1138 : memref<1x48x768xf32, #tpu.memory_space<vmem>> -> memref<48x768xf32, #tpu.memory_space<vmem>>
      %get3A_1140 = arith.index_cast %get3A_1135 : i32 to index
      %get3A_1141 = arith.index_cast %mul3A_669 : i32 to index
      %get3A_1142 = tpu.vector_load %get3A_1139[%get3A_1140, %get3A_1141] {strides = array<i32>} : memref<48x768xf32, #tpu.memory_space<vmem>>, vector<1x16xf32>,
      %get3A_1143 = vector.shape_cast %get3A_1142 : vector<1x16xf32> to vector<16xf32>
      %add3A_1144 = arith.addf %add3A_1104, %get3A_1143 : vector<16xf32>
      %add3A_1145 = arith.addf %add3A_1114, %add3A_1124 : vector<16xf32>
      %add3A_1146 = arith.addf %add3A_1134, %add3A_1144 : vector<16xf32>
      %add3A_1147 = arith.addf %add3A_1145, %add3A_1146 : vector<16xf32>
      %mul3A_1148 = vector.broadcast %scan3A_301 : f32 to vector<16xf32>
      %mul3A_1149 = arith.mulf %add3A_1147, %mul3A_1148 : vector<16xf32>
      %swap3A = arith.constant 1 : i32
      %swap3A_1150 = arith.index_cast %swap3A : i32 to index
      %swap3A_1151 = arith.index_cast %mul3A_669 : i32 to index
      %swap3A_1152 = tpu.vector_load %arg11[%swap3A_1150, %swap3A_1151] {strides = array<i32>} : memref<6x768xf32, #tpu.memory_space<vmem>>, vector<1x16xf32>,
      %swap3A_1153 = vector.shape_cast %swap3A_1152 : vector<1x16xf32> to vector<16xf32>
      %swap3A_1154 = vector.shape_cast %mul3A_1149 : vector<16xf32> to vector<1x16xf32>
      tpu.vector_store %arg11[%swap3A_1150, %swap3A_1151], %swap3A_1154 {strides = array<i32>} : memref<6x768xf32, #tpu.memory_space<vmem>>, vector<1x16xf32>,
      %scan3A_1155 = arith.constant 0 : i32
      scf.yield %scan3A_1155 : i32
    }
    %scan3A_308 = arith.constant 48 : i32
    %add3A_309 = arith.constant 1 : i32
    %add3A_310 = arith.addi %mul3A_2, %add3A_309 : i32
    %dma_start3A_311 = arith.constant 1 : i32
    %dma_start3A_312 = arith.constant 0 : i32
    %dma_start3A_313 = tpu.memref_slice %arg11[%dma_start3A_311, %dma_start3A_312] : memref<6x768xf32, #tpu.memory_space<vmem>> -> memref<1x768xf32, #tpu.memory_space<vmem>>
    %dma_start3A_314 = tpu.memref_squeeze %dma_start3A_313 : memref<1x768xf32, #tpu.memory_space<vmem>> -> memref<768xf32, #tpu.memory_space<vmem>>
    %dma_start3A_315 = arith.constant 0 : i32
    %dma_start3A_316 = tpu.memref_slice %arg6[%add3A_310, %dma_start3A_315] : memref<64x768xf32, #tpu.memory_space<hbm>> -> memref<1x768xf32, #tpu.memory_space<hbm>>
    %dma_start3A_317 = tpu.memref_squeeze %dma_start3A_316 : memref<1x768xf32, #tpu.memory_space<hbm>> -> memref<768xf32, #tpu.memory_space<hbm>>
    %dma_start3A_318 = arith.constant 0 : i32
    %dma_start3A_319 = tpu.memref_slice %arg6[%add3A_310, %dma_start3A_318] : memref<64x768xf32, #tpu.memory_space<hbm>> -> memref<1x768xf32, #tpu.memory_space<hbm>>
    %dma_start3A_320 = tpu.memref_squeeze %dma_start3A_319 : memref<1x768xf32, #tpu.memory_space<hbm>> -> memref<768xf32, #tpu.memory_space<hbm>>
    %dma_start3A_321 = arith.constant 0 : i32
    %dma_start3A_322 = tpu.memref_slice %arg11[%dma_start3A_311, %dma_start3A_321] : memref<6x768xf32, #tpu.memory_space<vmem>> -> memref<1x768xf32, #tpu.memory_space<vmem>>
    %dma_start3A_323 = tpu.memref_squeeze %dma_start3A_322 : memref<1x768xf32, #tpu.memory_space<vmem>> -> memref<768xf32, #tpu.memory_space<vmem>>
    tpu.enqueue_dma source(%dma_start3A_323 : memref<768xf32, #tpu.memory_space<vmem>>) target(%dma_start3A_320 : memref<768xf32, #tpu.memory_space<hbm>>) target_semaphore(%arg13 : memref<!tpu.dma_semaphore, #tpu.memory_space<semaphore_mem>>)
    %add3A_324 = arith.constant 0 : i32
    %add3A_325 = arith.addi %mul3A_2, %add3A_324 : i32
    %dma_wait3A_326 = arith.constant 4 : i32
    %dma_wait3A_327 = arith.constant 0 : i32
    %dma_wait3A_328 = tpu.memref_slice %arg9[%dma_wait3A_326, %dma_wait3A_327] : memref<6x48xi32, #tpu.memory_space<vmem>> -> memref<1x48xi32, #tpu.memory_space<vmem>>
    %dma_wait3A_329 = tpu.memref_squeeze %dma_wait3A_328 : memref<1x48xi32, #tpu.memory_space<vmem>> -> memref<48xi32, #tpu.memory_space<vmem>>
    %dma_wait3A_330 = arith.constant 0 : i32
    %dma_wait3A_331 = tpu.memref_slice %arg5[%add3A_325, %dma_wait3A_330] : memref<64x48xi32, #tpu.memory_space<hbm>> -> memref<1x48xi32, #tpu.memory_space<hbm>>
    %dma_wait3A_332 = tpu.memref_squeeze %dma_wait3A_331 : memref<1x48xi32, #tpu.memory_space<hbm>> -> memref<48xi32, #tpu.memory_space<hbm>>
    %dma_wait3A_333 = arith.constant 0 : i32
    %dma_wait3A_334 = tpu.memref_slice %arg9[%dma_wait3A_326, %dma_wait3A_333] : memref<6x48xi32, #tpu.memory_space<vmem>> -> memref<1x48xi32, #tpu.memory_space<vmem>>
    %dma_wait3A_335 = tpu.memref_squeeze %dma_wait3A_334 : memref<1x48xi32, #tpu.memory_space<vmem>> -> memref<48xi32, #tpu.memory_space<vmem>>
    %dma_wait3A_336 = arith.constant 0 : i32
    %dma_wait3A_337 = tpu.memref_slice %arg5[%add3A_325, %dma_wait3A_336] : memref<64x48xi32, #tpu.memory_space<hbm>> -> memref<1x48xi32, #tpu.memory_space<hbm>>
    %dma_wait3A_338 = tpu.memref_squeeze %dma_wait3A_337 : memref<1x48xi32, #tpu.memory_space<hbm>> -> memref<48xi32, #tpu.memory_space<hbm>>
    tpu.wait_dma2 semaphore(%arg14 : memref<!tpu.dma_semaphore, #tpu.memory_space<semaphore_mem>>) src(%dma_wait3A_338 : memref<48xi32, #tpu.memory_space<hbm>>) dst(%dma_wait3A_335 : memref<48xi32, #tpu.memory_space<vmem>>)
    %add3A_339 = arith.constant 0 : i32
    %add3A_340 = arith.addi %mul3A_2, %add3A_339 : i32
    %dma_start3A_341 = arith.constant 4 : i32
    %dma_start3A_342 = arith.constant 1 : i32
    %dma_start3A_343 = arith.constant 1 : i32
    %dma_start3A_344 = arith.constant 0 : i32
    %dma_start3A_345 = arith.constant 0 : i32
    %dma_start3A_346 = tpu.memref_slice %arg10[%dma_start3A_342, %dma_start3A_344, %dma_start3A_345] : memref<3x48x768xf32, #tpu.memory_space<vmem>> -> memref<1x48x768xf32, #tpu.memory_space<vmem>>
    %dma_start3A_347 = tpu.memref_squeeze %dma_start3A_346 : memref<1x48x768xf32, #tpu.memory_space<vmem>> -> memref<48x768xf32, #tpu.memory_space<vmem>>
    %dma_start3A_348 = arith.constant 0 : i32
    %dma_start3A_349 = tpu.memref_slice %arg9[%dma_start3A_341, %dma_start3A_348] : memref<6x48xi32, #tpu.memory_space<vmem>> -> memref<1x48xi32, #tpu.memory_space<vmem>>
    %dma_start3A_350 = tpu.memref_squeeze %dma_start3A_349 : memref<1x48xi32, #tpu.memory_space<vmem>> -> memref<48xi32, #tpu.memory_space<vmem>>
    %dma_start3A_351 = arith.constant 0 : i32
    %dma_start3A_352 = arith.constant 0 : i32
    %dma_start3A_353 = tpu.memref_slice %arg2[%add3A_340, %dma_start3A_351, %dma_start3A_352] : memref<64x512x768xf32, #tpu.memory_space<hbm>> -> memref<1x512x768xf32, #tpu.memory_space<hbm>>
    %dma_start3A_354 = tpu.memref_squeeze %dma_start3A_353 : memref<1x512x768xf32, #tpu.memory_space<hbm>> -> memref<512x768xf32, #tpu.memory_space<hbm>>
    %dma_start3A_355 = arith.constant 0 : i32
    %dma_start3A_356 = arith.constant 0 : i32
    %dma_start3A_357 = tpu.memref_slice %dma_start3A_354[%dma_start3A_355, %dma_start3A_356] : memref<512x768xf32, #tpu.memory_space<hbm>> -> memref<512x768xf32, #tpu.memory_space<hbm>>
    %dma_start3A_358 = tpu.memref_slice %arg12[%dma_start3A_343] : memref<3x!tpu.dma_semaphore, #tpu.memory_space<semaphore_mem>> -> memref<1x!tpu.dma_semaphore, #tpu.memory_space<semaphore_mem>>
    %dma_start3A_359 = tpu.memref_squeeze %dma_start3A_358 : memref<1x!tpu.dma_semaphore, #tpu.memory_space<semaphore_mem>> -> memref<!tpu.dma_semaphore, #tpu.memory_space<semaphore_mem>>
    tpu.enqueue_indirect_dma source(%dma_start3A_357 : memref<512x768xf32, #tpu.memory_space<hbm>>) target(%dma_start3A_347 : memref<48x768xf32, #tpu.memory_space<vmem>>) offsets(%dma_start3A_350 : memref<48xi32, #tpu.memory_space<vmem>>) semaphore(%dma_start3A_359 : memref<!tpu.dma_semaphore, #tpu.memory_space<semaphore_mem>>)
    %add3A_360 = arith.constant 0 : i32
    %add3A_361 = arith.addi %mul3A_2, %add3A_360 : i32
    %dma_wait3A_362 = arith.constant 2 : i32
    %dma_wait3A_363 = arith.constant 2 : i32
    %dma_wait3A_364 = arith.constant 2 : i32
    %dma_wait3A_365 = arith.constant 0 : i32
    %dma_wait3A_366 = arith.constant 0 : i32
    %dma_wait3A_367 = tpu.memref_slice %arg10[%dma_wait3A_363, %dma_wait3A_365, %dma_wait3A_366] : memref<3x48x768xf32, #tpu.memory_space<vmem>> -> memref<1x48x768xf32, #tpu.memory_space<vmem>>
    %dma_wait3A_368 = tpu.memref_squeeze %dma_wait3A_367 : memref<1x48x768xf32, #tpu.memory_space<vmem>> -> memref<48x768xf32, #tpu.memory_space<vmem>>
    %dma_wait3A_369 = arith.constant 0 : i32
    %dma_wait3A_370 = tpu.memref_slice %arg9[%dma_wait3A_362, %dma_wait3A_369] : memref<6x48xi32, #tpu.memory_space<vmem>> -> memref<1x48xi32, #tpu.memory_space<vmem>>
    %dma_wait3A_371 = tpu.memref_squeeze %dma_wait3A_370 : memref<1x48xi32, #tpu.memory_space<vmem>> -> memref<48xi32, #tpu.memory_space<vmem>>
    %dma_wait3A_372 = arith.constant 0 : i32
    %dma_wait3A_373 = arith.constant 0 : i32
    %dma_wait3A_374 = tpu.memref_slice %arg2[%add3A_361, %dma_wait3A_372, %dma_wait3A_373] : memref<64x512x768xf32, #tpu.memory_space<hbm>> -> memref<1x512x768xf32, #tpu.memory_space<hbm>>
    %dma_wait3A_375 = tpu.memref_squeeze %dma_wait3A_374 : memref<1x512x768xf32, #tpu.memory_space<hbm>> -> memref<512x768xf32, #tpu.memory_space<hbm>>
    %dma_wait3A_376 = arith.constant 0 : i32
    %dma_wait3A_377 = arith.constant 0 : i32
    %dma_wait3A_378 = tpu.memref_slice %dma_wait3A_375[%dma_wait3A_376, %dma_wait3A_377] : memref<512x768xf32, #tpu.memory_space<hbm>> -> memref<512x768xf32, #tpu.memory_space<hbm>>
    %dma_wait3A_379 = tpu.memref_slice %arg12[%dma_wait3A_364] : memref<3x!tpu.dma_semaphore, #tpu.memory_space<semaphore_mem>> -> memref<1x!tpu.dma_semaphore, #tpu.memory_space<semaphore_mem>>
    %dma_wait3A_380 = tpu.memref_squeeze %dma_wait3A_379 : memref<1x!tpu.dma_semaphore, #tpu.memory_space<semaphore_mem>> -> memref<!tpu.dma_semaphore, #tpu.memory_space<semaphore_mem>>
    tpu.wait_indirect_dma semaphore(%dma_wait3A_380 : memref<!tpu.dma_semaphore, #tpu.memory_space<semaphore_mem>>) src(%dma_wait3A_378 : memref<512x768xf32, #tpu.memory_space<hbm>>) dst(%dma_wait3A_368 : memref<48x768xf32, #tpu.memory_space<vmem>>)
    %scan3A_381 = arith.constant 2 : i32
    %scan3A_382 = arith.constant 0.020833334 : f32
    %scan3A_383 = arith.constant 0 : i32
    %scan3A_384 = arith.constant 0 : i32
    %scan3A_385 = arith.constant 48 : i32
    %scan3A_386 = arith.addi %scan3A_384, %scan3A_385 : i32
    %scan3A_387 = arith.constant 1 : i32
    %scan3A_388 = scf.for %scan3A_666 = %scan3A_384 to %scan3A_386 step %scan3A_387 iter_args(%scan3A_667 = %scan3A_383) -> (i32)  : i32 {
      %mul3A_668 = arith.constant 16 : i32
      %mul3A_669 = arith.muli %scan3A_666, %mul3A_668 : i32
      %get3A = arith.constant 0 : i32
      %get3A_670 = arith.constant 0 : i32
      %get3A_671 = arith.constant 0 : i32
      %get3A_672 = tpu.memref_slice %arg10[%scan3A_381, %get3A_670, %get3A_671] : memref<3x48x768xf32, #tpu.memory_space<vmem>> -> memref<1x48x768xf32, #tpu.memory_space<vmem>>
      %get3A_673 = tpu.memref_squeeze %get3A_672 : memref<1x48x768xf32, #tpu.memory_space<vmem>> -> memref<48x768xf32, #tpu.memory_space<vmem>>
      %get3A_674 = arith.index_cast %get3A : i32 to index
      %get3A_675 = arith.index_cast %mul3A_669 : i32 to index
      %get3A_676 = tpu.vector_load %get3A_673[%get3A_674, %get3A_675] {strides = array<i32>} : memref<48x768xf32, #tpu.memory_space<vmem>>, vector<1x16xf32>,
      %get3A_677 = vector.shape_cast %get3A_676 : vector<1x16xf32> to vector<16xf32>
      %get3A_678 = arith.constant 1 : i32
      %get3A_679 = arith.constant 0 : i32
      %get3A_680 = arith.constant 0 : i32
      %get3A_681 = tpu.memref_slice %arg10[%scan3A_381, %get3A_679, %get3A_680] : memref<3x48x768xf32, #tpu.memory_space<vmem>> -> memref<1x48x768xf32, #tpu.memory_space<vmem>>
      %get3A_682 = tpu.memref_squeeze %get3A_681 : memref<1x48x768xf32, #tpu.memory_space<vmem>> -> memref<48x768xf32, #tpu.memory_space<vmem>>
      %get3A_683 = arith.index_cast %get3A_678 : i32 to index
      %get3A_684 = arith.index_cast %mul3A_669 : i32 to index
      %get3A_685 = tpu.vector_load %get3A_682[%get3A_683, %get3A_684] {strides = array<i32>} : memref<48x768xf32, #tpu.memory_space<vmem>>, vector<1x16xf32>,
      %get3A_686 = vector.shape_cast %get3A_685 : vector<1x16xf32> to vector<16xf32>
      %get3A_687 = arith.constant 2 : i32
      %get3A_688 = arith.constant 0 : i32
      %get3A_689 = arith.constant 0 : i32
      %get3A_690 = tpu.memref_slice %arg10[%scan3A_381, %get3A_688, %get3A_689] : memref<3x48x768xf32, #tpu.memory_space<vmem>> -> memref<1x48x768xf32, #tpu.memory_space<vmem>>
      %get3A_691 = tpu.memref_squeeze %get3A_690 : memref<1x48x768xf32, #tpu.memory_space<vmem>> -> memref<48x768xf32, #tpu.memory_space<vmem>>
      %get3A_692 = arith.index_cast %get3A_687 : i32 to index
      %get3A_693 = arith.index_cast %mul3A_669 : i32 to index
      %get3A_694 = tpu.vector_load %get3A_691[%get3A_692, %get3A_693] {strides = array<i32>} : memref<48x768xf32, #tpu.memory_space<vmem>>, vector<1x16xf32>,
      %get3A_695 = vector.shape_cast %get3A_694 : vector<1x16xf32> to vector<16xf32>
      %get3A_696 = arith.constant 3 : i32
      %get3A_697 = arith.constant 0 : i32
      %get3A_698 = arith.constant 0 : i32
      %get3A_699 = tpu.memref_slice %arg10[%scan3A_381, %get3A_697, %get3A_698] : memref<3x48x768xf32, #tpu.memory_space<vmem>> -> memref<1x48x768xf32, #tpu.memory_space<vmem>>
      %get3A_700 = tpu.memref_squeeze %get3A_699 : memref<1x48x768xf32, #tpu.memory_space<vmem>> -> memref<48x768xf32, #tpu.memory_space<vmem>>
      %get3A_701 = arith.index_cast %get3A_696 : i32 to index
      %get3A_702 = arith.index_cast %mul3A_669 : i32 to index
      %get3A_703 = tpu.vector_load %get3A_700[%get3A_701, %get3A_702] {strides = array<i32>} : memref<48x768xf32, #tpu.memory_space<vmem>>, vector<1x16xf32>,
      %get3A_704 = vector.shape_cast %get3A_703 : vector<1x16xf32> to vector<16xf32>
      %get3A_705 = arith.constant 4 : i32
      %get3A_706 = arith.constant 0 : i32
      %get3A_707 = arith.constant 0 : i32
      %get3A_708 = tpu.memref_slice %arg10[%scan3A_381, %get3A_706, %get3A_707] : memref<3x48x768xf32, #tpu.memory_space<vmem>> -> memref<1x48x768xf32, #tpu.memory_space<vmem>>
      %get3A_709 = tpu.memref_squeeze %get3A_708 : memref<1x48x768xf32, #tpu.memory_space<vmem>> -> memref<48x768xf32, #tpu.memory_space<vmem>>
      %get3A_710 = arith.index_cast %get3A_705 : i32 to index
      %get3A_711 = arith.index_cast %mul3A_669 : i32 to index
      %get3A_712 = tpu.vector_load %get3A_709[%get3A_710, %get3A_711] {strides = array<i32>} : memref<48x768xf32, #tpu.memory_space<vmem>>, vector<1x16xf32>,
      %get3A_713 = vector.shape_cast %get3A_712 : vector<1x16xf32> to vector<16xf32>
      %add3A_714 = arith.addf %get3A_677, %get3A_713 : vector<16xf32>
      %get3A_715 = arith.constant 5 : i32
      %get3A_716 = arith.constant 0 : i32
      %get3A_717 = arith.constant 0 : i32
      %get3A_718 = tpu.memref_slice %arg10[%scan3A_381, %get3A_716, %get3A_717] : memref<3x48x768xf32, #tpu.memory_space<vmem>> -> memref<1x48x768xf32, #tpu.memory_space<vmem>>
      %get3A_719 = tpu.memref_squeeze %get3A_718 : memref<1x48x768xf32, #tpu.memory_space<vmem>> -> memref<48x768xf32, #tpu.memory_space<vmem>>
      %get3A_720 = arith.index_cast %get3A_715 : i32 to index
      %get3A_721 = arith.index_cast %mul3A_669 : i32 to index
      %get3A_722 = tpu.vector_load %get3A_719[%get3A_720, %get3A_721] {strides = array<i32>} : memref<48x768xf32, #tpu.memory_space<vmem>>, vector<1x16xf32>,
      %get3A_723 = vector.shape_cast %get3A_722 : vector<1x16xf32> to vector<16xf32>
      %add3A_724 = arith.addf %get3A_686, %get3A_723 : vector<16xf32>
      %get3A_725 = arith.constant 6 : i32
      %get3A_726 = arith.constant 0 : i32
      %get3A_727 = arith.constant 0 : i32
      %get3A_728 = tpu.memref_slice %arg10[%scan3A_381, %get3A_726, %get3A_727] : memref<3x48x768xf32, #tpu.memory_space<vmem>> -> memref<1x48x768xf32, #tpu.memory_space<vmem>>
      %get3A_729 = tpu.memref_squeeze %get3A_728 : memref<1x48x768xf32, #tpu.memory_space<vmem>> -> memref<48x768xf32, #tpu.memory_space<vmem>>
      %get3A_730 = arith.index_cast %get3A_725 : i32 to index
      %get3A_731 = arith.index_cast %mul3A_669 : i32 to index
      %get3A_732 = tpu.vector_load %get3A_729[%get3A_730, %get3A_731] {strides = array<i32>} : memref<48x768xf32, #tpu.memory_space<vmem>>, vector<1x16xf32>,
      %get3A_733 = vector.shape_cast %get3A_732 : vector<1x16xf32> to vector<16xf32>
      %add3A_734 = arith.addf %get3A_695, %get3A_733 : vector<16xf32>
      %get3A_735 = arith.constant 7 : i32
      %get3A_736 = arith.constant 0 : i32
      %get3A_737 = arith.constant 0 : i32
      %get3A_738 = tpu.memref_slice %arg10[%scan3A_381, %get3A_736, %get3A_737] : memref<3x48x768xf32, #tpu.memory_space<vmem>> -> memref<1x48x768xf32, #tpu.memory_space<vmem>>
      %get3A_739 = tpu.memref_squeeze %get3A_738 : memref<1x48x768xf32, #tpu.memory_space<vmem>> -> memref<48x768xf32, #tpu.memory_space<vmem>>
      %get3A_740 = arith.index_cast %get3A_735 : i32 to index
      %get3A_741 = arith.index_cast %mul3A_669 : i32 to index
      %get3A_742 = tpu.vector_load %get3A_739[%get3A_740, %get3A_741] {strides = array<i32>} : memref<48x768xf32, #tpu.memory_space<vmem>>, vector<1x16xf32>,
      %get3A_743 = vector.shape_cast %get3A_742 : vector<1x16xf32> to vector<16xf32>
      %add3A_744 = arith.addf %get3A_704, %get3A_743 : vector<16xf32>
      %get3A_745 = arith.constant 8 : i32
      %get3A_746 = arith.constant 0 : i32
      %get3A_747 = arith.constant 0 : i32
      %get3A_748 = tpu.memref_slice %arg10[%scan3A_381, %get3A_746, %get3A_747] : memref<3x48x768xf32, #tpu.memory_space<vmem>> -> memref<1x48x768xf32, #tpu.memory_space<vmem>>
      %get3A_749 = tpu.memref_squeeze %get3A_748 : memref<1x48x768xf32, #tpu.memory_space<vmem>> -> memref<48x768xf32, #tpu.memory_space<vmem>>
      %get3A_750 = arith.index_cast %get3A_745 : i32 to index
      %get3A_751 = arith.index_cast %mul3A_669 : i32 to index
      %get3A_752 = tpu.vector_load %get3A_749[%get3A_750, %get3A_751] {strides = array<i32>} : memref<48x768xf32, #tpu.memory_space<vmem>>, vector<1x16xf32>,
      %get3A_753 = vector.shape_cast %get3A_752 : vector<1x16xf32> to vector<16xf32>
      %add3A_754 = arith.addf %add3A_714, %get3A_753 : vector<16xf32>
      %get3A_755 = arith.constant 9 : i32
      %get3A_756 = arith.constant 0 : i32
      %get3A_757 = arith.constant 0 : i32
      %get3A_758 = tpu.memref_slice %arg10[%scan3A_381, %get3A_756, %get3A_757] : memref<3x48x768xf32, #tpu.memory_space<vmem>> -> memref<1x48x768xf32, #tpu.memory_space<vmem>>
      %get3A_759 = tpu.memref_squeeze %get3A_758 : memref<1x48x768xf32, #tpu.memory_space<vmem>> -> memref<48x768xf32, #tpu.memory_space<vmem>>
      %get3A_760 = arith.index_cast %get3A_755 : i32 to index
      %get3A_761 = arith.index_cast %mul3A_669 : i32 to index
      %get3A_762 = tpu.vector_load %get3A_759[%get3A_760, %get3A_761] {strides = array<i32>} : memref<48x768xf32, #tpu.memory_space<vmem>>, vector<1x16xf32>,
      %get3A_763 = vector.shape_cast %get3A_762 : vector<1x16xf32> to vector<16xf32>
      %add3A_764 = arith.addf %add3A_724, %get3A_763 : vector<16xf32>
      %get3A_765 = arith.constant 10 : i32
      %get3A_766 = arith.constant 0 : i32
      %get3A_767 = arith.constant 0 : i32
      %get3A_768 = tpu.memref_slice %arg10[%scan3A_381, %get3A_766, %get3A_767] : memref<3x48x768xf32, #tpu.memory_space<vmem>> -> memref<1x48x768xf32, #tpu.memory_space<vmem>>
      %get3A_769 = tpu.memref_squeeze %get3A_768 : memref<1x48x768xf32, #tpu.memory_space<vmem>> -> memref<48x768xf32, #tpu.memory_space<vmem>>
      %get3A_770 = arith.index_cast %get3A_765 : i32 to index
      %get3A_771 = arith.index_cast %mul3A_669 : i32 to index
      %get3A_772 = tpu.vector_load %get3A_769[%get3A_770, %get3A_771] {strides = array<i32>} : memref<48x768xf32, #tpu.memory_space<vmem>>, vector<1x16xf32>,
      %get3A_773 = vector.shape_cast %get3A_772 : vector<1x16xf32> to vector<16xf32>
      %add3A_774 = arith.addf %add3A_734, %get3A_773 : vector<16xf32>
      %get3A_775 = arith.constant 11 : i32
      %get3A_776 = arith.constant 0 : i32
      %get3A_777 = arith.constant 0 : i32
      %get3A_778 = tpu.memref_slice %arg10[%scan3A_381, %get3A_776, %get3A_777] : memref<3x48x768xf32, #tpu.memory_space<vmem>> -> memref<1x48x768xf32, #tpu.memory_space<vmem>>
      %get3A_779 = tpu.memref_squeeze %get3A_778 : memref<1x48x768xf32, #tpu.memory_space<vmem>> -> memref<48x768xf32, #tpu.memory_space<vmem>>
      %get3A_780 = arith.index_cast %get3A_775 : i32 to index
      %get3A_781 = arith.index_cast %mul3A_669 : i32 to index
      %get3A_782 = tpu.vector_load %get3A_779[%get3A_780, %get3A_781] {strides = array<i32>} : memref<48x768xf32, #tpu.memory_space<vmem>>, vector<1x16xf32>,
      %get3A_783 = vector.shape_cast %get3A_782 : vector<1x16xf32> to vector<16xf32>
      %add3A_784 = arith.addf %add3A_744, %get3A_783 : vector<16xf32>
      %get3A_785 = arith.constant 12 : i32
      %get3A_786 = arith.constant 0 : i32
      %get3A_787 = arith.constant 0 : i32
      %get3A_788 = tpu.memref_slice %arg10[%scan3A_381, %get3A_786, %get3A_787] : memref<3x48x768xf32, #tpu.memory_space<vmem>> -> memref<1x48x768xf32, #tpu.memory_space<vmem>>
      %get3A_789 = tpu.memref_squeeze %get3A_788 : memref<1x48x768xf32, #tpu.memory_space<vmem>> -> memref<48x768xf32, #tpu.memory_space<vmem>>
      %get3A_790 = arith.index_cast %get3A_785 : i32 to index
      %get3A_791 = arith.index_cast %mul3A_669 : i32 to index
      %get3A_792 = tpu.vector_load %get3A_789[%get3A_790, %get3A_791] {strides = array<i32>} : memref<48x768xf32, #tpu.memory_space<vmem>>, vector<1x16xf32>,
      %get3A_793 = vector.shape_cast %get3A_792 : vector<1x16xf32> to vector<16xf32>
      %add3A_794 = arith.addf %add3A_754, %get3A_793 : vector<16xf32>
      %get3A_795 = arith.constant 13 : i32
      %get3A_796 = arith.constant 0 : i32
      %get3A_797 = arith.constant 0 : i32
      %get3A_798 = tpu.memref_slice %arg10[%scan3A_381, %get3A_796, %get3A_797] : memref<3x48x768xf32, #tpu.memory_space<vmem>> -> memref<1x48x768xf32, #tpu.memory_space<vmem>>
      %get3A_799 = tpu.memref_squeeze %get3A_798 : memref<1x48x768xf32, #tpu.memory_space<vmem>> -> memref<48x768xf32, #tpu.memory_space<vmem>>
      %get3A_800 = arith.index_cast %get3A_795 : i32 to index
      %get3A_801 = arith.index_cast %mul3A_669 : i32 to index
      %get3A_802 = tpu.vector_load %get3A_799[%get3A_800, %get3A_801] {strides = array<i32>} : memref<48x768xf32, #tpu.memory_space<vmem>>, vector<1x16xf32>,
      %get3A_803 = vector.shape_cast %get3A_802 : vector<1x16xf32> to vector<16xf32>
      %add3A_804 = arith.addf %add3A_764, %get3A_803 : vector<16xf32>
      %get3A_805 = arith.constant 14 : i32
      %get3A_806 = arith.constant 0 : i32
      %get3A_807 = arith.constant 0 : i32
      %get3A_808 = tpu.memref_slice %arg10[%scan3A_381, %get3A_806, %get3A_807] : memref<3x48x768xf32, #tpu.memory_space<vmem>> -> memref<1x48x768xf32, #tpu.memory_space<vmem>>
      %get3A_809 = tpu.memref_squeeze %get3A_808 : memref<1x48x768xf32, #tpu.memory_space<vmem>> -> memref<48x768xf32, #tpu.memory_space<vmem>>
      %get3A_810 = arith.index_cast %get3A_805 : i32 to index
      %get3A_811 = arith.index_cast %mul3A_669 : i32 to index
      %get3A_812 = tpu.vector_load %get3A_809[%get3A_810, %get3A_811] {strides = array<i32>} : memref<48x768xf32, #tpu.memory_space<vmem>>, vector<1x16xf32>,
      %get3A_813 = vector.shape_cast %get3A_812 : vector<1x16xf32> to vector<16xf32>
      %add3A_814 = arith.addf %add3A_774, %get3A_813 : vector<16xf32>
      %get3A_815 = arith.constant 15 : i32
      %get3A_816 = arith.constant 0 : i32
      %get3A_817 = arith.constant 0 : i32
      %get3A_818 = tpu.memref_slice %arg10[%scan3A_381, %get3A_816, %get3A_817] : memref<3x48x768xf32, #tpu.memory_space<vmem>> -> memref<1x48x768xf32, #tpu.memory_space<vmem>>
      %get3A_819 = tpu.memref_squeeze %get3A_818 : memref<1x48x768xf32, #tpu.memory_space<vmem>> -> memref<48x768xf32, #tpu.memory_space<vmem>>
      %get3A_820 = arith.index_cast %get3A_815 : i32 to index
      %get3A_821 = arith.index_cast %mul3A_669 : i32 to index
      %get3A_822 = tpu.vector_load %get3A_819[%get3A_820, %get3A_821] {strides = array<i32>} : memref<48x768xf32, #tpu.memory_space<vmem>>, vector<1x16xf32>,
      %get3A_823 = vector.shape_cast %get3A_822 : vector<1x16xf32> to vector<16xf32>
      %add3A_824 = arith.addf %add3A_784, %get3A_823 : vector<16xf32>
      %get3A_825 = arith.constant 16 : i32
      %get3A_826 = arith.constant 0 : i32
      %get3A_827 = arith.constant 0 : i32
      %get3A_828 = tpu.memref_slice %arg10[%scan3A_381, %get3A_826, %get3A_827] : memref<3x48x768xf32, #tpu.memory_space<vmem>> -> memref<1x48x768xf32, #tpu.memory_space<vmem>>
      %get3A_829 = tpu.memref_squeeze %get3A_828 : memref<1x48x768xf32, #tpu.memory_space<vmem>> -> memref<48x768xf32, #tpu.memory_space<vmem>>
      %get3A_830 = arith.index_cast %get3A_825 : i32 to index
      %get3A_831 = arith.index_cast %mul3A_669 : i32 to index
      %get3A_832 = tpu.vector_load %get3A_829[%get3A_830, %get3A_831] {strides = array<i32>} : memref<48x768xf32, #tpu.memory_space<vmem>>, vector<1x16xf32>,
      %get3A_833 = vector.shape_cast %get3A_832 : vector<1x16xf32> to vector<16xf32>
      %add3A_834 = arith.addf %add3A_794, %get3A_833 : vector<16xf32>
      %get3A_835 = arith.constant 17 : i32
      %get3A_836 = arith.constant 0 : i32
      %get3A_837 = arith.constant 0 : i32
      %get3A_838 = tpu.memref_slice %arg10[%scan3A_381, %get3A_836, %get3A_837] : memref<3x48x768xf32, #tpu.memory_space<vmem>> -> memref<1x48x768xf32, #tpu.memory_space<vmem>>
      %get3A_839 = tpu.memref_squeeze %get3A_838 : memref<1x48x768xf32, #tpu.memory_space<vmem>> -> memref<48x768xf32, #tpu.memory_space<vmem>>
      %get3A_840 = arith.index_cast %get3A_835 : i32 to index
      %get3A_841 = arith.index_cast %mul3A_669 : i32 to index
      %get3A_842 = tpu.vector_load %get3A_839[%get3A_840, %get3A_841] {strides = array<i32>} : memref<48x768xf32, #tpu.memory_space<vmem>>, vector<1x16xf32>,
      %get3A_843 = vector.shape_cast %get3A_842 : vector<1x16xf32> to vector<16xf32>
      %add3A_844 = arith.addf %add3A_804, %get3A_843 : vector<16xf32>
      %get3A_845 = arith.constant 18 : i32
      %get3A_846 = arith.constant 0 : i32
      %get3A_847 = arith.constant 0 : i32
      %get3A_848 = tpu.memref_slice %arg10[%scan3A_381, %get3A_846, %get3A_847] : memref<3x48x768xf32, #tpu.memory_space<vmem>> -> memref<1x48x768xf32, #tpu.memory_space<vmem>>
      %get3A_849 = tpu.memref_squeeze %get3A_848 : memref<1x48x768xf32, #tpu.memory_space<vmem>> -> memref<48x768xf32, #tpu.memory_space<vmem>>
      %get3A_850 = arith.index_cast %get3A_845 : i32 to index
      %get3A_851 = arith.index_cast %mul3A_669 : i32 to index
      %get3A_852 = tpu.vector_load %get3A_849[%get3A_850, %get3A_851] {strides = array<i32>} : memref<48x768xf32, #tpu.memory_space<vmem>>, vector<1x16xf32>,
      %get3A_853 = vector.shape_cast %get3A_852 : vector<1x16xf32> to vector<16xf32>
      %add3A_854 = arith.addf %add3A_814, %get3A_853 : vector<16xf32>
      %get3A_855 = arith.constant 19 : i32
      %get3A_856 = arith.constant 0 : i32
      %get3A_857 = arith.constant 0 : i32
      %get3A_858 = tpu.memref_slice %arg10[%scan3A_381, %get3A_856, %get3A_857] : memref<3x48x768xf32, #tpu.memory_space<vmem>> -> memref<1x48x768xf32, #tpu.memory_space<vmem>>
      %get3A_859 = tpu.memref_squeeze %get3A_858 : memref<1x48x768xf32, #tpu.memory_space<vmem>> -> memref<48x768xf32, #tpu.memory_space<vmem>>
      %get3A_860 = arith.index_cast %get3A_855 : i32 to index
      %get3A_861 = arith.index_cast %mul3A_669 : i32 to index
      %get3A_862 = tpu.vector_load %get3A_859[%get3A_860, %get3A_861] {strides = array<i32>} : memref<48x768xf32, #tpu.memory_space<vmem>>, vector<1x16xf32>,
      %get3A_863 = vector.shape_cast %get3A_862 : vector<1x16xf32> to vector<16xf32>
      %add3A_864 = arith.addf %add3A_824, %get3A_863 : vector<16xf32>
      %get3A_865 = arith.constant 20 : i32
      %get3A_866 = arith.constant 0 : i32
      %get3A_867 = arith.constant 0 : i32
      %get3A_868 = tpu.memref_slice %arg10[%scan3A_381, %get3A_866, %get3A_867] : memref<3x48x768xf32, #tpu.memory_space<vmem>> -> memref<1x48x768xf32, #tpu.memory_space<vmem>>
      %get3A_869 = tpu.memref_squeeze %get3A_868 : memref<1x48x768xf32, #tpu.memory_space<vmem>> -> memref<48x768xf32, #tpu.memory_space<vmem>>
      %get3A_870 = arith.index_cast %get3A_865 : i32 to index
      %get3A_871 = arith.index_cast %mul3A_669 : i32 to index
      %get3A_872 = tpu.vector_load %get3A_869[%get3A_870, %get3A_871] {strides = array<i32>} : memref<48x768xf32, #tpu.memory_space<vmem>>, vector<1x16xf32>,
      %get3A_873 = vector.shape_cast %get3A_872 : vector<1x16xf32> to vector<16xf32>
      %add3A_874 = arith.addf %add3A_834, %get3A_873 : vector<16xf32>
      %get3A_875 = arith.constant 21 : i32
      %get3A_876 = arith.constant 0 : i32
      %get3A_877 = arith.constant 0 : i32
      %get3A_878 = tpu.memref_slice %arg10[%scan3A_381, %get3A_876, %get3A_877] : memref<3x48x768xf32, #tpu.memory_space<vmem>> -> memref<1x48x768xf32, #tpu.memory_space<vmem>>
      %get3A_879 = tpu.memref_squeeze %get3A_878 : memref<1x48x768xf32, #tpu.memory_space<vmem>> -> memref<48x768xf32, #tpu.memory_space<vmem>>
      %get3A_880 = arith.index_cast %get3A_875 : i32 to index
      %get3A_881 = arith.index_cast %mul3A_669 : i32 to index
      %get3A_882 = tpu.vector_load %get3A_879[%get3A_880, %get3A_881] {strides = array<i32>} : memref<48x768xf32, #tpu.memory_space<vmem>>, vector<1x16xf32>,
      %get3A_883 = vector.shape_cast %get3A_882 : vector<1x16xf32> to vector<16xf32>
      %add3A_884 = arith.addf %add3A_844, %get3A_883 : vector<16xf32>
      %get3A_885 = arith.constant 22 : i32
      %get3A_886 = arith.constant 0 : i32
      %get3A_887 = arith.constant 0 : i32
      %get3A_888 = tpu.memref_slice %arg10[%scan3A_381, %get3A_886, %get3A_887] : memref<3x48x768xf32, #tpu.memory_space<vmem>> -> memref<1x48x768xf32, #tpu.memory_space<vmem>>
      %get3A_889 = tpu.memref_squeeze %get3A_888 : memref<1x48x768xf32, #tpu.memory_space<vmem>> -> memref<48x768xf32, #tpu.memory_space<vmem>>
      %get3A_890 = arith.index_cast %get3A_885 : i32 to index
      %get3A_891 = arith.index_cast %mul3A_669 : i32 to index
      %get3A_892 = tpu.vector_load %get3A_889[%get3A_890, %get3A_891] {strides = array<i32>} : memref<48x768xf32, #tpu.memory_space<vmem>>, vector<1x16xf32>,
      %get3A_893 = vector.shape_cast %get3A_892 : vector<1x16xf32> to vector<16xf32>
      %add3A_894 = arith.addf %add3A_854, %get3A_893 : vector<16xf32>
      %get3A_895 = arith.constant 23 : i32
      %get3A_896 = arith.constant 0 : i32
      %get3A_897 = arith.constant 0 : i32
      %get3A_898 = tpu.memref_slice %arg10[%scan3A_381, %get3A_896, %get3A_897] : memref<3x48x768xf32, #tpu.memory_space<vmem>> -> memref<1x48x768xf32, #tpu.memory_space<vmem>>
      %get3A_899 = tpu.memref_squeeze %get3A_898 : memref<1x48x768xf32, #tpu.memory_space<vmem>> -> memref<48x768xf32, #tpu.memory_space<vmem>>
      %get3A_900 = arith.index_cast %get3A_895 : i32 to index
      %get3A_901 = arith.index_cast %mul3A_669 : i32 to index
      %get3A_902 = tpu.vector_load %get3A_899[%get3A_900, %get3A_901] {strides = array<i32>} : memref<48x768xf32, #tpu.memory_space<vmem>>, vector<1x16xf32>,
      %get3A_903 = vector.shape_cast %get3A_902 : vector<1x16xf32> to vector<16xf32>
      %add3A_904 = arith.addf %add3A_864, %get3A_903 : vector<16xf32>
      %get3A_905 = arith.constant 24 : i32
      %get3A_906 = arith.constant 0 : i32
      %get3A_907 = arith.constant 0 : i32
      %get3A_908 = tpu.memref_slice %arg10[%scan3A_381, %get3A_906, %get3A_907] : memref<3x48x768xf32, #tpu.memory_space<vmem>> -> memref<1x48x768xf32, #tpu.memory_space<vmem>>
      %get3A_909 = tpu.memref_squeeze %get3A_908 : memref<1x48x768xf32, #tpu.memory_space<vmem>> -> memref<48x768xf32, #tpu.memory_space<vmem>>
      %get3A_910 = arith.index_cast %get3A_905 : i32 to index
      %get3A_911 = arith.index_cast %mul3A_669 : i32 to index
      %get3A_912 = tpu.vector_load %get3A_909[%get3A_910, %get3A_911] {strides = array<i32>} : memref<48x768xf32, #tpu.memory_space<vmem>>, vector<1x16xf32>,
      %get3A_913 = vector.shape_cast %get3A_912 : vector<1x16xf32> to vector<16xf32>
      %add3A_914 = arith.addf %add3A_874, %get3A_913 : vector<16xf32>
      %get3A_915 = arith.constant 25 : i32
      %get3A_916 = arith.constant 0 : i32
      %get3A_917 = arith.constant 0 : i32
      %get3A_918 = tpu.memref_slice %arg10[%scan3A_381, %get3A_916, %get3A_917] : memref<3x48x768xf32, #tpu.memory_space<vmem>> -> memref<1x48x768xf32, #tpu.memory_space<vmem>>
      %get3A_919 = tpu.memref_squeeze %get3A_918 : memref<1x48x768xf32, #tpu.memory_space<vmem>> -> memref<48x768xf32, #tpu.memory_space<vmem>>
      %get3A_920 = arith.index_cast %get3A_915 : i32 to index
      %get3A_921 = arith.index_cast %mul3A_669 : i32 to index
      %get3A_922 = tpu.vector_load %get3A_919[%get3A_920, %get3A_921] {strides = array<i32>} : memref<48x768xf32, #tpu.memory_space<vmem>>, vector<1x16xf32>,
      %get3A_923 = vector.shape_cast %get3A_922 : vector<1x16xf32> to vector<16xf32>
      %add3A_924 = arith.addf %add3A_884, %get3A_923 : vector<16xf32>
      %get3A_925 = arith.constant 26 : i32
      %get3A_926 = arith.constant 0 : i32
      %get3A_927 = arith.constant 0 : i32
      %get3A_928 = tpu.memref_slice %arg10[%scan3A_381, %get3A_926, %get3A_927] : memref<3x48x768xf32, #tpu.memory_space<vmem>> -> memref<1x48x768xf32, #tpu.memory_space<vmem>>
      %get3A_929 = tpu.memref_squeeze %get3A_928 : memref<1x48x768xf32, #tpu.memory_space<vmem>> -> memref<48x768xf32, #tpu.memory_space<vmem>>
      %get3A_930 = arith.index_cast %get3A_925 : i32 to index
      %get3A_931 = arith.index_cast %mul3A_669 : i32 to index
      %get3A_932 = tpu.vector_load %get3A_929[%get3A_930, %get3A_931] {strides = array<i32>} : memref<48x768xf32, #tpu.memory_space<vmem>>, vector<1x16xf32>,
      %get3A_933 = vector.shape_cast %get3A_932 : vector<1x16xf32> to vector<16xf32>
      %add3A_934 = arith.addf %add3A_894, %get3A_933 : vector<16xf32>
      %get3A_935 = arith.constant 27 : i32
      %get3A_936 = arith.constant 0 : i32
      %get3A_937 = arith.constant 0 : i32
      %get3A_938 = tpu.memref_slice %arg10[%scan3A_381, %get3A_936, %get3A_937] : memref<3x48x768xf32, #tpu.memory_space<vmem>> -> memref<1x48x768xf32, #tpu.memory_space<vmem>>
      %get3A_939 = tpu.memref_squeeze %get3A_938 : memref<1x48x768xf32, #tpu.memory_space<vmem>> -> memref<48x768xf32, #tpu.memory_space<vmem>>
      %get3A_940 = arith.index_cast %get3A_935 : i32 to index
      %get3A_941 = arith.index_cast %mul3A_669 : i32 to index
      %get3A_942 = tpu.vector_load %get3A_939[%get3A_940, %get3A_941] {strides = array<i32>} : memref<48x768xf32, #tpu.memory_space<vmem>>, vector<1x16xf32>,
      %get3A_943 = vector.shape_cast %get3A_942 : vector<1x16xf32> to vector<16xf32>
      %add3A_944 = arith.addf %add3A_904, %get3A_943 : vector<16xf32>
      %get3A_945 = arith.constant 28 : i32
      %get3A_946 = arith.constant 0 : i32
      %get3A_947 = arith.constant 0 : i32
      %get3A_948 = tpu.memref_slice %arg10[%scan3A_381, %get3A_946, %get3A_947] : memref<3x48x768xf32, #tpu.memory_space<vmem>> -> memref<1x48x768xf32, #tpu.memory_space<vmem>>
      %get3A_949 = tpu.memref_squeeze %get3A_948 : memref<1x48x768xf32, #tpu.memory_space<vmem>> -> memref<48x768xf32, #tpu.memory_space<vmem>>
      %get3A_950 = arith.index_cast %get3A_945 : i32 to index
      %get3A_951 = arith.index_cast %mul3A_669 : i32 to index
      %get3A_952 = tpu.vector_load %get3A_949[%get3A_950, %get3A_951] {strides = array<i32>} : memref<48x768xf32, #tpu.memory_space<vmem>>, vector<1x16xf32>,
      %get3A_953 = vector.shape_cast %get3A_952 : vector<1x16xf32> to vector<16xf32>
      %add3A_954 = arith.addf %add3A_914, %get3A_953 : vector<16xf32>
      %get3A_955 = arith.constant 29 : i32
      %get3A_956 = arith.constant 0 : i32
      %get3A_957 = arith.constant 0 : i32
      %get3A_958 = tpu.memref_slice %arg10[%scan3A_381, %get3A_956, %get3A_957] : memref<3x48x768xf32, #tpu.memory_space<vmem>> -> memref<1x48x768xf32, #tpu.memory_space<vmem>>
      %get3A_959 = tpu.memref_squeeze %get3A_958 : memref<1x48x768xf32, #tpu.memory_space<vmem>> -> memref<48x768xf32, #tpu.memory_space<vmem>>
      %get3A_960 = arith.index_cast %get3A_955 : i32 to index
      %get3A_961 = arith.index_cast %mul3A_669 : i32 to index
      %get3A_962 = tpu.vector_load %get3A_959[%get3A_960, %get3A_961] {strides = array<i32>} : memref<48x768xf32, #tpu.memory_space<vmem>>, vector<1x16xf32>,
      %get3A_963 = vector.shape_cast %get3A_962 : vector<1x16xf32> to vector<16xf32>
      %add3A_964 = arith.addf %add3A_924, %get3A_963 : vector<16xf32>
      %get3A_965 = arith.constant 30 : i32
      %get3A_966 = arith.constant 0 : i32
      %get3A_967 = arith.constant 0 : i32
      %get3A_968 = tpu.memref_slice %arg10[%scan3A_381, %get3A_966, %get3A_967] : memref<3x48x768xf32, #tpu.memory_space<vmem>> -> memref<1x48x768xf32, #tpu.memory_space<vmem>>
      %get3A_969 = tpu.memref_squeeze %get3A_968 : memref<1x48x768xf32, #tpu.memory_space<vmem>> -> memref<48x768xf32, #tpu.memory_space<vmem>>
      %get3A_970 = arith.index_cast %get3A_965 : i32 to index
      %get3A_971 = arith.index_cast %mul3A_669 : i32 to index
      %get3A_972 = tpu.vector_load %get3A_969[%get3A_970, %get3A_971] {strides = array<i32>} : memref<48x768xf32, #tpu.memory_space<vmem>>, vector<1x16xf32>,
      %get3A_973 = vector.shape_cast %get3A_972 : vector<1x16xf32> to vector<16xf32>
      %add3A_974 = arith.addf %add3A_934, %get3A_973 : vector<16xf32>
      %get3A_975 = arith.constant 31 : i32
      %get3A_976 = arith.constant 0 : i32
      %get3A_977 = arith.constant 0 : i32
      %get3A_978 = tpu.memref_slice %arg10[%scan3A_381, %get3A_976, %get3A_977] : memref<3x48x768xf32, #tpu.memory_space<vmem>> -> memref<1x48x768xf32, #tpu.memory_space<vmem>>
      %get3A_979 = tpu.memref_squeeze %get3A_978 : memref<1x48x768xf32, #tpu.memory_space<vmem>> -> memref<48x768xf32, #tpu.memory_space<vmem>>
      %get3A_980 = arith.index_cast %get3A_975 : i32 to index
      %get3A_981 = arith.index_cast %mul3A_669 : i32 to index
      %get3A_982 = tpu.vector_load %get3A_979[%get3A_980, %get3A_981] {strides = array<i32>} : memref<48x768xf32, #tpu.memory_space<vmem>>, vector<1x16xf32>,
      %get3A_983 = vector.shape_cast %get3A_982 : vector<1x16xf32> to vector<16xf32>
      %add3A_984 = arith.addf %add3A_944, %get3A_983 : vector<16xf32>
      %get3A_985 = arith.constant 32 : i32
      %get3A_986 = arith.constant 0 : i32
      %get3A_987 = arith.constant 0 : i32
      %get3A_988 = tpu.memref_slice %arg10[%scan3A_381, %get3A_986, %get3A_987] : memref<3x48x768xf32, #tpu.memory_space<vmem>> -> memref<1x48x768xf32, #tpu.memory_space<vmem>>
      %get3A_989 = tpu.memref_squeeze %get3A_988 : memref<1x48x768xf32, #tpu.memory_space<vmem>> -> memref<48x768xf32, #tpu.memory_space<vmem>>
      %get3A_990 = arith.index_cast %get3A_985 : i32 to index
      %get3A_991 = arith.index_cast %mul3A_669 : i32 to index
      %get3A_992 = tpu.vector_load %get3A_989[%get3A_990, %get3A_991] {strides = array<i32>} : memref<48x768xf32, #tpu.memory_space<vmem>>, vector<1x16xf32>,
      %get3A_993 = vector.shape_cast %get3A_992 : vector<1x16xf32> to vector<16xf32>
      %add3A_994 = arith.addf %add3A_954, %get3A_993 : vector<16xf32>
      %get3A_995 = arith.constant 33 : i32
      %get3A_996 = arith.constant 0 : i32
      %get3A_997 = arith.constant 0 : i32
      %get3A_998 = tpu.memref_slice %arg10[%scan3A_381, %get3A_996, %get3A_997] : memref<3x48x768xf32, #tpu.memory_space<vmem>> -> memref<1x48x768xf32, #tpu.memory_space<vmem>>
      %get3A_999 = tpu.memref_squeeze %get3A_998 : memref<1x48x768xf32, #tpu.memory_space<vmem>> -> memref<48x768xf32, #tpu.memory_space<vmem>>
      %get3A_1000 = arith.index_cast %get3A_995 : i32 to index
      %get3A_1001 = arith.index_cast %mul3A_669 : i32 to index
      %get3A_1002 = tpu.vector_load %get3A_999[%get3A_1000, %get3A_1001] {strides = array<i32>} : memref<48x768xf32, #tpu.memory_space<vmem>>, vector<1x16xf32>,
      %get3A_1003 = vector.shape_cast %get3A_1002 : vector<1x16xf32> to vector<16xf32>
      %add3A_1004 = arith.addf %add3A_964, %get3A_1003 : vector<16xf32>
      %get3A_1005 = arith.constant 34 : i32
      %get3A_1006 = arith.constant 0 : i32
      %get3A_1007 = arith.constant 0 : i32
      %get3A_1008 = tpu.memref_slice %arg10[%scan3A_381, %get3A_1006, %get3A_1007] : memref<3x48x768xf32, #tpu.memory_space<vmem>> -> memref<1x48x768xf32, #tpu.memory_space<vmem>>
      %get3A_1009 = tpu.memref_squeeze %get3A_1008 : memref<1x48x768xf32, #tpu.memory_space<vmem>> -> memref<48x768xf32, #tpu.memory_space<vmem>>
      %get3A_1010 = arith.index_cast %get3A_1005 : i32 to index
      %get3A_1011 = arith.index_cast %mul3A_669 : i32 to index
      %get3A_1012 = tpu.vector_load %get3A_1009[%get3A_1010, %get3A_1011] {strides = array<i32>} : memref<48x768xf32, #tpu.memory_space<vmem>>, vector<1x16xf32>,
      %get3A_1013 = vector.shape_cast %get3A_1012 : vector<1x16xf32> to vector<16xf32>
      %add3A_1014 = arith.addf %add3A_974, %get3A_1013 : vector<16xf32>
      %get3A_1015 = arith.constant 35 : i32
      %get3A_1016 = arith.constant 0 : i32
      %get3A_1017 = arith.constant 0 : i32
      %get3A_1018 = tpu.memref_slice %arg10[%scan3A_381, %get3A_1016, %get3A_1017] : memref<3x48x768xf32, #tpu.memory_space<vmem>> -> memref<1x48x768xf32, #tpu.memory_space<vmem>>
      %get3A_1019 = tpu.memref_squeeze %get3A_1018 : memref<1x48x768xf32, #tpu.memory_space<vmem>> -> memref<48x768xf32, #tpu.memory_space<vmem>>
      %get3A_1020 = arith.index_cast %get3A_1015 : i32 to index
      %get3A_1021 = arith.index_cast %mul3A_669 : i32 to index
      %get3A_1022 = tpu.vector_load %get3A_1019[%get3A_1020, %get3A_1021] {strides = array<i32>} : memref<48x768xf32, #tpu.memory_space<vmem>>, vector<1x16xf32>,
      %get3A_1023 = vector.shape_cast %get3A_1022 : vector<1x16xf32> to vector<16xf32>
      %add3A_1024 = arith.addf %add3A_984, %get3A_1023 : vector<16xf32>
      %get3A_1025 = arith.constant 36 : i32
      %get3A_1026 = arith.constant 0 : i32
      %get3A_1027 = arith.constant 0 : i32
      %get3A_1028 = tpu.memref_slice %arg10[%scan3A_381, %get3A_1026, %get3A_1027] : memref<3x48x768xf32, #tpu.memory_space<vmem>> -> memref<1x48x768xf32, #tpu.memory_space<vmem>>
      %get3A_1029 = tpu.memref_squeeze %get3A_1028 : memref<1x48x768xf32, #tpu.memory_space<vmem>> -> memref<48x768xf32, #tpu.memory_space<vmem>>
      %get3A_1030 = arith.index_cast %get3A_1025 : i32 to index
      %get3A_1031 = arith.index_cast %mul3A_669 : i32 to index
      %get3A_1032 = tpu.vector_load %get3A_1029[%get3A_1030, %get3A_1031] {strides = array<i32>} : memref<48x768xf32, #tpu.memory_space<vmem>>, vector<1x16xf32>,
      %get3A_1033 = vector.shape_cast %get3A_1032 : vector<1x16xf32> to vector<16xf32>
      %add3A_1034 = arith.addf %add3A_994, %get3A_1033 : vector<16xf32>
      %get3A_1035 = arith.constant 37 : i32
      %get3A_1036 = arith.constant 0 : i32
      %get3A_1037 = arith.constant 0 : i32
      %get3A_1038 = tpu.memref_slice %arg10[%scan3A_381, %get3A_1036, %get3A_1037] : memref<3x48x768xf32, #tpu.memory_space<vmem>> -> memref<1x48x768xf32, #tpu.memory_space<vmem>>
      %get3A_1039 = tpu.memref_squeeze %get3A_1038 : memref<1x48x768xf32, #tpu.memory_space<vmem>> -> memref<48x768xf32, #tpu.memory_space<vmem>>
      %get3A_1040 = arith.index_cast %get3A_1035 : i32 to index
      %get3A_1041 = arith.index_cast %mul3A_669 : i32 to index
      %get3A_1042 = tpu.vector_load %get3A_1039[%get3A_1040, %get3A_1041] {strides = array<i32>} : memref<48x768xf32, #tpu.memory_space<vmem>>, vector<1x16xf32>,
      %get3A_1043 = vector.shape_cast %get3A_1042 : vector<1x16xf32> to vector<16xf32>
      %add3A_1044 = arith.addf %add3A_1004, %get3A_1043 : vector<16xf32>
      %get3A_1045 = arith.constant 38 : i32
      %get3A_1046 = arith.constant 0 : i32
      %get3A_1047 = arith.constant 0 : i32
      %get3A_1048 = tpu.memref_slice %arg10[%scan3A_381, %get3A_1046, %get3A_1047] : memref<3x48x768xf32, #tpu.memory_space<vmem>> -> memref<1x48x768xf32, #tpu.memory_space<vmem>>
      %get3A_1049 = tpu.memref_squeeze %get3A_1048 : memref<1x48x768xf32, #tpu.memory_space<vmem>> -> memref<48x768xf32, #tpu.memory_space<vmem>>
      %get3A_1050 = arith.index_cast %get3A_1045 : i32 to index
      %get3A_1051 = arith.index_cast %mul3A_669 : i32 to index
      %get3A_1052 = tpu.vector_load %get3A_1049[%get3A_1050, %get3A_1051] {strides = array<i32>} : memref<48x768xf32, #tpu.memory_space<vmem>>, vector<1x16xf32>,
      %get3A_1053 = vector.shape_cast %get3A_1052 : vector<1x16xf32> to vector<16xf32>
      %add3A_1054 = arith.addf %add3A_1014, %get3A_1053 : vector<16xf32>
      %get3A_1055 = arith.constant 39 : i32
      %get3A_1056 = arith.constant 0 : i32
      %get3A_1057 = arith.constant 0 : i32
      %get3A_1058 = tpu.memref_slice %arg10[%scan3A_381, %get3A_1056, %get3A_1057] : memref<3x48x768xf32, #tpu.memory_space<vmem>> -> memref<1x48x768xf32, #tpu.memory_space<vmem>>
      %get3A_1059 = tpu.memref_squeeze %get3A_1058 : memref<1x48x768xf32, #tpu.memory_space<vmem>> -> memref<48x768xf32, #tpu.memory_space<vmem>>
      %get3A_1060 = arith.index_cast %get3A_1055 : i32 to index
      %get3A_1061 = arith.index_cast %mul3A_669 : i32 to index
      %get3A_1062 = tpu.vector_load %get3A_1059[%get3A_1060, %get3A_1061] {strides = array<i32>} : memref<48x768xf32, #tpu.memory_space<vmem>>, vector<1x16xf32>,
      %get3A_1063 = vector.shape_cast %get3A_1062 : vector<1x16xf32> to vector<16xf32>
      %add3A_1064 = arith.addf %add3A_1024, %get3A_1063 : vector<16xf32>
      %get3A_1065 = arith.constant 40 : i32
      %get3A_1066 = arith.constant 0 : i32
      %get3A_1067 = arith.constant 0 : i32
      %get3A_1068 = tpu.memref_slice %arg10[%scan3A_381, %get3A_1066, %get3A_1067] : memref<3x48x768xf32, #tpu.memory_space<vmem>> -> memref<1x48x768xf32, #tpu.memory_space<vmem>>
      %get3A_1069 = tpu.memref_squeeze %get3A_1068 : memref<1x48x768xf32, #tpu.memory_space<vmem>> -> memref<48x768xf32, #tpu.memory_space<vmem>>
      %get3A_1070 = arith.index_cast %get3A_1065 : i32 to index
      %get3A_1071 = arith.index_cast %mul3A_669 : i32 to index
      %get3A_1072 = tpu.vector_load %get3A_1069[%get3A_1070, %get3A_1071] {strides = array<i32>} : memref<48x768xf32, #tpu.memory_space<vmem>>, vector<1x16xf32>,
      %get3A_1073 = vector.shape_cast %get3A_1072 : vector<1x16xf32> to vector<16xf32>
      %add3A_1074 = arith.addf %add3A_1034, %get3A_1073 : vector<16xf32>
      %get3A_1075 = arith.constant 41 : i32
      %get3A_1076 = arith.constant 0 : i32
      %get3A_1077 = arith.constant 0 : i32
      %get3A_1078 = tpu.memref_slice %arg10[%scan3A_381, %get3A_1076, %get3A_1077] : memref<3x48x768xf32, #tpu.memory_space<vmem>> -> memref<1x48x768xf32, #tpu.memory_space<vmem>>
      %get3A_1079 = tpu.memref_squeeze %get3A_1078 : memref<1x48x768xf32, #tpu.memory_space<vmem>> -> memref<48x768xf32, #tpu.memory_space<vmem>>
      %get3A_1080 = arith.index_cast %get3A_1075 : i32 to index
      %get3A_1081 = arith.index_cast %mul3A_669 : i32 to index
      %get3A_1082 = tpu.vector_load %get3A_1079[%get3A_1080, %get3A_1081] {strides = array<i32>} : memref<48x768xf32, #tpu.memory_space<vmem>>, vector<1x16xf32>,
      %get3A_1083 = vector.shape_cast %get3A_1082 : vector<1x16xf32> to vector<16xf32>
      %add3A_1084 = arith.addf %add3A_1044, %get3A_1083 : vector<16xf32>
      %get3A_1085 = arith.constant 42 : i32
      %get3A_1086 = arith.constant 0 : i32
      %get3A_1087 = arith.constant 0 : i32
      %get3A_1088 = tpu.memref_slice %arg10[%scan3A_381, %get3A_1086, %get3A_1087] : memref<3x48x768xf32, #tpu.memory_space<vmem>> -> memref<1x48x768xf32, #tpu.memory_space<vmem>>
      %get3A_1089 = tpu.memref_squeeze %get3A_1088 : memref<1x48x768xf32, #tpu.memory_space<vmem>> -> memref<48x768xf32, #tpu.memory_space<vmem>>
      %get3A_1090 = arith.index_cast %get3A_1085 : i32 to index
      %get3A_1091 = arith.index_cast %mul3A_669 : i32 to index
      %get3A_1092 = tpu.vector_load %get3A_1089[%get3A_1090, %get3A_1091] {strides = array<i32>} : memref<48x768xf32, #tpu.memory_space<vmem>>, vector<1x16xf32>,
      %get3A_1093 = vector.shape_cast %get3A_1092 : vector<1x16xf32> to vector<16xf32>
      %add3A_1094 = arith.addf %add3A_1054, %get3A_1093 : vector<16xf32>
      %get3A_1095 = arith.constant 43 : i32
      %get3A_1096 = arith.constant 0 : i32
      %get3A_1097 = arith.constant 0 : i32
      %get3A_1098 = tpu.memref_slice %arg10[%scan3A_381, %get3A_1096, %get3A_1097] : memref<3x48x768xf32, #tpu.memory_space<vmem>> -> memref<1x48x768xf32, #tpu.memory_space<vmem>>
      %get3A_1099 = tpu.memref_squeeze %get3A_1098 : memref<1x48x768xf32, #tpu.memory_space<vmem>> -> memref<48x768xf32, #tpu.memory_space<vmem>>
      %get3A_1100 = arith.index_cast %get3A_1095 : i32 to index
      %get3A_1101 = arith.index_cast %mul3A_669 : i32 to index
      %get3A_1102 = tpu.vector_load %get3A_1099[%get3A_1100, %get3A_1101] {strides = array<i32>} : memref<48x768xf32, #tpu.memory_space<vmem>>, vector<1x16xf32>,
      %get3A_1103 = vector.shape_cast %get3A_1102 : vector<1x16xf32> to vector<16xf32>
      %add3A_1104 = arith.addf %add3A_1064, %get3A_1103 : vector<16xf32>
      %get3A_1105 = arith.constant 44 : i32
      %get3A_1106 = arith.constant 0 : i32
      %get3A_1107 = arith.constant 0 : i32
      %get3A_1108 = tpu.memref_slice %arg10[%scan3A_381, %get3A_1106, %get3A_1107] : memref<3x48x768xf32, #tpu.memory_space<vmem>> -> memref<1x48x768xf32, #tpu.memory_space<vmem>>
      %get3A_1109 = tpu.memref_squeeze %get3A_1108 : memref<1x48x768xf32, #tpu.memory_space<vmem>> -> memref<48x768xf32, #tpu.memory_space<vmem>>
      %get3A_1110 = arith.index_cast %get3A_1105 : i32 to index
      %get3A_1111 = arith.index_cast %mul3A_669 : i32 to index
      %get3A_1112 = tpu.vector_load %get3A_1109[%get3A_1110, %get3A_1111] {strides = array<i32>} : memref<48x768xf32, #tpu.memory_space<vmem>>, vector<1x16xf32>,
      %get3A_1113 = vector.shape_cast %get3A_1112 : vector<1x16xf32> to vector<16xf32>
      %add3A_1114 = arith.addf %add3A_1074, %get3A_1113 : vector<16xf32>
      %get3A_1115 = arith.constant 45 : i32
      %get3A_1116 = arith.constant 0 : i32
      %get3A_1117 = arith.constant 0 : i32
      %get3A_1118 = tpu.memref_slice %arg10[%scan3A_381, %get3A_1116, %get3A_1117] : memref<3x48x768xf32, #tpu.memory_space<vmem>> -> memref<1x48x768xf32, #tpu.memory_space<vmem>>
      %get3A_1119 = tpu.memref_squeeze %get3A_1118 : memref<1x48x768xf32, #tpu.memory_space<vmem>> -> memref<48x768xf32, #tpu.memory_space<vmem>>
      %get3A_1120 = arith.index_cast %get3A_1115 : i32 to index
      %get3A_1121 = arith.index_cast %mul3A_669 : i32 to index
      %get3A_1122 = tpu.vector_load %get3A_1119[%get3A_1120, %get3A_1121] {strides = array<i32>} : memref<48x768xf32, #tpu.memory_space<vmem>>, vector<1x16xf32>,
      %get3A_1123 = vector.shape_cast %get3A_1122 : vector<1x16xf32> to vector<16xf32>
      %add3A_1124 = arith.addf %add3A_1084, %get3A_1123 : vector<16xf32>
      %get3A_1125 = arith.constant 46 : i32
      %get3A_1126 = arith.constant 0 : i32
      %get3A_1127 = arith.constant 0 : i32
      %get3A_1128 = tpu.memref_slice %arg10[%scan3A_381, %get3A_1126, %get3A_1127] : memref<3x48x768xf32, #tpu.memory_space<vmem>> -> memref<1x48x768xf32, #tpu.memory_space<vmem>>
      %get3A_1129 = tpu.memref_squeeze %get3A_1128 : memref<1x48x768xf32, #tpu.memory_space<vmem>> -> memref<48x768xf32, #tpu.memory_space<vmem>>
      %get3A_1130 = arith.index_cast %get3A_1125 : i32 to index
      %get3A_1131 = arith.index_cast %mul3A_669 : i32 to index
      %get3A_1132 = tpu.vector_load %get3A_1129[%get3A_1130, %get3A_1131] {strides = array<i32>} : memref<48x768xf32, #tpu.memory_space<vmem>>, vector<1x16xf32>,
      %get3A_1133 = vector.shape_cast %get3A_1132 : vector<1x16xf32> to vector<16xf32>
      %add3A_1134 = arith.addf %add3A_1094, %get3A_1133 : vector<16xf32>
      %get3A_1135 = arith.constant 47 : i32
      %get3A_1136 = arith.constant 0 : i32
      %get3A_1137 = arith.constant 0 : i32
      %get3A_1138 = tpu.memref_slice %arg10[%scan3A_381, %get3A_1136, %get3A_1137] : memref<3x48x768xf32, #tpu.memory_space<vmem>> -> memref<1x48x768xf32, #tpu.memory_space<vmem>>
      %get3A_1139 = tpu.memref_squeeze %get3A_1138 : memref<1x48x768xf32, #tpu.memory_space<vmem>> -> memref<48x768xf32, #tpu.memory_space<vmem>>
      %get3A_1140 = arith.index_cast %get3A_1135 : i32 to index
      %get3A_1141 = arith.index_cast %mul3A_669 : i32 to index
      %get3A_1142 = tpu.vector_load %get3A_1139[%get3A_1140, %get3A_1141] {strides = array<i32>} : memref<48x768xf32, #tpu.memory_space<vmem>>, vector<1x16xf32>,
      %get3A_1143 = vector.shape_cast %get3A_1142 : vector<1x16xf32> to vector<16xf32>
      %add3A_1144 = arith.addf %add3A_1104, %get3A_1143 : vector<16xf32>
      %add3A_1145 = arith.addf %add3A_1114, %add3A_1124 : vector<16xf32>
      %add3A_1146 = arith.addf %add3A_1134, %add3A_1144 : vector<16xf32>
      %add3A_1147 = arith.addf %add3A_1145, %add3A_1146 : vector<16xf32>
      %mul3A_1148 = vector.broadcast %scan3A_382 : f32 to vector<16xf32>
      %mul3A_1149 = arith.mulf %add3A_1147, %mul3A_1148 : vector<16xf32>
      %swap3A = arith.constant 2 : i32
      %swap3A_1150 = arith.index_cast %swap3A : i32 to index
      %swap3A_1151 = arith.index_cast %mul3A_669 : i32 to index
      %swap3A_1152 = tpu.vector_load %arg11[%swap3A_1150, %swap3A_1151] {strides = array<i32>} : memref<6x768xf32, #tpu.memory_space<vmem>>, vector<1x16xf32>,
      %swap3A_1153 = vector.shape_cast %swap3A_1152 : vector<1x16xf32> to vector<16xf32>
      %swap3A_1154 = vector.shape_cast %mul3A_1149 : vector<16xf32> to vector<1x16xf32>
      tpu.vector_store %arg11[%swap3A_1150, %swap3A_1151], %swap3A_1154 {strides = array<i32>} : memref<6x768xf32, #tpu.memory_space<vmem>>, vector<1x16xf32>,
      %scan3A_1155 = arith.constant 0 : i32
      scf.yield %scan3A_1155 : i32
    }
    %scan3A_389 = arith.constant 48 : i32
    %add3A_390 = arith.constant 0 : i32
    %add3A_391 = arith.addi %mul3A_2, %add3A_390 : i32
    %dma_start3A_392 = arith.constant 2 : i32
    %dma_start3A_393 = arith.constant 0 : i32
    %dma_start3A_394 = tpu.memref_slice %arg11[%dma_start3A_392, %dma_start3A_393] : memref<6x768xf32, #tpu.memory_space<vmem>> -> memref<1x768xf32, #tpu.memory_space<vmem>>
    %dma_start3A_395 = tpu.memref_squeeze %dma_start3A_394 : memref<1x768xf32, #tpu.memory_space<vmem>> -> memref<768xf32, #tpu.memory_space<vmem>>
    %dma_start3A_396 = arith.constant 0 : i32
    %dma_start3A_397 = tpu.memref_slice %arg7[%add3A_391, %dma_start3A_396] : memref<64x768xf32, #tpu.memory_space<hbm>> -> memref<1x768xf32, #tpu.memory_space<hbm>>
    %dma_start3A_398 = tpu.memref_squeeze %dma_start3A_397 : memref<1x768xf32, #tpu.memory_space<hbm>> -> memref<768xf32, #tpu.memory_space<hbm>>
    %dma_start3A_399 = arith.constant 0 : i32
    %dma_start3A_400 = tpu.memref_slice %arg7[%add3A_391, %dma_start3A_399] : memref<64x768xf32, #tpu.memory_space<hbm>> -> memref<1x768xf32, #tpu.memory_space<hbm>>
    %dma_start3A_401 = tpu.memref_squeeze %dma_start3A_400 : memref<1x768xf32, #tpu.memory_space<hbm>> -> memref<768xf32, #tpu.memory_space<hbm>>
    %dma_start3A_402 = arith.constant 0 : i32
    %dma_start3A_403 = tpu.memref_slice %arg11[%dma_start3A_392, %dma_start3A_402] : memref<6x768xf32, #tpu.memory_space<vmem>> -> memref<1x768xf32, #tpu.memory_space<vmem>>
    %dma_start3A_404 = tpu.memref_squeeze %dma_start3A_403 : memref<1x768xf32, #tpu.memory_space<vmem>> -> memref<768xf32, #tpu.memory_space<vmem>>
    tpu.enqueue_dma source(%dma_start3A_404 : memref<768xf32, #tpu.memory_space<vmem>>) target(%dma_start3A_401 : memref<768xf32, #tpu.memory_space<hbm>>) target_semaphore(%arg13 : memref<!tpu.dma_semaphore, #tpu.memory_space<semaphore_mem>>)
    %add3A_405 = arith.constant 1 : i32
    %add3A_406 = arith.addi %mul3A_2, %add3A_405 : i32
    %dma_wait3A_407 = arith.constant 5 : i32
    %dma_wait3A_408 = arith.constant 0 : i32
    %dma_wait3A_409 = tpu.memref_slice %arg9[%dma_wait3A_407, %dma_wait3A_408] : memref<6x48xi32, #tpu.memory_space<vmem>> -> memref<1x48xi32, #tpu.memory_space<vmem>>
    %dma_wait3A_410 = tpu.memref_squeeze %dma_wait3A_409 : memref<1x48xi32, #tpu.memory_space<vmem>> -> memref<48xi32, #tpu.memory_space<vmem>>
    %dma_wait3A_411 = arith.constant 0 : i32
    %dma_wait3A_412 = tpu.memref_slice %arg5[%add3A_406, %dma_wait3A_411] : memref<64x48xi32, #tpu.memory_space<hbm>> -> memref<1x48xi32, #tpu.memory_space<hbm>>
    %dma_wait3A_413 = tpu.memref_squeeze %dma_wait3A_412 : memref<1x48xi32, #tpu.memory_space<hbm>> -> memref<48xi32, #tpu.memory_space<hbm>>
    %dma_wait3A_414 = arith.constant 0 : i32
    %dma_wait3A_415 = tpu.memref_slice %arg9[%dma_wait3A_407, %dma_wait3A_414] : memref<6x48xi32, #tpu.memory_space<vmem>> -> memref<1x48xi32, #tpu.memory_space<vmem>>
    %dma_wait3A_416 = tpu.memref_squeeze %dma_wait3A_415 : memref<1x48xi32, #tpu.memory_space<vmem>> -> memref<48xi32, #tpu.memory_space<vmem>>
    %dma_wait3A_417 = arith.constant 0 : i32
    %dma_wait3A_418 = tpu.memref_slice %arg5[%add3A_406, %dma_wait3A_417] : memref<64x48xi32, #tpu.memory_space<hbm>> -> memref<1x48xi32, #tpu.memory_space<hbm>>
    %dma_wait3A_419 = tpu.memref_squeeze %dma_wait3A_418 : memref<1x48xi32, #tpu.memory_space<hbm>> -> memref<48xi32, #tpu.memory_space<hbm>>
    tpu.wait_dma2 semaphore(%arg14 : memref<!tpu.dma_semaphore, #tpu.memory_space<semaphore_mem>>) src(%dma_wait3A_419 : memref<48xi32, #tpu.memory_space<hbm>>) dst(%dma_wait3A_416 : memref<48xi32, #tpu.memory_space<vmem>>)
    %add3A_420 = arith.constant 1 : i32
    %add3A_421 = arith.addi %mul3A_2, %add3A_420 : i32
    %dma_start3A_422 = arith.constant 5 : i32
    %dma_start3A_423 = arith.constant 2 : i32
    %dma_start3A_424 = arith.constant 2 : i32
    %dma_start3A_425 = arith.constant 0 : i32
    %dma_start3A_426 = arith.constant 0 : i32
    %dma_start3A_427 = tpu.memref_slice %arg10[%dma_start3A_423, %dma_start3A_425, %dma_start3A_426] : memref<3x48x768xf32, #tpu.memory_space<vmem>> -> memref<1x48x768xf32, #tpu.memory_space<vmem>>
    %dma_start3A_428 = tpu.memref_squeeze %dma_start3A_427 : memref<1x48x768xf32, #tpu.memory_space<vmem>> -> memref<48x768xf32, #tpu.memory_space<vmem>>
    %dma_start3A_429 = arith.constant 0 : i32
    %dma_start3A_430 = tpu.memref_slice %arg9[%dma_start3A_422, %dma_start3A_429] : memref<6x48xi32, #tpu.memory_space<vmem>> -> memref<1x48xi32, #tpu.memory_space<vmem>>
    %dma_start3A_431 = tpu.memref_squeeze %dma_start3A_430 : memref<1x48xi32, #tpu.memory_space<vmem>> -> memref<48xi32, #tpu.memory_space<vmem>>
    %dma_start3A_432 = arith.constant 0 : i32
    %dma_start3A_433 = arith.constant 0 : i32
    %dma_start3A_434 = tpu.memref_slice %arg2[%add3A_421, %dma_start3A_432, %dma_start3A_433] : memref<64x512x768xf32, #tpu.memory_space<hbm>> -> memref<1x512x768xf32, #tpu.memory_space<hbm>>
    %dma_start3A_435 = tpu.memref_squeeze %dma_start3A_434 : memref<1x512x768xf32, #tpu.memory_space<hbm>> -> memref<512x768xf32, #tpu.memory_space<hbm>>
    %dma_start3A_436 = arith.constant 0 : i32
    %dma_start3A_437 = arith.constant 0 : i32
    %dma_start3A_438 = tpu.memref_slice %dma_start3A_435[%dma_start3A_436, %dma_start3A_437] : memref<512x768xf32, #tpu.memory_space<hbm>> -> memref<512x768xf32, #tpu.memory_space<hbm>>
    %dma_start3A_439 = tpu.memref_slice %arg12[%dma_start3A_424] : memref<3x!tpu.dma_semaphore, #tpu.memory_space<semaphore_mem>> -> memref<1x!tpu.dma_semaphore, #tpu.memory_space<semaphore_mem>>
    %dma_start3A_440 = tpu.memref_squeeze %dma_start3A_439 : memref<1x!tpu.dma_semaphore, #tpu.memory_space<semaphore_mem>> -> memref<!tpu.dma_semaphore, #tpu.memory_space<semaphore_mem>>
    tpu.enqueue_indirect_dma source(%dma_start3A_438 : memref<512x768xf32, #tpu.memory_space<hbm>>) target(%dma_start3A_428 : memref<48x768xf32, #tpu.memory_space<vmem>>) offsets(%dma_start3A_431 : memref<48xi32, #tpu.memory_space<vmem>>) semaphore(%dma_start3A_440 : memref<!tpu.dma_semaphore, #tpu.memory_space<semaphore_mem>>)
    %add3A_441 = arith.constant 1 : i32
    %add3A_442 = arith.addi %mul3A_2, %add3A_441 : i32
    %dma_wait3A_443 = arith.constant 3 : i32
    %dma_wait3A_444 = arith.constant 0 : i32
    %dma_wait3A_445 = arith.constant 0 : i32
    %dma_wait3A_446 = arith.constant 0 : i32
    %dma_wait3A_447 = arith.constant 0 : i32
    %dma_wait3A_448 = tpu.memref_slice %arg10[%dma_wait3A_444, %dma_wait3A_446, %dma_wait3A_447] : memref<3x48x768xf32, #tpu.memory_space<vmem>> -> memref<1x48x768xf32, #tpu.memory_space<vmem>>
    %dma_wait3A_449 = tpu.memref_squeeze %dma_wait3A_448 : memref<1x48x768xf32, #tpu.memory_space<vmem>> -> memref<48x768xf32, #tpu.memory_space<vmem>>
    %dma_wait3A_450 = arith.constant 0 : i32
    %dma_wait3A_451 = tpu.memref_slice %arg9[%dma_wait3A_443, %dma_wait3A_450] : memref<6x48xi32, #tpu.memory_space<vmem>> -> memref<1x48xi32, #tpu.memory_space<vmem>>
    %dma_wait3A_452 = tpu.memref_squeeze %dma_wait3A_451 : memref<1x48xi32, #tpu.memory_space<vmem>> -> memref<48xi32, #tpu.memory_space<vmem>>
    %dma_wait3A_453 = arith.constant 0 : i32
    %dma_wait3A_454 = arith.constant 0 : i32
    %dma_wait3A_455 = tpu.memref_slice %arg2[%add3A_442, %dma_wait3A_453, %dma_wait3A_454] : memref<64x512x768xf32, #tpu.memory_space<hbm>> -> memref<1x512x768xf32, #tpu.memory_space<hbm>>
    %dma_wait3A_456 = tpu.memref_squeeze %dma_wait3A_455 : memref<1x512x768xf32, #tpu.memory_space<hbm>> -> memref<512x768xf32, #tpu.memory_space<hbm>>
    %dma_wait3A_457 = arith.constant 0 : i32
    %dma_wait3A_458 = arith.constant 0 : i32
    %dma_wait3A_459 = tpu.memref_slice %dma_wait3A_456[%dma_wait3A_457, %dma_wait3A_458] : memref<512x768xf32, #tpu.memory_space<hbm>> -> memref<512x768xf32, #tpu.memory_space<hbm>>
    %dma_wait3A_460 = tpu.memref_slice %arg12[%dma_wait3A_445] : memref<3x!tpu.dma_semaphore, #tpu.memory_space<semaphore_mem>> -> memref<1x!tpu.dma_semaphore, #tpu.memory_space<semaphore_mem>>
    %dma_wait3A_461 = tpu.memref_squeeze %dma_wait3A_460 : memref<1x!tpu.dma_semaphore, #tpu.memory_space<semaphore_mem>> -> memref<!tpu.dma_semaphore, #tpu.memory_space<semaphore_mem>>
    tpu.wait_indirect_dma semaphore(%dma_wait3A_461 : memref<!tpu.dma_semaphore, #tpu.memory_space<semaphore_mem>>) src(%dma_wait3A_459 : memref<512x768xf32, #tpu.memory_space<hbm>>) dst(%dma_wait3A_449 : memref<48x768xf32, #tpu.memory_space<vmem>>)
    %scan3A_462 = arith.constant 0 : i32
    %scan3A_463 = arith.constant 0.020833334 : f32
    %scan3A_464 = arith.constant 0 : i32
    %scan3A_465 = arith.constant 0 : i32
    %scan3A_466 = arith.constant 48 : i32
    %scan3A_467 = arith.addi %scan3A_465, %scan3A_466 : i32
    %scan3A_468 = arith.constant 1 : i32
    %scan3A_469 = scf.for %scan3A_666 = %scan3A_465 to %scan3A_467 step %scan3A_468 iter_args(%scan3A_667 = %scan3A_464) -> (i32)  : i32 {
      %mul3A_668 = arith.constant 16 : i32
      %mul3A_669 = arith.muli %scan3A_666, %mul3A_668 : i32
      %get3A = arith.constant 0 : i32
      %get3A_670 = arith.constant 0 : i32
      %get3A_671 = arith.constant 0 : i32
      %get3A_672 = tpu.memref_slice %arg10[%scan3A_462, %get3A_670, %get3A_671] : memref<3x48x768xf32, #tpu.memory_space<vmem>> -> memref<1x48x768xf32, #tpu.memory_space<vmem>>
      %get3A_673 = tpu.memref_squeeze %get3A_672 : memref<1x48x768xf32, #tpu.memory_space<vmem>> -> memref<48x768xf32, #tpu.memory_space<vmem>>
      %get3A_674 = arith.index_cast %get3A : i32 to index
      %get3A_675 = arith.index_cast %mul3A_669 : i32 to index
      %get3A_676 = tpu.vector_load %get3A_673[%get3A_674, %get3A_675] {strides = array<i32>} : memref<48x768xf32, #tpu.memory_space<vmem>>, vector<1x16xf32>,
      %get3A_677 = vector.shape_cast %get3A_676 : vector<1x16xf32> to vector<16xf32>
      %get3A_678 = arith.constant 1 : i32
      %get3A_679 = arith.constant 0 : i32
      %get3A_680 = arith.constant 0 : i32
      %get3A_681 = tpu.memref_slice %arg10[%scan3A_462, %get3A_679, %get3A_680] : memref<3x48x768xf32, #tpu.memory_space<vmem>> -> memref<1x48x768xf32, #tpu.memory_space<vmem>>
      %get3A_682 = tpu.memref_squeeze %get3A_681 : memref<1x48x768xf32, #tpu.memory_space<vmem>> -> memref<48x768xf32, #tpu.memory_space<vmem>>
      %get3A_683 = arith.index_cast %get3A_678 : i32 to index
      %get3A_684 = arith.index_cast %mul3A_669 : i32 to index
      %get3A_685 = tpu.vector_load %get3A_682[%get3A_683, %get3A_684] {strides = array<i32>} : memref<48x768xf32, #tpu.memory_space<vmem>>, vector<1x16xf32>,
      %get3A_686 = vector.shape_cast %get3A_685 : vector<1x16xf32> to vector<16xf32>
      %get3A_687 = arith.constant 2 : i32
      %get3A_688 = arith.constant 0 : i32
      %get3A_689 = arith.constant 0 : i32
      %get3A_690 = tpu.memref_slice %arg10[%scan3A_462, %get3A_688, %get3A_689] : memref<3x48x768xf32, #tpu.memory_space<vmem>> -> memref<1x48x768xf32, #tpu.memory_space<vmem>>
      %get3A_691 = tpu.memref_squeeze %get3A_690 : memref<1x48x768xf32, #tpu.memory_space<vmem>> -> memref<48x768xf32, #tpu.memory_space<vmem>>
      %get3A_692 = arith.index_cast %get3A_687 : i32 to index
      %get3A_693 = arith.index_cast %mul3A_669 : i32 to index
      %get3A_694 = tpu.vector_load %get3A_691[%get3A_692, %get3A_693] {strides = array<i32>} : memref<48x768xf32, #tpu.memory_space<vmem>>, vector<1x16xf32>,
      %get3A_695 = vector.shape_cast %get3A_694 : vector<1x16xf32> to vector<16xf32>
      %get3A_696 = arith.constant 3 : i32
      %get3A_697 = arith.constant 0 : i32
      %get3A_698 = arith.constant 0 : i32
      %get3A_699 = tpu.memref_slice %arg10[%scan3A_462, %get3A_697, %get3A_698] : memref<3x48x768xf32, #tpu.memory_space<vmem>> -> memref<1x48x768xf32, #tpu.memory_space<vmem>>
      %get3A_700 = tpu.memref_squeeze %get3A_699 : memref<1x48x768xf32, #tpu.memory_space<vmem>> -> memref<48x768xf32, #tpu.memory_space<vmem>>
      %get3A_701 = arith.index_cast %get3A_696 : i32 to index
      %get3A_702 = arith.index_cast %mul3A_669 : i32 to index
      %get3A_703 = tpu.vector_load %get3A_700[%get3A_701, %get3A_702] {strides = array<i32>} : memref<48x768xf32, #tpu.memory_space<vmem>>, vector<1x16xf32>,
      %get3A_704 = vector.shape_cast %get3A_703 : vector<1x16xf32> to vector<16xf32>
      %get3A_705 = arith.constant 4 : i32
      %get3A_706 = arith.constant 0 : i32
      %get3A_707 = arith.constant 0 : i32
      %get3A_708 = tpu.memref_slice %arg10[%scan3A_462, %get3A_706, %get3A_707] : memref<3x48x768xf32, #tpu.memory_space<vmem>> -> memref<1x48x768xf32, #tpu.memory_space<vmem>>
      %get3A_709 = tpu.memref_squeeze %get3A_708 : memref<1x48x768xf32, #tpu.memory_space<vmem>> -> memref<48x768xf32, #tpu.memory_space<vmem>>
      %get3A_710 = arith.index_cast %get3A_705 : i32 to index
      %get3A_711 = arith.index_cast %mul3A_669 : i32 to index
      %get3A_712 = tpu.vector_load %get3A_709[%get3A_710, %get3A_711] {strides = array<i32>} : memref<48x768xf32, #tpu.memory_space<vmem>>, vector<1x16xf32>,
      %get3A_713 = vector.shape_cast %get3A_712 : vector<1x16xf32> to vector<16xf32>
      %add3A_714 = arith.addf %get3A_677, %get3A_713 : vector<16xf32>
      %get3A_715 = arith.constant 5 : i32
      %get3A_716 = arith.constant 0 : i32
      %get3A_717 = arith.constant 0 : i32
      %get3A_718 = tpu.memref_slice %arg10[%scan3A_462, %get3A_716, %get3A_717] : memref<3x48x768xf32, #tpu.memory_space<vmem>> -> memref<1x48x768xf32, #tpu.memory_space<vmem>>
      %get3A_719 = tpu.memref_squeeze %get3A_718 : memref<1x48x768xf32, #tpu.memory_space<vmem>> -> memref<48x768xf32, #tpu.memory_space<vmem>>
      %get3A_720 = arith.index_cast %get3A_715 : i32 to index
      %get3A_721 = arith.index_cast %mul3A_669 : i32 to index
      %get3A_722 = tpu.vector_load %get3A_719[%get3A_720, %get3A_721] {strides = array<i32>} : memref<48x768xf32, #tpu.memory_space<vmem>>, vector<1x16xf32>,
      %get3A_723 = vector.shape_cast %get3A_722 : vector<1x16xf32> to vector<16xf32>
      %add3A_724 = arith.addf %get3A_686, %get3A_723 : vector<16xf32>
      %get3A_725 = arith.constant 6 : i32
      %get3A_726 = arith.constant 0 : i32
      %get3A_727 = arith.constant 0 : i32
      %get3A_728 = tpu.memref_slice %arg10[%scan3A_462, %get3A_726, %get3A_727] : memref<3x48x768xf32, #tpu.memory_space<vmem>> -> memref<1x48x768xf32, #tpu.memory_space<vmem>>
      %get3A_729 = tpu.memref_squeeze %get3A_728 : memref<1x48x768xf32, #tpu.memory_space<vmem>> -> memref<48x768xf32, #tpu.memory_space<vmem>>
      %get3A_730 = arith.index_cast %get3A_725 : i32 to index
      %get3A_731 = arith.index_cast %mul3A_669 : i32 to index
      %get3A_732 = tpu.vector_load %get3A_729[%get3A_730, %get3A_731] {strides = array<i32>} : memref<48x768xf32, #tpu.memory_space<vmem>>, vector<1x16xf32>,
      %get3A_733 = vector.shape_cast %get3A_732 : vector<1x16xf32> to vector<16xf32>
      %add3A_734 = arith.addf %get3A_695, %get3A_733 : vector<16xf32>
      %get3A_735 = arith.constant 7 : i32
      %get3A_736 = arith.constant 0 : i32
      %get3A_737 = arith.constant 0 : i32
      %get3A_738 = tpu.memref_slice %arg10[%scan3A_462, %get3A_736, %get3A_737] : memref<3x48x768xf32, #tpu.memory_space<vmem>> -> memref<1x48x768xf32, #tpu.memory_space<vmem>>
      %get3A_739 = tpu.memref_squeeze %get3A_738 : memref<1x48x768xf32, #tpu.memory_space<vmem>> -> memref<48x768xf32, #tpu.memory_space<vmem>>
      %get3A_740 = arith.index_cast %get3A_735 : i32 to index
      %get3A_741 = arith.index_cast %mul3A_669 : i32 to index
      %get3A_742 = tpu.vector_load %get3A_739[%get3A_740, %get3A_741] {strides = array<i32>} : memref<48x768xf32, #tpu.memory_space<vmem>>, vector<1x16xf32>,
      %get3A_743 = vector.shape_cast %get3A_742 : vector<1x16xf32> to vector<16xf32>
      %add3A_744 = arith.addf %get3A_704, %get3A_743 : vector<16xf32>
      %get3A_745 = arith.constant 8 : i32
      %get3A_746 = arith.constant 0 : i32
      %get3A_747 = arith.constant 0 : i32
      %get3A_748 = tpu.memref_slice %arg10[%scan3A_462, %get3A_746, %get3A_747] : memref<3x48x768xf32, #tpu.memory_space<vmem>> -> memref<1x48x768xf32, #tpu.memory_space<vmem>>
      %get3A_749 = tpu.memref_squeeze %get3A_748 : memref<1x48x768xf32, #tpu.memory_space<vmem>> -> memref<48x768xf32, #tpu.memory_space<vmem>>
      %get3A_750 = arith.index_cast %get3A_745 : i32 to index
      %get3A_751 = arith.index_cast %mul3A_669 : i32 to index
      %get3A_752 = tpu.vector_load %get3A_749[%get3A_750, %get3A_751] {strides = array<i32>} : memref<48x768xf32, #tpu.memory_space<vmem>>, vector<1x16xf32>,
      %get3A_753 = vector.shape_cast %get3A_752 : vector<1x16xf32> to vector<16xf32>
      %add3A_754 = arith.addf %add3A_714, %get3A_753 : vector<16xf32>
      %get3A_755 = arith.constant 9 : i32
      %get3A_756 = arith.constant 0 : i32
      %get3A_757 = arith.constant 0 : i32
      %get3A_758 = tpu.memref_slice %arg10[%scan3A_462, %get3A_756, %get3A_757] : memref<3x48x768xf32, #tpu.memory_space<vmem>> -> memref<1x48x768xf32, #tpu.memory_space<vmem>>
      %get3A_759 = tpu.memref_squeeze %get3A_758 : memref<1x48x768xf32, #tpu.memory_space<vmem>> -> memref<48x768xf32, #tpu.memory_space<vmem>>
      %get3A_760 = arith.index_cast %get3A_755 : i32 to index
      %get3A_761 = arith.index_cast %mul3A_669 : i32 to index
      %get3A_762 = tpu.vector_load %get3A_759[%get3A_760, %get3A_761] {strides = array<i32>} : memref<48x768xf32, #tpu.memory_space<vmem>>, vector<1x16xf32>,
      %get3A_763 = vector.shape_cast %get3A_762 : vector<1x16xf32> to vector<16xf32>
      %add3A_764 = arith.addf %add3A_724, %get3A_763 : vector<16xf32>
      %get3A_765 = arith.constant 10 : i32
      %get3A_766 = arith.constant 0 : i32
      %get3A_767 = arith.constant 0 : i32
      %get3A_768 = tpu.memref_slice %arg10[%scan3A_462, %get3A_766, %get3A_767] : memref<3x48x768xf32, #tpu.memory_space<vmem>> -> memref<1x48x768xf32, #tpu.memory_space<vmem>>
      %get3A_769 = tpu.memref_squeeze %get3A_768 : memref<1x48x768xf32, #tpu.memory_space<vmem>> -> memref<48x768xf32, #tpu.memory_space<vmem>>
      %get3A_770 = arith.index_cast %get3A_765 : i32 to index
      %get3A_771 = arith.index_cast %mul3A_669 : i32 to index
      %get3A_772 = tpu.vector_load %get3A_769[%get3A_770, %get3A_771] {strides = array<i32>} : memref<48x768xf32, #tpu.memory_space<vmem>>, vector<1x16xf32>,
      %get3A_773 = vector.shape_cast %get3A_772 : vector<1x16xf32> to vector<16xf32>
      %add3A_774 = arith.addf %add3A_734, %get3A_773 : vector<16xf32>
      %get3A_775 = arith.constant 11 : i32
      %get3A_776 = arith.constant 0 : i32
      %get3A_777 = arith.constant 0 : i32
      %get3A_778 = tpu.memref_slice %arg10[%scan3A_462, %get3A_776, %get3A_777] : memref<3x48x768xf32, #tpu.memory_space<vmem>> -> memref<1x48x768xf32, #tpu.memory_space<vmem>>
      %get3A_779 = tpu.memref_squeeze %get3A_778 : memref<1x48x768xf32, #tpu.memory_space<vmem>> -> memref<48x768xf32, #tpu.memory_space<vmem>>
      %get3A_780 = arith.index_cast %get3A_775 : i32 to index
      %get3A_781 = arith.index_cast %mul3A_669 : i32 to index
      %get3A_782 = tpu.vector_load %get3A_779[%get3A_780, %get3A_781] {strides = array<i32>} : memref<48x768xf32, #tpu.memory_space<vmem>>, vector<1x16xf32>,
      %get3A_783 = vector.shape_cast %get3A_782 : vector<1x16xf32> to vector<16xf32>
      %add3A_784 = arith.addf %add3A_744, %get3A_783 : vector<16xf32>
      %get3A_785 = arith.constant 12 : i32
      %get3A_786 = arith.constant 0 : i32
      %get3A_787 = arith.constant 0 : i32
      %get3A_788 = tpu.memref_slice %arg10[%scan3A_462, %get3A_786, %get3A_787] : memref<3x48x768xf32, #tpu.memory_space<vmem>> -> memref<1x48x768xf32, #tpu.memory_space<vmem>>
      %get3A_789 = tpu.memref_squeeze %get3A_788 : memref<1x48x768xf32, #tpu.memory_space<vmem>> -> memref<48x768xf32, #tpu.memory_space<vmem>>
      %get3A_790 = arith.index_cast %get3A_785 : i32 to index
      %get3A_791 = arith.index_cast %mul3A_669 : i32 to index
      %get3A_792 = tpu.vector_load %get3A_789[%get3A_790, %get3A_791] {strides = array<i32>} : memref<48x768xf32, #tpu.memory_space<vmem>>, vector<1x16xf32>,
      %get3A_793 = vector.shape_cast %get3A_792 : vector<1x16xf32> to vector<16xf32>
      %add3A_794 = arith.addf %add3A_754, %get3A_793 : vector<16xf32>
      %get3A_795 = arith.constant 13 : i32
      %get3A_796 = arith.constant 0 : i32
      %get3A_797 = arith.constant 0 : i32
      %get3A_798 = tpu.memref_slice %arg10[%scan3A_462, %get3A_796, %get3A_797] : memref<3x48x768xf32, #tpu.memory_space<vmem>> -> memref<1x48x768xf32, #tpu.memory_space<vmem>>
      %get3A_799 = tpu.memref_squeeze %get3A_798 : memref<1x48x768xf32, #tpu.memory_space<vmem>> -> memref<48x768xf32, #tpu.memory_space<vmem>>
      %get3A_800 = arith.index_cast %get3A_795 : i32 to index
      %get3A_801 = arith.index_cast %mul3A_669 : i32 to index
      %get3A_802 = tpu.vector_load %get3A_799[%get3A_800, %get3A_801] {strides = array<i32>} : memref<48x768xf32, #tpu.memory_space<vmem>>, vector<1x16xf32>,
      %get3A_803 = vector.shape_cast %get3A_802 : vector<1x16xf32> to vector<16xf32>
      %add3A_804 = arith.addf %add3A_764, %get3A_803 : vector<16xf32>
      %get3A_805 = arith.constant 14 : i32
      %get3A_806 = arith.constant 0 : i32
      %get3A_807 = arith.constant 0 : i32
      %get3A_808 = tpu.memref_slice %arg10[%scan3A_462, %get3A_806, %get3A_807] : memref<3x48x768xf32, #tpu.memory_space<vmem>> -> memref<1x48x768xf32, #tpu.memory_space<vmem>>
      %get3A_809 = tpu.memref_squeeze %get3A_808 : memref<1x48x768xf32, #tpu.memory_space<vmem>> -> memref<48x768xf32, #tpu.memory_space<vmem>>
      %get3A_810 = arith.index_cast %get3A_805 : i32 to index
      %get3A_811 = arith.index_cast %mul3A_669 : i32 to index
      %get3A_812 = tpu.vector_load %get3A_809[%get3A_810, %get3A_811] {strides = array<i32>} : memref<48x768xf32, #tpu.memory_space<vmem>>, vector<1x16xf32>,
      %get3A_813 = vector.shape_cast %get3A_812 : vector<1x16xf32> to vector<16xf32>
      %add3A_814 = arith.addf %add3A_774, %get3A_813 : vector<16xf32>
      %get3A_815 = arith.constant 15 : i32
      %get3A_816 = arith.constant 0 : i32
      %get3A_817 = arith.constant 0 : i32
      %get3A_818 = tpu.memref_slice %arg10[%scan3A_462, %get3A_816, %get3A_817] : memref<3x48x768xf32, #tpu.memory_space<vmem>> -> memref<1x48x768xf32, #tpu.memory_space<vmem>>
      %get3A_819 = tpu.memref_squeeze %get3A_818 : memref<1x48x768xf32, #tpu.memory_space<vmem>> -> memref<48x768xf32, #tpu.memory_space<vmem>>
      %get3A_820 = arith.index_cast %get3A_815 : i32 to index
      %get3A_821 = arith.index_cast %mul3A_669 : i32 to index
      %get3A_822 = tpu.vector_load %get3A_819[%get3A_820, %get3A_821] {strides = array<i32>} : memref<48x768xf32, #tpu.memory_space<vmem>>, vector<1x16xf32>,
      %get3A_823 = vector.shape_cast %get3A_822 : vector<1x16xf32> to vector<16xf32>
      %add3A_824 = arith.addf %add3A_784, %get3A_823 : vector<16xf32>
      %get3A_825 = arith.constant 16 : i32
      %get3A_826 = arith.constant 0 : i32
      %get3A_827 = arith.constant 0 : i32
      %get3A_828 = tpu.memref_slice %arg10[%scan3A_462, %get3A_826, %get3A_827] : memref<3x48x768xf32, #tpu.memory_space<vmem>> -> memref<1x48x768xf32, #tpu.memory_space<vmem>>
      %get3A_829 = tpu.memref_squeeze %get3A_828 : memref<1x48x768xf32, #tpu.memory_space<vmem>> -> memref<48x768xf32, #tpu.memory_space<vmem>>
      %get3A_830 = arith.index_cast %get3A_825 : i32 to index
      %get3A_831 = arith.index_cast %mul3A_669 : i32 to index
      %get3A_832 = tpu.vector_load %get3A_829[%get3A_830, %get3A_831] {strides = array<i32>} : memref<48x768xf32, #tpu.memory_space<vmem>>, vector<1x16xf32>,
      %get3A_833 = vector.shape_cast %get3A_832 : vector<1x16xf32> to vector<16xf32>
      %add3A_834 = arith.addf %add3A_794, %get3A_833 : vector<16xf32>
      %get3A_835 = arith.constant 17 : i32
      %get3A_836 = arith.constant 0 : i32
      %get3A_837 = arith.constant 0 : i32
      %get3A_838 = tpu.memref_slice %arg10[%scan3A_462, %get3A_836, %get3A_837] : memref<3x48x768xf32, #tpu.memory_space<vmem>> -> memref<1x48x768xf32, #tpu.memory_space<vmem>>
      %get3A_839 = tpu.memref_squeeze %get3A_838 : memref<1x48x768xf32, #tpu.memory_space<vmem>> -> memref<48x768xf32, #tpu.memory_space<vmem>>
      %get3A_840 = arith.index_cast %get3A_835 : i32 to index
      %get3A_841 = arith.index_cast %mul3A_669 : i32 to index
      %get3A_842 = tpu.vector_load %get3A_839[%get3A_840, %get3A_841] {strides = array<i32>} : memref<48x768xf32, #tpu.memory_space<vmem>>, vector<1x16xf32>,
      %get3A_843 = vector.shape_cast %get3A_842 : vector<1x16xf32> to vector<16xf32>
      %add3A_844 = arith.addf %add3A_804, %get3A_843 : vector<16xf32>
      %get3A_845 = arith.constant 18 : i32
      %get3A_846 = arith.constant 0 : i32
      %get3A_847 = arith.constant 0 : i32
      %get3A_848 = tpu.memref_slice %arg10[%scan3A_462, %get3A_846, %get3A_847] : memref<3x48x768xf32, #tpu.memory_space<vmem>> -> memref<1x48x768xf32, #tpu.memory_space<vmem>>
      %get3A_849 = tpu.memref_squeeze %get3A_848 : memref<1x48x768xf32, #tpu.memory_space<vmem>> -> memref<48x768xf32, #tpu.memory_space<vmem>>
      %get3A_850 = arith.index_cast %get3A_845 : i32 to index
      %get3A_851 = arith.index_cast %mul3A_669 : i32 to index
      %get3A_852 = tpu.vector_load %get3A_849[%get3A_850, %get3A_851] {strides = array<i32>} : memref<48x768xf32, #tpu.memory_space<vmem>>, vector<1x16xf32>,
      %get3A_853 = vector.shape_cast %get3A_852 : vector<1x16xf32> to vector<16xf32>
      %add3A_854 = arith.addf %add3A_814, %get3A_853 : vector<16xf32>
      %get3A_855 = arith.constant 19 : i32
      %get3A_856 = arith.constant 0 : i32
      %get3A_857 = arith.constant 0 : i32
      %get3A_858 = tpu.memref_slice %arg10[%scan3A_462, %get3A_856, %get3A_857] : memref<3x48x768xf32, #tpu.memory_space<vmem>> -> memref<1x48x768xf32, #tpu.memory_space<vmem>>
      %get3A_859 = tpu.memref_squeeze %get3A_858 : memref<1x48x768xf32, #tpu.memory_space<vmem>> -> memref<48x768xf32, #tpu.memory_space<vmem>>
      %get3A_860 = arith.index_cast %get3A_855 : i32 to index
      %get3A_861 = arith.index_cast %mul3A_669 : i32 to index
      %get3A_862 = tpu.vector_load %get3A_859[%get3A_860, %get3A_861] {strides = array<i32>} : memref<48x768xf32, #tpu.memory_space<vmem>>, vector<1x16xf32>,
      %get3A_863 = vector.shape_cast %get3A_862 : vector<1x16xf32> to vector<16xf32>
      %add3A_864 = arith.addf %add3A_824, %get3A_863 : vector<16xf32>
      %get3A_865 = arith.constant 20 : i32
      %get3A_866 = arith.constant 0 : i32
      %get3A_867 = arith.constant 0 : i32
      %get3A_868 = tpu.memref_slice %arg10[%scan3A_462, %get3A_866, %get3A_867] : memref<3x48x768xf32, #tpu.memory_space<vmem>> -> memref<1x48x768xf32, #tpu.memory_space<vmem>>
      %get3A_869 = tpu.memref_squeeze %get3A_868 : memref<1x48x768xf32, #tpu.memory_space<vmem>> -> memref<48x768xf32, #tpu.memory_space<vmem>>
      %get3A_870 = arith.index_cast %get3A_865 : i32 to index
      %get3A_871 = arith.index_cast %mul3A_669 : i32 to index
      %get3A_872 = tpu.vector_load %get3A_869[%get3A_870, %get3A_871] {strides = array<i32>} : memref<48x768xf32, #tpu.memory_space<vmem>>, vector<1x16xf32>,
      %get3A_873 = vector.shape_cast %get3A_872 : vector<1x16xf32> to vector<16xf32>
      %add3A_874 = arith.addf %add3A_834, %get3A_873 : vector<16xf32>
      %get3A_875 = arith.constant 21 : i32
      %get3A_876 = arith.constant 0 : i32
      %get3A_877 = arith.constant 0 : i32
      %get3A_878 = tpu.memref_slice %arg10[%scan3A_462, %get3A_876, %get3A_877] : memref<3x48x768xf32, #tpu.memory_space<vmem>> -> memref<1x48x768xf32, #tpu.memory_space<vmem>>
      %get3A_879 = tpu.memref_squeeze %get3A_878 : memref<1x48x768xf32, #tpu.memory_space<vmem>> -> memref<48x768xf32, #tpu.memory_space<vmem>>
      %get3A_880 = arith.index_cast %get3A_875 : i32 to index
      %get3A_881 = arith.index_cast %mul3A_669 : i32 to index
      %get3A_882 = tpu.vector_load %get3A_879[%get3A_880, %get3A_881] {strides = array<i32>} : memref<48x768xf32, #tpu.memory_space<vmem>>, vector<1x16xf32>,
      %get3A_883 = vector.shape_cast %get3A_882 : vector<1x16xf32> to vector<16xf32>
      %add3A_884 = arith.addf %add3A_844, %get3A_883 : vector<16xf32>
      %get3A_885 = arith.constant 22 : i32
      %get3A_886 = arith.constant 0 : i32
      %get3A_887 = arith.constant 0 : i32
      %get3A_888 = tpu.memref_slice %arg10[%scan3A_462, %get3A_886, %get3A_887] : memref<3x48x768xf32, #tpu.memory_space<vmem>> -> memref<1x48x768xf32, #tpu.memory_space<vmem>>
      %get3A_889 = tpu.memref_squeeze %get3A_888 : memref<1x48x768xf32, #tpu.memory_space<vmem>> -> memref<48x768xf32, #tpu.memory_space<vmem>>
      %get3A_890 = arith.index_cast %get3A_885 : i32 to index
      %get3A_891 = arith.index_cast %mul3A_669 : i32 to index
      %get3A_892 = tpu.vector_load %get3A_889[%get3A_890, %get3A_891] {strides = array<i32>} : memref<48x768xf32, #tpu.memory_space<vmem>>, vector<1x16xf32>,
      %get3A_893 = vector.shape_cast %get3A_892 : vector<1x16xf32> to vector<16xf32>
      %add3A_894 = arith.addf %add3A_854, %get3A_893 : vector<16xf32>
      %get3A_895 = arith.constant 23 : i32
      %get3A_896 = arith.constant 0 : i32
      %get3A_897 = arith.constant 0 : i32
      %get3A_898 = tpu.memref_slice %arg10[%scan3A_462, %get3A_896, %get3A_897] : memref<3x48x768xf32, #tpu.memory_space<vmem>> -> memref<1x48x768xf32, #tpu.memory_space<vmem>>
      %get3A_899 = tpu.memref_squeeze %get3A_898 : memref<1x48x768xf32, #tpu.memory_space<vmem>> -> memref<48x768xf32, #tpu.memory_space<vmem>>
      %get3A_900 = arith.index_cast %get3A_895 : i32 to index
      %get3A_901 = arith.index_cast %mul3A_669 : i32 to index
      %get3A_902 = tpu.vector_load %get3A_899[%get3A_900, %get3A_901] {strides = array<i32>} : memref<48x768xf32, #tpu.memory_space<vmem>>, vector<1x16xf32>,
      %get3A_903 = vector.shape_cast %get3A_902 : vector<1x16xf32> to vector<16xf32>
      %add3A_904 = arith.addf %add3A_864, %get3A_903 : vector<16xf32>
      %get3A_905 = arith.constant 24 : i32
      %get3A_906 = arith.constant 0 : i32
      %get3A_907 = arith.constant 0 : i32
      %get3A_908 = tpu.memref_slice %arg10[%scan3A_462, %get3A_906, %get3A_907] : memref<3x48x768xf32, #tpu.memory_space<vmem>> -> memref<1x48x768xf32, #tpu.memory_space<vmem>>
      %get3A_909 = tpu.memref_squeeze %get3A_908 : memref<1x48x768xf32, #tpu.memory_space<vmem>> -> memref<48x768xf32, #tpu.memory_space<vmem>>
      %get3A_910 = arith.index_cast %get3A_905 : i32 to index
      %get3A_911 = arith.index_cast %mul3A_669 : i32 to index
      %get3A_912 = tpu.vector_load %get3A_909[%get3A_910, %get3A_911] {strides = array<i32>} : memref<48x768xf32, #tpu.memory_space<vmem>>, vector<1x16xf32>,
      %get3A_913 = vector.shape_cast %get3A_912 : vector<1x16xf32> to vector<16xf32>
      %add3A_914 = arith.addf %add3A_874, %get3A_913 : vector<16xf32>
      %get3A_915 = arith.constant 25 : i32
      %get3A_916 = arith.constant 0 : i32
      %get3A_917 = arith.constant 0 : i32
      %get3A_918 = tpu.memref_slice %arg10[%scan3A_462, %get3A_916, %get3A_917] : memref<3x48x768xf32, #tpu.memory_space<vmem>> -> memref<1x48x768xf32, #tpu.memory_space<vmem>>
      %get3A_919 = tpu.memref_squeeze %get3A_918 : memref<1x48x768xf32, #tpu.memory_space<vmem>> -> memref<48x768xf32, #tpu.memory_space<vmem>>
      %get3A_920 = arith.index_cast %get3A_915 : i32 to index
      %get3A_921 = arith.index_cast %mul3A_669 : i32 to index
      %get3A_922 = tpu.vector_load %get3A_919[%get3A_920, %get3A_921] {strides = array<i32>} : memref<48x768xf32, #tpu.memory_space<vmem>>, vector<1x16xf32>,
      %get3A_923 = vector.shape_cast %get3A_922 : vector<1x16xf32> to vector<16xf32>
      %add3A_924 = arith.addf %add3A_884, %get3A_923 : vector<16xf32>
      %get3A_925 = arith.constant 26 : i32
      %get3A_926 = arith.constant 0 : i32
      %get3A_927 = arith.constant 0 : i32
      %get3A_928 = tpu.memref_slice %arg10[%scan3A_462, %get3A_926, %get3A_927] : memref<3x48x768xf32, #tpu.memory_space<vmem>> -> memref<1x48x768xf32, #tpu.memory_space<vmem>>
      %get3A_929 = tpu.memref_squeeze %get3A_928 : memref<1x48x768xf32, #tpu.memory_space<vmem>> -> memref<48x768xf32, #tpu.memory_space<vmem>>
      %get3A_930 = arith.index_cast %get3A_925 : i32 to index
      %get3A_931 = arith.index_cast %mul3A_669 : i32 to index
      %get3A_932 = tpu.vector_load %get3A_929[%get3A_930, %get3A_931] {strides = array<i32>} : memref<48x768xf32, #tpu.memory_space<vmem>>, vector<1x16xf32>,
      %get3A_933 = vector.shape_cast %get3A_932 : vector<1x16xf32> to vector<16xf32>
      %add3A_934 = arith.addf %add3A_894, %get3A_933 : vector<16xf32>
      %get3A_935 = arith.constant 27 : i32
      %get3A_936 = arith.constant 0 : i32
      %get3A_937 = arith.constant 0 : i32
      %get3A_938 = tpu.memref_slice %arg10[%scan3A_462, %get3A_936, %get3A_937] : memref<3x48x768xf32, #tpu.memory_space<vmem>> -> memref<1x48x768xf32, #tpu.memory_space<vmem>>
      %get3A_939 = tpu.memref_squeeze %get3A_938 : memref<1x48x768xf32, #tpu.memory_space<vmem>> -> memref<48x768xf32, #tpu.memory_space<vmem>>
      %get3A_940 = arith.index_cast %get3A_935 : i32 to index
      %get3A_941 = arith.index_cast %mul3A_669 : i32 to index
      %get3A_942 = tpu.vector_load %get3A_939[%get3A_940, %get3A_941] {strides = array<i32>} : memref<48x768xf32, #tpu.memory_space<vmem>>, vector<1x16xf32>,
      %get3A_943 = vector.shape_cast %get3A_942 : vector<1x16xf32> to vector<16xf32>
      %add3A_944 = arith.addf %add3A_904, %get3A_943 : vector<16xf32>
      %get3A_945 = arith.constant 28 : i32
      %get3A_946 = arith.constant 0 : i32
      %get3A_947 = arith.constant 0 : i32
      %get3A_948 = tpu.memref_slice %arg10[%scan3A_462, %get3A_946, %get3A_947] : memref<3x48x768xf32, #tpu.memory_space<vmem>> -> memref<1x48x768xf32, #tpu.memory_space<vmem>>
      %get3A_949 = tpu.memref_squeeze %get3A_948 : memref<1x48x768xf32, #tpu.memory_space<vmem>> -> memref<48x768xf32, #tpu.memory_space<vmem>>
      %get3A_950 = arith.index_cast %get3A_945 : i32 to index
      %get3A_951 = arith.index_cast %mul3A_669 : i32 to index
      %get3A_952 = tpu.vector_load %get3A_949[%get3A_950, %get3A_951] {strides = array<i32>} : memref<48x768xf32, #tpu.memory_space<vmem>>, vector<1x16xf32>,
      %get3A_953 = vector.shape_cast %get3A_952 : vector<1x16xf32> to vector<16xf32>
      %add3A_954 = arith.addf %add3A_914, %get3A_953 : vector<16xf32>
      %get3A_955 = arith.constant 29 : i32
      %get3A_956 = arith.constant 0 : i32
      %get3A_957 = arith.constant 0 : i32
      %get3A_958 = tpu.memref_slice %arg10[%scan3A_462, %get3A_956, %get3A_957] : memref<3x48x768xf32, #tpu.memory_space<vmem>> -> memref<1x48x768xf32, #tpu.memory_space<vmem>>
      %get3A_959 = tpu.memref_squeeze %get3A_958 : memref<1x48x768xf32, #tpu.memory_space<vmem>> -> memref<48x768xf32, #tpu.memory_space<vmem>>
      %get3A_960 = arith.index_cast %get3A_955 : i32 to index
      %get3A_961 = arith.index_cast %mul3A_669 : i32 to index
      %get3A_962 = tpu.vector_load %get3A_959[%get3A_960, %get3A_961] {strides = array<i32>} : memref<48x768xf32, #tpu.memory_space<vmem>>, vector<1x16xf32>,
      %get3A_963 = vector.shape_cast %get3A_962 : vector<1x16xf32> to vector<16xf32>
      %add3A_964 = arith.addf %add3A_924, %get3A_963 : vector<16xf32>
      %get3A_965 = arith.constant 30 : i32
      %get3A_966 = arith.constant 0 : i32
      %get3A_967 = arith.constant 0 : i32
      %get3A_968 = tpu.memref_slice %arg10[%scan3A_462, %get3A_966, %get3A_967] : memref<3x48x768xf32, #tpu.memory_space<vmem>> -> memref<1x48x768xf32, #tpu.memory_space<vmem>>
      %get3A_969 = tpu.memref_squeeze %get3A_968 : memref<1x48x768xf32, #tpu.memory_space<vmem>> -> memref<48x768xf32, #tpu.memory_space<vmem>>
      %get3A_970 = arith.index_cast %get3A_965 : i32 to index
      %get3A_971 = arith.index_cast %mul3A_669 : i32 to index
      %get3A_972 = tpu.vector_load %get3A_969[%get3A_970, %get3A_971] {strides = array<i32>} : memref<48x768xf32, #tpu.memory_space<vmem>>, vector<1x16xf32>,
      %get3A_973 = vector.shape_cast %get3A_972 : vector<1x16xf32> to vector<16xf32>
      %add3A_974 = arith.addf %add3A_934, %get3A_973 : vector<16xf32>
      %get3A_975 = arith.constant 31 : i32
      %get3A_976 = arith.constant 0 : i32
      %get3A_977 = arith.constant 0 : i32
      %get3A_978 = tpu.memref_slice %arg10[%scan3A_462, %get3A_976, %get3A_977] : memref<3x48x768xf32, #tpu.memory_space<vmem>> -> memref<1x48x768xf32, #tpu.memory_space<vmem>>
      %get3A_979 = tpu.memref_squeeze %get3A_978 : memref<1x48x768xf32, #tpu.memory_space<vmem>> -> memref<48x768xf32, #tpu.memory_space<vmem>>
      %get3A_980 = arith.index_cast %get3A_975 : i32 to index
      %get3A_981 = arith.index_cast %mul3A_669 : i32 to index
      %get3A_982 = tpu.vector_load %get3A_979[%get3A_980, %get3A_981] {strides = array<i32>} : memref<48x768xf32, #tpu.memory_space<vmem>>, vector<1x16xf32>,
      %get3A_983 = vector.shape_cast %get3A_982 : vector<1x16xf32> to vector<16xf32>
      %add3A_984 = arith.addf %add3A_944, %get3A_983 : vector<16xf32>
      %get3A_985 = arith.constant 32 : i32
      %get3A_986 = arith.constant 0 : i32
      %get3A_987 = arith.constant 0 : i32
      %get3A_988 = tpu.memref_slice %arg10[%scan3A_462, %get3A_986, %get3A_987] : memref<3x48x768xf32, #tpu.memory_space<vmem>> -> memref<1x48x768xf32, #tpu.memory_space<vmem>>
      %get3A_989 = tpu.memref_squeeze %get3A_988 : memref<1x48x768xf32, #tpu.memory_space<vmem>> -> memref<48x768xf32, #tpu.memory_space<vmem>>
      %get3A_990 = arith.index_cast %get3A_985 : i32 to index
      %get3A_991 = arith.index_cast %mul3A_669 : i32 to index
      %get3A_992 = tpu.vector_load %get3A_989[%get3A_990, %get3A_991] {strides = array<i32>} : memref<48x768xf32, #tpu.memory_space<vmem>>, vector<1x16xf32>,
      %get3A_993 = vector.shape_cast %get3A_992 : vector<1x16xf32> to vector<16xf32>
      %add3A_994 = arith.addf %add3A_954, %get3A_993 : vector<16xf32>
      %get3A_995 = arith.constant 33 : i32
      %get3A_996 = arith.constant 0 : i32
      %get3A_997 = arith.constant 0 : i32
      %get3A_998 = tpu.memref_slice %arg10[%scan3A_462, %get3A_996, %get3A_997] : memref<3x48x768xf32, #tpu.memory_space<vmem>> -> memref<1x48x768xf32, #tpu.memory_space<vmem>>
      %get3A_999 = tpu.memref_squeeze %get3A_998 : memref<1x48x768xf32, #tpu.memory_space<vmem>> -> memref<48x768xf32, #tpu.memory_space<vmem>>
      %get3A_1000 = arith.index_cast %get3A_995 : i32 to index
      %get3A_1001 = arith.index_cast %mul3A_669 : i32 to index
      %get3A_1002 = tpu.vector_load %get3A_999[%get3A_1000, %get3A_1001] {strides = array<i32>} : memref<48x768xf32, #tpu.memory_space<vmem>>, vector<1x16xf32>,
      %get3A_1003 = vector.shape_cast %get3A_1002 : vector<1x16xf32> to vector<16xf32>
      %add3A_1004 = arith.addf %add3A_964, %get3A_1003 : vector<16xf32>
      %get3A_1005 = arith.constant 34 : i32
      %get3A_1006 = arith.constant 0 : i32
      %get3A_1007 = arith.constant 0 : i32
      %get3A_1008 = tpu.memref_slice %arg10[%scan3A_462, %get3A_1006, %get3A_1007] : memref<3x48x768xf32, #tpu.memory_space<vmem>> -> memref<1x48x768xf32, #tpu.memory_space<vmem>>
      %get3A_1009 = tpu.memref_squeeze %get3A_1008 : memref<1x48x768xf32, #tpu.memory_space<vmem>> -> memref<48x768xf32, #tpu.memory_space<vmem>>
      %get3A_1010 = arith.index_cast %get3A_1005 : i32 to index
      %get3A_1011 = arith.index_cast %mul3A_669 : i32 to index
      %get3A_1012 = tpu.vector_load %get3A_1009[%get3A_1010, %get3A_1011] {strides = array<i32>} : memref<48x768xf32, #tpu.memory_space<vmem>>, vector<1x16xf32>,
      %get3A_1013 = vector.shape_cast %get3A_1012 : vector<1x16xf32> to vector<16xf32>
      %add3A_1014 = arith.addf %add3A_974, %get3A_1013 : vector<16xf32>
      %get3A_1015 = arith.constant 35 : i32
      %get3A_1016 = arith.constant 0 : i32
      %get3A_1017 = arith.constant 0 : i32
      %get3A_1018 = tpu.memref_slice %arg10[%scan3A_462, %get3A_1016, %get3A_1017] : memref<3x48x768xf32, #tpu.memory_space<vmem>> -> memref<1x48x768xf32, #tpu.memory_space<vmem>>
      %get3A_1019 = tpu.memref_squeeze %get3A_1018 : memref<1x48x768xf32, #tpu.memory_space<vmem>> -> memref<48x768xf32, #tpu.memory_space<vmem>>
      %get3A_1020 = arith.index_cast %get3A_1015 : i32 to index
      %get3A_1021 = arith.index_cast %mul3A_669 : i32 to index
      %get3A_1022 = tpu.vector_load %get3A_1019[%get3A_1020, %get3A_1021] {strides = array<i32>} : memref<48x768xf32, #tpu.memory_space<vmem>>, vector<1x16xf32>,
      %get3A_1023 = vector.shape_cast %get3A_1022 : vector<1x16xf32> to vector<16xf32>
      %add3A_1024 = arith.addf %add3A_984, %get3A_1023 : vector<16xf32>
      %get3A_1025 = arith.constant 36 : i32
      %get3A_1026 = arith.constant 0 : i32
      %get3A_1027 = arith.constant 0 : i32
      %get3A_1028 = tpu.memref_slice %arg10[%scan3A_462, %get3A_1026, %get3A_1027] : memref<3x48x768xf32, #tpu.memory_space<vmem>> -> memref<1x48x768xf32, #tpu.memory_space<vmem>>
      %get3A_1029 = tpu.memref_squeeze %get3A_1028 : memref<1x48x768xf32, #tpu.memory_space<vmem>> -> memref<48x768xf32, #tpu.memory_space<vmem>>
      %get3A_1030 = arith.index_cast %get3A_1025 : i32 to index
      %get3A_1031 = arith.index_cast %mul3A_669 : i32 to index
      %get3A_1032 = tpu.vector_load %get3A_1029[%get3A_1030, %get3A_1031] {strides = array<i32>} : memref<48x768xf32, #tpu.memory_space<vmem>>, vector<1x16xf32>,
      %get3A_1033 = vector.shape_cast %get3A_1032 : vector<1x16xf32> to vector<16xf32>
      %add3A_1034 = arith.addf %add3A_994, %get3A_1033 : vector<16xf32>
      %get3A_1035 = arith.constant 37 : i32
      %get3A_1036 = arith.constant 0 : i32
      %get3A_1037 = arith.constant 0 : i32
      %get3A_1038 = tpu.memref_slice %arg10[%scan3A_462, %get3A_1036, %get3A_1037] : memref<3x48x768xf32, #tpu.memory_space<vmem>> -> memref<1x48x768xf32, #tpu.memory_space<vmem>>
      %get3A_1039 = tpu.memref_squeeze %get3A_1038 : memref<1x48x768xf32, #tpu.memory_space<vmem>> -> memref<48x768xf32, #tpu.memory_space<vmem>>
      %get3A_1040 = arith.index_cast %get3A_1035 : i32 to index
      %get3A_1041 = arith.index_cast %mul3A_669 : i32 to index
      %get3A_1042 = tpu.vector_load %get3A_1039[%get3A_1040, %get3A_1041] {strides = array<i32>} : memref<48x768xf32, #tpu.memory_space<vmem>>, vector<1x16xf32>,
      %get3A_1043 = vector.shape_cast %get3A_1042 : vector<1x16xf32> to vector<16xf32>
      %add3A_1044 = arith.addf %add3A_1004, %get3A_1043 : vector<16xf32>
      %get3A_1045 = arith.constant 38 : i32
      %get3A_1046 = arith.constant 0 : i32
      %get3A_1047 = arith.constant 0 : i32
      %get3A_1048 = tpu.memref_slice %arg10[%scan3A_462, %get3A_1046, %get3A_1047] : memref<3x48x768xf32, #tpu.memory_space<vmem>> -> memref<1x48x768xf32, #tpu.memory_space<vmem>>
      %get3A_1049 = tpu.memref_squeeze %get3A_1048 : memref<1x48x768xf32, #tpu.memory_space<vmem>> -> memref<48x768xf32, #tpu.memory_space<vmem>>
      %get3A_1050 = arith.index_cast %get3A_1045 : i32 to index
      %get3A_1051 = arith.index_cast %mul3A_669 : i32 to index
      %get3A_1052 = tpu.vector_load %get3A_1049[%get3A_1050, %get3A_1051] {strides = array<i32>} : memref<48x768xf32, #tpu.memory_space<vmem>>, vector<1x16xf32>,
      %get3A_1053 = vector.shape_cast %get3A_1052 : vector<1x16xf32> to vector<16xf32>
      %add3A_1054 = arith.addf %add3A_1014, %get3A_1053 : vector<16xf32>
      %get3A_1055 = arith.constant 39 : i32
      %get3A_1056 = arith.constant 0 : i32
      %get3A_1057 = arith.constant 0 : i32
      %get3A_1058 = tpu.memref_slice %arg10[%scan3A_462, %get3A_1056, %get3A_1057] : memref<3x48x768xf32, #tpu.memory_space<vmem>> -> memref<1x48x768xf32, #tpu.memory_space<vmem>>
      %get3A_1059 = tpu.memref_squeeze %get3A_1058 : memref<1x48x768xf32, #tpu.memory_space<vmem>> -> memref<48x768xf32, #tpu.memory_space<vmem>>
      %get3A_1060 = arith.index_cast %get3A_1055 : i32 to index
      %get3A_1061 = arith.index_cast %mul3A_669 : i32 to index
      %get3A_1062 = tpu.vector_load %get3A_1059[%get3A_1060, %get3A_1061] {strides = array<i32>} : memref<48x768xf32, #tpu.memory_space<vmem>>, vector<1x16xf32>,
      %get3A_1063 = vector.shape_cast %get3A_1062 : vector<1x16xf32> to vector<16xf32>
      %add3A_1064 = arith.addf %add3A_1024, %get3A_1063 : vector<16xf32>
      %get3A_1065 = arith.constant 40 : i32
      %get3A_1066 = arith.constant 0 : i32
      %get3A_1067 = arith.constant 0 : i32
      %get3A_1068 = tpu.memref_slice %arg10[%scan3A_462, %get3A_1066, %get3A_1067] : memref<3x48x768xf32, #tpu.memory_space<vmem>> -> memref<1x48x768xf32, #tpu.memory_space<vmem>>
      %get3A_1069 = tpu.memref_squeeze %get3A_1068 : memref<1x48x768xf32, #tpu.memory_space<vmem>> -> memref<48x768xf32, #tpu.memory_space<vmem>>
      %get3A_1070 = arith.index_cast %get3A_1065 : i32 to index
      %get3A_1071 = arith.index_cast %mul3A_669 : i32 to index
      %get3A_1072 = tpu.vector_load %get3A_1069[%get3A_1070, %get3A_1071] {strides = array<i32>} : memref<48x768xf32, #tpu.memory_space<vmem>>, vector<1x16xf32>,
      %get3A_1073 = vector.shape_cast %get3A_1072 : vector<1x16xf32> to vector<16xf32>
      %add3A_1074 = arith.addf %add3A_1034, %get3A_1073 : vector<16xf32>
      %get3A_1075 = arith.constant 41 : i32
      %get3A_1076 = arith.constant 0 : i32
      %get3A_1077 = arith.constant 0 : i32
      %get3A_1078 = tpu.memref_slice %arg10[%scan3A_462, %get3A_1076, %get3A_1077] : memref<3x48x768xf32, #tpu.memory_space<vmem>> -> memref<1x48x768xf32, #tpu.memory_space<vmem>>
      %get3A_1079 = tpu.memref_squeeze %get3A_1078 : memref<1x48x768xf32, #tpu.memory_space<vmem>> -> memref<48x768xf32, #tpu.memory_space<vmem>>
      %get3A_1080 = arith.index_cast %get3A_1075 : i32 to index
      %get3A_1081 = arith.index_cast %mul3A_669 : i32 to index
      %get3A_1082 = tpu.vector_load %get3A_1079[%get3A_1080, %get3A_1081] {strides = array<i32>} : memref<48x768xf32, #tpu.memory_space<vmem>>, vector<1x16xf32>,
      %get3A_1083 = vector.shape_cast %get3A_1082 : vector<1x16xf32> to vector<16xf32>
      %add3A_1084 = arith.addf %add3A_1044, %get3A_1083 : vector<16xf32>
      %get3A_1085 = arith.constant 42 : i32
      %get3A_1086 = arith.constant 0 : i32
      %get3A_1087 = arith.constant 0 : i32
      %get3A_1088 = tpu.memref_slice %arg10[%scan3A_462, %get3A_1086, %get3A_1087] : memref<3x48x768xf32, #tpu.memory_space<vmem>> -> memref<1x48x768xf32, #tpu.memory_space<vmem>>
      %get3A_1089 = tpu.memref_squeeze %get3A_1088 : memref<1x48x768xf32, #tpu.memory_space<vmem>> -> memref<48x768xf32, #tpu.memory_space<vmem>>
      %get3A_1090 = arith.index_cast %get3A_1085 : i32 to index
      %get3A_1091 = arith.index_cast %mul3A_669 : i32 to index
      %get3A_1092 = tpu.vector_load %get3A_1089[%get3A_1090, %get3A_1091] {strides = array<i32>} : memref<48x768xf32, #tpu.memory_space<vmem>>, vector<1x16xf32>,
      %get3A_1093 = vector.shape_cast %get3A_1092 : vector<1x16xf32> to vector<16xf32>
      %add3A_1094 = arith.addf %add3A_1054, %get3A_1093 : vector<16xf32>
      %get3A_1095 = arith.constant 43 : i32
      %get3A_1096 = arith.constant 0 : i32
      %get3A_1097 = arith.constant 0 : i32
      %get3A_1098 = tpu.memref_slice %arg10[%scan3A_462, %get3A_1096, %get3A_1097] : memref<3x48x768xf32, #tpu.memory_space<vmem>> -> memref<1x48x768xf32, #tpu.memory_space<vmem>>
      %get3A_1099 = tpu.memref_squeeze %get3A_1098 : memref<1x48x768xf32, #tpu.memory_space<vmem>> -> memref<48x768xf32, #tpu.memory_space<vmem>>
      %get3A_1100 = arith.index_cast %get3A_1095 : i32 to index
      %get3A_1101 = arith.index_cast %mul3A_669 : i32 to index
      %get3A_1102 = tpu.vector_load %get3A_1099[%get3A_1100, %get3A_1101] {strides = array<i32>} : memref<48x768xf32, #tpu.memory_space<vmem>>, vector<1x16xf32>,
      %get3A_1103 = vector.shape_cast %get3A_1102 : vector<1x16xf32> to vector<16xf32>
      %add3A_1104 = arith.addf %add3A_1064, %get3A_1103 : vector<16xf32>
      %get3A_1105 = arith.constant 44 : i32
      %get3A_1106 = arith.constant 0 : i32
      %get3A_1107 = arith.constant 0 : i32
      %get3A_1108 = tpu.memref_slice %arg10[%scan3A_462, %get3A_1106, %get3A_1107] : memref<3x48x768xf32, #tpu.memory_space<vmem>> -> memref<1x48x768xf32, #tpu.memory_space<vmem>>
      %get3A_1109 = tpu.memref_squeeze %get3A_1108 : memref<1x48x768xf32, #tpu.memory_space<vmem>> -> memref<48x768xf32, #tpu.memory_space<vmem>>
      %get3A_1110 = arith.index_cast %get3A_1105 : i32 to index
      %get3A_1111 = arith.index_cast %mul3A_669 : i32 to index
      %get3A_1112 = tpu.vector_load %get3A_1109[%get3A_1110, %get3A_1111] {strides = array<i32>} : memref<48x768xf32, #tpu.memory_space<vmem>>, vector<1x16xf32>,
      %get3A_1113 = vector.shape_cast %get3A_1112 : vector<1x16xf32> to vector<16xf32>
      %add3A_1114 = arith.addf %add3A_1074, %get3A_1113 : vector<16xf32>
      %get3A_1115 = arith.constant 45 : i32
      %get3A_1116 = arith.constant 0 : i32
      %get3A_1117 = arith.constant 0 : i32
      %get3A_1118 = tpu.memref_slice %arg10[%scan3A_462, %get3A_1116, %get3A_1117] : memref<3x48x768xf32, #tpu.memory_space<vmem>> -> memref<1x48x768xf32, #tpu.memory_space<vmem>>
      %get3A_1119 = tpu.memref_squeeze %get3A_1118 : memref<1x48x768xf32, #tpu.memory_space<vmem>> -> memref<48x768xf32, #tpu.memory_space<vmem>>
      %get3A_1120 = arith.index_cast %get3A_1115 : i32 to index
      %get3A_1121 = arith.index_cast %mul3A_669 : i32 to index
      %get3A_1122 = tpu.vector_load %get3A_1119[%get3A_1120, %get3A_1121] {strides = array<i32>} : memref<48x768xf32, #tpu.memory_space<vmem>>, vector<1x16xf32>,
      %get3A_1123 = vector.shape_cast %get3A_1122 : vector<1x16xf32> to vector<16xf32>
      %add3A_1124 = arith.addf %add3A_1084, %get3A_1123 : vector<16xf32>
      %get3A_1125 = arith.constant 46 : i32
      %get3A_1126 = arith.constant 0 : i32
      %get3A_1127 = arith.constant 0 : i32
      %get3A_1128 = tpu.memref_slice %arg10[%scan3A_462, %get3A_1126, %get3A_1127] : memref<3x48x768xf32, #tpu.memory_space<vmem>> -> memref<1x48x768xf32, #tpu.memory_space<vmem>>
      %get3A_1129 = tpu.memref_squeeze %get3A_1128 : memref<1x48x768xf32, #tpu.memory_space<vmem>> -> memref<48x768xf32, #tpu.memory_space<vmem>>
      %get3A_1130 = arith.index_cast %get3A_1125 : i32 to index
      %get3A_1131 = arith.index_cast %mul3A_669 : i32 to index
      %get3A_1132 = tpu.vector_load %get3A_1129[%get3A_1130, %get3A_1131] {strides = array<i32>} : memref<48x768xf32, #tpu.memory_space<vmem>>, vector<1x16xf32>,
      %get3A_1133 = vector.shape_cast %get3A_1132 : vector<1x16xf32> to vector<16xf32>
      %add3A_1134 = arith.addf %add3A_1094, %get3A_1133 : vector<16xf32>
      %get3A_1135 = arith.constant 47 : i32
      %get3A_1136 = arith.constant 0 : i32
      %get3A_1137 = arith.constant 0 : i32
      %get3A_1138 = tpu.memref_slice %arg10[%scan3A_462, %get3A_1136, %get3A_1137] : memref<3x48x768xf32, #tpu.memory_space<vmem>> -> memref<1x48x768xf32, #tpu.memory_space<vmem>>
      %get3A_1139 = tpu.memref_squeeze %get3A_1138 : memref<1x48x768xf32, #tpu.memory_space<vmem>> -> memref<48x768xf32, #tpu.memory_space<vmem>>
      %get3A_1140 = arith.index_cast %get3A_1135 : i32 to index
      %get3A_1141 = arith.index_cast %mul3A_669 : i32 to index
      %get3A_1142 = tpu.vector_load %get3A_1139[%get3A_1140, %get3A_1141] {strides = array<i32>} : memref<48x768xf32, #tpu.memory_space<vmem>>, vector<1x16xf32>,
      %get3A_1143 = vector.shape_cast %get3A_1142 : vector<1x16xf32> to vector<16xf32>
      %add3A_1144 = arith.addf %add3A_1104, %get3A_1143 : vector<16xf32>
      %add3A_1145 = arith.addf %add3A_1114, %add3A_1124 : vector<16xf32>
      %add3A_1146 = arith.addf %add3A_1134, %add3A_1144 : vector<16xf32>
      %add3A_1147 = arith.addf %add3A_1145, %add3A_1146 : vector<16xf32>
      %mul3A_1148 = vector.broadcast %scan3A_463 : f32 to vector<16xf32>
      %mul3A_1149 = arith.mulf %add3A_1147, %mul3A_1148 : vector<16xf32>
      %swap3A = arith.constant 3 : i32
      %swap3A_1150 = arith.index_cast %swap3A : i32 to index
      %swap3A_1151 = arith.index_cast %mul3A_669 : i32 to index
      %swap3A_1152 = tpu.vector_load %arg11[%swap3A_1150, %swap3A_1151] {strides = array<i32>} : memref<6x768xf32, #tpu.memory_space<vmem>>, vector<1x16xf32>,
      %swap3A_1153 = vector.shape_cast %swap3A_1152 : vector<1x16xf32> to vector<16xf32>
      %swap3A_1154 = vector.shape_cast %mul3A_1149 : vector<16xf32> to vector<1x16xf32>
      tpu.vector_store %arg11[%swap3A_1150, %swap3A_1151], %swap3A_1154 {strides = array<i32>} : memref<6x768xf32, #tpu.memory_space<vmem>>, vector<1x16xf32>,
      %scan3A_1155 = arith.constant 0 : i32
      scf.yield %scan3A_1155 : i32
    }
    %scan3A_470 = arith.constant 48 : i32
    %add3A_471 = arith.constant 1 : i32
    %add3A_472 = arith.addi %mul3A_2, %add3A_471 : i32
    %dma_start3A_473 = arith.constant 3 : i32
    %dma_start3A_474 = arith.constant 0 : i32
    %dma_start3A_475 = tpu.memref_slice %arg11[%dma_start3A_473, %dma_start3A_474] : memref<6x768xf32, #tpu.memory_space<vmem>> -> memref<1x768xf32, #tpu.memory_space<vmem>>
    %dma_start3A_476 = tpu.memref_squeeze %dma_start3A_475 : memref<1x768xf32, #tpu.memory_space<vmem>> -> memref<768xf32, #tpu.memory_space<vmem>>
    %dma_start3A_477 = arith.constant 0 : i32
    %dma_start3A_478 = tpu.memref_slice %arg7[%add3A_472, %dma_start3A_477] : memref<64x768xf32, #tpu.memory_space<hbm>> -> memref<1x768xf32, #tpu.memory_space<hbm>>
    %dma_start3A_479 = tpu.memref_squeeze %dma_start3A_478 : memref<1x768xf32, #tpu.memory_space<hbm>> -> memref<768xf32, #tpu.memory_space<hbm>>
    %dma_start3A_480 = arith.constant 0 : i32
    %dma_start3A_481 = tpu.memref_slice %arg7[%add3A_472, %dma_start3A_480] : memref<64x768xf32, #tpu.memory_space<hbm>> -> memref<1x768xf32, #tpu.memory_space<hbm>>
    %dma_start3A_482 = tpu.memref_squeeze %dma_start3A_481 : memref<1x768xf32, #tpu.memory_space<hbm>> -> memref<768xf32, #tpu.memory_space<hbm>>
    %dma_start3A_483 = arith.constant 0 : i32
    %dma_start3A_484 = tpu.memref_slice %arg11[%dma_start3A_473, %dma_start3A_483] : memref<6x768xf32, #tpu.memory_space<vmem>> -> memref<1x768xf32, #tpu.memory_space<vmem>>
    %dma_start3A_485 = tpu.memref_squeeze %dma_start3A_484 : memref<1x768xf32, #tpu.memory_space<vmem>> -> memref<768xf32, #tpu.memory_space<vmem>>
    tpu.enqueue_dma source(%dma_start3A_485 : memref<768xf32, #tpu.memory_space<vmem>>) target(%dma_start3A_482 : memref<768xf32, #tpu.memory_space<hbm>>) target_semaphore(%arg13 : memref<!tpu.dma_semaphore, #tpu.memory_space<semaphore_mem>>)
    %add3A_486 = arith.constant 0 : i32
    %add3A_487 = arith.addi %mul3A_2, %add3A_486 : i32
    %dma_wait3A_488 = arith.constant 4 : i32
    %dma_wait3A_489 = arith.constant 1 : i32
    %dma_wait3A_490 = arith.constant 1 : i32
    %dma_wait3A_491 = arith.constant 0 : i32
    %dma_wait3A_492 = arith.constant 0 : i32
    %dma_wait3A_493 = tpu.memref_slice %arg10[%dma_wait3A_489, %dma_wait3A_491, %dma_wait3A_492] : memref<3x48x768xf32, #tpu.memory_space<vmem>> -> memref<1x48x768xf32, #tpu.memory_space<vmem>>
    %dma_wait3A_494 = tpu.memref_squeeze %dma_wait3A_493 : memref<1x48x768xf32, #tpu.memory_space<vmem>> -> memref<48x768xf32, #tpu.memory_space<vmem>>
    %dma_wait3A_495 = arith.constant 0 : i32
    %dma_wait3A_496 = tpu.memref_slice %arg9[%dma_wait3A_488, %dma_wait3A_495] : memref<6x48xi32, #tpu.memory_space<vmem>> -> memref<1x48xi32, #tpu.memory_space<vmem>>
    %dma_wait3A_497 = tpu.memref_squeeze %dma_wait3A_496 : memref<1x48xi32, #tpu.memory_space<vmem>> -> memref<48xi32, #tpu.memory_space<vmem>>
    %dma_wait3A_498 = arith.constant 0 : i32
    %dma_wait3A_499 = arith.constant 0 : i32
    %dma_wait3A_500 = tpu.memref_slice %arg2[%add3A_487, %dma_wait3A_498, %dma_wait3A_499] : memref<64x512x768xf32, #tpu.memory_space<hbm>> -> memref<1x512x768xf32, #tpu.memory_space<hbm>>
    %dma_wait3A_501 = tpu.memref_squeeze %dma_wait3A_500 : memref<1x512x768xf32, #tpu.memory_space<hbm>> -> memref<512x768xf32, #tpu.memory_space<hbm>>
    %dma_wait3A_502 = arith.constant 0 : i32
    %dma_wait3A_503 = arith.constant 0 : i32
    %dma_wait3A_504 = tpu.memref_slice %dma_wait3A_501[%dma_wait3A_502, %dma_wait3A_503] : memref<512x768xf32, #tpu.memory_space<hbm>> -> memref<512x768xf32, #tpu.memory_space<hbm>>
    %dma_wait3A_505 = tpu.memref_slice %arg12[%dma_wait3A_490] : memref<3x!tpu.dma_semaphore, #tpu.memory_space<semaphore_mem>> -> memref<1x!tpu.dma_semaphore, #tpu.memory_space<semaphore_mem>>
    %dma_wait3A_506 = tpu.memref_squeeze %dma_wait3A_505 : memref<1x!tpu.dma_semaphore, #tpu.memory_space<semaphore_mem>> -> memref<!tpu.dma_semaphore, #tpu.memory_space<semaphore_mem>>
    tpu.wait_indirect_dma semaphore(%dma_wait3A_506 : memref<!tpu.dma_semaphore, #tpu.memory_space<semaphore_mem>>) src(%dma_wait3A_504 : memref<512x768xf32, #tpu.memory_space<hbm>>) dst(%dma_wait3A_494 : memref<48x768xf32, #tpu.memory_space<vmem>>)
    %scan3A_507 = arith.constant 1 : i32
    %scan3A_508 = arith.constant 0.020833334 : f32
    %scan3A_509 = arith.constant 0 : i32
    %scan3A_510 = arith.constant 0 : i32
    %scan3A_511 = arith.constant 48 : i32
    %scan3A_512 = arith.addi %scan3A_510, %scan3A_511 : i32
    %scan3A_513 = arith.constant 1 : i32
    %scan3A_514 = scf.for %scan3A_666 = %scan3A_510 to %scan3A_512 step %scan3A_513 iter_args(%scan3A_667 = %scan3A_509) -> (i32)  : i32 {
      %mul3A_668 = arith.constant 16 : i32
      %mul3A_669 = arith.muli %scan3A_666, %mul3A_668 : i32
      %get3A = arith.constant 0 : i32
      %get3A_670 = arith.constant 0 : i32
      %get3A_671 = arith.constant 0 : i32
      %get3A_672 = tpu.memref_slice %arg10[%scan3A_507, %get3A_670, %get3A_671] : memref<3x48x768xf32, #tpu.memory_space<vmem>> -> memref<1x48x768xf32, #tpu.memory_space<vmem>>
      %get3A_673 = tpu.memref_squeeze %get3A_672 : memref<1x48x768xf32, #tpu.memory_space<vmem>> -> memref<48x768xf32, #tpu.memory_space<vmem>>
      %get3A_674 = arith.index_cast %get3A : i32 to index
      %get3A_675 = arith.index_cast %mul3A_669 : i32 to index
      %get3A_676 = tpu.vector_load %get3A_673[%get3A_674, %get3A_675] {strides = array<i32>} : memref<48x768xf32, #tpu.memory_space<vmem>>, vector<1x16xf32>,
      %get3A_677 = vector.shape_cast %get3A_676 : vector<1x16xf32> to vector<16xf32>
      %get3A_678 = arith.constant 1 : i32
      %get3A_679 = arith.constant 0 : i32
      %get3A_680 = arith.constant 0 : i32
      %get3A_681 = tpu.memref_slice %arg10[%scan3A_507, %get3A_679, %get3A_680] : memref<3x48x768xf32, #tpu.memory_space<vmem>> -> memref<1x48x768xf32, #tpu.memory_space<vmem>>
      %get3A_682 = tpu.memref_squeeze %get3A_681 : memref<1x48x768xf32, #tpu.memory_space<vmem>> -> memref<48x768xf32, #tpu.memory_space<vmem>>
      %get3A_683 = arith.index_cast %get3A_678 : i32 to index
      %get3A_684 = arith.index_cast %mul3A_669 : i32 to index
      %get3A_685 = tpu.vector_load %get3A_682[%get3A_683, %get3A_684] {strides = array<i32>} : memref<48x768xf32, #tpu.memory_space<vmem>>, vector<1x16xf32>,
      %get3A_686 = vector.shape_cast %get3A_685 : vector<1x16xf32> to vector<16xf32>
      %get3A_687 = arith.constant 2 : i32
      %get3A_688 = arith.constant 0 : i32
      %get3A_689 = arith.constant 0 : i32
      %get3A_690 = tpu.memref_slice %arg10[%scan3A_507, %get3A_688, %get3A_689] : memref<3x48x768xf32, #tpu.memory_space<vmem>> -> memref<1x48x768xf32, #tpu.memory_space<vmem>>
      %get3A_691 = tpu.memref_squeeze %get3A_690 : memref<1x48x768xf32, #tpu.memory_space<vmem>> -> memref<48x768xf32, #tpu.memory_space<vmem>>
      %get3A_692 = arith.index_cast %get3A_687 : i32 to index
      %get3A_693 = arith.index_cast %mul3A_669 : i32 to index
      %get3A_694 = tpu.vector_load %get3A_691[%get3A_692, %get3A_693] {strides = array<i32>} : memref<48x768xf32, #tpu.memory_space<vmem>>, vector<1x16xf32>,
      %get3A_695 = vector.shape_cast %get3A_694 : vector<1x16xf32> to vector<16xf32>
      %get3A_696 = arith.constant 3 : i32
      %get3A_697 = arith.constant 0 : i32
      %get3A_698 = arith.constant 0 : i32
      %get3A_699 = tpu.memref_slice %arg10[%scan3A_507, %get3A_697, %get3A_698] : memref<3x48x768xf32, #tpu.memory_space<vmem>> -> memref<1x48x768xf32, #tpu.memory_space<vmem>>
      %get3A_700 = tpu.memref_squeeze %get3A_699 : memref<1x48x768xf32, #tpu.memory_space<vmem>> -> memref<48x768xf32, #tpu.memory_space<vmem>>
      %get3A_701 = arith.index_cast %get3A_696 : i32 to index
      %get3A_702 = arith.index_cast %mul3A_669 : i32 to index
      %get3A_703 = tpu.vector_load %get3A_700[%get3A_701, %get3A_702] {strides = array<i32>} : memref<48x768xf32, #tpu.memory_space<vmem>>, vector<1x16xf32>,
      %get3A_704 = vector.shape_cast %get3A_703 : vector<1x16xf32> to vector<16xf32>
      %get3A_705 = arith.constant 4 : i32
      %get3A_706 = arith.constant 0 : i32
      %get3A_707 = arith.constant 0 : i32
      %get3A_708 = tpu.memref_slice %arg10[%scan3A_507, %get3A_706, %get3A_707] : memref<3x48x768xf32, #tpu.memory_space<vmem>> -> memref<1x48x768xf32, #tpu.memory_space<vmem>>
      %get3A_709 = tpu.memref_squeeze %get3A_708 : memref<1x48x768xf32, #tpu.memory_space<vmem>> -> memref<48x768xf32, #tpu.memory_space<vmem>>
      %get3A_710 = arith.index_cast %get3A_705 : i32 to index
      %get3A_711 = arith.index_cast %mul3A_669 : i32 to index
      %get3A_712 = tpu.vector_load %get3A_709[%get3A_710, %get3A_711] {strides = array<i32>} : memref<48x768xf32, #tpu.memory_space<vmem>>, vector<1x16xf32>,
      %get3A_713 = vector.shape_cast %get3A_712 : vector<1x16xf32> to vector<16xf32>
      %add3A_714 = arith.addf %get3A_677, %get3A_713 : vector<16xf32>
      %get3A_715 = arith.constant 5 : i32
      %get3A_716 = arith.constant 0 : i32
      %get3A_717 = arith.constant 0 : i32
      %get3A_718 = tpu.memref_slice %arg10[%scan3A_507, %get3A_716, %get3A_717] : memref<3x48x768xf32, #tpu.memory_space<vmem>> -> memref<1x48x768xf32, #tpu.memory_space<vmem>>
      %get3A_719 = tpu.memref_squeeze %get3A_718 : memref<1x48x768xf32, #tpu.memory_space<vmem>> -> memref<48x768xf32, #tpu.memory_space<vmem>>
      %get3A_720 = arith.index_cast %get3A_715 : i32 to index
      %get3A_721 = arith.index_cast %mul3A_669 : i32 to index
      %get3A_722 = tpu.vector_load %get3A_719[%get3A_720, %get3A_721] {strides = array<i32>} : memref<48x768xf32, #tpu.memory_space<vmem>>, vector<1x16xf32>,
      %get3A_723 = vector.shape_cast %get3A_722 : vector<1x16xf32> to vector<16xf32>
      %add3A_724 = arith.addf %get3A_686, %get3A_723 : vector<16xf32>
      %get3A_725 = arith.constant 6 : i32
      %get3A_726 = arith.constant 0 : i32
      %get3A_727 = arith.constant 0 : i32
      %get3A_728 = tpu.memref_slice %arg10[%scan3A_507, %get3A_726, %get3A_727] : memref<3x48x768xf32, #tpu.memory_space<vmem>> -> memref<1x48x768xf32, #tpu.memory_space<vmem>>
      %get3A_729 = tpu.memref_squeeze %get3A_728 : memref<1x48x768xf32, #tpu.memory_space<vmem>> -> memref<48x768xf32, #tpu.memory_space<vmem>>
      %get3A_730 = arith.index_cast %get3A_725 : i32 to index
      %get3A_731 = arith.index_cast %mul3A_669 : i32 to index
      %get3A_732 = tpu.vector_load %get3A_729[%get3A_730, %get3A_731] {strides = array<i32>} : memref<48x768xf32, #tpu.memory_space<vmem>>, vector<1x16xf32>,
      %get3A_733 = vector.shape_cast %get3A_732 : vector<1x16xf32> to vector<16xf32>
      %add3A_734 = arith.addf %get3A_695, %get3A_733 : vector<16xf32>
      %get3A_735 = arith.constant 7 : i32
      %get3A_736 = arith.constant 0 : i32
      %get3A_737 = arith.constant 0 : i32
      %get3A_738 = tpu.memref_slice %arg10[%scan3A_507, %get3A_736, %get3A_737] : memref<3x48x768xf32, #tpu.memory_space<vmem>> -> memref<1x48x768xf32, #tpu.memory_space<vmem>>
      %get3A_739 = tpu.memref_squeeze %get3A_738 : memref<1x48x768xf32, #tpu.memory_space<vmem>> -> memref<48x768xf32, #tpu.memory_space<vmem>>
      %get3A_740 = arith.index_cast %get3A_735 : i32 to index
      %get3A_741 = arith.index_cast %mul3A_669 : i32 to index
      %get3A_742 = tpu.vector_load %get3A_739[%get3A_740, %get3A_741] {strides = array<i32>} : memref<48x768xf32, #tpu.memory_space<vmem>>, vector<1x16xf32>,
      %get3A_743 = vector.shape_cast %get3A_742 : vector<1x16xf32> to vector<16xf32>
      %add3A_744 = arith.addf %get3A_704, %get3A_743 : vector<16xf32>
      %get3A_745 = arith.constant 8 : i32
      %get3A_746 = arith.constant 0 : i32
      %get3A_747 = arith.constant 0 : i32
      %get3A_748 = tpu.memref_slice %arg10[%scan3A_507, %get3A_746, %get3A_747] : memref<3x48x768xf32, #tpu.memory_space<vmem>> -> memref<1x48x768xf32, #tpu.memory_space<vmem>>
      %get3A_749 = tpu.memref_squeeze %get3A_748 : memref<1x48x768xf32, #tpu.memory_space<vmem>> -> memref<48x768xf32, #tpu.memory_space<vmem>>
      %get3A_750 = arith.index_cast %get3A_745 : i32 to index
      %get3A_751 = arith.index_cast %mul3A_669 : i32 to index
      %get3A_752 = tpu.vector_load %get3A_749[%get3A_750, %get3A_751] {strides = array<i32>} : memref<48x768xf32, #tpu.memory_space<vmem>>, vector<1x16xf32>,
      %get3A_753 = vector.shape_cast %get3A_752 : vector<1x16xf32> to vector<16xf32>
      %add3A_754 = arith.addf %add3A_714, %get3A_753 : vector<16xf32>
      %get3A_755 = arith.constant 9 : i32
      %get3A_756 = arith.constant 0 : i32
      %get3A_757 = arith.constant 0 : i32
      %get3A_758 = tpu.memref_slice %arg10[%scan3A_507, %get3A_756, %get3A_757] : memref<3x48x768xf32, #tpu.memory_space<vmem>> -> memref<1x48x768xf32, #tpu.memory_space<vmem>>
      %get3A_759 = tpu.memref_squeeze %get3A_758 : memref<1x48x768xf32, #tpu.memory_space<vmem>> -> memref<48x768xf32, #tpu.memory_space<vmem>>
      %get3A_760 = arith.index_cast %get3A_755 : i32 to index
      %get3A_761 = arith.index_cast %mul3A_669 : i32 to index
      %get3A_762 = tpu.vector_load %get3A_759[%get3A_760, %get3A_761] {strides = array<i32>} : memref<48x768xf32, #tpu.memory_space<vmem>>, vector<1x16xf32>,
      %get3A_763 = vector.shape_cast %get3A_762 : vector<1x16xf32> to vector<16xf32>
      %add3A_764 = arith.addf %add3A_724, %get3A_763 : vector<16xf32>
      %get3A_765 = arith.constant 10 : i32
      %get3A_766 = arith.constant 0 : i32
      %get3A_767 = arith.constant 0 : i32
      %get3A_768 = tpu.memref_slice %arg10[%scan3A_507, %get3A_766, %get3A_767] : memref<3x48x768xf32, #tpu.memory_space<vmem>> -> memref<1x48x768xf32, #tpu.memory_space<vmem>>
      %get3A_769 = tpu.memref_squeeze %get3A_768 : memref<1x48x768xf32, #tpu.memory_space<vmem>> -> memref<48x768xf32, #tpu.memory_space<vmem>>
      %get3A_770 = arith.index_cast %get3A_765 : i32 to index
      %get3A_771 = arith.index_cast %mul3A_669 : i32 to index
      %get3A_772 = tpu.vector_load %get3A_769[%get3A_770, %get3A_771] {strides = array<i32>} : memref<48x768xf32, #tpu.memory_space<vmem>>, vector<1x16xf32>,
      %get3A_773 = vector.shape_cast %get3A_772 : vector<1x16xf32> to vector<16xf32>
      %add3A_774 = arith.addf %add3A_734, %get3A_773 : vector<16xf32>
      %get3A_775 = arith.constant 11 : i32
      %get3A_776 = arith.constant 0 : i32
      %get3A_777 = arith.constant 0 : i32
      %get3A_778 = tpu.memref_slice %arg10[%scan3A_507, %get3A_776, %get3A_777] : memref<3x48x768xf32, #tpu.memory_space<vmem>> -> memref<1x48x768xf32, #tpu.memory_space<vmem>>
      %get3A_779 = tpu.memref_squeeze %get3A_778 : memref<1x48x768xf32, #tpu.memory_space<vmem>> -> memref<48x768xf32, #tpu.memory_space<vmem>>
      %get3A_780 = arith.index_cast %get3A_775 : i32 to index
      %get3A_781 = arith.index_cast %mul3A_669 : i32 to index
      %get3A_782 = tpu.vector_load %get3A_779[%get3A_780, %get3A_781] {strides = array<i32>} : memref<48x768xf32, #tpu.memory_space<vmem>>, vector<1x16xf32>,
      %get3A_783 = vector.shape_cast %get3A_782 : vector<1x16xf32> to vector<16xf32>
      %add3A_784 = arith.addf %add3A_744, %get3A_783 : vector<16xf32>
      %get3A_785 = arith.constant 12 : i32
      %get3A_786 = arith.constant 0 : i32
      %get3A_787 = arith.constant 0 : i32
      %get3A_788 = tpu.memref_slice %arg10[%scan3A_507, %get3A_786, %get3A_787] : memref<3x48x768xf32, #tpu.memory_space<vmem>> -> memref<1x48x768xf32, #tpu.memory_space<vmem>>
      %get3A_789 = tpu.memref_squeeze %get3A_788 : memref<1x48x768xf32, #tpu.memory_space<vmem>> -> memref<48x768xf32, #tpu.memory_space<vmem>>
      %get3A_790 = arith.index_cast %get3A_785 : i32 to index
      %get3A_791 = arith.index_cast %mul3A_669 : i32 to index
      %get3A_792 = tpu.vector_load %get3A_789[%get3A_790, %get3A_791] {strides = array<i32>} : memref<48x768xf32, #tpu.memory_space<vmem>>, vector<1x16xf32>,
      %get3A_793 = vector.shape_cast %get3A_792 : vector<1x16xf32> to vector<16xf32>
      %add3A_794 = arith.addf %add3A_754, %get3A_793 : vector<16xf32>
      %get3A_795 = arith.constant 13 : i32
      %get3A_796 = arith.constant 0 : i32
      %get3A_797 = arith.constant 0 : i32
      %get3A_798 = tpu.memref_slice %arg10[%scan3A_507, %get3A_796, %get3A_797] : memref<3x48x768xf32, #tpu.memory_space<vmem>> -> memref<1x48x768xf32, #tpu.memory_space<vmem>>
      %get3A_799 = tpu.memref_squeeze %get3A_798 : memref<1x48x768xf32, #tpu.memory_space<vmem>> -> memref<48x768xf32, #tpu.memory_space<vmem>>
      %get3A_800 = arith.index_cast %get3A_795 : i32 to index
      %get3A_801 = arith.index_cast %mul3A_669 : i32 to index
      %get3A_802 = tpu.vector_load %get3A_799[%get3A_800, %get3A_801] {strides = array<i32>} : memref<48x768xf32, #tpu.memory_space<vmem>>, vector<1x16xf32>,
      %get3A_803 = vector.shape_cast %get3A_802 : vector<1x16xf32> to vector<16xf32>
      %add3A_804 = arith.addf %add3A_764, %get3A_803 : vector<16xf32>
      %get3A_805 = arith.constant 14 : i32
      %get3A_806 = arith.constant 0 : i32
      %get3A_807 = arith.constant 0 : i32
      %get3A_808 = tpu.memref_slice %arg10[%scan3A_507, %get3A_806, %get3A_807] : memref<3x48x768xf32, #tpu.memory_space<vmem>> -> memref<1x48x768xf32, #tpu.memory_space<vmem>>
      %get3A_809 = tpu.memref_squeeze %get3A_808 : memref<1x48x768xf32, #tpu.memory_space<vmem>> -> memref<48x768xf32, #tpu.memory_space<vmem>>
      %get3A_810 = arith.index_cast %get3A_805 : i32 to index
      %get3A_811 = arith.index_cast %mul3A_669 : i32 to index
      %get3A_812 = tpu.vector_load %get3A_809[%get3A_810, %get3A_811] {strides = array<i32>} : memref<48x768xf32, #tpu.memory_space<vmem>>, vector<1x16xf32>,
      %get3A_813 = vector.shape_cast %get3A_812 : vector<1x16xf32> to vector<16xf32>
      %add3A_814 = arith.addf %add3A_774, %get3A_813 : vector<16xf32>
      %get3A_815 = arith.constant 15 : i32
      %get3A_816 = arith.constant 0 : i32
      %get3A_817 = arith.constant 0 : i32
      %get3A_818 = tpu.memref_slice %arg10[%scan3A_507, %get3A_816, %get3A_817] : memref<3x48x768xf32, #tpu.memory_space<vmem>> -> memref<1x48x768xf32, #tpu.memory_space<vmem>>
      %get3A_819 = tpu.memref_squeeze %get3A_818 : memref<1x48x768xf32, #tpu.memory_space<vmem>> -> memref<48x768xf32, #tpu.memory_space<vmem>>
      %get3A_820 = arith.index_cast %get3A_815 : i32 to index
      %get3A_821 = arith.index_cast %mul3A_669 : i32 to index
      %get3A_822 = tpu.vector_load %get3A_819[%get3A_820, %get3A_821] {strides = array<i32>} : memref<48x768xf32, #tpu.memory_space<vmem>>, vector<1x16xf32>,
      %get3A_823 = vector.shape_cast %get3A_822 : vector<1x16xf32> to vector<16xf32>
      %add3A_824 = arith.addf %add3A_784, %get3A_823 : vector<16xf32>
      %get3A_825 = arith.constant 16 : i32
      %get3A_826 = arith.constant 0 : i32
      %get3A_827 = arith.constant 0 : i32
      %get3A_828 = tpu.memref_slice %arg10[%scan3A_507, %get3A_826, %get3A_827] : memref<3x48x768xf32, #tpu.memory_space<vmem>> -> memref<1x48x768xf32, #tpu.memory_space<vmem>>
      %get3A_829 = tpu.memref_squeeze %get3A_828 : memref<1x48x768xf32, #tpu.memory_space<vmem>> -> memref<48x768xf32, #tpu.memory_space<vmem>>
      %get3A_830 = arith.index_cast %get3A_825 : i32 to index
      %get3A_831 = arith.index_cast %mul3A_669 : i32 to index
      %get3A_832 = tpu.vector_load %get3A_829[%get3A_830, %get3A_831] {strides = array<i32>} : memref<48x768xf32, #tpu.memory_space<vmem>>, vector<1x16xf32>,
      %get3A_833 = vector.shape_cast %get3A_832 : vector<1x16xf32> to vector<16xf32>
      %add3A_834 = arith.addf %add3A_794, %get3A_833 : vector<16xf32>
      %get3A_835 = arith.constant 17 : i32
      %get3A_836 = arith.constant 0 : i32
      %get3A_837 = arith.constant 0 : i32
      %get3A_838 = tpu.memref_slice %arg10[%scan3A_507, %get3A_836, %get3A_837] : memref<3x48x768xf32, #tpu.memory_space<vmem>> -> memref<1x48x768xf32, #tpu.memory_space<vmem>>
      %get3A_839 = tpu.memref_squeeze %get3A_838 : memref<1x48x768xf32, #tpu.memory_space<vmem>> -> memref<48x768xf32, #tpu.memory_space<vmem>>
      %get3A_840 = arith.index_cast %get3A_835 : i32 to index
      %get3A_841 = arith.index_cast %mul3A_669 : i32 to index
      %get3A_842 = tpu.vector_load %get3A_839[%get3A_840, %get3A_841] {strides = array<i32>} : memref<48x768xf32, #tpu.memory_space<vmem>>, vector<1x16xf32>,
      %get3A_843 = vector.shape_cast %get3A_842 : vector<1x16xf32> to vector<16xf32>
      %add3A_844 = arith.addf %add3A_804, %get3A_843 : vector<16xf32>
      %get3A_845 = arith.constant 18 : i32
      %get3A_846 = arith.constant 0 : i32
      %get3A_847 = arith.constant 0 : i32
      %get3A_848 = tpu.memref_slice %arg10[%scan3A_507, %get3A_846, %get3A_847] : memref<3x48x768xf32, #tpu.memory_space<vmem>> -> memref<1x48x768xf32, #tpu.memory_space<vmem>>
      %get3A_849 = tpu.memref_squeeze %get3A_848 : memref<1x48x768xf32, #tpu.memory_space<vmem>> -> memref<48x768xf32, #tpu.memory_space<vmem>>
      %get3A_850 = arith.index_cast %get3A_845 : i32 to index
      %get3A_851 = arith.index_cast %mul3A_669 : i32 to index
      %get3A_852 = tpu.vector_load %get3A_849[%get3A_850, %get3A_851] {strides = array<i32>} : memref<48x768xf32, #tpu.memory_space<vmem>>, vector<1x16xf32>,
      %get3A_853 = vector.shape_cast %get3A_852 : vector<1x16xf32> to vector<16xf32>
      %add3A_854 = arith.addf %add3A_814, %get3A_853 : vector<16xf32>
      %get3A_855 = arith.constant 19 : i32
      %get3A_856 = arith.constant 0 : i32
      %get3A_857 = arith.constant 0 : i32
      %get3A_858 = tpu.memref_slice %arg10[%scan3A_507, %get3A_856, %get3A_857] : memref<3x48x768xf32, #tpu.memory_space<vmem>> -> memref<1x48x768xf32, #tpu.memory_space<vmem>>
      %get3A_859 = tpu.memref_squeeze %get3A_858 : memref<1x48x768xf32, #tpu.memory_space<vmem>> -> memref<48x768xf32, #tpu.memory_space<vmem>>
      %get3A_860 = arith.index_cast %get3A_855 : i32 to index
      %get3A_861 = arith.index_cast %mul3A_669 : i32 to index
      %get3A_862 = tpu.vector_load %get3A_859[%get3A_860, %get3A_861] {strides = array<i32>} : memref<48x768xf32, #tpu.memory_space<vmem>>, vector<1x16xf32>,
      %get3A_863 = vector.shape_cast %get3A_862 : vector<1x16xf32> to vector<16xf32>
      %add3A_864 = arith.addf %add3A_824, %get3A_863 : vector<16xf32>
      %get3A_865 = arith.constant 20 : i32
      %get3A_866 = arith.constant 0 : i32
      %get3A_867 = arith.constant 0 : i32
      %get3A_868 = tpu.memref_slice %arg10[%scan3A_507, %get3A_866, %get3A_867] : memref<3x48x768xf32, #tpu.memory_space<vmem>> -> memref<1x48x768xf32, #tpu.memory_space<vmem>>
      %get3A_869 = tpu.memref_squeeze %get3A_868 : memref<1x48x768xf32, #tpu.memory_space<vmem>> -> memref<48x768xf32, #tpu.memory_space<vmem>>
      %get3A_870 = arith.index_cast %get3A_865 : i32 to index
      %get3A_871 = arith.index_cast %mul3A_669 : i32 to index
      %get3A_872 = tpu.vector_load %get3A_869[%get3A_870, %get3A_871] {strides = array<i32>} : memref<48x768xf32, #tpu.memory_space<vmem>>, vector<1x16xf32>,
      %get3A_873 = vector.shape_cast %get3A_872 : vector<1x16xf32> to vector<16xf32>
      %add3A_874 = arith.addf %add3A_834, %get3A_873 : vector<16xf32>
      %get3A_875 = arith.constant 21 : i32
      %get3A_876 = arith.constant 0 : i32
      %get3A_877 = arith.constant 0 : i32
      %get3A_878 = tpu.memref_slice %arg10[%scan3A_507, %get3A_876, %get3A_877] : memref<3x48x768xf32, #tpu.memory_space<vmem>> -> memref<1x48x768xf32, #tpu.memory_space<vmem>>
      %get3A_879 = tpu.memref_squeeze %get3A_878 : memref<1x48x768xf32, #tpu.memory_space<vmem>> -> memref<48x768xf32, #tpu.memory_space<vmem>>
      %get3A_880 = arith.index_cast %get3A_875 : i32 to index
      %get3A_881 = arith.index_cast %mul3A_669 : i32 to index
      %get3A_882 = tpu.vector_load %get3A_879[%get3A_880, %get3A_881] {strides = array<i32>} : memref<48x768xf32, #tpu.memory_space<vmem>>, vector<1x16xf32>,
      %get3A_883 = vector.shape_cast %get3A_882 : vector<1x16xf32> to vector<16xf32>
      %add3A_884 = arith.addf %add3A_844, %get3A_883 : vector<16xf32>
      %get3A_885 = arith.constant 22 : i32
      %get3A_886 = arith.constant 0 : i32
      %get3A_887 = arith.constant 0 : i32
      %get3A_888 = tpu.memref_slice %arg10[%scan3A_507, %get3A_886, %get3A_887] : memref<3x48x768xf32, #tpu.memory_space<vmem>> -> memref<1x48x768xf32, #tpu.memory_space<vmem>>
      %get3A_889 = tpu.memref_squeeze %get3A_888 : memref<1x48x768xf32, #tpu.memory_space<vmem>> -> memref<48x768xf32, #tpu.memory_space<vmem>>
      %get3A_890 = arith.index_cast %get3A_885 : i32 to index
      %get3A_891 = arith.index_cast %mul3A_669 : i32 to index
      %get3A_892 = tpu.vector_load %get3A_889[%get3A_890, %get3A_891] {strides = array<i32>} : memref<48x768xf32, #tpu.memory_space<vmem>>, vector<1x16xf32>,
      %get3A_893 = vector.shape_cast %get3A_892 : vector<1x16xf32> to vector<16xf32>
      %add3A_894 = arith.addf %add3A_854, %get3A_893 : vector<16xf32>
      %get3A_895 = arith.constant 23 : i32
      %get3A_896 = arith.constant 0 : i32
      %get3A_897 = arith.constant 0 : i32
      %get3A_898 = tpu.memref_slice %arg10[%scan3A_507, %get3A_896, %get3A_897] : memref<3x48x768xf32, #tpu.memory_space<vmem>> -> memref<1x48x768xf32, #tpu.memory_space<vmem>>
      %get3A_899 = tpu.memref_squeeze %get3A_898 : memref<1x48x768xf32, #tpu.memory_space<vmem>> -> memref<48x768xf32, #tpu.memory_space<vmem>>
      %get3A_900 = arith.index_cast %get3A_895 : i32 to index
      %get3A_901 = arith.index_cast %mul3A_669 : i32 to index
      %get3A_902 = tpu.vector_load %get3A_899[%get3A_900, %get3A_901] {strides = array<i32>} : memref<48x768xf32, #tpu.memory_space<vmem>>, vector<1x16xf32>,
      %get3A_903 = vector.shape_cast %get3A_902 : vector<1x16xf32> to vector<16xf32>
      %add3A_904 = arith.addf %add3A_864, %get3A_903 : vector<16xf32>
      %get3A_905 = arith.constant 24 : i32
      %get3A_906 = arith.constant 0 : i32
      %get3A_907 = arith.constant 0 : i32
      %get3A_908 = tpu.memref_slice %arg10[%scan3A_507, %get3A_906, %get3A_907] : memref<3x48x768xf32, #tpu.memory_space<vmem>> -> memref<1x48x768xf32, #tpu.memory_space<vmem>>
      %get3A_909 = tpu.memref_squeeze %get3A_908 : memref<1x48x768xf32, #tpu.memory_space<vmem>> -> memref<48x768xf32, #tpu.memory_space<vmem>>
      %get3A_910 = arith.index_cast %get3A_905 : i32 to index
      %get3A_911 = arith.index_cast %mul3A_669 : i32 to index
      %get3A_912 = tpu.vector_load %get3A_909[%get3A_910, %get3A_911] {strides = array<i32>} : memref<48x768xf32, #tpu.memory_space<vmem>>, vector<1x16xf32>,
      %get3A_913 = vector.shape_cast %get3A_912 : vector<1x16xf32> to vector<16xf32>
      %add3A_914 = arith.addf %add3A_874, %get3A_913 : vector<16xf32>
      %get3A_915 = arith.constant 25 : i32
      %get3A_916 = arith.constant 0 : i32
      %get3A_917 = arith.constant 0 : i32
      %get3A_918 = tpu.memref_slice %arg10[%scan3A_507, %get3A_916, %get3A_917] : memref<3x48x768xf32, #tpu.memory_space<vmem>> -> memref<1x48x768xf32, #tpu.memory_space<vmem>>
      %get3A_919 = tpu.memref_squeeze %get3A_918 : memref<1x48x768xf32, #tpu.memory_space<vmem>> -> memref<48x768xf32, #tpu.memory_space<vmem>>
      %get3A_920 = arith.index_cast %get3A_915 : i32 to index
      %get3A_921 = arith.index_cast %mul3A_669 : i32 to index
      %get3A_922 = tpu.vector_load %get3A_919[%get3A_920, %get3A_921] {strides = array<i32>} : memref<48x768xf32, #tpu.memory_space<vmem>>, vector<1x16xf32>,
      %get3A_923 = vector.shape_cast %get3A_922 : vector<1x16xf32> to vector<16xf32>
      %add3A_924 = arith.addf %add3A_884, %get3A_923 : vector<16xf32>
      %get3A_925 = arith.constant 26 : i32
      %get3A_926 = arith.constant 0 : i32
      %get3A_927 = arith.constant 0 : i32
      %get3A_928 = tpu.memref_slice %arg10[%scan3A_507, %get3A_926, %get3A_927] : memref<3x48x768xf32, #tpu.memory_space<vmem>> -> memref<1x48x768xf32, #tpu.memory_space<vmem>>
      %get3A_929 = tpu.memref_squeeze %get3A_928 : memref<1x48x768xf32, #tpu.memory_space<vmem>> -> memref<48x768xf32, #tpu.memory_space<vmem>>
      %get3A_930 = arith.index_cast %get3A_925 : i32 to index
      %get3A_931 = arith.index_cast %mul3A_669 : i32 to index
      %get3A_932 = tpu.vector_load %get3A_929[%get3A_930, %get3A_931] {strides = array<i32>} : memref<48x768xf32, #tpu.memory_space<vmem>>, vector<1x16xf32>,
      %get3A_933 = vector.shape_cast %get3A_932 : vector<1x16xf32> to vector<16xf32>
      %add3A_934 = arith.addf %add3A_894, %get3A_933 : vector<16xf32>
      %get3A_935 = arith.constant 27 : i32
      %get3A_936 = arith.constant 0 : i32
      %get3A_937 = arith.constant 0 : i32
      %get3A_938 = tpu.memref_slice %arg10[%scan3A_507, %get3A_936, %get3A_937] : memref<3x48x768xf32, #tpu.memory_space<vmem>> -> memref<1x48x768xf32, #tpu.memory_space<vmem>>
      %get3A_939 = tpu.memref_squeeze %get3A_938 : memref<1x48x768xf32, #tpu.memory_space<vmem>> -> memref<48x768xf32, #tpu.memory_space<vmem>>
      %get3A_940 = arith.index_cast %get3A_935 : i32 to index
      %get3A_941 = arith.index_cast %mul3A_669 : i32 to index
      %get3A_942 = tpu.vector_load %get3A_939[%get3A_940, %get3A_941] {strides = array<i32>} : memref<48x768xf32, #tpu.memory_space<vmem>>, vector<1x16xf32>,
      %get3A_943 = vector.shape_cast %get3A_942 : vector<1x16xf32> to vector<16xf32>
      %add3A_944 = arith.addf %add3A_904, %get3A_943 : vector<16xf32>
      %get3A_945 = arith.constant 28 : i32
      %get3A_946 = arith.constant 0 : i32
      %get3A_947 = arith.constant 0 : i32
      %get3A_948 = tpu.memref_slice %arg10[%scan3A_507, %get3A_946, %get3A_947] : memref<3x48x768xf32, #tpu.memory_space<vmem>> -> memref<1x48x768xf32, #tpu.memory_space<vmem>>
      %get3A_949 = tpu.memref_squeeze %get3A_948 : memref<1x48x768xf32, #tpu.memory_space<vmem>> -> memref<48x768xf32, #tpu.memory_space<vmem>>
      %get3A_950 = arith.index_cast %get3A_945 : i32 to index
      %get3A_951 = arith.index_cast %mul3A_669 : i32 to index
      %get3A_952 = tpu.vector_load %get3A_949[%get3A_950, %get3A_951] {strides = array<i32>} : memref<48x768xf32, #tpu.memory_space<vmem>>, vector<1x16xf32>,
      %get3A_953 = vector.shape_cast %get3A_952 : vector<1x16xf32> to vector<16xf32>
      %add3A_954 = arith.addf %add3A_914, %get3A_953 : vector<16xf32>
      %get3A_955 = arith.constant 29 : i32
      %get3A_956 = arith.constant 0 : i32
      %get3A_957 = arith.constant 0 : i32
      %get3A_958 = tpu.memref_slice %arg10[%scan3A_507, %get3A_956, %get3A_957] : memref<3x48x768xf32, #tpu.memory_space<vmem>> -> memref<1x48x768xf32, #tpu.memory_space<vmem>>
      %get3A_959 = tpu.memref_squeeze %get3A_958 : memref<1x48x768xf32, #tpu.memory_space<vmem>> -> memref<48x768xf32, #tpu.memory_space<vmem>>
      %get3A_960 = arith.index_cast %get3A_955 : i32 to index
      %get3A_961 = arith.index_cast %mul3A_669 : i32 to index
      %get3A_962 = tpu.vector_load %get3A_959[%get3A_960, %get3A_961] {strides = array<i32>} : memref<48x768xf32, #tpu.memory_space<vmem>>, vector<1x16xf32>,
      %get3A_963 = vector.shape_cast %get3A_962 : vector<1x16xf32> to vector<16xf32>
      %add3A_964 = arith.addf %add3A_924, %get3A_963 : vector<16xf32>
      %get3A_965 = arith.constant 30 : i32
      %get3A_966 = arith.constant 0 : i32
      %get3A_967 = arith.constant 0 : i32
      %get3A_968 = tpu.memref_slice %arg10[%scan3A_507, %get3A_966, %get3A_967] : memref<3x48x768xf32, #tpu.memory_space<vmem>> -> memref<1x48x768xf32, #tpu.memory_space<vmem>>
      %get3A_969 = tpu.memref_squeeze %get3A_968 : memref<1x48x768xf32, #tpu.memory_space<vmem>> -> memref<48x768xf32, #tpu.memory_space<vmem>>
      %get3A_970 = arith.index_cast %get3A_965 : i32 to index
      %get3A_971 = arith.index_cast %mul3A_669 : i32 to index
      %get3A_972 = tpu.vector_load %get3A_969[%get3A_970, %get3A_971] {strides = array<i32>} : memref<48x768xf32, #tpu.memory_space<vmem>>, vector<1x16xf32>,
      %get3A_973 = vector.shape_cast %get3A_972 : vector<1x16xf32> to vector<16xf32>
      %add3A_974 = arith.addf %add3A_934, %get3A_973 : vector<16xf32>
      %get3A_975 = arith.constant 31 : i32
      %get3A_976 = arith.constant 0 : i32
      %get3A_977 = arith.constant 0 : i32
      %get3A_978 = tpu.memref_slice %arg10[%scan3A_507, %get3A_976, %get3A_977] : memref<3x48x768xf32, #tpu.memory_space<vmem>> -> memref<1x48x768xf32, #tpu.memory_space<vmem>>
      %get3A_979 = tpu.memref_squeeze %get3A_978 : memref<1x48x768xf32, #tpu.memory_space<vmem>> -> memref<48x768xf32, #tpu.memory_space<vmem>>
      %get3A_980 = arith.index_cast %get3A_975 : i32 to index
      %get3A_981 = arith.index_cast %mul3A_669 : i32 to index
      %get3A_982 = tpu.vector_load %get3A_979[%get3A_980, %get3A_981] {strides = array<i32>} : memref<48x768xf32, #tpu.memory_space<vmem>>, vector<1x16xf32>,
      %get3A_983 = vector.shape_cast %get3A_982 : vector<1x16xf32> to vector<16xf32>
      %add3A_984 = arith.addf %add3A_944, %get3A_983 : vector<16xf32>
      %get3A_985 = arith.constant 32 : i32
      %get3A_986 = arith.constant 0 : i32
      %get3A_987 = arith.constant 0 : i32
      %get3A_988 = tpu.memref_slice %arg10[%scan3A_507, %get3A_986, %get3A_987] : memref<3x48x768xf32, #tpu.memory_space<vmem>> -> memref<1x48x768xf32, #tpu.memory_space<vmem>>
      %get3A_989 = tpu.memref_squeeze %get3A_988 : memref<1x48x768xf32, #tpu.memory_space<vmem>> -> memref<48x768xf32, #tpu.memory_space<vmem>>
      %get3A_990 = arith.index_cast %get3A_985 : i32 to index
      %get3A_991 = arith.index_cast %mul3A_669 : i32 to index
      %get3A_992 = tpu.vector_load %get3A_989[%get3A_990, %get3A_991] {strides = array<i32>} : memref<48x768xf32, #tpu.memory_space<vmem>>, vector<1x16xf32>,
      %get3A_993 = vector.shape_cast %get3A_992 : vector<1x16xf32> to vector<16xf32>
      %add3A_994 = arith.addf %add3A_954, %get3A_993 : vector<16xf32>
      %get3A_995 = arith.constant 33 : i32
      %get3A_996 = arith.constant 0 : i32
      %get3A_997 = arith.constant 0 : i32
      %get3A_998 = tpu.memref_slice %arg10[%scan3A_507, %get3A_996, %get3A_997] : memref<3x48x768xf32, #tpu.memory_space<vmem>> -> memref<1x48x768xf32, #tpu.memory_space<vmem>>
      %get3A_999 = tpu.memref_squeeze %get3A_998 : memref<1x48x768xf32, #tpu.memory_space<vmem>> -> memref<48x768xf32, #tpu.memory_space<vmem>>
      %get3A_1000 = arith.index_cast %get3A_995 : i32 to index
      %get3A_1001 = arith.index_cast %mul3A_669 : i32 to index
      %get3A_1002 = tpu.vector_load %get3A_999[%get3A_1000, %get3A_1001] {strides = array<i32>} : memref<48x768xf32, #tpu.memory_space<vmem>>, vector<1x16xf32>,
      %get3A_1003 = vector.shape_cast %get3A_1002 : vector<1x16xf32> to vector<16xf32>
      %add3A_1004 = arith.addf %add3A_964, %get3A_1003 : vector<16xf32>
      %get3A_1005 = arith.constant 34 : i32
      %get3A_1006 = arith.constant 0 : i32
      %get3A_1007 = arith.constant 0 : i32
      %get3A_1008 = tpu.memref_slice %arg10[%scan3A_507, %get3A_1006, %get3A_1007] : memref<3x48x768xf32, #tpu.memory_space<vmem>> -> memref<1x48x768xf32, #tpu.memory_space<vmem>>
      %get3A_1009 = tpu.memref_squeeze %get3A_1008 : memref<1x48x768xf32, #tpu.memory_space<vmem>> -> memref<48x768xf32, #tpu.memory_space<vmem>>
      %get3A_1010 = arith.index_cast %get3A_1005 : i32 to index
      %get3A_1011 = arith.index_cast %mul3A_669 : i32 to index
      %get3A_1012 = tpu.vector_load %get3A_1009[%get3A_1010, %get3A_1011] {strides = array<i32>} : memref<48x768xf32, #tpu.memory_space<vmem>>, vector<1x16xf32>,
      %get3A_1013 = vector.shape_cast %get3A_1012 : vector<1x16xf32> to vector<16xf32>
      %add3A_1014 = arith.addf %add3A_974, %get3A_1013 : vector<16xf32>
      %get3A_1015 = arith.constant 35 : i32
      %get3A_1016 = arith.constant 0 : i32
      %get3A_1017 = arith.constant 0 : i32
      %get3A_1018 = tpu.memref_slice %arg10[%scan3A_507, %get3A_1016, %get3A_1017] : memref<3x48x768xf32, #tpu.memory_space<vmem>> -> memref<1x48x768xf32, #tpu.memory_space<vmem>>
      %get3A_1019 = tpu.memref_squeeze %get3A_1018 : memref<1x48x768xf32, #tpu.memory_space<vmem>> -> memref<48x768xf32, #tpu.memory_space<vmem>>
      %get3A_1020 = arith.index_cast %get3A_1015 : i32 to index
      %get3A_1021 = arith.index_cast %mul3A_669 : i32 to index
      %get3A_1022 = tpu.vector_load %get3A_1019[%get3A_1020, %get3A_1021] {strides = array<i32>} : memref<48x768xf32, #tpu.memory_space<vmem>>, vector<1x16xf32>,
      %get3A_1023 = vector.shape_cast %get3A_1022 : vector<1x16xf32> to vector<16xf32>
      %add3A_1024 = arith.addf %add3A_984, %get3A_1023 : vector<16xf32>
      %get3A_1025 = arith.constant 36 : i32
      %get3A_1026 = arith.constant 0 : i32
      %get3A_1027 = arith.constant 0 : i32
      %get3A_1028 = tpu.memref_slice %arg10[%scan3A_507, %get3A_1026, %get3A_1027] : memref<3x48x768xf32, #tpu.memory_space<vmem>> -> memref<1x48x768xf32, #tpu.memory_space<vmem>>
      %get3A_1029 = tpu.memref_squeeze %get3A_1028 : memref<1x48x768xf32, #tpu.memory_space<vmem>> -> memref<48x768xf32, #tpu.memory_space<vmem>>
      %get3A_1030 = arith.index_cast %get3A_1025 : i32 to index
      %get3A_1031 = arith.index_cast %mul3A_669 : i32 to index
      %get3A_1032 = tpu.vector_load %get3A_1029[%get3A_1030, %get3A_1031] {strides = array<i32>} : memref<48x768xf32, #tpu.memory_space<vmem>>, vector<1x16xf32>,
      %get3A_1033 = vector.shape_cast %get3A_1032 : vector<1x16xf32> to vector<16xf32>
      %add3A_1034 = arith.addf %add3A_994, %get3A_1033 : vector<16xf32>
      %get3A_1035 = arith.constant 37 : i32
      %get3A_1036 = arith.constant 0 : i32
      %get3A_1037 = arith.constant 0 : i32
      %get3A_1038 = tpu.memref_slice %arg10[%scan3A_507, %get3A_1036, %get3A_1037] : memref<3x48x768xf32, #tpu.memory_space<vmem>> -> memref<1x48x768xf32, #tpu.memory_space<vmem>>
      %get3A_1039 = tpu.memref_squeeze %get3A_1038 : memref<1x48x768xf32, #tpu.memory_space<vmem>> -> memref<48x768xf32, #tpu.memory_space<vmem>>
      %get3A_1040 = arith.index_cast %get3A_1035 : i32 to index
      %get3A_1041 = arith.index_cast %mul3A_669 : i32 to index
      %get3A_1042 = tpu.vector_load %get3A_1039[%get3A_1040, %get3A_1041] {strides = array<i32>} : memref<48x768xf32, #tpu.memory_space<vmem>>, vector<1x16xf32>,
      %get3A_1043 = vector.shape_cast %get3A_1042 : vector<1x16xf32> to vector<16xf32>
      %add3A_1044 = arith.addf %add3A_1004, %get3A_1043 : vector<16xf32>
      %get3A_1045 = arith.constant 38 : i32
      %get3A_1046 = arith.constant 0 : i32
      %get3A_1047 = arith.constant 0 : i32
      %get3A_1048 = tpu.memref_slice %arg10[%scan3A_507, %get3A_1046, %get3A_1047] : memref<3x48x768xf32, #tpu.memory_space<vmem>> -> memref<1x48x768xf32, #tpu.memory_space<vmem>>
      %get3A_1049 = tpu.memref_squeeze %get3A_1048 : memref<1x48x768xf32, #tpu.memory_space<vmem>> -> memref<48x768xf32, #tpu.memory_space<vmem>>
      %get3A_1050 = arith.index_cast %get3A_1045 : i32 to index
      %get3A_1051 = arith.index_cast %mul3A_669 : i32 to index
      %get3A_1052 = tpu.vector_load %get3A_1049[%get3A_1050, %get3A_1051] {strides = array<i32>} : memref<48x768xf32, #tpu.memory_space<vmem>>, vector<1x16xf32>,
      %get3A_1053 = vector.shape_cast %get3A_1052 : vector<1x16xf32> to vector<16xf32>
      %add3A_1054 = arith.addf %add3A_1014, %get3A_1053 : vector<16xf32>
      %get3A_1055 = arith.constant 39 : i32
      %get3A_1056 = arith.constant 0 : i32
      %get3A_1057 = arith.constant 0 : i32
      %get3A_1058 = tpu.memref_slice %arg10[%scan3A_507, %get3A_1056, %get3A_1057] : memref<3x48x768xf32, #tpu.memory_space<vmem>> -> memref<1x48x768xf32, #tpu.memory_space<vmem>>
      %get3A_1059 = tpu.memref_squeeze %get3A_1058 : memref<1x48x768xf32, #tpu.memory_space<vmem>> -> memref<48x768xf32, #tpu.memory_space<vmem>>
      %get3A_1060 = arith.index_cast %get3A_1055 : i32 to index
      %get3A_1061 = arith.index_cast %mul3A_669 : i32 to index
      %get3A_1062 = tpu.vector_load %get3A_1059[%get3A_1060, %get3A_1061] {strides = array<i32>} : memref<48x768xf32, #tpu.memory_space<vmem>>, vector<1x16xf32>,
      %get3A_1063 = vector.shape_cast %get3A_1062 : vector<1x16xf32> to vector<16xf32>
      %add3A_1064 = arith.addf %add3A_1024, %get3A_1063 : vector<16xf32>
      %get3A_1065 = arith.constant 40 : i32
      %get3A_1066 = arith.constant 0 : i32
      %get3A_1067 = arith.constant 0 : i32
      %get3A_1068 = tpu.memref_slice %arg10[%scan3A_507, %get3A_1066, %get3A_1067] : memref<3x48x768xf32, #tpu.memory_space<vmem>> -> memref<1x48x768xf32, #tpu.memory_space<vmem>>
      %get3A_1069 = tpu.memref_squeeze %get3A_1068 : memref<1x48x768xf32, #tpu.memory_space<vmem>> -> memref<48x768xf32, #tpu.memory_space<vmem>>
      %get3A_1070 = arith.index_cast %get3A_1065 : i32 to index
      %get3A_1071 = arith.index_cast %mul3A_669 : i32 to index
      %get3A_1072 = tpu.vector_load %get3A_1069[%get3A_1070, %get3A_1071] {strides = array<i32>} : memref<48x768xf32, #tpu.memory_space<vmem>>, vector<1x16xf32>,
      %get3A_1073 = vector.shape_cast %get3A_1072 : vector<1x16xf32> to vector<16xf32>
      %add3A_1074 = arith.addf %add3A_1034, %get3A_1073 : vector<16xf32>
      %get3A_1075 = arith.constant 41 : i32
      %get3A_1076 = arith.constant 0 : i32
      %get3A_1077 = arith.constant 0 : i32
      %get3A_1078 = tpu.memref_slice %arg10[%scan3A_507, %get3A_1076, %get3A_1077] : memref<3x48x768xf32, #tpu.memory_space<vmem>> -> memref<1x48x768xf32, #tpu.memory_space<vmem>>
      %get3A_1079 = tpu.memref_squeeze %get3A_1078 : memref<1x48x768xf32, #tpu.memory_space<vmem>> -> memref<48x768xf32, #tpu.memory_space<vmem>>
      %get3A_1080 = arith.index_cast %get3A_1075 : i32 to index
      %get3A_1081 = arith.index_cast %mul3A_669 : i32 to index
      %get3A_1082 = tpu.vector_load %get3A_1079[%get3A_1080, %get3A_1081] {strides = array<i32>} : memref<48x768xf32, #tpu.memory_space<vmem>>, vector<1x16xf32>,
      %get3A_1083 = vector.shape_cast %get3A_1082 : vector<1x16xf32> to vector<16xf32>
      %add3A_1084 = arith.addf %add3A_1044, %get3A_1083 : vector<16xf32>
      %get3A_1085 = arith.constant 42 : i32
      %get3A_1086 = arith.constant 0 : i32
      %get3A_1087 = arith.constant 0 : i32
      %get3A_1088 = tpu.memref_slice %arg10[%scan3A_507, %get3A_1086, %get3A_1087] : memref<3x48x768xf32, #tpu.memory_space<vmem>> -> memref<1x48x768xf32, #tpu.memory_space<vmem>>
      %get3A_1089 = tpu.memref_squeeze %get3A_1088 : memref<1x48x768xf32, #tpu.memory_space<vmem>> -> memref<48x768xf32, #tpu.memory_space<vmem>>
      %get3A_1090 = arith.index_cast %get3A_1085 : i32 to index
      %get3A_1091 = arith.index_cast %mul3A_669 : i32 to index
      %get3A_1092 = tpu.vector_load %get3A_1089[%get3A_1090, %get3A_1091] {strides = array<i32>} : memref<48x768xf32, #tpu.memory_space<vmem>>, vector<1x16xf32>,
      %get3A_1093 = vector.shape_cast %get3A_1092 : vector<1x16xf32> to vector<16xf32>
      %add3A_1094 = arith.addf %add3A_1054, %get3A_1093 : vector<16xf32>
      %get3A_1095 = arith.constant 43 : i32
      %get3A_1096 = arith.constant 0 : i32
      %get3A_1097 = arith.constant 0 : i32
      %get3A_1098 = tpu.memref_slice %arg10[%scan3A_507, %get3A_1096, %get3A_1097] : memref<3x48x768xf32, #tpu.memory_space<vmem>> -> memref<1x48x768xf32, #tpu.memory_space<vmem>>
      %get3A_1099 = tpu.memref_squeeze %get3A_1098 : memref<1x48x768xf32, #tpu.memory_space<vmem>> -> memref<48x768xf32, #tpu.memory_space<vmem>>
      %get3A_1100 = arith.index_cast %get3A_1095 : i32 to index
      %get3A_1101 = arith.index_cast %mul3A_669 : i32 to index
      %get3A_1102 = tpu.vector_load %get3A_1099[%get3A_1100, %get3A_1101] {strides = array<i32>} : memref<48x768xf32, #tpu.memory_space<vmem>>, vector<1x16xf32>,
      %get3A_1103 = vector.shape_cast %get3A_1102 : vector<1x16xf32> to vector<16xf32>
      %add3A_1104 = arith.addf %add3A_1064, %get3A_1103 : vector<16xf32>
      %get3A_1105 = arith.constant 44 : i32
      %get3A_1106 = arith.constant 0 : i32
      %get3A_1107 = arith.constant 0 : i32
      %get3A_1108 = tpu.memref_slice %arg10[%scan3A_507, %get3A_1106, %get3A_1107] : memref<3x48x768xf32, #tpu.memory_space<vmem>> -> memref<1x48x768xf32, #tpu.memory_space<vmem>>
      %get3A_1109 = tpu.memref_squeeze %get3A_1108 : memref<1x48x768xf32, #tpu.memory_space<vmem>> -> memref<48x768xf32, #tpu.memory_space<vmem>>
      %get3A_1110 = arith.index_cast %get3A_1105 : i32 to index
      %get3A_1111 = arith.index_cast %mul3A_669 : i32 to index
      %get3A_1112 = tpu.vector_load %get3A_1109[%get3A_1110, %get3A_1111] {strides = array<i32>} : memref<48x768xf32, #tpu.memory_space<vmem>>, vector<1x16xf32>,
      %get3A_1113 = vector.shape_cast %get3A_1112 : vector<1x16xf32> to vector<16xf32>
      %add3A_1114 = arith.addf %add3A_1074, %get3A_1113 : vector<16xf32>
      %get3A_1115 = arith.constant 45 : i32
      %get3A_1116 = arith.constant 0 : i32
      %get3A_1117 = arith.constant 0 : i32
      %get3A_1118 = tpu.memref_slice %arg10[%scan3A_507, %get3A_1116, %get3A_1117] : memref<3x48x768xf32, #tpu.memory_space<vmem>> -> memref<1x48x768xf32, #tpu.memory_space<vmem>>
      %get3A_1119 = tpu.memref_squeeze %get3A_1118 : memref<1x48x768xf32, #tpu.memory_space<vmem>> -> memref<48x768xf32, #tpu.memory_space<vmem>>
      %get3A_1120 = arith.index_cast %get3A_1115 : i32 to index
      %get3A_1121 = arith.index_cast %mul3A_669 : i32 to index
      %get3A_1122 = tpu.vector_load %get3A_1119[%get3A_1120, %get3A_1121] {strides = array<i32>} : memref<48x768xf32, #tpu.memory_space<vmem>>, vector<1x16xf32>,
      %get3A_1123 = vector.shape_cast %get3A_1122 : vector<1x16xf32> to vector<16xf32>
      %add3A_1124 = arith.addf %add3A_1084, %get3A_1123 : vector<16xf32>
      %get3A_1125 = arith.constant 46 : i32
      %get3A_1126 = arith.constant 0 : i32
      %get3A_1127 = arith.constant 0 : i32
      %get3A_1128 = tpu.memref_slice %arg10[%scan3A_507, %get3A_1126, %get3A_1127] : memref<3x48x768xf32, #tpu.memory_space<vmem>> -> memref<1x48x768xf32, #tpu.memory_space<vmem>>
      %get3A_1129 = tpu.memref_squeeze %get3A_1128 : memref<1x48x768xf32, #tpu.memory_space<vmem>> -> memref<48x768xf32, #tpu.memory_space<vmem>>
      %get3A_1130 = arith.index_cast %get3A_1125 : i32 to index
      %get3A_1131 = arith.index_cast %mul3A_669 : i32 to index
      %get3A_1132 = tpu.vector_load %get3A_1129[%get3A_1130, %get3A_1131] {strides = array<i32>} : memref<48x768xf32, #tpu.memory_space<vmem>>, vector<1x16xf32>,
      %get3A_1133 = vector.shape_cast %get3A_1132 : vector<1x16xf32> to vector<16xf32>
      %add3A_1134 = arith.addf %add3A_1094, %get3A_1133 : vector<16xf32>
      %get3A_1135 = arith.constant 47 : i32
      %get3A_1136 = arith.constant 0 : i32
      %get3A_1137 = arith.constant 0 : i32
      %get3A_1138 = tpu.memref_slice %arg10[%scan3A_507, %get3A_1136, %get3A_1137] : memref<3x48x768xf32, #tpu.memory_space<vmem>> -> memref<1x48x768xf32, #tpu.memory_space<vmem>>
      %get3A_1139 = tpu.memref_squeeze %get3A_1138 : memref<1x48x768xf32, #tpu.memory_space<vmem>> -> memref<48x768xf32, #tpu.memory_space<vmem>>
      %get3A_1140 = arith.index_cast %get3A_1135 : i32 to index
      %get3A_1141 = arith.index_cast %mul3A_669 : i32 to index
      %get3A_1142 = tpu.vector_load %get3A_1139[%get3A_1140, %get3A_1141] {strides = array<i32>} : memref<48x768xf32, #tpu.memory_space<vmem>>, vector<1x16xf32>,
      %get3A_1143 = vector.shape_cast %get3A_1142 : vector<1x16xf32> to vector<16xf32>
      %add3A_1144 = arith.addf %add3A_1104, %get3A_1143 : vector<16xf32>
      %add3A_1145 = arith.addf %add3A_1114, %add3A_1124 : vector<16xf32>
      %add3A_1146 = arith.addf %add3A_1134, %add3A_1144 : vector<16xf32>
      %add3A_1147 = arith.addf %add3A_1145, %add3A_1146 : vector<16xf32>
      %mul3A_1148 = vector.broadcast %scan3A_508 : f32 to vector<16xf32>
      %mul3A_1149 = arith.mulf %add3A_1147, %mul3A_1148 : vector<16xf32>
      %swap3A = arith.constant 4 : i32
      %swap3A_1150 = arith.index_cast %swap3A : i32 to index
      %swap3A_1151 = arith.index_cast %mul3A_669 : i32 to index
      %swap3A_1152 = tpu.vector_load %arg11[%swap3A_1150, %swap3A_1151] {strides = array<i32>} : memref<6x768xf32, #tpu.memory_space<vmem>>, vector<1x16xf32>,
      %swap3A_1153 = vector.shape_cast %swap3A_1152 : vector<1x16xf32> to vector<16xf32>
      %swap3A_1154 = vector.shape_cast %mul3A_1149 : vector<16xf32> to vector<1x16xf32>
      tpu.vector_store %arg11[%swap3A_1150, %swap3A_1151], %swap3A_1154 {strides = array<i32>} : memref<6x768xf32, #tpu.memory_space<vmem>>, vector<1x16xf32>,
      %scan3A_1155 = arith.constant 0 : i32
      scf.yield %scan3A_1155 : i32
    }
    %scan3A_515 = arith.constant 48 : i32
    %add3A_516 = arith.constant 0 : i32
    %add3A_517 = arith.addi %mul3A_2, %add3A_516 : i32
    %dma_start3A_518 = arith.constant 4 : i32
    %dma_start3A_519 = arith.constant 0 : i32
    %dma_start3A_520 = tpu.memref_slice %arg11[%dma_start3A_518, %dma_start3A_519] : memref<6x768xf32, #tpu.memory_space<vmem>> -> memref<1x768xf32, #tpu.memory_space<vmem>>
    %dma_start3A_521 = tpu.memref_squeeze %dma_start3A_520 : memref<1x768xf32, #tpu.memory_space<vmem>> -> memref<768xf32, #tpu.memory_space<vmem>>
    %dma_start3A_522 = arith.constant 0 : i32
    %dma_start3A_523 = tpu.memref_slice %arg8[%add3A_517, %dma_start3A_522] : memref<64x768xf32, #tpu.memory_space<hbm>> -> memref<1x768xf32, #tpu.memory_space<hbm>>
    %dma_start3A_524 = tpu.memref_squeeze %dma_start3A_523 : memref<1x768xf32, #tpu.memory_space<hbm>> -> memref<768xf32, #tpu.memory_space<hbm>>
    %dma_start3A_525 = arith.constant 0 : i32
    %dma_start3A_526 = tpu.memref_slice %arg8[%add3A_517, %dma_start3A_525] : memref<64x768xf32, #tpu.memory_space<hbm>> -> memref<1x768xf32, #tpu.memory_space<hbm>>
    %dma_start3A_527 = tpu.memref_squeeze %dma_start3A_526 : memref<1x768xf32, #tpu.memory_space<hbm>> -> memref<768xf32, #tpu.memory_space<hbm>>
    %dma_start3A_528 = arith.constant 0 : i32
    %dma_start3A_529 = tpu.memref_slice %arg11[%dma_start3A_518, %dma_start3A_528] : memref<6x768xf32, #tpu.memory_space<vmem>> -> memref<1x768xf32, #tpu.memory_space<vmem>>
    %dma_start3A_530 = tpu.memref_squeeze %dma_start3A_529 : memref<1x768xf32, #tpu.memory_space<vmem>> -> memref<768xf32, #tpu.memory_space<vmem>>
    tpu.enqueue_dma source(%dma_start3A_530 : memref<768xf32, #tpu.memory_space<vmem>>) target(%dma_start3A_527 : memref<768xf32, #tpu.memory_space<hbm>>) target_semaphore(%arg13 : memref<!tpu.dma_semaphore, #tpu.memory_space<semaphore_mem>>)
    %add3A_531 = arith.constant 1 : i32
    %add3A_532 = arith.addi %mul3A_2, %add3A_531 : i32
    %dma_wait3A_533 = arith.constant 5 : i32
    %dma_wait3A_534 = arith.constant 2 : i32
    %dma_wait3A_535 = arith.constant 2 : i32
    %dma_wait3A_536 = arith.constant 0 : i32
    %dma_wait3A_537 = arith.constant 0 : i32
    %dma_wait3A_538 = tpu.memref_slice %arg10[%dma_wait3A_534, %dma_wait3A_536, %dma_wait3A_537] : memref<3x48x768xf32, #tpu.memory_space<vmem>> -> memref<1x48x768xf32, #tpu.memory_space<vmem>>
    %dma_wait3A_539 = tpu.memref_squeeze %dma_wait3A_538 : memref<1x48x768xf32, #tpu.memory_space<vmem>> -> memref<48x768xf32, #tpu.memory_space<vmem>>
    %dma_wait3A_540 = arith.constant 0 : i32
    %dma_wait3A_541 = tpu.memref_slice %arg9[%dma_wait3A_533, %dma_wait3A_540] : memref<6x48xi32, #tpu.memory_space<vmem>> -> memref<1x48xi32, #tpu.memory_space<vmem>>
    %dma_wait3A_542 = tpu.memref_squeeze %dma_wait3A_541 : memref<1x48xi32, #tpu.memory_space<vmem>> -> memref<48xi32, #tpu.memory_space<vmem>>
    %dma_wait3A_543 = arith.constant 0 : i32
    %dma_wait3A_544 = arith.constant 0 : i32
    %dma_wait3A_545 = tpu.memref_slice %arg2[%add3A_532, %dma_wait3A_543, %dma_wait3A_544] : memref<64x512x768xf32, #tpu.memory_space<hbm>> -> memref<1x512x768xf32, #tpu.memory_space<hbm>>
    %dma_wait3A_546 = tpu.memref_squeeze %dma_wait3A_545 : memref<1x512x768xf32, #tpu.memory_space<hbm>> -> memref<512x768xf32, #tpu.memory_space<hbm>>
    %dma_wait3A_547 = arith.constant 0 : i32
    %dma_wait3A_548 = arith.constant 0 : i32
    %dma_wait3A_549 = tpu.memref_slice %dma_wait3A_546[%dma_wait3A_547, %dma_wait3A_548] : memref<512x768xf32, #tpu.memory_space<hbm>> -> memref<512x768xf32, #tpu.memory_space<hbm>>
    %dma_wait3A_550 = tpu.memref_slice %arg12[%dma_wait3A_535] : memref<3x!tpu.dma_semaphore, #tpu.memory_space<semaphore_mem>> -> memref<1x!tpu.dma_semaphore, #tpu.memory_space<semaphore_mem>>
    %dma_wait3A_551 = tpu.memref_squeeze %dma_wait3A_550 : memref<1x!tpu.dma_semaphore, #tpu.memory_space<semaphore_mem>> -> memref<!tpu.dma_semaphore, #tpu.memory_space<semaphore_mem>>
    tpu.wait_indirect_dma semaphore(%dma_wait3A_551 : memref<!tpu.dma_semaphore, #tpu.memory_space<semaphore_mem>>) src(%dma_wait3A_549 : memref<512x768xf32, #tpu.memory_space<hbm>>) dst(%dma_wait3A_539 : memref<48x768xf32, #tpu.memory_space<vmem>>)
    %scan3A_552 = arith.constant 2 : i32
    %scan3A_553 = arith.constant 0.020833334 : f32
    %scan3A_554 = arith.constant 0 : i32
    %scan3A_555 = arith.constant 0 : i32
    %scan3A_556 = arith.constant 48 : i32
    %scan3A_557 = arith.addi %scan3A_555, %scan3A_556 : i32
    %scan3A_558 = arith.constant 1 : i32
    %scan3A_559 = scf.for %scan3A_666 = %scan3A_555 to %scan3A_557 step %scan3A_558 iter_args(%scan3A_667 = %scan3A_554) -> (i32)  : i32 {
      %mul3A_668 = arith.constant 16 : i32
      %mul3A_669 = arith.muli %scan3A_666, %mul3A_668 : i32
      %get3A = arith.constant 0 : i32
      %get3A_670 = arith.constant 0 : i32
      %get3A_671 = arith.constant 0 : i32
      %get3A_672 = tpu.memref_slice %arg10[%scan3A_552, %get3A_670, %get3A_671] : memref<3x48x768xf32, #tpu.memory_space<vmem>> -> memref<1x48x768xf32, #tpu.memory_space<vmem>>
      %get3A_673 = tpu.memref_squeeze %get3A_672 : memref<1x48x768xf32, #tpu.memory_space<vmem>> -> memref<48x768xf32, #tpu.memory_space<vmem>>
      %get3A_674 = arith.index_cast %get3A : i32 to index
      %get3A_675 = arith.index_cast %mul3A_669 : i32 to index
      %get3A_676 = tpu.vector_load %get3A_673[%get3A_674, %get3A_675] {strides = array<i32>} : memref<48x768xf32, #tpu.memory_space<vmem>>, vector<1x16xf32>,
      %get3A_677 = vector.shape_cast %get3A_676 : vector<1x16xf32> to vector<16xf32>
      %get3A_678 = arith.constant 1 : i32
      %get3A_679 = arith.constant 0 : i32
      %get3A_680 = arith.constant 0 : i32
      %get3A_681 = tpu.memref_slice %arg10[%scan3A_552, %get3A_679, %get3A_680] : memref<3x48x768xf32, #tpu.memory_space<vmem>> -> memref<1x48x768xf32, #tpu.memory_space<vmem>>
      %get3A_682 = tpu.memref_squeeze %get3A_681 : memref<1x48x768xf32, #tpu.memory_space<vmem>> -> memref<48x768xf32, #tpu.memory_space<vmem>>
      %get3A_683 = arith.index_cast %get3A_678 : i32 to index
      %get3A_684 = arith.index_cast %mul3A_669 : i32 to index
      %get3A_685 = tpu.vector_load %get3A_682[%get3A_683, %get3A_684] {strides = array<i32>} : memref<48x768xf32, #tpu.memory_space<vmem>>, vector<1x16xf32>,
      %get3A_686 = vector.shape_cast %get3A_685 : vector<1x16xf32> to vector<16xf32>
      %get3A_687 = arith.constant 2 : i32
      %get3A_688 = arith.constant 0 : i32
      %get3A_689 = arith.constant 0 : i32
      %get3A_690 = tpu.memref_slice %arg10[%scan3A_552, %get3A_688, %get3A_689] : memref<3x48x768xf32, #tpu.memory_space<vmem>> -> memref<1x48x768xf32, #tpu.memory_space<vmem>>
      %get3A_691 = tpu.memref_squeeze %get3A_690 : memref<1x48x768xf32, #tpu.memory_space<vmem>> -> memref<48x768xf32, #tpu.memory_space<vmem>>
      %get3A_692 = arith.index_cast %get3A_687 : i32 to index
      %get3A_693 = arith.index_cast %mul3A_669 : i32 to index
      %get3A_694 = tpu.vector_load %get3A_691[%get3A_692, %get3A_693] {strides = array<i32>} : memref<48x768xf32, #tpu.memory_space<vmem>>, vector<1x16xf32>,
      %get3A_695 = vector.shape_cast %get3A_694 : vector<1x16xf32> to vector<16xf32>
      %get3A_696 = arith.constant 3 : i32
      %get3A_697 = arith.constant 0 : i32
      %get3A_698 = arith.constant 0 : i32
      %get3A_699 = tpu.memref_slice %arg10[%scan3A_552, %get3A_697, %get3A_698] : memref<3x48x768xf32, #tpu.memory_space<vmem>> -> memref<1x48x768xf32, #tpu.memory_space<vmem>>
      %get3A_700 = tpu.memref_squeeze %get3A_699 : memref<1x48x768xf32, #tpu.memory_space<vmem>> -> memref<48x768xf32, #tpu.memory_space<vmem>>
      %get3A_701 = arith.index_cast %get3A_696 : i32 to index
      %get3A_702 = arith.index_cast %mul3A_669 : i32 to index
      %get3A_703 = tpu.vector_load %get3A_700[%get3A_701, %get3A_702] {strides = array<i32>} : memref<48x768xf32, #tpu.memory_space<vmem>>, vector<1x16xf32>,
      %get3A_704 = vector.shape_cast %get3A_703 : vector<1x16xf32> to vector<16xf32>
      %get3A_705 = arith.constant 4 : i32
      %get3A_706 = arith.constant 0 : i32
      %get3A_707 = arith.constant 0 : i32
      %get3A_708 = tpu.memref_slice %arg10[%scan3A_552, %get3A_706, %get3A_707] : memref<3x48x768xf32, #tpu.memory_space<vmem>> -> memref<1x48x768xf32, #tpu.memory_space<vmem>>
      %get3A_709 = tpu.memref_squeeze %get3A_708 : memref<1x48x768xf32, #tpu.memory_space<vmem>> -> memref<48x768xf32, #tpu.memory_space<vmem>>
      %get3A_710 = arith.index_cast %get3A_705 : i32 to index
      %get3A_711 = arith.index_cast %mul3A_669 : i32 to index
      %get3A_712 = tpu.vector_load %get3A_709[%get3A_710, %get3A_711] {strides = array<i32>} : memref<48x768xf32, #tpu.memory_space<vmem>>, vector<1x16xf32>,
      %get3A_713 = vector.shape_cast %get3A_712 : vector<1x16xf32> to vector<16xf32>
      %add3A_714 = arith.addf %get3A_677, %get3A_713 : vector<16xf32>
      %get3A_715 = arith.constant 5 : i32
      %get3A_716 = arith.constant 0 : i32
      %get3A_717 = arith.constant 0 : i32
      %get3A_718 = tpu.memref_slice %arg10[%scan3A_552, %get3A_716, %get3A_717] : memref<3x48x768xf32, #tpu.memory_space<vmem>> -> memref<1x48x768xf32, #tpu.memory_space<vmem>>
      %get3A_719 = tpu.memref_squeeze %get3A_718 : memref<1x48x768xf32, #tpu.memory_space<vmem>> -> memref<48x768xf32, #tpu.memory_space<vmem>>
      %get3A_720 = arith.index_cast %get3A_715 : i32 to index
      %get3A_721 = arith.index_cast %mul3A_669 : i32 to index
      %get3A_722 = tpu.vector_load %get3A_719[%get3A_720, %get3A_721] {strides = array<i32>} : memref<48x768xf32, #tpu.memory_space<vmem>>, vector<1x16xf32>,
      %get3A_723 = vector.shape_cast %get3A_722 : vector<1x16xf32> to vector<16xf32>
      %add3A_724 = arith.addf %get3A_686, %get3A_723 : vector<16xf32>
      %get3A_725 = arith.constant 6 : i32
      %get3A_726 = arith.constant 0 : i32
      %get3A_727 = arith.constant 0 : i32
      %get3A_728 = tpu.memref_slice %arg10[%scan3A_552, %get3A_726, %get3A_727] : memref<3x48x768xf32, #tpu.memory_space<vmem>> -> memref<1x48x768xf32, #tpu.memory_space<vmem>>
      %get3A_729 = tpu.memref_squeeze %get3A_728 : memref<1x48x768xf32, #tpu.memory_space<vmem>> -> memref<48x768xf32, #tpu.memory_space<vmem>>
      %get3A_730 = arith.index_cast %get3A_725 : i32 to index
      %get3A_731 = arith.index_cast %mul3A_669 : i32 to index
      %get3A_732 = tpu.vector_load %get3A_729[%get3A_730, %get3A_731] {strides = array<i32>} : memref<48x768xf32, #tpu.memory_space<vmem>>, vector<1x16xf32>,
      %get3A_733 = vector.shape_cast %get3A_732 : vector<1x16xf32> to vector<16xf32>
      %add3A_734 = arith.addf %get3A_695, %get3A_733 : vector<16xf32>
      %get3A_735 = arith.constant 7 : i32
      %get3A_736 = arith.constant 0 : i32
      %get3A_737 = arith.constant 0 : i32
      %get3A_738 = tpu.memref_slice %arg10[%scan3A_552, %get3A_736, %get3A_737] : memref<3x48x768xf32, #tpu.memory_space<vmem>> -> memref<1x48x768xf32, #tpu.memory_space<vmem>>
      %get3A_739 = tpu.memref_squeeze %get3A_738 : memref<1x48x768xf32, #tpu.memory_space<vmem>> -> memref<48x768xf32, #tpu.memory_space<vmem>>
      %get3A_740 = arith.index_cast %get3A_735 : i32 to index
      %get3A_741 = arith.index_cast %mul3A_669 : i32 to index
      %get3A_742 = tpu.vector_load %get3A_739[%get3A_740, %get3A_741] {strides = array<i32>} : memref<48x768xf32, #tpu.memory_space<vmem>>, vector<1x16xf32>,
      %get3A_743 = vector.shape_cast %get3A_742 : vector<1x16xf32> to vector<16xf32>
      %add3A_744 = arith.addf %get3A_704, %get3A_743 : vector<16xf32>
      %get3A_745 = arith.constant 8 : i32
      %get3A_746 = arith.constant 0 : i32
      %get3A_747 = arith.constant 0 : i32
      %get3A_748 = tpu.memref_slice %arg10[%scan3A_552, %get3A_746, %get3A_747] : memref<3x48x768xf32, #tpu.memory_space<vmem>> -> memref<1x48x768xf32, #tpu.memory_space<vmem>>
      %get3A_749 = tpu.memref_squeeze %get3A_748 : memref<1x48x768xf32, #tpu.memory_space<vmem>> -> memref<48x768xf32, #tpu.memory_space<vmem>>
      %get3A_750 = arith.index_cast %get3A_745 : i32 to index
      %get3A_751 = arith.index_cast %mul3A_669 : i32 to index
      %get3A_752 = tpu.vector_load %get3A_749[%get3A_750, %get3A_751] {strides = array<i32>} : memref<48x768xf32, #tpu.memory_space<vmem>>, vector<1x16xf32>,
      %get3A_753 = vector.shape_cast %get3A_752 : vector<1x16xf32> to vector<16xf32>
      %add3A_754 = arith.addf %add3A_714, %get3A_753 : vector<16xf32>
      %get3A_755 = arith.constant 9 : i32
      %get3A_756 = arith.constant 0 : i32
      %get3A_757 = arith.constant 0 : i32
      %get3A_758 = tpu.memref_slice %arg10[%scan3A_552, %get3A_756, %get3A_757] : memref<3x48x768xf32, #tpu.memory_space<vmem>> -> memref<1x48x768xf32, #tpu.memory_space<vmem>>
      %get3A_759 = tpu.memref_squeeze %get3A_758 : memref<1x48x768xf32, #tpu.memory_space<vmem>> -> memref<48x768xf32, #tpu.memory_space<vmem>>
      %get3A_760 = arith.index_cast %get3A_755 : i32 to index
      %get3A_761 = arith.index_cast %mul3A_669 : i32 to index
      %get3A_762 = tpu.vector_load %get3A_759[%get3A_760, %get3A_761] {strides = array<i32>} : memref<48x768xf32, #tpu.memory_space<vmem>>, vector<1x16xf32>,
      %get3A_763 = vector.shape_cast %get3A_762 : vector<1x16xf32> to vector<16xf32>
      %add3A_764 = arith.addf %add3A_724, %get3A_763 : vector<16xf32>
      %get3A_765 = arith.constant 10 : i32
      %get3A_766 = arith.constant 0 : i32
      %get3A_767 = arith.constant 0 : i32
      %get3A_768 = tpu.memref_slice %arg10[%scan3A_552, %get3A_766, %get3A_767] : memref<3x48x768xf32, #tpu.memory_space<vmem>> -> memref<1x48x768xf32, #tpu.memory_space<vmem>>
      %get3A_769 = tpu.memref_squeeze %get3A_768 : memref<1x48x768xf32, #tpu.memory_space<vmem>> -> memref<48x768xf32, #tpu.memory_space<vmem>>
      %get3A_770 = arith.index_cast %get3A_765 : i32 to index
      %get3A_771 = arith.index_cast %mul3A_669 : i32 to index
      %get3A_772 = tpu.vector_load %get3A_769[%get3A_770, %get3A_771] {strides = array<i32>} : memref<48x768xf32, #tpu.memory_space<vmem>>, vector<1x16xf32>,
      %get3A_773 = vector.shape_cast %get3A_772 : vector<1x16xf32> to vector<16xf32>
      %add3A_774 = arith.addf %add3A_734, %get3A_773 : vector<16xf32>
      %get3A_775 = arith.constant 11 : i32
      %get3A_776 = arith.constant 0 : i32
      %get3A_777 = arith.constant 0 : i32
      %get3A_778 = tpu.memref_slice %arg10[%scan3A_552, %get3A_776, %get3A_777] : memref<3x48x768xf32, #tpu.memory_space<vmem>> -> memref<1x48x768xf32, #tpu.memory_space<vmem>>
      %get3A_779 = tpu.memref_squeeze %get3A_778 : memref<1x48x768xf32, #tpu.memory_space<vmem>> -> memref<48x768xf32, #tpu.memory_space<vmem>>
      %get3A_780 = arith.index_cast %get3A_775 : i32 to index
      %get3A_781 = arith.index_cast %mul3A_669 : i32 to index
      %get3A_782 = tpu.vector_load %get3A_779[%get3A_780, %get3A_781] {strides = array<i32>} : memref<48x768xf32, #tpu.memory_space<vmem>>, vector<1x16xf32>,
      %get3A_783 = vector.shape_cast %get3A_782 : vector<1x16xf32> to vector<16xf32>
      %add3A_784 = arith.addf %add3A_744, %get3A_783 : vector<16xf32>
      %get3A_785 = arith.constant 12 : i32
      %get3A_786 = arith.constant 0 : i32
      %get3A_787 = arith.constant 0 : i32
      %get3A_788 = tpu.memref_slice %arg10[%scan3A_552, %get3A_786, %get3A_787] : memref<3x48x768xf32, #tpu.memory_space<vmem>> -> memref<1x48x768xf32, #tpu.memory_space<vmem>>
      %get3A_789 = tpu.memref_squeeze %get3A_788 : memref<1x48x768xf32, #tpu.memory_space<vmem>> -> memref<48x768xf32, #tpu.memory_space<vmem>>
      %get3A_790 = arith.index_cast %get3A_785 : i32 to index
      %get3A_791 = arith.index_cast %mul3A_669 : i32 to index
      %get3A_792 = tpu.vector_load %get3A_789[%get3A_790, %get3A_791] {strides = array<i32>} : memref<48x768xf32, #tpu.memory_space<vmem>>, vector<1x16xf32>,
      %get3A_793 = vector.shape_cast %get3A_792 : vector<1x16xf32> to vector<16xf32>
      %add3A_794 = arith.addf %add3A_754, %get3A_793 : vector<16xf32>
      %get3A_795 = arith.constant 13 : i32
      %get3A_796 = arith.constant 0 : i32
      %get3A_797 = arith.constant 0 : i32
      %get3A_798 = tpu.memref_slice %arg10[%scan3A_552, %get3A_796, %get3A_797] : memref<3x48x768xf32, #tpu.memory_space<vmem>> -> memref<1x48x768xf32, #tpu.memory_space<vmem>>
      %get3A_799 = tpu.memref_squeeze %get3A_798 : memref<1x48x768xf32, #tpu.memory_space<vmem>> -> memref<48x768xf32, #tpu.memory_space<vmem>>
      %get3A_800 = arith.index_cast %get3A_795 : i32 to index
      %get3A_801 = arith.index_cast %mul3A_669 : i32 to index
      %get3A_802 = tpu.vector_load %get3A_799[%get3A_800, %get3A_801] {strides = array<i32>} : memref<48x768xf32, #tpu.memory_space<vmem>>, vector<1x16xf32>,
      %get3A_803 = vector.shape_cast %get3A_802 : vector<1x16xf32> to vector<16xf32>
      %add3A_804 = arith.addf %add3A_764, %get3A_803 : vector<16xf32>
      %get3A_805 = arith.constant 14 : i32
      %get3A_806 = arith.constant 0 : i32
      %get3A_807 = arith.constant 0 : i32
      %get3A_808 = tpu.memref_slice %arg10[%scan3A_552, %get3A_806, %get3A_807] : memref<3x48x768xf32, #tpu.memory_space<vmem>> -> memref<1x48x768xf32, #tpu.memory_space<vmem>>
      %get3A_809 = tpu.memref_squeeze %get3A_808 : memref<1x48x768xf32, #tpu.memory_space<vmem>> -> memref<48x768xf32, #tpu.memory_space<vmem>>
      %get3A_810 = arith.index_cast %get3A_805 : i32 to index
      %get3A_811 = arith.index_cast %mul3A_669 : i32 to index
      %get3A_812 = tpu.vector_load %get3A_809[%get3A_810, %get3A_811] {strides = array<i32>} : memref<48x768xf32, #tpu.memory_space<vmem>>, vector<1x16xf32>,
      %get3A_813 = vector.shape_cast %get3A_812 : vector<1x16xf32> to vector<16xf32>
      %add3A_814 = arith.addf %add3A_774, %get3A_813 : vector<16xf32>
      %get3A_815 = arith.constant 15 : i32
      %get3A_816 = arith.constant 0 : i32
      %get3A_817 = arith.constant 0 : i32
      %get3A_818 = tpu.memref_slice %arg10[%scan3A_552, %get3A_816, %get3A_817] : memref<3x48x768xf32, #tpu.memory_space<vmem>> -> memref<1x48x768xf32, #tpu.memory_space<vmem>>
      %get3A_819 = tpu.memref_squeeze %get3A_818 : memref<1x48x768xf32, #tpu.memory_space<vmem>> -> memref<48x768xf32, #tpu.memory_space<vmem>>
      %get3A_820 = arith.index_cast %get3A_815 : i32 to index
      %get3A_821 = arith.index_cast %mul3A_669 : i32 to index
      %get3A_822 = tpu.vector_load %get3A_819[%get3A_820, %get3A_821] {strides = array<i32>} : memref<48x768xf32, #tpu.memory_space<vmem>>, vector<1x16xf32>,
      %get3A_823 = vector.shape_cast %get3A_822 : vector<1x16xf32> to vector<16xf32>
      %add3A_824 = arith.addf %add3A_784, %get3A_823 : vector<16xf32>
      %get3A_825 = arith.constant 16 : i32
      %get3A_826 = arith.constant 0 : i32
      %get3A_827 = arith.constant 0 : i32
      %get3A_828 = tpu.memref_slice %arg10[%scan3A_552, %get3A_826, %get3A_827] : memref<3x48x768xf32, #tpu.memory_space<vmem>> -> memref<1x48x768xf32, #tpu.memory_space<vmem>>
      %get3A_829 = tpu.memref_squeeze %get3A_828 : memref<1x48x768xf32, #tpu.memory_space<vmem>> -> memref<48x768xf32, #tpu.memory_space<vmem>>
      %get3A_830 = arith.index_cast %get3A_825 : i32 to index
      %get3A_831 = arith.index_cast %mul3A_669 : i32 to index
      %get3A_832 = tpu.vector_load %get3A_829[%get3A_830, %get3A_831] {strides = array<i32>} : memref<48x768xf32, #tpu.memory_space<vmem>>, vector<1x16xf32>,
      %get3A_833 = vector.shape_cast %get3A_832 : vector<1x16xf32> to vector<16xf32>
      %add3A_834 = arith.addf %add3A_794, %get3A_833 : vector<16xf32>
      %get3A_835 = arith.constant 17 : i32
      %get3A_836 = arith.constant 0 : i32
      %get3A_837 = arith.constant 0 : i32
      %get3A_838 = tpu.memref_slice %arg10[%scan3A_552, %get3A_836, %get3A_837] : memref<3x48x768xf32, #tpu.memory_space<vmem>> -> memref<1x48x768xf32, #tpu.memory_space<vmem>>
      %get3A_839 = tpu.memref_squeeze %get3A_838 : memref<1x48x768xf32, #tpu.memory_space<vmem>> -> memref<48x768xf32, #tpu.memory_space<vmem>>
      %get3A_840 = arith.index_cast %get3A_835 : i32 to index
      %get3A_841 = arith.index_cast %mul3A_669 : i32 to index
      %get3A_842 = tpu.vector_load %get3A_839[%get3A_840, %get3A_841] {strides = array<i32>} : memref<48x768xf32, #tpu.memory_space<vmem>>, vector<1x16xf32>,
      %get3A_843 = vector.shape_cast %get3A_842 : vector<1x16xf32> to vector<16xf32>
      %add3A_844 = arith.addf %add3A_804, %get3A_843 : vector<16xf32>
      %get3A_845 = arith.constant 18 : i32
      %get3A_846 = arith.constant 0 : i32
      %get3A_847 = arith.constant 0 : i32
      %get3A_848 = tpu.memref_slice %arg10[%scan3A_552, %get3A_846, %get3A_847] : memref<3x48x768xf32, #tpu.memory_space<vmem>> -> memref<1x48x768xf32, #tpu.memory_space<vmem>>
      %get3A_849 = tpu.memref_squeeze %get3A_848 : memref<1x48x768xf32, #tpu.memory_space<vmem>> -> memref<48x768xf32, #tpu.memory_space<vmem>>
      %get3A_850 = arith.index_cast %get3A_845 : i32 to index
      %get3A_851 = arith.index_cast %mul3A_669 : i32 to index
      %get3A_852 = tpu.vector_load %get3A_849[%get3A_850, %get3A_851] {strides = array<i32>} : memref<48x768xf32, #tpu.memory_space<vmem>>, vector<1x16xf32>,
      %get3A_853 = vector.shape_cast %get3A_852 : vector<1x16xf32> to vector<16xf32>
      %add3A_854 = arith.addf %add3A_814, %get3A_853 : vector<16xf32>
      %get3A_855 = arith.constant 19 : i32
      %get3A_856 = arith.constant 0 : i32
      %get3A_857 = arith.constant 0 : i32
      %get3A_858 = tpu.memref_slice %arg10[%scan3A_552, %get3A_856, %get3A_857] : memref<3x48x768xf32, #tpu.memory_space<vmem>> -> memref<1x48x768xf32, #tpu.memory_space<vmem>>
      %get3A_859 = tpu.memref_squeeze %get3A_858 : memref<1x48x768xf32, #tpu.memory_space<vmem>> -> memref<48x768xf32, #tpu.memory_space<vmem>>
      %get3A_860 = arith.index_cast %get3A_855 : i32 to index
      %get3A_861 = arith.index_cast %mul3A_669 : i32 to index
      %get3A_862 = tpu.vector_load %get3A_859[%get3A_860, %get3A_861] {strides = array<i32>} : memref<48x768xf32, #tpu.memory_space<vmem>>, vector<1x16xf32>,
      %get3A_863 = vector.shape_cast %get3A_862 : vector<1x16xf32> to vector<16xf32>
      %add3A_864 = arith.addf %add3A_824, %get3A_863 : vector<16xf32>
      %get3A_865 = arith.constant 20 : i32
      %get3A_866 = arith.constant 0 : i32
      %get3A_867 = arith.constant 0 : i32
      %get3A_868 = tpu.memref_slice %arg10[%scan3A_552, %get3A_866, %get3A_867] : memref<3x48x768xf32, #tpu.memory_space<vmem>> -> memref<1x48x768xf32, #tpu.memory_space<vmem>>
      %get3A_869 = tpu.memref_squeeze %get3A_868 : memref<1x48x768xf32, #tpu.memory_space<vmem>> -> memref<48x768xf32, #tpu.memory_space<vmem>>
      %get3A_870 = arith.index_cast %get3A_865 : i32 to index
      %get3A_871 = arith.index_cast %mul3A_669 : i32 to index
      %get3A_872 = tpu.vector_load %get3A_869[%get3A_870, %get3A_871] {strides = array<i32>} : memref<48x768xf32, #tpu.memory_space<vmem>>, vector<1x16xf32>,
      %get3A_873 = vector.shape_cast %get3A_872 : vector<1x16xf32> to vector<16xf32>
      %add3A_874 = arith.addf %add3A_834, %get3A_873 : vector<16xf32>
      %get3A_875 = arith.constant 21 : i32
      %get3A_876 = arith.constant 0 : i32
      %get3A_877 = arith.constant 0 : i32
      %get3A_878 = tpu.memref_slice %arg10[%scan3A_552, %get3A_876, %get3A_877] : memref<3x48x768xf32, #tpu.memory_space<vmem>> -> memref<1x48x768xf32, #tpu.memory_space<vmem>>
      %get3A_879 = tpu.memref_squeeze %get3A_878 : memref<1x48x768xf32, #tpu.memory_space<vmem>> -> memref<48x768xf32, #tpu.memory_space<vmem>>
      %get3A_880 = arith.index_cast %get3A_875 : i32 to index
      %get3A_881 = arith.index_cast %mul3A_669 : i32 to index
      %get3A_882 = tpu.vector_load %get3A_879[%get3A_880, %get3A_881] {strides = array<i32>} : memref<48x768xf32, #tpu.memory_space<vmem>>, vector<1x16xf32>,
      %get3A_883 = vector.shape_cast %get3A_882 : vector<1x16xf32> to vector<16xf32>
      %add3A_884 = arith.addf %add3A_844, %get3A_883 : vector<16xf32>
      %get3A_885 = arith.constant 22 : i32
      %get3A_886 = arith.constant 0 : i32
      %get3A_887 = arith.constant 0 : i32
      %get3A_888 = tpu.memref_slice %arg10[%scan3A_552, %get3A_886, %get3A_887] : memref<3x48x768xf32, #tpu.memory_space<vmem>> -> memref<1x48x768xf32, #tpu.memory_space<vmem>>
      %get3A_889 = tpu.memref_squeeze %get3A_888 : memref<1x48x768xf32, #tpu.memory_space<vmem>> -> memref<48x768xf32, #tpu.memory_space<vmem>>
      %get3A_890 = arith.index_cast %get3A_885 : i32 to index
      %get3A_891 = arith.index_cast %mul3A_669 : i32 to index
      %get3A_892 = tpu.vector_load %get3A_889[%get3A_890, %get3A_891] {strides = array<i32>} : memref<48x768xf32, #tpu.memory_space<vmem>>, vector<1x16xf32>,
      %get3A_893 = vector.shape_cast %get3A_892 : vector<1x16xf32> to vector<16xf32>
      %add3A_894 = arith.addf %add3A_854, %get3A_893 : vector<16xf32>
      %get3A_895 = arith.constant 23 : i32
      %get3A_896 = arith.constant 0 : i32
      %get3A_897 = arith.constant 0 : i32
      %get3A_898 = tpu.memref_slice %arg10[%scan3A_552, %get3A_896, %get3A_897] : memref<3x48x768xf32, #tpu.memory_space<vmem>> -> memref<1x48x768xf32, #tpu.memory_space<vmem>>
      %get3A_899 = tpu.memref_squeeze %get3A_898 : memref<1x48x768xf32, #tpu.memory_space<vmem>> -> memref<48x768xf32, #tpu.memory_space<vmem>>
      %get3A_900 = arith.index_cast %get3A_895 : i32 to index
      %get3A_901 = arith.index_cast %mul3A_669 : i32 to index
      %get3A_902 = tpu.vector_load %get3A_899[%get3A_900, %get3A_901] {strides = array<i32>} : memref<48x768xf32, #tpu.memory_space<vmem>>, vector<1x16xf32>,
      %get3A_903 = vector.shape_cast %get3A_902 : vector<1x16xf32> to vector<16xf32>
      %add3A_904 = arith.addf %add3A_864, %get3A_903 : vector<16xf32>
      %get3A_905 = arith.constant 24 : i32
      %get3A_906 = arith.constant 0 : i32
      %get3A_907 = arith.constant 0 : i32
      %get3A_908 = tpu.memref_slice %arg10[%scan3A_552, %get3A_906, %get3A_907] : memref<3x48x768xf32, #tpu.memory_space<vmem>> -> memref<1x48x768xf32, #tpu.memory_space<vmem>>
      %get3A_909 = tpu.memref_squeeze %get3A_908 : memref<1x48x768xf32, #tpu.memory_space<vmem>> -> memref<48x768xf32, #tpu.memory_space<vmem>>
      %get3A_910 = arith.index_cast %get3A_905 : i32 to index
      %get3A_911 = arith.index_cast %mul3A_669 : i32 to index
      %get3A_912 = tpu.vector_load %get3A_909[%get3A_910, %get3A_911] {strides = array<i32>} : memref<48x768xf32, #tpu.memory_space<vmem>>, vector<1x16xf32>,
      %get3A_913 = vector.shape_cast %get3A_912 : vector<1x16xf32> to vector<16xf32>
      %add3A_914 = arith.addf %add3A_874, %get3A_913 : vector<16xf32>
      %get3A_915 = arith.constant 25 : i32
      %get3A_916 = arith.constant 0 : i32
      %get3A_917 = arith.constant 0 : i32
      %get3A_918 = tpu.memref_slice %arg10[%scan3A_552, %get3A_916, %get3A_917] : memref<3x48x768xf32, #tpu.memory_space<vmem>> -> memref<1x48x768xf32, #tpu.memory_space<vmem>>
      %get3A_919 = tpu.memref_squeeze %get3A_918 : memref<1x48x768xf32, #tpu.memory_space<vmem>> -> memref<48x768xf32, #tpu.memory_space<vmem>>
      %get3A_920 = arith.index_cast %get3A_915 : i32 to index
      %get3A_921 = arith.index_cast %mul3A_669 : i32 to index
      %get3A_922 = tpu.vector_load %get3A_919[%get3A_920, %get3A_921] {strides = array<i32>} : memref<48x768xf32, #tpu.memory_space<vmem>>, vector<1x16xf32>,
      %get3A_923 = vector.shape_cast %get3A_922 : vector<1x16xf32> to vector<16xf32>
      %add3A_924 = arith.addf %add3A_884, %get3A_923 : vector<16xf32>
      %get3A_925 = arith.constant 26 : i32
      %get3A_926 = arith.constant 0 : i32
      %get3A_927 = arith.constant 0 : i32
      %get3A_928 = tpu.memref_slice %arg10[%scan3A_552, %get3A_926, %get3A_927] : memref<3x48x768xf32, #tpu.memory_space<vmem>> -> memref<1x48x768xf32, #tpu.memory_space<vmem>>
      %get3A_929 = tpu.memref_squeeze %get3A_928 : memref<1x48x768xf32, #tpu.memory_space<vmem>> -> memref<48x768xf32, #tpu.memory_space<vmem>>
      %get3A_930 = arith.index_cast %get3A_925 : i32 to index
      %get3A_931 = arith.index_cast %mul3A_669 : i32 to index
      %get3A_932 = tpu.vector_load %get3A_929[%get3A_930, %get3A_931] {strides = array<i32>} : memref<48x768xf32, #tpu.memory_space<vmem>>, vector<1x16xf32>,
      %get3A_933 = vector.shape_cast %get3A_932 : vector<1x16xf32> to vector<16xf32>
      %add3A_934 = arith.addf %add3A_894, %get3A_933 : vector<16xf32>
      %get3A_935 = arith.constant 27 : i32
      %get3A_936 = arith.constant 0 : i32
      %get3A_937 = arith.constant 0 : i32
      %get3A_938 = tpu.memref_slice %arg10[%scan3A_552, %get3A_936, %get3A_937] : memref<3x48x768xf32, #tpu.memory_space<vmem>> -> memref<1x48x768xf32, #tpu.memory_space<vmem>>
      %get3A_939 = tpu.memref_squeeze %get3A_938 : memref<1x48x768xf32, #tpu.memory_space<vmem>> -> memref<48x768xf32, #tpu.memory_space<vmem>>
      %get3A_940 = arith.index_cast %get3A_935 : i32 to index
      %get3A_941 = arith.index_cast %mul3A_669 : i32 to index
      %get3A_942 = tpu.vector_load %get3A_939[%get3A_940, %get3A_941] {strides = array<i32>} : memref<48x768xf32, #tpu.memory_space<vmem>>, vector<1x16xf32>,
      %get3A_943 = vector.shape_cast %get3A_942 : vector<1x16xf32> to vector<16xf32>
      %add3A_944 = arith.addf %add3A_904, %get3A_943 : vector<16xf32>
      %get3A_945 = arith.constant 28 : i32
      %get3A_946 = arith.constant 0 : i32
      %get3A_947 = arith.constant 0 : i32
      %get3A_948 = tpu.memref_slice %arg10[%scan3A_552, %get3A_946, %get3A_947] : memref<3x48x768xf32, #tpu.memory_space<vmem>> -> memref<1x48x768xf32, #tpu.memory_space<vmem>>
      %get3A_949 = tpu.memref_squeeze %get3A_948 : memref<1x48x768xf32, #tpu.memory_space<vmem>> -> memref<48x768xf32, #tpu.memory_space<vmem>>
      %get3A_950 = arith.index_cast %get3A_945 : i32 to index
      %get3A_951 = arith.index_cast %mul3A_669 : i32 to index
      %get3A_952 = tpu.vector_load %get3A_949[%get3A_950, %get3A_951] {strides = array<i32>} : memref<48x768xf32, #tpu.memory_space<vmem>>, vector<1x16xf32>,
      %get3A_953 = vector.shape_cast %get3A_952 : vector<1x16xf32> to vector<16xf32>
      %add3A_954 = arith.addf %add3A_914, %get3A_953 : vector<16xf32>
      %get3A_955 = arith.constant 29 : i32
      %get3A_956 = arith.constant 0 : i32
      %get3A_957 = arith.constant 0 : i32
      %get3A_958 = tpu.memref_slice %arg10[%scan3A_552, %get3A_956, %get3A_957] : memref<3x48x768xf32, #tpu.memory_space<vmem>> -> memref<1x48x768xf32, #tpu.memory_space<vmem>>
      %get3A_959 = tpu.memref_squeeze %get3A_958 : memref<1x48x768xf32, #tpu.memory_space<vmem>> -> memref<48x768xf32, #tpu.memory_space<vmem>>
      %get3A_960 = arith.index_cast %get3A_955 : i32 to index
      %get3A_961 = arith.index_cast %mul3A_669 : i32 to index
      %get3A_962 = tpu.vector_load %get3A_959[%get3A_960, %get3A_961] {strides = array<i32>} : memref<48x768xf32, #tpu.memory_space<vmem>>, vector<1x16xf32>,
      %get3A_963 = vector.shape_cast %get3A_962 : vector<1x16xf32> to vector<16xf32>
      %add3A_964 = arith.addf %add3A_924, %get3A_963 : vector<16xf32>
      %get3A_965 = arith.constant 30 : i32
      %get3A_966 = arith.constant 0 : i32
      %get3A_967 = arith.constant 0 : i32
      %get3A_968 = tpu.memref_slice %arg10[%scan3A_552, %get3A_966, %get3A_967] : memref<3x48x768xf32, #tpu.memory_space<vmem>> -> memref<1x48x768xf32, #tpu.memory_space<vmem>>
      %get3A_969 = tpu.memref_squeeze %get3A_968 : memref<1x48x768xf32, #tpu.memory_space<vmem>> -> memref<48x768xf32, #tpu.memory_space<vmem>>
      %get3A_970 = arith.index_cast %get3A_965 : i32 to index
      %get3A_971 = arith.index_cast %mul3A_669 : i32 to index
      %get3A_972 = tpu.vector_load %get3A_969[%get3A_970, %get3A_971] {strides = array<i32>} : memref<48x768xf32, #tpu.memory_space<vmem>>, vector<1x16xf32>,
      %get3A_973 = vector.shape_cast %get3A_972 : vector<1x16xf32> to vector<16xf32>
      %add3A_974 = arith.addf %add3A_934, %get3A_973 : vector<16xf32>
      %get3A_975 = arith.constant 31 : i32
      %get3A_976 = arith.constant 0 : i32
      %get3A_977 = arith.constant 0 : i32
      %get3A_978 = tpu.memref_slice %arg10[%scan3A_552, %get3A_976, %get3A_977] : memref<3x48x768xf32, #tpu.memory_space<vmem>> -> memref<1x48x768xf32, #tpu.memory_space<vmem>>
      %get3A_979 = tpu.memref_squeeze %get3A_978 : memref<1x48x768xf32, #tpu.memory_space<vmem>> -> memref<48x768xf32, #tpu.memory_space<vmem>>
      %get3A_980 = arith.index_cast %get3A_975 : i32 to index
      %get3A_981 = arith.index_cast %mul3A_669 : i32 to index
      %get3A_982 = tpu.vector_load %get3A_979[%get3A_980, %get3A_981] {strides = array<i32>} : memref<48x768xf32, #tpu.memory_space<vmem>>, vector<1x16xf32>,
      %get3A_983 = vector.shape_cast %get3A_982 : vector<1x16xf32> to vector<16xf32>
      %add3A_984 = arith.addf %add3A_944, %get3A_983 : vector<16xf32>
      %get3A_985 = arith.constant 32 : i32
      %get3A_986 = arith.constant 0 : i32
      %get3A_987 = arith.constant 0 : i32
      %get3A_988 = tpu.memref_slice %arg10[%scan3A_552, %get3A_986, %get3A_987] : memref<3x48x768xf32, #tpu.memory_space<vmem>> -> memref<1x48x768xf32, #tpu.memory_space<vmem>>
      %get3A_989 = tpu.memref_squeeze %get3A_988 : memref<1x48x768xf32, #tpu.memory_space<vmem>> -> memref<48x768xf32, #tpu.memory_space<vmem>>
      %get3A_990 = arith.index_cast %get3A_985 : i32 to index
      %get3A_991 = arith.index_cast %mul3A_669 : i32 to index
      %get3A_992 = tpu.vector_load %get3A_989[%get3A_990, %get3A_991] {strides = array<i32>} : memref<48x768xf32, #tpu.memory_space<vmem>>, vector<1x16xf32>,
      %get3A_993 = vector.shape_cast %get3A_992 : vector<1x16xf32> to vector<16xf32>
      %add3A_994 = arith.addf %add3A_954, %get3A_993 : vector<16xf32>
      %get3A_995 = arith.constant 33 : i32
      %get3A_996 = arith.constant 0 : i32
      %get3A_997 = arith.constant 0 : i32
      %get3A_998 = tpu.memref_slice %arg10[%scan3A_552, %get3A_996, %get3A_997] : memref<3x48x768xf32, #tpu.memory_space<vmem>> -> memref<1x48x768xf32, #tpu.memory_space<vmem>>
      %get3A_999 = tpu.memref_squeeze %get3A_998 : memref<1x48x768xf32, #tpu.memory_space<vmem>> -> memref<48x768xf32, #tpu.memory_space<vmem>>
      %get3A_1000 = arith.index_cast %get3A_995 : i32 to index
      %get3A_1001 = arith.index_cast %mul3A_669 : i32 to index
      %get3A_1002 = tpu.vector_load %get3A_999[%get3A_1000, %get3A_1001] {strides = array<i32>} : memref<48x768xf32, #tpu.memory_space<vmem>>, vector<1x16xf32>,
      %get3A_1003 = vector.shape_cast %get3A_1002 : vector<1x16xf32> to vector<16xf32>
      %add3A_1004 = arith.addf %add3A_964, %get3A_1003 : vector<16xf32>
      %get3A_1005 = arith.constant 34 : i32
      %get3A_1006 = arith.constant 0 : i32
      %get3A_1007 = arith.constant 0 : i32
      %get3A_1008 = tpu.memref_slice %arg10[%scan3A_552, %get3A_1006, %get3A_1007] : memref<3x48x768xf32, #tpu.memory_space<vmem>> -> memref<1x48x768xf32, #tpu.memory_space<vmem>>
      %get3A_1009 = tpu.memref_squeeze %get3A_1008 : memref<1x48x768xf32, #tpu.memory_space<vmem>> -> memref<48x768xf32, #tpu.memory_space<vmem>>
      %get3A_1010 = arith.index_cast %get3A_1005 : i32 to index
      %get3A_1011 = arith.index_cast %mul3A_669 : i32 to index
      %get3A_1012 = tpu.vector_load %get3A_1009[%get3A_1010, %get3A_1011] {strides = array<i32>} : memref<48x768xf32, #tpu.memory_space<vmem>>, vector<1x16xf32>,
      %get3A_1013 = vector.shape_cast %get3A_1012 : vector<1x16xf32> to vector<16xf32>
      %add3A_1014 = arith.addf %add3A_974, %get3A_1013 : vector<16xf32>
      %get3A_1015 = arith.constant 35 : i32
      %get3A_1016 = arith.constant 0 : i32
      %get3A_1017 = arith.constant 0 : i32
      %get3A_1018 = tpu.memref_slice %arg10[%scan3A_552, %get3A_1016, %get3A_1017] : memref<3x48x768xf32, #tpu.memory_space<vmem>> -> memref<1x48x768xf32, #tpu.memory_space<vmem>>
      %get3A_1019 = tpu.memref_squeeze %get3A_1018 : memref<1x48x768xf32, #tpu.memory_space<vmem>> -> memref<48x768xf32, #tpu.memory_space<vmem>>
      %get3A_1020 = arith.index_cast %get3A_1015 : i32 to index
      %get3A_1021 = arith.index_cast %mul3A_669 : i32 to index
      %get3A_1022 = tpu.vector_load %get3A_1019[%get3A_1020, %get3A_1021] {strides = array<i32>} : memref<48x768xf32, #tpu.memory_space<vmem>>, vector<1x16xf32>,
      %get3A_1023 = vector.shape_cast %get3A_1022 : vector<1x16xf32> to vector<16xf32>
      %add3A_1024 = arith.addf %add3A_984, %get3A_1023 : vector<16xf32>
      %get3A_1025 = arith.constant 36 : i32
      %get3A_1026 = arith.constant 0 : i32
      %get3A_1027 = arith.constant 0 : i32
      %get3A_1028 = tpu.memref_slice %arg10[%scan3A_552, %get3A_1026, %get3A_1027] : memref<3x48x768xf32, #tpu.memory_space<vmem>> -> memref<1x48x768xf32, #tpu.memory_space<vmem>>
      %get3A_1029 = tpu.memref_squeeze %get3A_1028 : memref<1x48x768xf32, #tpu.memory_space<vmem>> -> memref<48x768xf32, #tpu.memory_space<vmem>>
      %get3A_1030 = arith.index_cast %get3A_1025 : i32 to index
      %get3A_1031 = arith.index_cast %mul3A_669 : i32 to index
      %get3A_1032 = tpu.vector_load %get3A_1029[%get3A_1030, %get3A_1031] {strides = array<i32>} : memref<48x768xf32, #tpu.memory_space<vmem>>, vector<1x16xf32>,
      %get3A_1033 = vector.shape_cast %get3A_1032 : vector<1x16xf32> to vector<16xf32>
      %add3A_1034 = arith.addf %add3A_994, %get3A_1033 : vector<16xf32>
      %get3A_1035 = arith.constant 37 : i32
      %get3A_1036 = arith.constant 0 : i32
      %get3A_1037 = arith.constant 0 : i32
      %get3A_1038 = tpu.memref_slice %arg10[%scan3A_552, %get3A_1036, %get3A_1037] : memref<3x48x768xf32, #tpu.memory_space<vmem>> -> memref<1x48x768xf32, #tpu.memory_space<vmem>>
      %get3A_1039 = tpu.memref_squeeze %get3A_1038 : memref<1x48x768xf32, #tpu.memory_space<vmem>> -> memref<48x768xf32, #tpu.memory_space<vmem>>
      %get3A_1040 = arith.index_cast %get3A_1035 : i32 to index
      %get3A_1041 = arith.index_cast %mul3A_669 : i32 to index
      %get3A_1042 = tpu.vector_load %get3A_1039[%get3A_1040, %get3A_1041] {strides = array<i32>} : memref<48x768xf32, #tpu.memory_space<vmem>>, vector<1x16xf32>,
      %get3A_1043 = vector.shape_cast %get3A_1042 : vector<1x16xf32> to vector<16xf32>
      %add3A_1044 = arith.addf %add3A_1004, %get3A_1043 : vector<16xf32>
      %get3A_1045 = arith.constant 38 : i32
      %get3A_1046 = arith.constant 0 : i32
      %get3A_1047 = arith.constant 0 : i32
      %get3A_1048 = tpu.memref_slice %arg10[%scan3A_552, %get3A_1046, %get3A_1047] : memref<3x48x768xf32, #tpu.memory_space<vmem>> -> memref<1x48x768xf32, #tpu.memory_space<vmem>>
      %get3A_1049 = tpu.memref_squeeze %get3A_1048 : memref<1x48x768xf32, #tpu.memory_space<vmem>> -> memref<48x768xf32, #tpu.memory_space<vmem>>
      %get3A_1050 = arith.index_cast %get3A_1045 : i32 to index
      %get3A_1051 = arith.index_cast %mul3A_669 : i32 to index
      %get3A_1052 = tpu.vector_load %get3A_1049[%get3A_1050, %get3A_1051] {strides = array<i32>} : memref<48x768xf32, #tpu.memory_space<vmem>>, vector<1x16xf32>,
      %get3A_1053 = vector.shape_cast %get3A_1052 : vector<1x16xf32> to vector<16xf32>
      %add3A_1054 = arith.addf %add3A_1014, %get3A_1053 : vector<16xf32>
      %get3A_1055 = arith.constant 39 : i32
      %get3A_1056 = arith.constant 0 : i32
      %get3A_1057 = arith.constant 0 : i32
      %get3A_1058 = tpu.memref_slice %arg10[%scan3A_552, %get3A_1056, %get3A_1057] : memref<3x48x768xf32, #tpu.memory_space<vmem>> -> memref<1x48x768xf32, #tpu.memory_space<vmem>>
      %get3A_1059 = tpu.memref_squeeze %get3A_1058 : memref<1x48x768xf32, #tpu.memory_space<vmem>> -> memref<48x768xf32, #tpu.memory_space<vmem>>
      %get3A_1060 = arith.index_cast %get3A_1055 : i32 to index
      %get3A_1061 = arith.index_cast %mul3A_669 : i32 to index
      %get3A_1062 = tpu.vector_load %get3A_1059[%get3A_1060, %get3A_1061] {strides = array<i32>} : memref<48x768xf32, #tpu.memory_space<vmem>>, vector<1x16xf32>,
      %get3A_1063 = vector.shape_cast %get3A_1062 : vector<1x16xf32> to vector<16xf32>
      %add3A_1064 = arith.addf %add3A_1024, %get3A_1063 : vector<16xf32>
      %get3A_1065 = arith.constant 40 : i32
      %get3A_1066 = arith.constant 0 : i32
      %get3A_1067 = arith.constant 0 : i32
      %get3A_1068 = tpu.memref_slice %arg10[%scan3A_552, %get3A_1066, %get3A_1067] : memref<3x48x768xf32, #tpu.memory_space<vmem>> -> memref<1x48x768xf32, #tpu.memory_space<vmem>>
      %get3A_1069 = tpu.memref_squeeze %get3A_1068 : memref<1x48x768xf32, #tpu.memory_space<vmem>> -> memref<48x768xf32, #tpu.memory_space<vmem>>
      %get3A_1070 = arith.index_cast %get3A_1065 : i32 to index
      %get3A_1071 = arith.index_cast %mul3A_669 : i32 to index
      %get3A_1072 = tpu.vector_load %get3A_1069[%get3A_1070, %get3A_1071] {strides = array<i32>} : memref<48x768xf32, #tpu.memory_space<vmem>>, vector<1x16xf32>,
      %get3A_1073 = vector.shape_cast %get3A_1072 : vector<1x16xf32> to vector<16xf32>
      %add3A_1074 = arith.addf %add3A_1034, %get3A_1073 : vector<16xf32>
      %get3A_1075 = arith.constant 41 : i32
      %get3A_1076 = arith.constant 0 : i32
      %get3A_1077 = arith.constant 0 : i32
      %get3A_1078 = tpu.memref_slice %arg10[%scan3A_552, %get3A_1076, %get3A_1077] : memref<3x48x768xf32, #tpu.memory_space<vmem>> -> memref<1x48x768xf32, #tpu.memory_space<vmem>>
      %get3A_1079 = tpu.memref_squeeze %get3A_1078 : memref<1x48x768xf32, #tpu.memory_space<vmem>> -> memref<48x768xf32, #tpu.memory_space<vmem>>
      %get3A_1080 = arith.index_cast %get3A_1075 : i32 to index
      %get3A_1081 = arith.index_cast %mul3A_669 : i32 to index
      %get3A_1082 = tpu.vector_load %get3A_1079[%get3A_1080, %get3A_1081] {strides = array<i32>} : memref<48x768xf32, #tpu.memory_space<vmem>>, vector<1x16xf32>,
      %get3A_1083 = vector.shape_cast %get3A_1082 : vector<1x16xf32> to vector<16xf32>
      %add3A_1084 = arith.addf %add3A_1044, %get3A_1083 : vector<16xf32>
      %get3A_1085 = arith.constant 42 : i32
      %get3A_1086 = arith.constant 0 : i32
      %get3A_1087 = arith.constant 0 : i32
      %get3A_1088 = tpu.memref_slice %arg10[%scan3A_552, %get3A_1086, %get3A_1087] : memref<3x48x768xf32, #tpu.memory_space<vmem>> -> memref<1x48x768xf32, #tpu.memory_space<vmem>>
      %get3A_1089 = tpu.memref_squeeze %get3A_1088 : memref<1x48x768xf32, #tpu.memory_space<vmem>> -> memref<48x768xf32, #tpu.memory_space<vmem>>
      %get3A_1090 = arith.index_cast %get3A_1085 : i32 to index
      %get3A_1091 = arith.index_cast %mul3A_669 : i32 to index
      %get3A_1092 = tpu.vector_load %get3A_1089[%get3A_1090, %get3A_1091] {strides = array<i32>} : memref<48x768xf32, #tpu.memory_space<vmem>>, vector<1x16xf32>,
      %get3A_1093 = vector.shape_cast %get3A_1092 : vector<1x16xf32> to vector<16xf32>
      %add3A_1094 = arith.addf %add3A_1054, %get3A_1093 : vector<16xf32>
      %get3A_1095 = arith.constant 43 : i32
      %get3A_1096 = arith.constant 0 : i32
      %get3A_1097 = arith.constant 0 : i32
      %get3A_1098 = tpu.memref_slice %arg10[%scan3A_552, %get3A_1096, %get3A_1097] : memref<3x48x768xf32, #tpu.memory_space<vmem>> -> memref<1x48x768xf32, #tpu.memory_space<vmem>>
      %get3A_1099 = tpu.memref_squeeze %get3A_1098 : memref<1x48x768xf32, #tpu.memory_space<vmem>> -> memref<48x768xf32, #tpu.memory_space<vmem>>
      %get3A_1100 = arith.index_cast %get3A_1095 : i32 to index
      %get3A_1101 = arith.index_cast %mul3A_669 : i32 to index
      %get3A_1102 = tpu.vector_load %get3A_1099[%get3A_1100, %get3A_1101] {strides = array<i32>} : memref<48x768xf32, #tpu.memory_space<vmem>>, vector<1x16xf32>,
      %get3A_1103 = vector.shape_cast %get3A_1102 : vector<1x16xf32> to vector<16xf32>
      %add3A_1104 = arith.addf %add3A_1064, %get3A_1103 : vector<16xf32>
      %get3A_1105 = arith.constant 44 : i32
      %get3A_1106 = arith.constant 0 : i32
      %get3A_1107 = arith.constant 0 : i32
      %get3A_1108 = tpu.memref_slice %arg10[%scan3A_552, %get3A_1106, %get3A_1107] : memref<3x48x768xf32, #tpu.memory_space<vmem>> -> memref<1x48x768xf32, #tpu.memory_space<vmem>>
      %get3A_1109 = tpu.memref_squeeze %get3A_1108 : memref<1x48x768xf32, #tpu.memory_space<vmem>> -> memref<48x768xf32, #tpu.memory_space<vmem>>
      %get3A_1110 = arith.index_cast %get3A_1105 : i32 to index
      %get3A_1111 = arith.index_cast %mul3A_669 : i32 to index
      %get3A_1112 = tpu.vector_load %get3A_1109[%get3A_1110, %get3A_1111] {strides = array<i32>} : memref<48x768xf32, #tpu.memory_space<vmem>>, vector<1x16xf32>,
      %get3A_1113 = vector.shape_cast %get3A_1112 : vector<1x16xf32> to vector<16xf32>
      %add3A_1114 = arith.addf %add3A_1074, %get3A_1113 : vector<16xf32>
      %get3A_1115 = arith.constant 45 : i32
      %get3A_1116 = arith.constant 0 : i32
      %get3A_1117 = arith.constant 0 : i32
      %get3A_1118 = tpu.memref_slice %arg10[%scan3A_552, %get3A_1116, %get3A_1117] : memref<3x48x768xf32, #tpu.memory_space<vmem>> -> memref<1x48x768xf32, #tpu.memory_space<vmem>>
      %get3A_1119 = tpu.memref_squeeze %get3A_1118 : memref<1x48x768xf32, #tpu.memory_space<vmem>> -> memref<48x768xf32, #tpu.memory_space<vmem>>
      %get3A_1120 = arith.index_cast %get3A_1115 : i32 to index
      %get3A_1121 = arith.index_cast %mul3A_669 : i32 to index
      %get3A_1122 = tpu.vector_load %get3A_1119[%get3A_1120, %get3A_1121] {strides = array<i32>} : memref<48x768xf32, #tpu.memory_space<vmem>>, vector<1x16xf32>,
      %get3A_1123 = vector.shape_cast %get3A_1122 : vector<1x16xf32> to vector<16xf32>
      %add3A_1124 = arith.addf %add3A_1084, %get3A_1123 : vector<16xf32>
      %get3A_1125 = arith.constant 46 : i32
      %get3A_1126 = arith.constant 0 : i32
      %get3A_1127 = arith.constant 0 : i32
      %get3A_1128 = tpu.memref_slice %arg10[%scan3A_552, %get3A_1126, %get3A_1127] : memref<3x48x768xf32, #tpu.memory_space<vmem>> -> memref<1x48x768xf32, #tpu.memory_space<vmem>>
      %get3A_1129 = tpu.memref_squeeze %get3A_1128 : memref<1x48x768xf32, #tpu.memory_space<vmem>> -> memref<48x768xf32, #tpu.memory_space<vmem>>
      %get3A_1130 = arith.index_cast %get3A_1125 : i32 to index
      %get3A_1131 = arith.index_cast %mul3A_669 : i32 to index
      %get3A_1132 = tpu.vector_load %get3A_1129[%get3A_1130, %get3A_1131] {strides = array<i32>} : memref<48x768xf32, #tpu.memory_space<vmem>>, vector<1x16xf32>,
      %get3A_1133 = vector.shape_cast %get3A_1132 : vector<1x16xf32> to vector<16xf32>
      %add3A_1134 = arith.addf %add3A_1094, %get3A_1133 : vector<16xf32>
      %get3A_1135 = arith.constant 47 : i32
      %get3A_1136 = arith.constant 0 : i32
      %get3A_1137 = arith.constant 0 : i32
      %get3A_1138 = tpu.memref_slice %arg10[%scan3A_552, %get3A_1136, %get3A_1137] : memref<3x48x768xf32, #tpu.memory_space<vmem>> -> memref<1x48x768xf32, #tpu.memory_space<vmem>>
      %get3A_1139 = tpu.memref_squeeze %get3A_1138 : memref<1x48x768xf32, #tpu.memory_space<vmem>> -> memref<48x768xf32, #tpu.memory_space<vmem>>
      %get3A_1140 = arith.index_cast %get3A_1135 : i32 to index
      %get3A_1141 = arith.index_cast %mul3A_669 : i32 to index
      %get3A_1142 = tpu.vector_load %get3A_1139[%get3A_1140, %get3A_1141] {strides = array<i32>} : memref<48x768xf32, #tpu.memory_space<vmem>>, vector<1x16xf32>,
      %get3A_1143 = vector.shape_cast %get3A_1142 : vector<1x16xf32> to vector<16xf32>
      %add3A_1144 = arith.addf %add3A_1104, %get3A_1143 : vector<16xf32>
      %add3A_1145 = arith.addf %add3A_1114, %add3A_1124 : vector<16xf32>
      %add3A_1146 = arith.addf %add3A_1134, %add3A_1144 : vector<16xf32>
      %add3A_1147 = arith.addf %add3A_1145, %add3A_1146 : vector<16xf32>
      %mul3A_1148 = vector.broadcast %scan3A_553 : f32 to vector<16xf32>
      %mul3A_1149 = arith.mulf %add3A_1147, %mul3A_1148 : vector<16xf32>
      %swap3A = arith.constant 5 : i32
      %swap3A_1150 = arith.index_cast %swap3A : i32 to index
      %swap3A_1151 = arith.index_cast %mul3A_669 : i32 to index
      %swap3A_1152 = tpu.vector_load %arg11[%swap3A_1150, %swap3A_1151] {strides = array<i32>} : memref<6x768xf32, #tpu.memory_space<vmem>>, vector<1x16xf32>,
      %swap3A_1153 = vector.shape_cast %swap3A_1152 : vector<1x16xf32> to vector<16xf32>
      %swap3A_1154 = vector.shape_cast %mul3A_1149 : vector<16xf32> to vector<1x16xf32>
      tpu.vector_store %arg11[%swap3A_1150, %swap3A_1151], %swap3A_1154 {strides = array<i32>} : memref<6x768xf32, #tpu.memory_space<vmem>>, vector<1x16xf32>,
      %scan3A_1155 = arith.constant 0 : i32
      scf.yield %scan3A_1155 : i32
    }
    %scan3A_560 = arith.constant 48 : i32
    %add3A_561 = arith.constant 1 : i32
    %add3A_562 = arith.addi %mul3A_2, %add3A_561 : i32
    %dma_start3A_563 = arith.constant 5 : i32
    %dma_start3A_564 = arith.constant 0 : i32
    %dma_start3A_565 = tpu.memref_slice %arg11[%dma_start3A_563, %dma_start3A_564] : memref<6x768xf32, #tpu.memory_space<vmem>> -> memref<1x768xf32, #tpu.memory_space<vmem>>
    %dma_start3A_566 = tpu.memref_squeeze %dma_start3A_565 : memref<1x768xf32, #tpu.memory_space<vmem>> -> memref<768xf32, #tpu.memory_space<vmem>>
    %dma_start3A_567 = arith.constant 0 : i32
    %dma_start3A_568 = tpu.memref_slice %arg8[%add3A_562, %dma_start3A_567] : memref<64x768xf32, #tpu.memory_space<hbm>> -> memref<1x768xf32, #tpu.memory_space<hbm>>
    %dma_start3A_569 = tpu.memref_squeeze %dma_start3A_568 : memref<1x768xf32, #tpu.memory_space<hbm>> -> memref<768xf32, #tpu.memory_space<hbm>>
    %dma_start3A_570 = arith.constant 0 : i32
    %dma_start3A_571 = tpu.memref_slice %arg8[%add3A_562, %dma_start3A_570] : memref<64x768xf32, #tpu.memory_space<hbm>> -> memref<1x768xf32, #tpu.memory_space<hbm>>
    %dma_start3A_572 = tpu.memref_squeeze %dma_start3A_571 : memref<1x768xf32, #tpu.memory_space<hbm>> -> memref<768xf32, #tpu.memory_space<hbm>>
    %dma_start3A_573 = arith.constant 0 : i32
    %dma_start3A_574 = tpu.memref_slice %arg11[%dma_start3A_563, %dma_start3A_573] : memref<6x768xf32, #tpu.memory_space<vmem>> -> memref<1x768xf32, #tpu.memory_space<vmem>>
    %dma_start3A_575 = tpu.memref_squeeze %dma_start3A_574 : memref<1x768xf32, #tpu.memory_space<vmem>> -> memref<768xf32, #tpu.memory_space<vmem>>
    tpu.enqueue_dma source(%dma_start3A_575 : memref<768xf32, #tpu.memory_space<vmem>>) target(%dma_start3A_572 : memref<768xf32, #tpu.memory_space<hbm>>) target_semaphore(%arg13 : memref<!tpu.dma_semaphore, #tpu.memory_space<semaphore_mem>>)
    %add3A_576 = arith.constant 0 : i32
    %add3A_577 = arith.addi %mul3A_2, %add3A_576 : i32
    %dma_wait3A_578 = arith.constant 0 : i32
    %dma_wait3A_579 = arith.constant 0 : i32
    %dma_wait3A_580 = tpu.memref_slice %arg11[%dma_wait3A_578, %dma_wait3A_579] : memref<6x768xf32, #tpu.memory_space<vmem>> -> memref<1x768xf32, #tpu.memory_space<vmem>>
    %dma_wait3A_581 = tpu.memref_squeeze %dma_wait3A_580 : memref<1x768xf32, #tpu.memory_space<vmem>> -> memref<768xf32, #tpu.memory_space<vmem>>
    %dma_wait3A_582 = arith.constant 0 : i32
    %dma_wait3A_583 = tpu.memref_slice %arg6[%add3A_577, %dma_wait3A_582] : memref<64x768xf32, #tpu.memory_space<hbm>> -> memref<1x768xf32, #tpu.memory_space<hbm>>
    %dma_wait3A_584 = tpu.memref_squeeze %dma_wait3A_583 : memref<1x768xf32, #tpu.memory_space<hbm>> -> memref<768xf32, #tpu.memory_space<hbm>>
    %dma_wait3A_585 = arith.constant 0 : i32
    %dma_wait3A_586 = tpu.memref_slice %arg6[%add3A_577, %dma_wait3A_585] : memref<64x768xf32, #tpu.memory_space<hbm>> -> memref<1x768xf32, #tpu.memory_space<hbm>>
    %dma_wait3A_587 = tpu.memref_squeeze %dma_wait3A_586 : memref<1x768xf32, #tpu.memory_space<hbm>> -> memref<768xf32, #tpu.memory_space<hbm>>
    %dma_wait3A_588 = arith.constant 0 : i32
    %dma_wait3A_589 = tpu.memref_slice %arg11[%dma_wait3A_578, %dma_wait3A_588] : memref<6x768xf32, #tpu.memory_space<vmem>> -> memref<1x768xf32, #tpu.memory_space<vmem>>
    %dma_wait3A_590 = tpu.memref_squeeze %dma_wait3A_589 : memref<1x768xf32, #tpu.memory_space<vmem>> -> memref<768xf32, #tpu.memory_space<vmem>>
    tpu.wait_dma2 semaphore(%arg13 : memref<!tpu.dma_semaphore, #tpu.memory_space<semaphore_mem>>) src(%dma_wait3A_590 : memref<768xf32, #tpu.memory_space<vmem>>) dst(%dma_wait3A_587 : memref<768xf32, #tpu.memory_space<hbm>>)
    %add3A_591 = arith.constant 1 : i32
    %add3A_592 = arith.addi %mul3A_2, %add3A_591 : i32
    %dma_wait3A_593 = arith.constant 1 : i32
    %dma_wait3A_594 = arith.constant 0 : i32
    %dma_wait3A_595 = tpu.memref_slice %arg11[%dma_wait3A_593, %dma_wait3A_594] : memref<6x768xf32, #tpu.memory_space<vmem>> -> memref<1x768xf32, #tpu.memory_space<vmem>>
    %dma_wait3A_596 = tpu.memref_squeeze %dma_wait3A_595 : memref<1x768xf32, #tpu.memory_space<vmem>> -> memref<768xf32, #tpu.memory_space<vmem>>
    %dma_wait3A_597 = arith.constant 0 : i32
    %dma_wait3A_598 = tpu.memref_slice %arg6[%add3A_592, %dma_wait3A_597] : memref<64x768xf32, #tpu.memory_space<hbm>> -> memref<1x768xf32, #tpu.memory_space<hbm>>
    %dma_wait3A_599 = tpu.memref_squeeze %dma_wait3A_598 : memref<1x768xf32, #tpu.memory_space<hbm>> -> memref<768xf32, #tpu.memory_space<hbm>>
    %dma_wait3A_600 = arith.constant 0 : i32
    %dma_wait3A_601 = tpu.memref_slice %arg6[%add3A_592, %dma_wait3A_600] : memref<64x768xf32, #tpu.memory_space<hbm>> -> memref<1x768xf32, #tpu.memory_space<hbm>>
    %dma_wait3A_602 = tpu.memref_squeeze %dma_wait3A_601 : memref<1x768xf32, #tpu.memory_space<hbm>> -> memref<768xf32, #tpu.memory_space<hbm>>
    %dma_wait3A_603 = arith.constant 0 : i32
    %dma_wait3A_604 = tpu.memref_slice %arg11[%dma_wait3A_593, %dma_wait3A_603] : memref<6x768xf32, #tpu.memory_space<vmem>> -> memref<1x768xf32, #tpu.memory_space<vmem>>
    %dma_wait3A_605 = tpu.memref_squeeze %dma_wait3A_604 : memref<1x768xf32, #tpu.memory_space<vmem>> -> memref<768xf32, #tpu.memory_space<vmem>>
    tpu.wait_dma2 semaphore(%arg13 : memref<!tpu.dma_semaphore, #tpu.memory_space<semaphore_mem>>) src(%dma_wait3A_605 : memref<768xf32, #tpu.memory_space<vmem>>) dst(%dma_wait3A_602 : memref<768xf32, #tpu.memory_space<hbm>>)
    %add3A_606 = arith.constant 0 : i32
    %add3A_607 = arith.addi %mul3A_2, %add3A_606 : i32
    %dma_wait3A_608 = arith.constant 2 : i32
    %dma_wait3A_609 = arith.constant 0 : i32
    %dma_wait3A_610 = tpu.memref_slice %arg11[%dma_wait3A_608, %dma_wait3A_609] : memref<6x768xf32, #tpu.memory_space<vmem>> -> memref<1x768xf32, #tpu.memory_space<vmem>>
    %dma_wait3A_611 = tpu.memref_squeeze %dma_wait3A_610 : memref<1x768xf32, #tpu.memory_space<vmem>> -> memref<768xf32, #tpu.memory_space<vmem>>
    %dma_wait3A_612 = arith.constant 0 : i32
    %dma_wait3A_613 = tpu.memref_slice %arg7[%add3A_607, %dma_wait3A_612] : memref<64x768xf32, #tpu.memory_space<hbm>> -> memref<1x768xf32, #tpu.memory_space<hbm>>
    %dma_wait3A_614 = tpu.memref_squeeze %dma_wait3A_613 : memref<1x768xf32, #tpu.memory_space<hbm>> -> memref<768xf32, #tpu.memory_space<hbm>>
    %dma_wait3A_615 = arith.constant 0 : i32
    %dma_wait3A_616 = tpu.memref_slice %arg7[%add3A_607, %dma_wait3A_615] : memref<64x768xf32, #tpu.memory_space<hbm>> -> memref<1x768xf32, #tpu.memory_space<hbm>>
    %dma_wait3A_617 = tpu.memref_squeeze %dma_wait3A_616 : memref<1x768xf32, #tpu.memory_space<hbm>> -> memref<768xf32, #tpu.memory_space<hbm>>
    %dma_wait3A_618 = arith.constant 0 : i32
    %dma_wait3A_619 = tpu.memref_slice %arg11[%dma_wait3A_608, %dma_wait3A_618] : memref<6x768xf32, #tpu.memory_space<vmem>> -> memref<1x768xf32, #tpu.memory_space<vmem>>
    %dma_wait3A_620 = tpu.memref_squeeze %dma_wait3A_619 : memref<1x768xf32, #tpu.memory_space<vmem>> -> memref<768xf32, #tpu.memory_space<vmem>>
    tpu.wait_dma2 semaphore(%arg13 : memref<!tpu.dma_semaphore, #tpu.memory_space<semaphore_mem>>) src(%dma_wait3A_620 : memref<768xf32, #tpu.memory_space<vmem>>) dst(%dma_wait3A_617 : memref<768xf32, #tpu.memory_space<hbm>>)
    %add3A_621 = arith.constant 1 : i32
    %add3A_622 = arith.addi %mul3A_2, %add3A_621 : i32
    %dma_wait3A_623 = arith.constant 3 : i32
    %dma_wait3A_624 = arith.constant 0 : i32
    %dma_wait3A_625 = tpu.memref_slice %arg11[%dma_wait3A_623, %dma_wait3A_624] : memref<6x768xf32, #tpu.memory_space<vmem>> -> memref<1x768xf32, #tpu.memory_space<vmem>>
    %dma_wait3A_626 = tpu.memref_squeeze %dma_wait3A_625 : memref<1x768xf32, #tpu.memory_space<vmem>> -> memref<768xf32, #tpu.memory_space<vmem>>
    %dma_wait3A_627 = arith.constant 0 : i32
    %dma_wait3A_628 = tpu.memref_slice %arg7[%add3A_622, %dma_wait3A_627] : memref<64x768xf32, #tpu.memory_space<hbm>> -> memref<1x768xf32, #tpu.memory_space<hbm>>
    %dma_wait3A_629 = tpu.memref_squeeze %dma_wait3A_628 : memref<1x768xf32, #tpu.memory_space<hbm>> -> memref<768xf32, #tpu.memory_space<hbm>>
    %dma_wait3A_630 = arith.constant 0 : i32
    %dma_wait3A_631 = tpu.memref_slice %arg7[%add3A_622, %dma_wait3A_630] : memref<64x768xf32, #tpu.memory_space<hbm>> -> memref<1x768xf32, #tpu.memory_space<hbm>>
    %dma_wait3A_632 = tpu.memref_squeeze %dma_wait3A_631 : memref<1x768xf32, #tpu.memory_space<hbm>> -> memref<768xf32, #tpu.memory_space<hbm>>
    %dma_wait3A_633 = arith.constant 0 : i32
    %dma_wait3A_634 = tpu.memref_slice %arg11[%dma_wait3A_623, %dma_wait3A_633] : memref<6x768xf32, #tpu.memory_space<vmem>> -> memref<1x768xf32, #tpu.memory_space<vmem>>
    %dma_wait3A_635 = tpu.memref_squeeze %dma_wait3A_634 : memref<1x768xf32, #tpu.memory_space<vmem>> -> memref<768xf32, #tpu.memory_space<vmem>>
    tpu.wait_dma2 semaphore(%arg13 : memref<!tpu.dma_semaphore, #tpu.memory_space<semaphore_mem>>) src(%dma_wait3A_635 : memref<768xf32, #tpu.memory_space<vmem>>) dst(%dma_wait3A_632 : memref<768xf32, #tpu.memory_space<hbm>>)
    %add3A_636 = arith.constant 0 : i32
    %add3A_637 = arith.addi %mul3A_2, %add3A_636 : i32
    %dma_wait3A_638 = arith.constant 4 : i32
    %dma_wait3A_639 = arith.constant 0 : i32
    %dma_wait3A_640 = tpu.memref_slice %arg11[%dma_wait3A_638, %dma_wait3A_639] : memref<6x768xf32, #tpu.memory_space<vmem>> -> memref<1x768xf32, #tpu.memory_space<vmem>>
    %dma_wait3A_641 = tpu.memref_squeeze %dma_wait3A_640 : memref<1x768xf32, #tpu.memory_space<vmem>> -> memref<768xf32, #tpu.memory_space<vmem>>
    %dma_wait3A_642 = arith.constant 0 : i32
    %dma_wait3A_643 = tpu.memref_slice %arg8[%add3A_637, %dma_wait3A_642] : memref<64x768xf32, #tpu.memory_space<hbm>> -> memref<1x768xf32, #tpu.memory_space<hbm>>
    %dma_wait3A_644 = tpu.memref_squeeze %dma_wait3A_643 : memref<1x768xf32, #tpu.memory_space<hbm>> -> memref<768xf32, #tpu.memory_space<hbm>>
    %dma_wait3A_645 = arith.constant 0 : i32
    %dma_wait3A_646 = tpu.memref_slice %arg8[%add3A_637, %dma_wait3A_645] : memref<64x768xf32, #tpu.memory_space<hbm>> -> memref<1x768xf32, #tpu.memory_space<hbm>>
    %dma_wait3A_647 = tpu.memref_squeeze %dma_wait3A_646 : memref<1x768xf32, #tpu.memory_space<hbm>> -> memref<768xf32, #tpu.memory_space<hbm>>
    %dma_wait3A_648 = arith.constant 0 : i32
    %dma_wait3A_649 = tpu.memref_slice %arg11[%dma_wait3A_638, %dma_wait3A_648] : memref<6x768xf32, #tpu.memory_space<vmem>> -> memref<1x768xf32, #tpu.memory_space<vmem>>
    %dma_wait3A_650 = tpu.memref_squeeze %dma_wait3A_649 : memref<1x768xf32, #tpu.memory_space<vmem>> -> memref<768xf32, #tpu.memory_space<vmem>>
    tpu.wait_dma2 semaphore(%arg13 : memref<!tpu.dma_semaphore, #tpu.memory_space<semaphore_mem>>) src(%dma_wait3A_650 : memref<768xf32, #tpu.memory_space<vmem>>) dst(%dma_wait3A_647 : memref<768xf32, #tpu.memory_space<hbm>>)
    %add3A_651 = arith.constant 1 : i32
    %add3A_652 = arith.addi %mul3A_2, %add3A_651 : i32
    %dma_wait3A_653 = arith.constant 5 : i32
    %dma_wait3A_654 = arith.constant 0 : i32
    %dma_wait3A_655 = tpu.memref_slice %arg11[%dma_wait3A_653, %dma_wait3A_654] : memref<6x768xf32, #tpu.memory_space<vmem>> -> memref<1x768xf32, #tpu.memory_space<vmem>>
    %dma_wait3A_656 = tpu.memref_squeeze %dma_wait3A_655 : memref<1x768xf32, #tpu.memory_space<vmem>> -> memref<768xf32, #tpu.memory_space<vmem>>
    %dma_wait3A_657 = arith.constant 0 : i32
    %dma_wait3A_658 = tpu.memref_slice %arg8[%add3A_652, %dma_wait3A_657] : memref<64x768xf32, #tpu.memory_space<hbm>> -> memref<1x768xf32, #tpu.memory_space<hbm>>
    %dma_wait3A_659 = tpu.memref_squeeze %dma_wait3A_658 : memref<1x768xf32, #tpu.memory_space<hbm>> -> memref<768xf32, #tpu.memory_space<hbm>>
    %dma_wait3A_660 = arith.constant 0 : i32
    %dma_wait3A_661 = tpu.memref_slice %arg8[%add3A_652, %dma_wait3A_660] : memref<64x768xf32, #tpu.memory_space<hbm>> -> memref<1x768xf32, #tpu.memory_space<hbm>>
    %dma_wait3A_662 = tpu.memref_squeeze %dma_wait3A_661 : memref<1x768xf32, #tpu.memory_space<hbm>> -> memref<768xf32, #tpu.memory_space<hbm>>
    %dma_wait3A_663 = arith.constant 0 : i32
    %dma_wait3A_664 = tpu.memref_slice %arg11[%dma_wait3A_653, %dma_wait3A_663] : memref<6x768xf32, #tpu.memory_space<vmem>> -> memref<1x768xf32, #tpu.memory_space<vmem>>
    %dma_wait3A_665 = tpu.memref_squeeze %dma_wait3A_664 : memref<1x768xf32, #tpu.memory_space<vmem>> -> memref<768xf32, #tpu.memory_space<vmem>>
    tpu.wait_dma2 semaphore(%arg13 : memref<!tpu.dma_semaphore, #tpu.memory_space<semaphore_mem>>) src(%dma_wait3A_665 : memref<768xf32, #tpu.memory_space<vmem>>) dst(%dma_wait3A_662 : memref<768xf32, #tpu.memory_space<hbm>>)
    return
  }
}

</mosaic_0001>

<sc_bundles>
// kernel: _pooled.3.cloned.1.call-start
scs
__scs_entry_jumppad:
0x0: {  	(pc) =	sbr.rel $0x88, $3  }
0x1: {  	(tag) =	ssettag $0x0;
	lr =	simm.s32 $0x1  }
0x2: {  	[smem:$0x3F9D] =	sst lr;
	_ =	strace $0xD0000000  }
0x3: {  	_ = 	snop  }
0x4: {  	_ = 	snop  }
0x5: {  	_ = 	snop  }
0x6: {  	_ = 	snop  }
0x7: {  	_ = 	snop  }
__scs_overlays_trampoline_lowered:
0x8: {  	[smem:$0x3FAC] =	sst s0  }
0x9: {  	[smem:$0x3FAD] =	sst s1  }
0xa: {  	[smem:$0x3FAE] =	sst s2  }
0xb: {  	[smem:$0x3FAF] =	sst s3  }
0xc: {  	[smem:$0x3FB0] =	sst s4  }
0xd: {  	[smem:$0x3FB1] =	sst s5  }
0xe: {  	[smem:$0x3FB2] =	sst s6  }
0xf: {  	[smem:$0x3FB3] =	sst s7  }
0x10: {  	[smem:$0x3FB4] =	sst s8  }
0x11: {  	[smem:$0x3FB5] =	sst s9;
	s0 =	simm.s32 @!p0 $0x0  }
0x12: {  	s1 =	sld [smem:$0x3F9B];
	s0 =	simm.s32 @p0 $0x1  }
0x13: {  	[smem:$0x3FB6] =	sst s0;
	s0 =	simm.s32 @!p1 $0x0  }
0x14: {  	s2 =	sld [smem:$0x3F9A];
	s0 =	simm.s32 @p1 $0x1  }
0x15: {  	[smem:$0x3FB7] =	sst s0;
	s0 =	simm.s32 @!p2 $0x0  }
0x16: {  	s3 =	sld [smem:$0x3FDB];
	s0 =	simm.s32 @p2 $0x1  }
0x17: {  	s4 =	simm.s32 $0x1BF5;
	[smem:$0x3FB9] =	sst s0  }
0x18: {  	s0 =	sld [smem:$0x3F9C];
	_ =	swait.ge [sflag:s4], $0x0  }
0x19: {  	s7 =	sld [smem:$0x3F9D]  }
0x1a: {  	s8 =	sadd.s32 $0xFFFFE003, lr  }
0x1b: {  	s9 =	sadd.s32 $0xFFFFFEF7, lr;
	s5 =	simm.s32 $0xFFFFFFFF;
	p2 =	slt.u32 s8, $0xFFFFF086  }
0x1c: {  	p1 =	slt.u32 s9, $0xF7A;
	s5 =	simm.s32 @!p2 $0x0  }
0x1d: {  	s5 =	simm.s32 @p1 $0x1;
	p0 =	seq.s32 s7, s2  }
0x1e: {  	s7 =	smul.u32 @!p0 $0xF7A, s2;
	p2 =	seq.s32 @!p0 s5, $0x0  }
0x1f: {  	s9 =	smul.u32 $0xF7A, s1;
	s8 =	simm.s32 @!p0 $0x1BF5;
	p2 =	por !p2, p0  }
0x20: {  	[sflag:s8] =	ssyncset.s32 @!p0 $0xFFFFF086;
	s6 =	sadd.s32 @!p0 s3, s7;
	s7 =	simm.s32 @!p0 $0x108  }
0x21: {  	s3 =	sadd.s32 s3, s9;
	s6 =	sadd.s32 @!p0 $0x88, s6;
	s7 =	simm.s32 @p2 $0x1082  }
0x22: {  	[simem:s7], [sflag:s8] =	dma.local @!p0 [hbm:s6], $0xF7A  }
0x23: {  	s9 =	sor.u32 $0xD0000000, s2;
	s6 =	simm.s32 $0x108;
	_ =	swait.ge @!p0 [sflag:s8], $0x0  }
0x24: {  	s3 =	sadd.s32 $0x88, s3;
	s6 =	simm.s32 @!p1 $0x1082;
	[sflag:s4] =	ssyncset.s32 $0xFFFFF086  }
0x25: {  	[simem:s6], [sflag:s4] =	dma.local [hbm:s3], $0xF7A  }
0x26: {  	[smem:$0x3F9D] =	sst s1;
	(tag) =	ssettag s2;
	_ =	strace s9  }
0x27: {  	s1 =	sld [smem:$0x3FAD]  }
0x28: {  	s2 =	sld [smem:$0x3FAE]  }
0x29: {  	s4 =	sld [smem:$0x3FB0]  }
0x2a: {  	p0 =	seq.s32 s5, $0x0;
	s5 =	sld [smem:$0x3FB1]  }
0x2b: {  	s6 =	sld [smem:$0x3FB2]  }
0x2c: {  	s7 =	sld [smem:$0x3FB3]  }
0x2d: {  	s3 =	simm.s32 $0x108;
	s8 =	sld [smem:$0x3FB4]  }
0x2e: {  	s3 =	simm.s32 @!p0 $0x1082;
	s9 =	sld [smem:$0x3FB5]  }
0x2f: {  	lr =	sadd.s32 s0, s3;
	s0 =	sld [smem:$0x3FAC]  }
0x30: {  	s3 =	sld [smem:$0x3FAF]  }
0x31: {  	[smem:$0x3FB8] =	sst s10  }
0x32: {  	s10 =	sld [smem:$0x3FB6];
	_ =	sdelay $0x3  }
0x33: {  	p0 =	seq.s32 s10, $0x1;
	s10 =	sld [smem:$0x3FB8];
	_ =	sdelay $0x3  }
0x34: {  	[smem:$0x3FB8] =	sst s10  }
0x35: {  	s10 =	sld [smem:$0x3FB7];
	_ =	sdelay $0x3  }
0x36: {  	p1 =	seq.s32 s10, $0x1;
	s10 =	sld [smem:$0x3FB8];
	_ =	sdelay $0x3  }
0x37: {  	[smem:$0x3FB8] =	sst s10  }
0x38: {  	s10 =	sld [smem:$0x3FB9]  }
0x39: {  	_ = 	snop;
	(pc) =	sbr.ind lr, $3  }
0x3a: {  	_ = 	snop  }
0x3b: {  	_ = 	snop  }
0x3c: {  	p2 =	seq.s32 s10, $0x1;
	s10 =	sld [smem:$0x3FB8]  }
0x3d: {  	_ =	shalt  }
0x3e: {  	_ =	shalt  }
0x3f: {  	_ =	shalt  }
0x40: {  	_ =	shalt  }
0x41: {  	_ =	shalt  }
0x42: {  	_ =	shalt  }
0x43: {  	_ =	shalt  }
0x44: {  	_ =	shalt  }
0x45: {  	_ =	shalt  }
0x46: {  	_ =	shalt  }
0x47: {  	_ =	shalt  }
0x48: {  	_ =	shalt  }
0x49: {  	_ =	shalt  }
0x4a: {  	_ =	shalt  }
0x4b: {  	_ =	shalt  }
0x4c: {  	_ =	shalt  }
0x4d: {  	_ =	shalt  }
0x4e: {  	_ =	shalt  }
0x4f: {  	_ =	shalt  }
0x50: {  	_ =	shalt  }
0x51: {  	_ =	shalt  }
0x52: {  	_ =	shalt  }
0x53: {  	_ =	shalt  }
0x54: {  	_ =	shalt  }
0x55: {  	_ =	shalt  }
0x56: {  	_ =	shalt  }
0x57: {  	_ =	shalt  }
0x58: {  	_ =	shalt  }
0x59: {  	_ =	shalt  }
0x5a: {  	_ =	shalt  }
0x5b: {  	_ =	shalt  }
0x5c: {  	_ =	shalt  }
0x5d: {  	_ =	shalt  }
0x5e: {  	_ =	shalt  }
0x5f: {  	_ =	shalt  }
0x60: {  	_ =	shalt  }
0x61: {  	_ =	shalt  }
0x62: {  	_ =	shalt  }
0x63: {  	_ =	shalt  }
0x64: {  	_ =	shalt  }
0x65: {  	_ =	shalt  }
0x66: {  	_ =	shalt  }
0x67: {  	_ =	shalt  }
0x68: {  	_ =	shalt  }
0x69: {  	_ =	shalt  }
0x6a: {  	_ =	shalt  }
0x6b: {  	_ =	shalt  }
0x6c: {  	_ =	shalt  }
0x6d: {  	_ =	shalt  }
0x6e: {  	_ =	shalt  }
0x6f: {  	_ =	shalt  }
0x70: {  	_ =	shalt  }
0x71: {  	_ =	shalt  }
0x72: {  	_ =	shalt  }
0x73: {  	_ =	shalt  }
0x74: {  	_ =	shalt  }
0x75: {  	_ =	shalt  }
0x76: {  	_ =	shalt  }
0x77: {  	_ =	shalt  }
0x78: {  	_ =	shalt  }
0x79: {  	_ =	shalt  }
0x7a: {  	_ =	shalt  }
0x7b: {  	_ =	shalt  }
0x7c: {  	_ =	shalt  }
0x7d: {  	_ =	shalt  }
0x7e: {  	_ =	shalt  }
0x7f: {  	_ =	shalt  }
0x80: {  	_ =	shalt  }
0x81: {  	_ =	shalt  }
0x82: {  	_ =	shalt  }
0x83: {  	_ =	shalt  }
0x84: {  	_ =	shalt  }
0x85: {  	_ =	shalt  }
0x86: {  	_ =	shalt  }
0x87: {  	_ =	shalt  }
.Lfunc_end0:
.L_simem_size_0:
called_computation_lowered:
.L_overlay_start_0:
0x88: {  	s2 =	sld [smem:$0x3FD9]  }
0x89: {  	s3 =	sld [smem:$0x3FFE];
	_ =	sdelay $0x1  }
0x8a: {  	s1 =	srdreg.scid  }
0x8b: {  	s0 =	sand.u32 $0x1, s1  }
0x8c: {  	s14 =	sshll.u32 s0, $0xA;
	s2 =	sadd.s32 s3, s2  }
0x8d: {  	s2 =	sadd.s32 s2, s14  }
0x8e: {  	[smem:$0x3FC4] =	sst s2  }
0x8f: {  	_ = 	snop  }
0x90: {  	s2 =	sld [smem:$0x3FD0];
	_ =	sdelay $0x2  }
0x91: {  	s4 =	simm.s32 $0xA;
	s5 =	simm.s32 $0x10;
	s15 =	sld [smem:$0x3FC9]  }
0x92: {  	[smem:s5], [sflag:s4] =	dma.local [hbm:s2], $0x1  }
0x93: {  	_ =	swait.eq [sflag:s4], $0x1  }
0x94: {  	s16 =	sld [smem:$0x10];
	[sflag:s4] =	ssyncset.done $0x0  }
0x95: {  	s17 =	sld [smem:$0x11];
	[sflag:s4] =	ssyncadd.s32 $0xFFFFFFFF  }
0x96: {  	s18 =	sld [smem:$0x12];
	(tm) =	ssettm $0x1  }
0x97: {  	s6 =	sld [smem:$0x3FFB];
	_ =	sdelay $0x3  }
0x98: {  	_ =	strace s6  }
0x99: {  	s6 =	sld [smem:$0x3FFC];
	_ =	sdelay $0x3  }
0x9a: {  	_ =	strace s6  }
0x9b: {  	s6 =	sld [smem:$0x3FFD];
	_ =	sdelay $0x3  }
0x9c: {  	_ =	strace s6  }
0x9d: {  	_ =	strace $0x8FFFFFFF  }
0x9e: {  	s19 =	sld [smem:$0x3FDB];
	_ =	sdelay $0x1  }
0x9f: {  	s7 =	simm.s32 $_scs_section_size  }
0xa0: {  	s8 =	simm.s32 $_size__tile_overlayer_lowered;
	s9 =	simm.s32 $_tile_overlayer_lowered  }
0xa1: {  	s22 =	simm.s32 $0x1BFF;
	s21 =	sshll.u32 s9, $0x1;
	s6 =	sadd.s32 s7, s19  }
0xa2: {  	s10 =	simm.s32 $0x0;
	s20 =	sshll.u32 s8, $0x1;
	s8 =	sadd.s32 s21, s6  }
0xa3: {  	[timem:s10], [sflag:s22] =	dma.local [hbm:s8], s20  }
0xa4: {  	_ =	swait.ge [sflag:s22], s20  }
0xa5: {  	s7 =	ssub.s32 $0x0, s20;
	[sflag:s22] =	ssyncset.done $0x0  }
0xa6: {  	[sflag:s22] =	ssyncadd.s32 s7;
	_ =	sdelay $0x1  }
0xa7: {  	s23 =	simm.s32 $0x1B8B  }
0xa8: {  	_ =	swait.ge [sflag:s23], $0x1  }
0xa9: {  	[sflag:s23] =	ssyncset.done $0x0  }
0xaa: {  	s25 =	simm.s32 $0x1B8E;
	s24 =	sld [smem:$0x3FFE];
	[sflag:s23] =	ssyncadd.s32 $0xFFFFFFFF  }
0xab: {  	s26 =	simm.s32 $execute0_lowered;
	[smem:$0x3FD2] =	sst s25  }
0xac: {  	s8 =	sshll.u32 s26, $0x1;
	_ =	strace $0x80000046;
	[dreg:$0x1] =	wrdreg $0xFFFFFFFF  }
0xad: {  	s28 =	simm.s32 $_size_execute0_lowered;
	s6 =	sadd.s32 s6, s8;
	[dreg:$0x0] =	wrdreg $0x0  }
0xae: {  	s8 =	sshll.u32 s28, $0x1;
	[dreg:$0x2] =	wrdreg s6  }
0xaf: {  	[dreg:$0x3] =	wrdreg s8  }
0xb0: {  	[dreg:$0x4] =	wrdreg $0xC0  }
0xb1: {  	_ =	task [dreg:s10], $0x5FFFF  }
0xb2: {  	[dreg:$0x1] =	wrdreg $0xFFFFFFFF  }
0xb3: {  	[dreg:$0x0] =	wrdreg $0x60  }
0xb4: {  	[dreg:$0x2] =	wrdreg s15  }
0xb5: {  	[dreg:$0x3] =	wrdreg s24  }
0xb6: {  	[dreg:$0x4] =	wrdreg s16  }
0xb7: {  	[dreg:$0x5] =	wrdreg s17  }
0xb8: {  	[dreg:$0x6] =	wrdreg s18  }
0xb9: {  	[dreg:$0x7] =	wrdreg $0x9  }
0xba: {  	_ =	task.clear_ibuf [dreg:s10], $0x8FFFF;
	_ =	strace $0x90000046  }
0xbb: {  	s29 =	simm.s32 $0x9;
	_ =	strace $0x80000048  }
0xbc: {  	_ =	swait.ge [sflag:s29], $0x1  }
0xbd: {  	[sflag:s29] =	ssyncadd.s32 $0xFFFFFFFF  }
0xbe: {  	_ =	strace $0x90000048  }
0xbf: {  	_ =	sfence  }
0xc0: {  	s30 =	sld [smem:$0x0];
	_ =	sdelay $0x2  }
0xc1: {  	s31 =	sshll.u32 s1, $0xD;
	s1 =	sshrl.u32 s1, $0x2  }
0xc2: {  	s3 =	sand.u32 $0x4000, s31;
	s1 =	sadd.s32 s1, s30  }
0xc3: {  	s0 =	sor.u32 s3, s0;
	s1 =	sshll.u32 s1, $0x11  }
0xc4: {  	s0 =	sor.u32 s1, s0  }
0xc5: {  	s0 =	sadd.s32 $0x8F2B, s0  }
0xc6: {  	[sflag:s0] =	ssyncadd.remote.s32 $0x1  }
0xc7: {  	_ =	sfence.sel $0xFFFF  }
0xc8: {  	[dreg:$0x0] =	wrdreg $0xFFFFFFFF;
	(pc) =	sbr.abs _section_cstart, $3  }
0xc9: {  	[dreg:$0x1] =	wrdreg $0xFFFFFFFF  }
0xca: {  	_ =	task.clear_ibuf [dreg:s10], $0x2FFFF;
	_ =	strace $0x9FFFFFFF  }
0xcb: {  	(tm) =	ssettm $0x7FFFFFFF  }
tec
execute0_lowered:
.L_overlay_start_1:
0x0: {  	(tag) =	ssettag $0x1  }
0x1: {  	s0 =	rddreg [dreg:$0x0]  }
0x2: {  	s1 =	rddreg [dreg:$0x1]  }
0x3: {  	s3 =	rddreg [dreg:$0x2]  }
0x4: {  	s4 =	rddreg [dreg:$0x3]  }
0x5: {  	s5 =	rddreg [dreg:$0x4];
	s2 =	simm.s32 $0x0  }
0x6: {  	s6 =	srdreg.scid;
	s11 =	stileid.u32;
	s17 =	simm.s32 $0x9400  }
0x7: {  	s31 =	simm.s32 $0x12400;
	s28 =	simm.s32 $0x0;
	[smem:$0x7FF] =	sst s2  }
0x8: {  	s6 =	sand.u32 $0x1, s6;
	s7 =	sshll.u32 s11, $0x2;
	s9 =	sadd.s32 $0x600, s1  }
0x9: {  	s10 =	sadd.s32 $0xA00, s1;
	s1 =	sadd.s32 $0xE00, s1;
	s11 =	sshrl.u32 s11, $0x1  }
0xa: {  	_ =	strace $0x80000047;
	s8 =	sshll.u32 s6, $0x1;
	s6 =	ssub.s32 $0x2, s6  }
0xb: {  	s14 =	sshll.u32 s11, $0xA;
	s21 =	smul.u32 $0x1800, s11;
	s7 =	sor.u32 s8, s7  }
0xc: {  	s15 =	sshrl.u32 s6, $0x1;
	s8 =	sor.u32 $0x1, s7;
	s12 =	sshll.u32 s7, $0x7  }
0xd: {  	s6 =	ssub.s32 s6, s15;
	s7 =	smul.u32 $0xC000, s7;
	s13 =	sshll.u32 s8, $0x7  }
0xe: {  	s12 =	sand.u32 $0x300, s12;
	s23 =	smul.u32 $0xC000, s8;
	s30 =	smax.u32 s6, $0x1  }
0xf: {  	s6 =	simm.s32 $0x17C00;
	s8 =	simm.s32 $0x1A400;
	s13 =	sand.u32 $0x380, s13  }
0x10: {  	s16 =	sor.u32 s14, s12;
	s24 =	sor.u32 s21, s12;
	[dreg:$0xc] =	wrdreg s30  }
0x11: {  	s14 =	sor.u32 s14, s13;
	s18 =	sshrl.u32 s16, $0x3;
	s25 =	sor.u32 s21, s13  }
0x12: {  	s26 =	sshrl.u32 s24, $0x3;
	s21 =	simm.s32 $0x1AC00;
	s24 =	simm.s32 $0x2  }
0x13: {  	s14 =	sshrl.u32 s14, $0x3;
	s16 =	sadd.s32 s9, s18;
	s19 =	sadd.s32 s10, s18  }
0x14: {  	s22 =	sadd.s32 s1, s18;
	s29 =	sshrl.u32 s25, $0x3;
	s11 =	sadd.s32 s3, s26  }
0x15: {  	s13 =	sadd.s32 s4, s26;
	s15 =	sadd.s32 s5, s26;
	s18 =	simm.s32 $0x18400  }
0x16: {  	s25 =	simm.s32 $0x3;
	s26 =	simm.s32 $0x4;
	[dreg:$0x6] =	wrdreg s16  }
0x17: {  	s9 =	sadd.s32 s9, s14;
	[dreg:$0x8] =	wrdreg s19;
	s20 =	sadd.s32 s10, s14  }
0x18: {  	[dreg:$0xa] =	wrdreg s22;
	s1 =	sadd.s32 s1, s14;
	s10 =	sadd.s32 s0, s23  }
0x19: {  	s12 =	sadd.s32 s3, s29;
	s14 =	sadd.s32 s4, s29;
	[dreg:$0x7] =	wrdreg s9  }
0x1a: {  	v2 =	vlaneseq.u32;
	s16 =	sadd.s32 s5, s29;
	s23 =	simm.s32 $0x5;
	[dreg:$0x9] =	wrdreg s20  }
0x1b: {  	vm0 =	vmmov $0xffff;
	v1 =	vshrl.u32 v2, $0x3;
	s19 =	simm.s32 $0x18C00;
	s22 =	simm.s32 $0x1;
	[dreg:$0xb] =	wrdreg s1  }
0x1c: {  	v0 =	vand.u32 $0x7, v2;
	v2 =	vor.u32 $0x8, v2;
	v1 =	vmul.u32 $0x8, v1;
	s9 =	sadd.s32 s0, s7;
	s7 =	simm.s32 $0x19400;
	s20 =	simm.s32 $0x19C00  }
.LBB2_1:
0x1d: {  	s0 =	rddreg [dreg:$0x6]  }
0x1e: {  	[tilespmem:s2], [sflag:$0x5] =	stream.linear.gather [hbm4b:s0+s2], $0x80, $0x38;
	[tilespmem:$0x1CC00] =	vst v63  }
0x1f: {  	s3 =	rddreg [dreg:$0x7];
	s1 =	simm.s32 $0x80  }
0x20: {  	[tilespmem:s1], [sflag:$0x5] =	stream.linear.gather [hbm4b:s3+s2], $0x80, $0x38;
	[tilespmem:$0x1CC00] =	vst v63  }
0x21: {  	s4 =	rddreg [dreg:$0x8];
	s5 =	simm.s32 $0x100  }
0x22: {  	[tilespmem:s5], [sflag:$0x5] =	stream.linear.gather [hbm4b:s4+s2], $0x80, $0x38;
	[tilespmem:$0x1CC00] =	vst v63  }
0x23: {  	s1 =	rddreg [dreg:$0x9];
	s3 =	simm.s32 $0x180  }
0x24: {  	[tilespmem:s3], [sflag:$0x5] =	stream.linear.gather [hbm4b:s1+s2], $0x80, $0x38;
	[tilespmem:$0x1CC00] =	vst v63  }
0x25: {  	s4 =	rddreg [dreg:$0xa];
	s5 =	simm.s32 $0x200  }
0x26: {  	[tilespmem:s5], [sflag:$0x5] =	stream.linear.gather [hbm4b:s4+s2], $0x80, $0x38;
	[tilespmem:$0x1CC00] =	vst v63  }
0x27: {  	s3 =	rddreg [dreg:$0xb];
	s4 =	simm.s32 $0x280  }
0x28: {  	[tilespmem:s4], [sflag:$0x5] =	stream.linear.gather [hbm4b:s3+s2], $0x80, $0x38;
	[tilespmem:$0x1CC00] =	vst v63  }
0x29: {  	_ =	swait.ge [sflag:s23], $0x80  }
0x2a: {  	[sflag:s23] =	ssyncset.done $0x0  }
0x2b: {  	[sflag:s23] =	ssyncadd.s32 $0xFFFFFF80  }
0x2c: {  	v3 =	vld [tilespmem:$0x0];
	_ =	sdelay $0x4  }
0x2d: {  	v4 =	vshrl.u32 v3, $0x3  }
0x2e: {  	v4 =	vmul.u32 $0x30, v4  }
0x2f: {  	v3 =	vand.u32 $0x7, v3  }
0x30: {  	v3 =	vor.u32 v3, v4  }
0x31: {  	v4 =	vperm.xlane v3, v0;
	_ =	sdelay $0x1  }
0x32: {  	v4 =	vadd.s32 v1, v4;
	_ =	sdelay $0x3  }
0x33: {  	s5 =	simm.s32 $0x400;
	v3 =	vperm.xlane v3, v2  }
0x34: {  	[tilespmem:s5], [sflag:$0x1] =	stream.indirect_vreg.gather [hbm4b:s9+s2], $0x80, v4, vm0, $0xb8;
	[tilespmem:$0x1CC00] =	vst v63  }
0x35: {  	s30 =	sadd.s32 $0x100, s9;
	s1 =	simm.s32 $0xC00;
	v3 =	vadd.s32 v1, v3  }
0x36: {  	[tilespmem:s1], [sflag:$0x1] =	stream.indirect_vreg.gather [hbm4b:s30+s2], $0x80, v4, vm0, $0xb8;
	[tilespmem:$0x1CC00] =	vst v63  }
0x37: {  	s4 =	sadd.s32 $0x200, s9;
	s3 =	simm.s32 $0x1400  }
0x38: {  	[tilespmem:s3], [sflag:$0x1] =	stream.indirect_vreg.gather [hbm4b:s4+s2], $0x80, v4, vm0, $0xb8;
	[tilespmem:$0x1CC00] =	vst v63  }
0x39: {  	s5 =	simm.s32 $0x1C00  }
0x3a: {  	[tilespmem:s5], [sflag:$0x1] =	stream.indirect_vreg.gather [hbm4b:s9+s2], $0x80, v3, vm0, $0xb8;
	[tilespmem:$0x1CC00] =	vst v63  }
0x3b: {  	s1 =	simm.s32 $0x2400  }
0x3c: {  	[tilespmem:s1], [sflag:$0x1] =	stream.indirect_vreg.gather [hbm4b:s30+s2], $0x80, v3, vm0, $0xb8;
	[tilespmem:$0x1CC00] =	vst v63  }
0x3d: {  	s3 =	simm.s32 $0x2C00  }
0x3e: {  	[tilespmem:s3], [sflag:$0x1] =	stream.indirect_vreg.gather [hbm4b:s4+s2], $0x80, v3, vm0, $0xb8;
	[tilespmem:$0x1CC00] =	vst v63  }
0x3f: {  	v3 =	vld [tilespmem:$0x10];
	_ =	sdelay $0x4  }
0x40: {  	v4 =	vshrl.u32 v3, $0x3  }
0x41: {  	v4 =	vmul.u32 $0x30, v4  }
0x42: {  	v3 =	vand.u32 $0x7, v3  }
0x43: {  	v3 =	vor.u32 v3, v4  }
0x44: {  	v4 =	vperm.xlane v3, v0;
	_ =	sdelay $0x1  }
0x45: {  	v4 =	vadd.s32 v1, v4;
	_ =	sdelay $0x3  }
0x46: {  	s5 =	simm.s32 $0x3400;
	v3 =	vperm.xlane v3, v2  }
0x47: {  	[tilespmem:s5], [sflag:$0x1] =	stream.indirect_vreg.gather [hbm4b:s9+s2], $0x80, v4, vm0, $0xb8;
	[tilespmem:$0x1CC00] =	vst v63  }
0x48: {  	s1 =	simm.s32 $0x3C00;
	v3 =	vadd.s32 v1, v3  }
0x49: {  	[tilespmem:s1], [sflag:$0x1] =	stream.indirect_vreg.gather [hbm4b:s30+s2], $0x80, v4, vm0, $0xb8;
	[tilespmem:$0x1CC00] =	vst v63  }
0x4a: {  	s3 =	simm.s32 $0x4400  }
0x4b: {  	[tilespmem:s3], [sflag:$0x1] =	stream.indirect_vreg.gather [hbm4b:s4+s2], $0x80, v4, vm0, $0xb8;
	[tilespmem:$0x1CC00] =	vst v63  }
0x4c: {  	s5 =	simm.s32 $0x4C00  }
0x4d: {  	[tilespmem:s5], [sflag:$0x1] =	stream.indirect_vreg.gather [hbm4b:s9+s2], $0x80, v3, vm0, $0xb8;
	[tilespmem:$0x1CC00] =	vst v63  }
0x4e: {  	s1 =	simm.s32 $0x5400  }
0x4f: {  	[tilespmem:s1], [sflag:$0x1] =	stream.indirect_vreg.gather [hbm4b:s30+s2], $0x80, v3, vm0, $0xb8;
	[tilespmem:$0x1CC00] =	vst v63  }
0x50: {  	s3 =	simm.s32 $0x5C00  }
0x51: {  	[tilespmem:s3], [sflag:$0x1] =	stream.indirect_vreg.gather [hbm4b:s4+s2], $0x80, v3, vm0, $0xb8;
	[tilespmem:$0x1CC00] =	vst v63  }
0x52: {  	v3 =	vld [tilespmem:$0x20];
	_ =	sdelay $0x4  }
0x53: {  	v4 =	vshrl.u32 v3, $0x3  }
0x54: {  	v4 =	vmul.u32 $0x30, v4  }
0x55: {  	v3 =	vand.u32 $0x7, v3  }
0x56: {  	v3 =	vor.u32 v3, v4  }
0x57: {  	v4 =	vperm.xlane v3, v0;
	_ =	sdelay $0x1  }
0x58: {  	v4 =	vadd.s32 v1, v4;
	_ =	sdelay $0x3  }
0x59: {  	s5 =	simm.s32 $0x6400;
	v3 =	vperm.xlane v3, v2  }
0x5a: {  	[tilespmem:s5], [sflag:$0x1] =	stream.indirect_vreg.gather [hbm4b:s9+s2], $0x80, v4, vm0, $0xb8;
	[tilespmem:$0x1CC00] =	vst v63  }
0x5b: {  	s1 =	simm.s32 $0x6C00;
	v3 =	vadd.s32 v1, v3  }
0x5c: {  	[tilespmem:s1], [sflag:$0x1] =	stream.indirect_vreg.gather [hbm4b:s30+s2], $0x80, v4, vm0, $0xb8;
	[tilespmem:$0x1CC00] =	vst v63  }
0x5d: {  	s3 =	simm.s32 $0x7400  }
0x5e: {  	[tilespmem:s3], [sflag:$0x1] =	stream.indirect_vreg.gather [hbm4b:s4+s2], $0x80, v4, vm0, $0xb8;
	[tilespmem:$0x1CC00] =	vst v63  }
0x5f: {  	s5 =	simm.s32 $0x7C00  }
0x60: {  	[tilespmem:s5], [sflag:$0x1] =	stream.indirect_vreg.gather [hbm4b:s9+s2], $0x80, v3, vm0, $0xb8;
	[tilespmem:$0x1CC00] =	vst v63  }
0x61: {  	s1 =	simm.s32 $0x8400  }
0x62: {  	[tilespmem:s1], [sflag:$0x1] =	stream.indirect_vreg.gather [hbm4b:s30+s2], $0x80, v3, vm0, $0xb8;
	[tilespmem:$0x1CC00] =	vst v63  }
0x63: {  	s3 =	simm.s32 $0x8C00  }
0x64: {  	[tilespmem:s3], [sflag:$0x1] =	stream.indirect_vreg.gather [hbm4b:s4+s2], $0x80, v3, vm0, $0xb8;
	[tilespmem:$0x1CC00] =	vst v63  }
0x65: {  	_ =	swait.ge [sflag:s23], $0x80  }
0x66: {  	[sflag:s23] =	ssyncset.done $0x0  }
0x67: {  	[sflag:s23] =	ssyncadd.s32 $0xFFFFFF80  }
0x68: {  	v3 =	vld [tilespmem:$0x80];
	_ =	sdelay $0x4  }
0x69: {  	v4 =	vshrl.u32 v3, $0x3  }
0x6a: {  	v4 =	vmul.u32 $0x30, v4  }
0x6b: {  	v3 =	vand.u32 $0x7, v3  }
0x6c: {  	v3 =	vor.u32 v3, v4  }
0x6d: {  	v4 =	vperm.xlane v3, v0;
	_ =	sdelay $0x1  }
0x6e: {  	v4 =	vadd.s32 v1, v4;
	_ =	sdelay $0x3  }
0x6f: {  	v3 =	vperm.xlane v3, v2  }
0x70: {  	[tilespmem:s17], [sflag:$0x2] =	stream.indirect_vreg.gather [hbm4b:s10+s2], $0x80, v4, vm0, $0xb8;
	[tilespmem:$0x1CC00] =	vst v63  }
0x71: {  	s29 =	sadd.s32 $0x100, s10;
	s5 =	simm.s32 $0x9C00;
	v3 =	vadd.s32 v1, v3  }
0x72: {  	[tilespmem:s5], [sflag:$0x2] =	stream.indirect_vreg.gather [hbm4b:s29+s2], $0x80, v4, vm0, $0xb8;
	[tilespmem:$0x1CC00] =	vst v63  }
0x73: {  	s3 =	sadd.s32 $0x200, s10;
	s17 =	simm.s32 $0xA400  }
0x74: {  	[tilespmem:s17], [sflag:$0x2] =	stream.indirect_vreg.gather [hbm4b:s3+s2], $0x80, v4, vm0, $0xb8;
	[tilespmem:$0x1CC00] =	vst v63  }
0x75: {  	s1 =	simm.s32 $0xAC00  }
0x76: {  	[tilespmem:s1], [sflag:$0x2] =	stream.indirect_vreg.gather [hbm4b:s10+s2], $0x80, v3, vm0, $0xb8;
	[tilespmem:$0x1CC00] =	vst v63  }
0x77: {  	s5 =	simm.s32 $0xB400  }
0x78: {  	[tilespmem:s5], [sflag:$0x2] =	stream.indirect_vreg.gather [hbm4b:s29+s2], $0x80, v3, vm0, $0xb8;
	[tilespmem:$0x1CC00] =	vst v63  }
0x79: {  	s17 =	simm.s32 $0xBC00  }
0x7a: {  	[tilespmem:s17], [sflag:$0x2] =	stream.indirect_vreg.gather [hbm4b:s3+s2], $0x80, v3, vm0, $0xb8;
	[tilespmem:$0x1CC00] =	vst v63  }
0x7b: {  	v3 =	vld [tilespmem:$0x90];
	_ =	sdelay $0x4  }
0x7c: {  	v4 =	vshrl.u32 v3, $0x3  }
0x7d: {  	v4 =	vmul.u32 $0x30, v4  }
0x7e: {  	v3 =	vand.u32 $0x7, v3  }
0x7f: {  	v3 =	vor.u32 v3, v4  }
0x80: {  	v4 =	vperm.xlane v3, v0;
	_ =	sdelay $0x1  }
0x81: {  	v4 =	vadd.s32 v1, v4;
	_ =	sdelay $0x3  }
0x82: {  	s1 =	simm.s32 $0xC400;
	v3 =	vperm.xlane v3, v2  }
0x83: {  	[tilespmem:s1], [sflag:$0x2] =	stream.indirect_vreg.gather [hbm4b:s10+s2], $0x80, v4, vm0, $0xb8;
	[tilespmem:$0x1CC00] =	vst v63  }
0x84: {  	s5 =	simm.s32 $0xCC00;
	v3 =	vadd.s32 v1, v3  }
0x85: {  	[tilespmem:s5], [sflag:$0x2] =	stream.indirect_vreg.gather [hbm4b:s29+s2], $0x80, v4, vm0, $0xb8;
	[tilespmem:$0x1CC00] =	vst v63  }
0x86: {  	s17 =	simm.s32 $0xD400  }
0x87: {  	[tilespmem:s17], [sflag:$0x2] =	stream.indirect_vreg.gather [hbm4b:s3+s2], $0x80, v4, vm0, $0xb8;
	[tilespmem:$0x1CC00] =	vst v63  }
0x88: {  	s1 =	simm.s32 $0xDC00  }
0x89: {  	[tilespmem:s1], [sflag:$0x2] =	stream.indirect_vreg.gather [hbm4b:s10+s2], $0x80, v3, vm0, $0xb8;
	[tilespmem:$0x1CC00] =	vst v63  }
0x8a: {  	s5 =	simm.s32 $0xE400  }
0x8b: {  	[tilespmem:s5], [sflag:$0x2] =	stream.indirect_vreg.gather [hbm4b:s29+s2], $0x80, v3, vm0, $0xb8;
	[tilespmem:$0x1CC00] =	vst v63  }
0x8c: {  	s17 =	simm.s32 $0xEC00  }
0x8d: {  	[tilespmem:s17], [sflag:$0x2] =	stream.indirect_vreg.gather [hbm4b:s3+s2], $0x80, v3, vm0, $0xb8;
	[tilespmem:$0x1CC00] =	vst v63  }
0x8e: {  	v3 =	vld [tilespmem:$0xA0];
	_ =	sdelay $0x4  }
0x8f: {  	v4 =	vshrl.u32 v3, $0x3  }
0x90: {  	v4 =	vmul.u32 $0x30, v4  }
0x91: {  	v3 =	vand.u32 $0x7, v3  }
0x92: {  	v3 =	vor.u32 v3, v4  }
0x93: {  	v4 =	vperm.xlane v3, v0;
	_ =	sdelay $0x1  }
0x94: {  	v4 =	vadd.s32 v1, v4;
	_ =	sdelay $0x3  }
0x95: {  	s1 =	simm.s32 $0xF400;
	v3 =	vperm.xlane v3, v2  }
0x96: {  	[tilespmem:s1], [sflag:$0x2] =	stream.indirect_vreg.gather [hbm4b:s10+s2], $0x80, v4, vm0, $0xb8;
	[tilespmem:$0x1CC00] =	vst v63  }
0x97: {  	s5 =	simm.s32 $0xFC00;
	v3 =	vadd.s32 v1, v3  }
0x98: {  	[tilespmem:s5], [sflag:$0x2] =	stream.indirect_vreg.gather [hbm4b:s29+s2], $0x80, v4, vm0, $0xb8;
	[tilespmem:$0x1CC00] =	vst v63  }
0x99: {  	s17 =	simm.s32 $0x10400  }
0x9a: {  	[tilespmem:s17], [sflag:$0x2] =	stream.indirect_vreg.gather [hbm4b:s3+s2], $0x80, v4, vm0, $0xb8;
	[tilespmem:$0x1CC00] =	vst v63  }
0x9b: {  	s1 =	simm.s32 $0x10C00  }
0x9c: {  	[tilespmem:s1], [sflag:$0x2] =	stream.indirect_vreg.gather [hbm4b:s10+s2], $0x80, v3, vm0, $0xb8;
	[tilespmem:$0x1CC00] =	vst v63  }
0x9d: {  	s5 =	simm.s32 $0x11400  }
0x9e: {  	[tilespmem:s5], [sflag:$0x2] =	stream.indirect_vreg.gather [hbm4b:s29+s2], $0x80, v3, vm0, $0xb8;
	[tilespmem:$0x1CC00] =	vst v63  }
0x9f: {  	s17 =	simm.s32 $0x11C00  }
0xa0: {  	[tilespmem:s17], [sflag:$0x2] =	stream.indirect_vreg.gather [hbm4b:s3+s2], $0x80, v3, vm0, $0xb8;
	[tilespmem:$0x1CC00] =	vst v63  }
0xa1: {  	_ =	swait.ge [sflag:s23], $0x80  }
0xa2: {  	[sflag:s23] =	ssyncset.done $0x0  }
0xa3: {  	[sflag:s23] =	ssyncadd.s32 $0xFFFFFF80  }
0xa4: {  	v3 =	vld [tilespmem:$0x100];
	_ =	sdelay $0x4  }
0xa5: {  	v4 =	vshrl.u32 v3, $0x3  }
0xa6: {  	v4 =	vmul.u32 $0x30, v4  }
0xa7: {  	v3 =	vand.u32 $0x7, v3  }
0xa8: {  	v3 =	vor.u32 v3, v4  }
0xa9: {  	v4 =	vperm.xlane v3, v0;
	_ =	sdelay $0x1  }
0xaa: {  	v4 =	vadd.s32 v1, v4;
	_ =	sdelay $0x3  }
0xab: {  	v3 =	vperm.xlane v3, v2  }
0xac: {  	[tilespmem:s31], [sflag:$0x3] =	stream.indirect_vreg.gather [hbm4b:s9+s2], $0x80, v4, vm0, $0xb8;
	[tilespmem:$0x1CC00] =	vst v63  }
0xad: {  	s1 =	simm.s32 $0x12C00;
	v3 =	vadd.s32 v1, v3  }
0xae: {  	[tilespmem:s1], [sflag:$0x3] =	stream.indirect_vreg.gather [hbm4b:s30+s2], $0x80, v4, vm0, $0xb8;
	[tilespmem:$0x1CC00] =	vst v63  }
0xaf: {  	s5 =	simm.s32 $0x13400  }
0xb0: {  	[tilespmem:s5], [sflag:$0x3] =	stream.indirect_vreg.gather [hbm4b:s4+s2], $0x80, v4, vm0, $0xb8;
	[tilespmem:$0x1CC00] =	vst v63  }
0xb1: {  	s17 =	simm.s32 $0x13C00  }
0xb2: {  	[tilespmem:s17], [sflag:$0x3] =	stream.indirect_vreg.gather [hbm4b:s9+s2], $0x80, v3, vm0, $0xb8;
	[tilespmem:$0x1CC00] =	vst v63  }
0xb3: {  	s1 =	simm.s32 $0x14400  }
0xb4: {  	[tilespmem:s1], [sflag:$0x3] =	stream.indirect_vreg.gather [hbm4b:s30+s2], $0x80, v3, vm0, $0xb8;
	[tilespmem:$0x1CC00] =	vst v63  }
0xb5: {  	s5 =	simm.s32 $0x14C00  }
0xb6: {  	[tilespmem:s5], [sflag:$0x3] =	stream.indirect_vreg.gather [hbm4b:s4+s2], $0x80, v3, vm0, $0xb8;
	[tilespmem:$0x1CC00] =	vst v63  }
0xb7: {  	v3 =	vld [tilespmem:$0x110];
	_ =	sdelay $0x4  }
0xb8: {  	v4 =	vshrl.u32 v3, $0x3  }
0xb9: {  	v4 =	vmul.u32 $0x30, v4  }
0xba: {  	v3 =	vand.u32 $0x7, v3  }
0xbb: {  	v3 =	vor.u32 v3, v4  }
0xbc: {  	v4 =	vperm.xlane v3, v0;
	_ =	sdelay $0x1  }
0xbd: {  	v4 =	vadd.s32 v1, v4;
	_ =	sdelay $0x3  }
0xbe: {  	s17 =	simm.s32 $0x15400;
	v3 =	vperm.xlane v3, v2  }
0xbf: {  	[tilespmem:s17], [sflag:$0x3] =	stream.indirect_vreg.gather [hbm4b:s9+s2], $0x80, v4, vm0, $0xb8;
	[tilespmem:$0x1CC00] =	vst v63  }
0xc0: {  	s1 =	simm.s32 $0x15C00;
	v3 =	vadd.s32 v1, v3  }
0xc1: {  	[tilespmem:s1], [sflag:$0x3] =	stream.indirect_vreg.gather [hbm4b:s30+s2], $0x80, v4, vm0, $0xb8;
	[tilespmem:$0x1CC00] =	vst v63  }
0xc2: {  	s5 =	simm.s32 $0x16400  }
0xc3: {  	[tilespmem:s5], [sflag:$0x3] =	stream.indirect_vreg.gather [hbm4b:s4+s2], $0x80, v4, vm0, $0xb8;
	[tilespmem:$0x1CC00] =	vst v63  }
0xc4: {  	s17 =	simm.s32 $0x16C00  }
0xc5: {  	[tilespmem:s17], [sflag:$0x3] =	stream.indirect_vreg.gather [hbm4b:s9+s2], $0x80, v3, vm0, $0xb8;
	[tilespmem:$0x1CC00] =	vst v63  }
0xc6: {  	s1 =	simm.s32 $0x17400  }
0xc7: {  	[tilespmem:s1], [sflag:$0x3] =	stream.indirect_vreg.gather [hbm4b:s30+s2], $0x80, v3, vm0, $0xb8;
	[tilespmem:$0x1CC00] =	vst v63  }
0xc8: {  	_ = 	snop  }
0xc9: {  	[tilespmem:s6], [sflag:$0x3] =	stream.indirect_vreg.gather [hbm4b:s4+s2], $0x80, v3, vm0, $0xb8;
	[tilespmem:$0x1CC00] =	vst v63  }
0xca: {  	v3 =	vld [tilespmem:$0x120];
	_ =	sdelay $0x4  }
0xcb: {  	v4 =	vshrl.u32 v3, $0x3  }
0xcc: {  	v4 =	vmul.u32 $0x30, v4  }
0xcd: {  	v3 =	vand.u32 $0x7, v3  }
0xce: {  	v3 =	vor.u32 v3, v4  }
0xcf: {  	v4 =	vperm.xlane v3, v0;
	_ =	sdelay $0x1  }
0xd0: {  	v4 =	vadd.s32 v1, v4;
	_ =	sdelay $0x3  }
0xd1: {  	v3 =	vperm.xlane v3, v2  }
0xd2: {  	[tilespmem:s18], [sflag:$0x3] =	stream.indirect_vreg.gather [hbm4b:s9+s2], $0x80, v4, vm0, $0xb8;
	[tilespmem:$0x1CC00] =	vst v63  }
0xd3: {  	v3 =	vadd.s32 v1, v3  }
0xd4: {  	[tilespmem:s19], [sflag:$0x3] =	stream.indirect_vreg.gather [hbm4b:s30+s2], $0x80, v4, vm0, $0xb8;
	[tilespmem:$0x1CC00] =	vst v63  }
0xd5: {  	_ = 	snop  }
0xd6: {  	[tilespmem:s7], [sflag:$0x3] =	stream.indirect_vreg.gather [hbm4b:s4+s2], $0x80, v4, vm0, $0xb8;
	[tilespmem:$0x1CC00] =	vst v63  }
0xd7: {  	_ = 	snop  }
0xd8: {  	[tilespmem:s20], [sflag:$0x3] =	stream.indirect_vreg.gather [hbm4b:s9+s2], $0x80, v3, vm0, $0xb8;
	[tilespmem:$0x1CC00] =	vst v63  }
0xd9: {  	_ = 	snop  }
0xda: {  	[tilespmem:s8], [sflag:$0x3] =	stream.indirect_vreg.gather [hbm4b:s30+s2], $0x80, v3, vm0, $0xb8;
	[tilespmem:$0x1CC00] =	vst v63  }
0xdb: {  	_ = 	snop  }
0xdc: {  	[tilespmem:s21], [sflag:$0x3] =	stream.indirect_vreg.gather [hbm4b:s4+s2], $0x80, v3, vm0, $0xb8;
	[tilespmem:$0x1CC00] =	vst v63  }
0xdd: {  	_ =	swait.ge [sflag:s22], $0x9000  }
0xde: {  	s5 =	sand.u32 $0x70, s2;
	s17 =	sand.u32 $0x1C00, s2;
	[sflag:s22] =	ssyncset.done $0x0  }
0xdf: {  	s31 =	sor.u32 s5, s17;
	[sflag:s22] =	ssyncadd.s32 $0xFFFF7000  }
0xe0: {  	v3 =	vld [tilespmem:s31+$0x7E00]  }
0xe1: {  	v5 =	vld [tilespmem:s31+$0x7E80]  }
0xe2: {  	v4 =	vld [tilespmem:s31+$0x7C00]  }
0xe3: {  	v6 =	vld [tilespmem:s31+$0x7C80]  }
0xe4: {  	v7 =	vld [tilespmem:s31+$0x6600]  }
0xe5: {  	v8 =	vld [tilespmem:s31+$0x6680]  }
0xe6: {  	v9 =	vld [tilespmem:s31+$0x6400]  }
0xe7: {  	v10 =	vld [tilespmem:s31+$0x6480]  }
0xe8: {  	v11 =	vld [tilespmem:s31+$0x4E00]  }
0xe9: {  	v12 =	vld [tilespmem:s31+$0x4E80]  }
0xea: {  	v13 =	vld [tilespmem:s31+$0x4C00]  }
0xeb: {  	v14 =	vld [tilespmem:s31+$0x4C80]  }
0xec: {  	v15 =	vld [tilespmem:s31+$0x3600]  }
0xed: {  	v16 =	vld [tilespmem:s31+$0x3680]  }
0xee: {  	v17 =	vld [tilespmem:s31+$0x3400]  }
0xef: {  	v18 =	vld [tilespmem:s31+$0x3480]  }
0xf0: {  	v19 =	vld [tilespmem:s31+$0x1E00]  }
0xf1: {  	v20 =	vld [tilespmem:s31+$0x1E80]  }
0xf2: {  	v21 =	vld [tilespmem:s31+$0x1C00]  }
0xf3: {  	v22 =	vld [tilespmem:s31+$0x1C80]  }
0xf4: {  	v24 =	vld [tilespmem:s31+$0x400]  }
0xf5: {  	v26 =	vld [tilespmem:s31+$0x480]  }
0xf6: {  	v23 =	vld [tilespmem:s31+$0x500]  }
0xf7: {  	v25 =	vld [tilespmem:s31+$0x580]  }
0xf8: {  	v27 =	vld [tilespmem:s31+$0x600]  }
0xf9: {  	s0 =	simm.s32 $0x10;
	s5 =	simm.s32 $0x0;
	s1 =	sor.u32 s2, s2;
	v28 =	vld [tilespmem:s31+$0x680]  }
.LBB2_2:
0xfa: {  	p0 =	sne.s32 s0, $0x2F0;
	v29 =	vld [tilespmem:s31+$0x700];
	s1 =	sor.u32 $0x380, s1  }
0xfb: {  	v30 =	vld [tilespmem:s1+$0x400]  }
0xfc: {  	v31 =	vld [tilespmem:s31+$0x1D00]  }
0xfd: {  	v32 =	vld [tilespmem:s31+$0x1D80]  }
0xfe: {  	v33 =	vld [tilespmem:s31+$0x1F00]  }
0xff: {  	v24 =	vadd.f32 v27, v24;
	v26 =	vadd.f32 v28, v26;
	v27 =	vld [tilespmem:s31+$0x1F80]  }
0x100: {  	v23 =	vadd.f32 v29, v23;
	v25 =	vadd.f32 v30, v25;
	v28 =	vld [tilespmem:s31+$0x3500]  }
0x101: {  	v21 =	vadd.f32 v21, v24;
	v22 =	vadd.f32 v22, v26;
	v24 =	vld [tilespmem:s31+$0x3580]  }
0x102: {  	v23 =	vadd.f32 v31, v23;
	v25 =	vadd.f32 v32, v25;
	v26 =	vld [tilespmem:s31+$0x3700]  }
0x103: {  	v19 =	vadd.f32 v19, v21;
	v20 =	vadd.f32 v20, v22;
	v21 =	vld [tilespmem:s31+$0x3780]  }
0x104: {  	v22 =	vadd.f32 v33, v23;
	v23 =	vadd.f32 v27, v25;
	v25 =	vld [tilespmem:s31+$0x4D00]  }
0x105: {  	v17 =	vadd.f32 v17, v19;
	v18 =	vadd.f32 v18, v20;
	v19 =	vld [tilespmem:s31+$0x4D80]  }
0x106: {  	v20 =	vadd.f32 v28, v22;
	v22 =	vadd.f32 v24, v23;
	v23 =	vld [tilespmem:s31+$0x4F00]  }
0x107: {  	v15 =	vadd.f32 v15, v17;
	v16 =	vadd.f32 v16, v18;
	v17 =	vld [tilespmem:s31+$0x4F80]  }
0x108: {  	v18 =	vadd.f32 v26, v20;
	v20 =	vadd.f32 v21, v22;
	v21 =	vld [tilespmem:s31+$0x6500]  }
0x109: {  	v13 =	vadd.f32 v13, v15;
	v14 =	vadd.f32 v14, v16;
	v15 =	vld [tilespmem:s31+$0x6580]  }
0x10a: {  	v16 =	vadd.f32 v25, v18;
	v18 =	vadd.f32 v19, v20;
	v19 =	vld [tilespmem:s31+$0x6700]  }
0x10b: {  	v11 =	vadd.f32 v11, v13;
	v12 =	vadd.f32 v12, v14;
	v13 =	vld [tilespmem:s31+$0x6780]  }
0x10c: {  	v14 =	vadd.f32 v23, v16;
	v16 =	vadd.f32 v17, v18;
	v17 =	vld [tilespmem:s31+$0x7D00]  }
0x10d: {  	s5 =	sadd.s32 $0x80, s5;
	v9 =	vadd.f32 v9, v11;
	v10 =	vadd.f32 v10, v12;
	v11 =	vld [tilespmem:s31+$0x7D80]  }
0x10e: {  	s1 =	sand.u32 $0x70, s0;
	s17 =	sand.u32 $0x1C00, s5;
	v12 =	vadd.f32 v21, v14;
	v14 =	vadd.f32 v15, v16;
	v15 =	vld [tilespmem:s31+$0x7F00]  }
0x10f: {  	s1 =	sor.u32 s1, s17;
	v7 =	vadd.f32 v7, v9;
	v8 =	vadd.f32 v8, v10;
	v9 =	vld [tilespmem:s31+$0x7F80]  }
0x110: {  	v12 =	vadd.f32 v19, v12;
	v10 =	vld [tilespmem:s1+$0x7E00];
	v13 =	vadd.f32 v13, v14  }
0x111: {  	v7 =	vadd.f32 v4, v7;
	v8 =	vadd.f32 v6, v8;
	v14 =	vld [tilespmem:s1+$0x7E80]  }
0x112: {  	v12 =	vadd.f32 v17, v12;
	v4 =	vld [tilespmem:s1+$0x7C00];
	v11 =	vadd.f32 v11, v13  }
0x113: {  	v13 =	vadd.f32 v3, v7;
	v16 =	vadd.f32 v5, v8;
	v6 =	vld [tilespmem:s1+$0x7C80]  }
0x114: {  	v12 =	vadd.f32 v15, v12;
	v7 =	vld [tilespmem:s1+$0x6600];
	v11 =	vadd.f32 v9, v11  }
0x115: {  	v8 =	vld [tilespmem:s1+$0x6680];
	v3 =	vmov v10  }
0x116: {  	v13 =	vadd.f32 v16, v13;
	v9 =	vld [tilespmem:s1+$0x6400];
	v12 =	vadd.f32 v11, v12;
	v5 =	vmov v14  }
0x117: {  	v10 =	vld [tilespmem:s1+$0x6480]  }
0x118: {  	v11 =	vld [tilespmem:s1+$0x4E00];
	v14 =	vadd.f32 v12, v13  }
0x119: {  	v12 =	vld [tilespmem:s1+$0x4E80]  }
0x11a: {  	v13 =	vld [tilespmem:s1+$0x4C00];
	v16 =	vmul.f32 $2.083333400e-02, v14  }
0x11b: {  	v14 =	vld [tilespmem:s1+$0x4C80]  }
0x11c: {  	v15 =	vld [tilespmem:s1+$0x3600];
	[tilespmem:s31+$0x1B400] =	vst v16;
	s31 =	smov.u32 s1  }
0x11d: {  	v16 =	vld [tilespmem:s31+$0x3680]  }
0x11e: {  	v17 =	vld [tilespmem:s31+$0x3400]  }
0x11f: {  	v18 =	vld [tilespmem:s31+$0x3480]  }
0x120: {  	v19 =	vld [tilespmem:s31+$0x1E00]  }
0x121: {  	v20 =	vld [tilespmem:s31+$0x1E80]  }
0x122: {  	v21 =	vld [tilespmem:s31+$0x1C00]  }
0x123: {  	v22 =	vld [tilespmem:s31+$0x1C80]  }
0x124: {  	v24 =	vld [tilespmem:s31+$0x400]  }
.Ltmp0:
0x125: {  	v26 =	vld [tilespmem:s31+$0x480];
	(pc) =	sbr.rel @p0 .LBB2_2-.Ltmp0, $4  }
0x126: {  	v23 =	vld [tilespmem:s31+$0x500]  }
0x127: {  	v25 =	vld [tilespmem:s31+$0x580]  }
0x128: {  	v27 =	vld [tilespmem:s31+$0x600]  }
0x129: {  	s1 =	sor.u32 s5, s0;
	s0 =	sadd.s32 $0x10, s0;
	v28 =	vld [tilespmem:s31+$0x680]  }
0x12a: {  	v29 =	vld [tilespmem:s31+$0x700];
	s0 =	sor.u32 $0x380, s1  }
0x12b: {  	v30 =	vld [tilespmem:s0+$0x400]  }
0x12c: {  	v31 =	vld [tilespmem:s31+$0x1D00]  }
0x12d: {  	v32 =	vld [tilespmem:s31+$0x1D80]  }
0x12e: {  	v33 =	vld [tilespmem:s31+$0x1F00];
	v24 =	vadd.f32 v27, v24  }
0x12f: {  	v27 =	vld [tilespmem:s31+$0x1F80];
	v26 =	vadd.f32 v28, v26;
	v23 =	vadd.f32 v29, v23  }
0x130: {  	v28 =	vld [tilespmem:s31+$0x3500];
	v21 =	vadd.f32 v21, v24;
	v25 =	vadd.f32 v30, v25  }
0x131: {  	v24 =	vld [tilespmem:s31+$0x3580];
	v22 =	vadd.f32 v22, v26;
	v23 =	vadd.f32 v31, v23  }
0x132: {  	v26 =	vld [tilespmem:s31+$0x3700];
	v19 =	vadd.f32 v19, v21;
	v25 =	vadd.f32 v32, v25  }
0x133: {  	v21 =	vld [tilespmem:s31+$0x3780];
	v20 =	vadd.f32 v20, v22;
	v22 =	vadd.f32 v33, v23  }
0x134: {  	v17 =	vadd.f32 v17, v19;
	v23 =	vadd.f32 v27, v25;
	v25 =	vld [tilespmem:s31+$0x4D00]  }
0x135: {  	v19 =	vld [tilespmem:s31+$0x4D80];
	v18 =	vadd.f32 v18, v20;
	v20 =	vadd.f32 v28, v22  }
0x136: {  	v15 =	vadd.f32 v15, v17;
	v22 =	vadd.f32 v24, v23;
	v23 =	vld [tilespmem:s31+$0x4F00]  }
0x137: {  	v17 =	vld [tilespmem:s31+$0x4F80];
	v16 =	vadd.f32 v16, v18;
	v18 =	vadd.f32 v26, v20  }
0x138: {  	v13 =	vadd.f32 v13, v15;
	v20 =	vadd.f32 v21, v22;
	v21 =	vld [tilespmem:s31+$0x6500]  }
0x139: {  	v15 =	vld [tilespmem:s31+$0x6580];
	v14 =	vadd.f32 v14, v16;
	v16 =	vadd.f32 v25, v18  }
0x13a: {  	v11 =	vadd.f32 v11, v13;
	v13 =	vld [tilespmem:s31+$0x6780];
	v18 =	vadd.f32 v19, v20  }
0x13b: {  	v19 =	vld [tilespmem:s31+$0x6700];
	v12 =	vadd.f32 v12, v14;
	v14 =	vadd.f32 v23, v16  }
0x13c: {  	v9 =	vadd.f32 v9, v11;
	v11 =	vld [tilespmem:s31+$0x7D80];
	v16 =	vadd.f32 v17, v18  }
0x13d: {  	v17 =	vld [tilespmem:s31+$0x7D00];
	v10 =	vadd.f32 v10, v12;
	v12 =	vadd.f32 v21, v14  }
0x13e: {  	v7 =	vadd.f32 v7, v9;
	v9 =	vld [tilespmem:s31+$0x7F80];
	v14 =	vadd.f32 v15, v16  }
0x13f: {  	v15 =	vld [tilespmem:s31+$0x7F00];
	v8 =	vadd.f32 v8, v10  }
0x140: {  	v10 =	vadd.f32 v19, v12;
	v12 =	vadd.f32 v13, v14  }
0x141: {  	v4 =	vadd.f32 v4, v7;
	v6 =	vadd.f32 v6, v8  }
0x142: {  	v7 =	vadd.f32 v17, v10;
	v8 =	vadd.f32 v11, v12  }
0x143: {  	v3 =	vadd.f32 v3, v4;
	v4 =	vadd.f32 v5, v6  }
0x144: {  	v5 =	vadd.f32 v15, v7;
	v6 =	vadd.f32 v9, v8;
	_ =	sdelay $0x1  }
0x145: {  	v3 =	vadd.f32 v4, v3;
	v4 =	vadd.f32 v6, v5;
	_ =	sdelay $0x1  }
0x146: {  	v3 =	vadd.f32 v4, v3;
	_ =	sdelay $0x1  }
0x147: {  	v3 =	vmul.f32 $2.083333400e-02, v3;
	_ =	sdelay $0x1  }
0x148: {  	s5 =	simm.s32 $0x1B400;
	s0 =	simm.s32 $0x0;
	[tilespmem:s31+$0x1B400] =	vst v3  }
0x149: {  	[hbm4b:s11+s0] =	stream.linear.scatter [tilespmem:s5], [sflag:$0x4], $0x80, $0x38;
	[tilespmem:$0x1CC00] =	vst v63  }
0x14a: {  	s17 =	sadd.s32 $0x80, s11;
	s5 =	simm.s32 $0x1B800  }
0x14b: {  	[hbm4b:s17+s0] =	stream.linear.scatter [tilespmem:s5], [sflag:$0x4], $0x80, $0x38;
	[tilespmem:$0x1CC00] =	vst v63  }
0x14c: {  	s5 =	sadd.s32 $0x100, s11;
	s17 =	simm.s32 $0x1BC00  }
0x14d: {  	[hbm4b:s5+s0] =	stream.linear.scatter [tilespmem:s17], [sflag:$0x4], $0x80, $0x38;
	[tilespmem:$0x1CC00] =	vst v63  }
0x14e: {  	s5 =	sadd.s32 $0x180, s11;
	s17 =	simm.s32 $0x1C000  }
0x14f: {  	[hbm4b:s5+s0] =	stream.linear.scatter [tilespmem:s17], [sflag:$0x4], $0x80, $0x38;
	[tilespmem:$0x1CC00] =	vst v63  }
0x150: {  	s5 =	sadd.s32 $0x200, s11;
	s17 =	simm.s32 $0x1C400  }
0x151: {  	[hbm4b:s5+s0] =	stream.linear.scatter [tilespmem:s17], [sflag:$0x4], $0x80, $0x38;
	[tilespmem:$0x1CC00] =	vst v63  }
0x152: {  	s5 =	sadd.s32 $0x280, s11;
	s17 =	simm.s32 $0x1C800  }
0x153: {  	[hbm4b:s5+s0] =	stream.linear.scatter [tilespmem:s17], [sflag:$0x4], $0x80, $0x38;
	[tilespmem:$0x1CC00] =	vst v63  }
0x154: {  	_ =	swait.ge [sflag:s23], $0x80  }
0x155: {  	[sflag:s23] =	ssyncset.done $0x0  }
0x156: {  	[sflag:s23] =	ssyncadd.s32 $0xFFFFFF80  }
0x157: {  	v3 =	vld [tilespmem:$0x180];
	_ =	sdelay $0x4  }
0x158: {  	v4 =	vshrl.u32 v3, $0x3  }
0x159: {  	v4 =	vmul.u32 $0x30, v4  }
0x15a: {  	v3 =	vand.u32 $0x7, v3  }
0x15b: {  	v3 =	vor.u32 v3, v4  }
0x15c: {  	v4 =	vperm.xlane v3, v0;
	_ =	sdelay $0x1  }
0x15d: {  	v4 =	vadd.s32 v1, v4;
	_ =	sdelay $0x3  }
0x15e: {  	s5 =	simm.s32 $0x400;
	v3 =	vperm.xlane v3, v2  }
0x15f: {  	[tilespmem:s5], [sflag:$0x1] =	stream.indirect_vreg.gather [hbm4b:s10+s0], $0x80, v4, vm0, $0xb8;
	[tilespmem:$0x1CC00] =	vst v63  }
0x160: {  	s17 =	simm.s32 $0xC00;
	v3 =	vadd.s32 v1, v3  }
0x161: {  	[tilespmem:s17], [sflag:$0x1] =	stream.indirect_vreg.gather [hbm4b:s29+s0], $0x80, v4, vm0, $0xb8;
	[tilespmem:$0x1CC00] =	vst v63  }
0x162: {  	s5 =	simm.s32 $0x1400  }
0x163: {  	[tilespmem:s5], [sflag:$0x1] =	stream.indirect_vreg.gather [hbm4b:s3+s0], $0x80, v4, vm0, $0xb8;
	[tilespmem:$0x1CC00] =	vst v63  }
0x164: {  	s17 =	simm.s32 $0x1C00  }
0x165: {  	[tilespmem:s17], [sflag:$0x1] =	stream.indirect_vreg.gather [hbm4b:s10+s0], $0x80, v3, vm0, $0xb8;
	[tilespmem:$0x1CC00] =	vst v63  }
0x166: {  	s5 =	simm.s32 $0x2400  }
0x167: {  	[tilespmem:s5], [sflag:$0x1] =	stream.indirect_vreg.gather [hbm4b:s29+s0], $0x80, v3, vm0, $0xb8;
	[tilespmem:$0x1CC00] =	vst v63  }
0x168: {  	s17 =	simm.s32 $0x2C00  }
0x169: {  	[tilespmem:s17], [sflag:$0x1] =	stream.indirect_vreg.gather [hbm4b:s3+s0], $0x80, v3, vm0, $0xb8;
	[tilespmem:$0x1CC00] =	vst v63  }
0x16a: {  	v3 =	vld [tilespmem:$0x190];
	_ =	sdelay $0x4  }
0x16b: {  	v4 =	vshrl.u32 v3, $0x3  }
0x16c: {  	v4 =	vmul.u32 $0x30, v4  }
0x16d: {  	v3 =	vand.u32 $0x7, v3  }
0x16e: {  	v3 =	vor.u32 v3, v4  }
0x16f: {  	v4 =	vperm.xlane v3, v0;
	_ =	sdelay $0x1  }
0x170: {  	v4 =	vadd.s32 v1, v4;
	_ =	sdelay $0x3  }
0x171: {  	s5 =	simm.s32 $0x3400;
	v3 =	vperm.xlane v3, v2  }
0x172: {  	[tilespmem:s5], [sflag:$0x1] =	stream.indirect_vreg.gather [hbm4b:s10+s0], $0x80, v4, vm0, $0xb8;
	[tilespmem:$0x1CC00] =	vst v63  }
0x173: {  	s17 =	simm.s32 $0x3C00;
	v3 =	vadd.s32 v1, v3  }
0x174: {  	[tilespmem:s17], [sflag:$0x1] =	stream.indirect_vreg.gather [hbm4b:s29+s0], $0x80, v4, vm0, $0xb8;
	[tilespmem:$0x1CC00] =	vst v63  }
0x175: {  	s5 =	simm.s32 $0x4400  }
0x176: {  	[tilespmem:s5], [sflag:$0x1] =	stream.indirect_vreg.gather [hbm4b:s3+s0], $0x80, v4, vm0, $0xb8;
	[tilespmem:$0x1CC00] =	vst v63  }
0x177: {  	s17 =	simm.s32 $0x4C00  }
0x178: {  	[tilespmem:s17], [sflag:$0x1] =	stream.indirect_vreg.gather [hbm4b:s10+s0], $0x80, v3, vm0, $0xb8;
	[tilespmem:$0x1CC00] =	vst v63  }
0x179: {  	s5 =	simm.s32 $0x5400  }
0x17a: {  	[tilespmem:s5], [sflag:$0x1] =	stream.indirect_vreg.gather [hbm4b:s29+s0], $0x80, v3, vm0, $0xb8;
	[tilespmem:$0x1CC00] =	vst v63  }
0x17b: {  	s17 =	simm.s32 $0x5C00  }
0x17c: {  	[tilespmem:s17], [sflag:$0x1] =	stream.indirect_vreg.gather [hbm4b:s3+s0], $0x80, v3, vm0, $0xb8;
	[tilespmem:$0x1CC00] =	vst v63  }
0x17d: {  	v3 =	vld [tilespmem:$0x1A0];
	_ =	sdelay $0x4  }
0x17e: {  	v4 =	vshrl.u32 v3, $0x3  }
0x17f: {  	v4 =	vmul.u32 $0x30, v4  }
0x180: {  	v3 =	vand.u32 $0x7, v3  }
0x181: {  	v3 =	vor.u32 v3, v4  }
0x182: {  	v4 =	vperm.xlane v3, v0;
	_ =	sdelay $0x1  }
0x183: {  	v4 =	vadd.s32 v1, v4;
	_ =	sdelay $0x3  }
0x184: {  	s5 =	simm.s32 $0x6400;
	v3 =	vperm.xlane v3, v2  }
0x185: {  	[tilespmem:s5], [sflag:$0x1] =	stream.indirect_vreg.gather [hbm4b:s10+s0], $0x80, v4, vm0, $0xb8;
	[tilespmem:$0x1CC00] =	vst v63  }
0x186: {  	s17 =	simm.s32 $0x6C00;
	v3 =	vadd.s32 v1, v3  }
0x187: {  	[tilespmem:s17], [sflag:$0x1] =	stream.indirect_vreg.gather [hbm4b:s29+s0], $0x80, v4, vm0, $0xb8;
	[tilespmem:$0x1CC00] =	vst v63  }
0x188: {  	s5 =	simm.s32 $0x7400  }
0x189: {  	[tilespmem:s5], [sflag:$0x1] =	stream.indirect_vreg.gather [hbm4b:s3+s0], $0x80, v4, vm0, $0xb8;
	[tilespmem:$0x1CC00] =	vst v63  }
0x18a: {  	s17 =	simm.s32 $0x7C00  }
0x18b: {  	[tilespmem:s17], [sflag:$0x1] =	stream.indirect_vreg.gather [hbm4b:s10+s0], $0x80, v3, vm0, $0xb8;
	[tilespmem:$0x1CC00] =	vst v63  }
0x18c: {  	s5 =	simm.s32 $0x8400  }
0x18d: {  	[tilespmem:s5], [sflag:$0x1] =	stream.indirect_vreg.gather [hbm4b:s29+s0], $0x80, v3, vm0, $0xb8;
	[tilespmem:$0x1CC00] =	vst v63  }
0x18e: {  	s17 =	simm.s32 $0x8C00  }
0x18f: {  	[tilespmem:s17], [sflag:$0x1] =	stream.indirect_vreg.gather [hbm4b:s3+s0], $0x80, v3, vm0, $0xb8;
	[tilespmem:$0x1CC00] =	vst v63  }
0x190: {  	_ =	swait.ge [sflag:s24], $0x9000  }
0x191: {  	s5 =	sand.u32 $0x70, s0;
	s17 =	sand.u32 $0x1C00, s0;
	[sflag:s24] =	ssyncset.done $0x0  }
0x192: {  	s31 =	sor.u32 s5, s17;
	[sflag:s24] =	ssyncadd.s32 $0xFFFF7000  }
0x193: {  	v3 =	vld [tilespmem:s31+$0x10E00]  }
0x194: {  	v5 =	vld [tilespmem:s31+$0x10E80]  }
0x195: {  	v4 =	vld [tilespmem:s31+$0x10C00]  }
0x196: {  	v6 =	vld [tilespmem:s31+$0x10C80]  }
0x197: {  	v7 =	vld [tilespmem:s31+$0xF600]  }
0x198: {  	v8 =	vld [tilespmem:s31+$0xF680]  }
0x199: {  	v9 =	vld [tilespmem:s31+$0xF400]  }
0x19a: {  	v10 =	vld [tilespmem:s31+$0xF480]  }
0x19b: {  	v11 =	vld [tilespmem:s31+$0xDE00]  }
0x19c: {  	v12 =	vld [tilespmem:s31+$0xDE80]  }
0x19d: {  	v13 =	vld [tilespmem:s31+$0xDC00]  }
0x19e: {  	v14 =	vld [tilespmem:s31+$0xDC80]  }
0x19f: {  	v15 =	vld [tilespmem:s31+$0xC600]  }
0x1a0: {  	v16 =	vld [tilespmem:s31+$0xC680]  }
0x1a1: {  	v17 =	vld [tilespmem:s31+$0xC400]  }
0x1a2: {  	v18 =	vld [tilespmem:s31+$0xC480]  }
0x1a3: {  	v19 =	vld [tilespmem:s31+$0xAE00]  }
0x1a4: {  	v20 =	vld [tilespmem:s31+$0xAE80]  }
0x1a5: {  	v21 =	vld [tilespmem:s31+$0xAC00]  }
0x1a6: {  	v22 =	vld [tilespmem:s31+$0xAC80]  }
0x1a7: {  	v24 =	vld [tilespmem:s31+$0x9400]  }
0x1a8: {  	v26 =	vld [tilespmem:s31+$0x9480]  }
0x1a9: {  	v23 =	vld [tilespmem:s31+$0x9500]  }
0x1aa: {  	v25 =	vld [tilespmem:s31+$0x9580]  }
0x1ab: {  	v27 =	vld [tilespmem:s31+$0x9600]  }
0x1ac: {  	s1 =	sor.u32 s0, s0;
	s5 =	simm.s32 $0x10;
	v28 =	vld [tilespmem:s31+$0x9680]  }
.LBB2_4:
0x1ad: {  	p0 =	sne.s32 s5, $0x2F0;
	v29 =	vld [tilespmem:s31+$0x9700];
	s1 =	sor.u32 $0x380, s1  }
0x1ae: {  	v30 =	vld [tilespmem:s1+$0x9400]  }
0x1af: {  	v31 =	vld [tilespmem:s31+$0xAD00]  }
0x1b0: {  	v32 =	vld [tilespmem:s31+$0xAD80]  }
0x1b1: {  	v33 =	vld [tilespmem:s31+$0xAF00]  }
0x1b2: {  	v24 =	vadd.f32 v27, v24;
	v26 =	vadd.f32 v28, v26;
	v27 =	vld [tilespmem:s31+$0xAF80]  }
0x1b3: {  	v23 =	vadd.f32 v29, v23;
	v25 =	vadd.f32 v30, v25;
	v28 =	vld [tilespmem:s31+$0xC500]  }
0x1b4: {  	v21 =	vadd.f32 v21, v24;
	v22 =	vadd.f32 v22, v26;
	v24 =	vld [tilespmem:s31+$0xC580]  }
0x1b5: {  	v23 =	vadd.f32 v31, v23;
	v25 =	vadd.f32 v32, v25;
	v26 =	vld [tilespmem:s31+$0xC700]  }
0x1b6: {  	v19 =	vadd.f32 v19, v21;
	v20 =	vadd.f32 v20, v22;
	v21 =	vld [tilespmem:s31+$0xC780]  }
0x1b7: {  	v22 =	vadd.f32 v33, v23;
	v23 =	vadd.f32 v27, v25;
	v25 =	vld [tilespmem:s31+$0xDD00]  }
0x1b8: {  	v17 =	vadd.f32 v17, v19;
	v18 =	vadd.f32 v18, v20;
	v19 =	vld [tilespmem:s31+$0xDD80]  }
0x1b9: {  	v20 =	vadd.f32 v28, v22;
	v22 =	vadd.f32 v24, v23;
	v23 =	vld [tilespmem:s31+$0xDF00]  }
0x1ba: {  	v15 =	vadd.f32 v15, v17;
	v16 =	vadd.f32 v16, v18;
	v17 =	vld [tilespmem:s31+$0xDF80]  }
0x1bb: {  	v18 =	vadd.f32 v26, v20;
	v20 =	vadd.f32 v21, v22;
	v21 =	vld [tilespmem:s31+$0xF500]  }
0x1bc: {  	v13 =	vadd.f32 v13, v15;
	v14 =	vadd.f32 v14, v16;
	v15 =	vld [tilespmem:s31+$0xF580]  }
0x1bd: {  	v16 =	vadd.f32 v25, v18;
	v18 =	vadd.f32 v19, v20;
	v19 =	vld [tilespmem:s31+$0xF700]  }
0x1be: {  	v11 =	vadd.f32 v11, v13;
	v12 =	vadd.f32 v12, v14;
	v13 =	vld [tilespmem:s31+$0xF780]  }
0x1bf: {  	v14 =	vadd.f32 v23, v16;
	v16 =	vadd.f32 v17, v18;
	v17 =	vld [tilespmem:s31+$0x10D00]  }
0x1c0: {  	s0 =	sadd.s32 $0x80, s0;
	v9 =	vadd.f32 v9, v11;
	v10 =	vadd.f32 v10, v12;
	v11 =	vld [tilespmem:s31+$0x10D80]  }
0x1c1: {  	s1 =	sand.u32 $0x70, s5;
	s17 =	sand.u32 $0x1C00, s0;
	v12 =	vadd.f32 v21, v14;
	v14 =	vadd.f32 v15, v16;
	v15 =	vld [tilespmem:s31+$0x10F00]  }
0x1c2: {  	s1 =	sor.u32 s1, s17;
	v7 =	vadd.f32 v7, v9;
	v8 =	vadd.f32 v8, v10;
	v9 =	vld [tilespmem:s31+$0x10F80]  }
0x1c3: {  	v12 =	vadd.f32 v19, v12;
	v10 =	vld [tilespmem:s1+$0x10E00];
	v13 =	vadd.f32 v13, v14  }
0x1c4: {  	v7 =	vadd.f32 v4, v7;
	v8 =	vadd.f32 v6, v8;
	v14 =	vld [tilespmem:s1+$0x10E80]  }
0x1c5: {  	v12 =	vadd.f32 v17, v12;
	v4 =	vld [tilespmem:s1+$0x10C00];
	v11 =	vadd.f32 v11, v13  }
0x1c6: {  	v13 =	vadd.f32 v3, v7;
	v16 =	vadd.f32 v5, v8;
	v6 =	vld [tilespmem:s1+$0x10C80]  }
0x1c7: {  	v12 =	vadd.f32 v15, v12;
	v7 =	vld [tilespmem:s1+$0xF600];
	v11 =	vadd.f32 v9, v11  }
0x1c8: {  	v8 =	vld [tilespmem:s1+$0xF680];
	v3 =	vmov v10  }
0x1c9: {  	v13 =	vadd.f32 v16, v13;
	v9 =	vld [tilespmem:s1+$0xF400];
	v12 =	vadd.f32 v11, v12;
	v5 =	vmov v14  }
0x1ca: {  	v10 =	vld [tilespmem:s1+$0xF480]  }
0x1cb: {  	v11 =	vld [tilespmem:s1+$0xDE00];
	v14 =	vadd.f32 v12, v13  }
0x1cc: {  	v12 =	vld [tilespmem:s1+$0xDE80]  }
0x1cd: {  	v13 =	vld [tilespmem:s1+$0xDC00];
	v16 =	vmul.f32 $2.083333400e-02, v14  }
0x1ce: {  	v14 =	vld [tilespmem:s1+$0xDC80]  }
0x1cf: {  	v15 =	vld [tilespmem:s1+$0xC600];
	[tilespmem:s31+$0x1B480] =	vst v16;
	s31 =	smov.u32 s1  }
0x1d0: {  	v16 =	vld [tilespmem:s31+$0xC680]  }
0x1d1: {  	v17 =	vld [tilespmem:s31+$0xC400]  }
0x1d2: {  	v18 =	vld [tilespmem:s31+$0xC480]  }
0x1d3: {  	v19 =	vld [tilespmem:s31+$0xAE00]  }
0x1d4: {  	v20 =	vld [tilespmem:s31+$0xAE80]  }
0x1d5: {  	v21 =	vld [tilespmem:s31+$0xAC00]  }
0x1d6: {  	v22 =	vld [tilespmem:s31+$0xAC80]  }
0x1d7: {  	v24 =	vld [tilespmem:s31+$0x9400]  }
.Ltmp1:
0x1d8: {  	v26 =	vld [tilespmem:s31+$0x9480];
	(pc) =	sbr.rel @p0 .LBB2_4-.Ltmp1, $4  }
0x1d9: {  	v23 =	vld [tilespmem:s31+$0x9500]  }
0x1da: {  	v25 =	vld [tilespmem:s31+$0x9580]  }
0x1db: {  	v27 =	vld [tilespmem:s31+$0x9600]  }
0x1dc: {  	s1 =	sor.u32 s0, s5;
	s5 =	sadd.s32 $0x10, s5;
	v28 =	vld [tilespmem:s31+$0x9680]  }
0x1dd: {  	v29 =	vld [tilespmem:s31+$0x9700];
	s0 =	sor.u32 $0x380, s1  }
0x1de: {  	v30 =	vld [tilespmem:s0+$0x9400]  }
0x1df: {  	v31 =	vld [tilespmem:s31+$0xAD00]  }
0x1e0: {  	v32 =	vld [tilespmem:s31+$0xAD80]  }
0x1e1: {  	v33 =	vld [tilespmem:s31+$0xAF00];
	v24 =	vadd.f32 v27, v24  }
0x1e2: {  	v27 =	vld [tilespmem:s31+$0xAF80];
	v26 =	vadd.f32 v28, v26;
	v23 =	vadd.f32 v29, v23  }
0x1e3: {  	v28 =	vld [tilespmem:s31+$0xC500];
	v21 =	vadd.f32 v21, v24;
	v25 =	vadd.f32 v30, v25  }
0x1e4: {  	v24 =	vld [tilespmem:s31+$0xC580];
	v22 =	vadd.f32 v22, v26;
	v23 =	vadd.f32 v31, v23  }
0x1e5: {  	v26 =	vld [tilespmem:s31+$0xC700];
	v19 =	vadd.f32 v19, v21;
	v25 =	vadd.f32 v32, v25  }
0x1e6: {  	v21 =	vld [tilespmem:s31+$0xC780];
	v20 =	vadd.f32 v20, v22;
	v22 =	vadd.f32 v33, v23  }
0x1e7: {  	v17 =	vadd.f32 v17, v19;
	v23 =	vadd.f32 v27, v25;
	v25 =	vld [tilespmem:s31+$0xDD00]  }
0x1e8: {  	v19 =	vld [tilespmem:s31+$0xDD80];
	v18 =	vadd.f32 v18, v20;
	v20 =	vadd.f32 v28, v22  }
0x1e9: {  	v15 =	vadd.f32 v15, v17;
	v22 =	vadd.f32 v24, v23;
	v23 =	vld [tilespmem:s31+$0xDF00]  }
0x1ea: {  	v17 =	vld [tilespmem:s31+$0xDF80];
	v16 =	vadd.f32 v16, v18;
	v18 =	vadd.f32 v26, v20  }
0x1eb: {  	v13 =	vadd.f32 v13, v15;
	v20 =	vadd.f32 v21, v22;
	v21 =	vld [tilespmem:s31+$0xF500]  }
0x1ec: {  	v15 =	vld [tilespmem:s31+$0xF580];
	v14 =	vadd.f32 v14, v16;
	v16 =	vadd.f32 v25, v18  }
0x1ed: {  	v11 =	vadd.f32 v11, v13;
	v13 =	vld [tilespmem:s31+$0xF780];
	v18 =	vadd.f32 v19, v20  }
0x1ee: {  	v19 =	vld [tilespmem:s31+$0xF700];
	v12 =	vadd.f32 v12, v14;
	v14 =	vadd.f32 v23, v16  }
0x1ef: {  	v9 =	vadd.f32 v9, v11;
	v11 =	vld [tilespmem:s31+$0x10D80];
	v16 =	vadd.f32 v17, v18  }
0x1f0: {  	v17 =	vld [tilespmem:s31+$0x10D00];
	v10 =	vadd.f32 v10, v12;
	v12 =	vadd.f32 v21, v14  }
0x1f1: {  	v7 =	vadd.f32 v7, v9;
	v9 =	vld [tilespmem:s31+$0x10F80];
	v14 =	vadd.f32 v15, v16  }
0x1f2: {  	v15 =	vld [tilespmem:s31+$0x10F00];
	v8 =	vadd.f32 v8, v10  }
0x1f3: {  	v10 =	vadd.f32 v19, v12;
	v12 =	vadd.f32 v13, v14  }
0x1f4: {  	v4 =	vadd.f32 v4, v7;
	v6 =	vadd.f32 v6, v8  }
0x1f5: {  	v7 =	vadd.f32 v17, v10;
	v8 =	vadd.f32 v11, v12  }
0x1f6: {  	v3 =	vadd.f32 v3, v4;
	v4 =	vadd.f32 v5, v6  }
0x1f7: {  	v5 =	vadd.f32 v15, v7;
	v6 =	vadd.f32 v9, v8;
	_ =	sdelay $0x1  }
0x1f8: {  	v3 =	vadd.f32 v4, v3;
	v4 =	vadd.f32 v6, v5;
	_ =	sdelay $0x1  }
0x1f9: {  	v3 =	vadd.f32 v4, v3;
	_ =	sdelay $0x1  }
0x1fa: {  	v3 =	vmul.f32 $2.083333400e-02, v3;
	_ =	sdelay $0x1  }
0x1fb: {  	s1 =	simm.s32 $0x1B480;
	[tilespmem:s31+$0x1B480] =	vst v3;
	s31 =	simm.s32 $0x0  }
0x1fc: {  	[hbm4b:s12+s31] =	stream.linear.scatter [tilespmem:s1], [sflag:$0x4], $0x80, $0x38;
	[tilespmem:$0x1CC00] =	vst v63  }
0x1fd: {  	s5 =	sadd.s32 $0x80, s12;
	s17 =	simm.s32 $0x1B880  }
0x1fe: {  	[hbm4b:s5+s31] =	stream.linear.scatter [tilespmem:s17], [sflag:$0x4], $0x80, $0x38;
	[tilespmem:$0x1CC00] =	vst v63  }
0x1ff: {  	s5 =	sadd.s32 $0x100, s12;
	s17 =	simm.s32 $0x1BC80  }
0x200: {  	[hbm4b:s5+s31] =	stream.linear.scatter [tilespmem:s17], [sflag:$0x4], $0x80, $0x38;
	[tilespmem:$0x1CC00] =	vst v63  }
0x201: {  	s5 =	sadd.s32 $0x180, s12;
	s17 =	simm.s32 $0x1C080  }
0x202: {  	[hbm4b:s5+s31] =	stream.linear.scatter [tilespmem:s17], [sflag:$0x4], $0x80, $0x38;
	[tilespmem:$0x1CC00] =	vst v63  }
0x203: {  	s5 =	sadd.s32 $0x200, s12;
	s17 =	simm.s32 $0x1C480  }
0x204: {  	[hbm4b:s5+s31] =	stream.linear.scatter [tilespmem:s17], [sflag:$0x4], $0x80, $0x38;
	[tilespmem:$0x1CC00] =	vst v63  }
0x205: {  	s5 =	sadd.s32 $0x280, s12;
	s17 =	simm.s32 $0x1C880  }
0x206: {  	[hbm4b:s5+s31] =	stream.linear.scatter [tilespmem:s17], [sflag:$0x4], $0x80, $0x38;
	[tilespmem:$0x1CC00] =	vst v63  }
0x207: {  	_ =	swait.ge [sflag:s23], $0x80  }
0x208: {  	[sflag:s23] =	ssyncset.done $0x0  }
0x209: {  	[sflag:s23] =	ssyncadd.s32 $0xFFFFFF80  }
0x20a: {  	v3 =	vld [tilespmem:$0x200];
	_ =	sdelay $0x4  }
0x20b: {  	v4 =	vshrl.u32 v3, $0x3  }
0x20c: {  	v4 =	vmul.u32 $0x30, v4  }
0x20d: {  	v3 =	vand.u32 $0x7, v3  }
0x20e: {  	v3 =	vor.u32 v3, v4  }
0x20f: {  	v4 =	vperm.xlane v3, v0;
	_ =	sdelay $0x1  }
0x210: {  	v4 =	vadd.s32 v1, v4;
	_ =	sdelay $0x3  }
0x211: {  	s17 =	simm.s32 $0x9400;
	v3 =	vperm.xlane v3, v2  }
0x212: {  	[tilespmem:s17], [sflag:$0x2] =	stream.indirect_vreg.gather [hbm4b:s9+s31], $0x80, v4, vm0, $0xb8;
	[tilespmem:$0x1CC00] =	vst v63  }
0x213: {  	s1 =	simm.s32 $0x9C00;
	v3 =	vadd.s32 v1, v3  }
0x214: {  	[tilespmem:s1], [sflag:$0x2] =	stream.indirect_vreg.gather [hbm4b:s30+s31], $0x80, v4, vm0, $0xb8;
	[tilespmem:$0x1CC00] =	vst v63  }
0x215: {  	s5 =	simm.s32 $0xA400  }
0x216: {  	[tilespmem:s5], [sflag:$0x2] =	stream.indirect_vreg.gather [hbm4b:s4+s31], $0x80, v4, vm0, $0xb8;
	[tilespmem:$0x1CC00] =	vst v63  }
0x217: {  	s1 =	simm.s32 $0xAC00  }
0x218: {  	[tilespmem:s1], [sflag:$0x2] =	stream.indirect_vreg.gather [hbm4b:s9+s31], $0x80, v3, vm0, $0xb8;
	[tilespmem:$0x1CC00] =	vst v63  }
0x219: {  	s5 =	simm.s32 $0xB400  }
0x21a: {  	[tilespmem:s5], [sflag:$0x2] =	stream.indirect_vreg.gather [hbm4b:s30+s31], $0x80, v3, vm0, $0xb8;
	[tilespmem:$0x1CC00] =	vst v63  }
0x21b: {  	s1 =	simm.s32 $0xBC00  }
0x21c: {  	[tilespmem:s1], [sflag:$0x2] =	stream.indirect_vreg.gather [hbm4b:s4+s31], $0x80, v3, vm0, $0xb8;
	[tilespmem:$0x1CC00] =	vst v63  }
0x21d: {  	v3 =	vld [tilespmem:$0x210];
	_ =	sdelay $0x4  }
0x21e: {  	v4 =	vshrl.u32 v3, $0x3  }
0x21f: {  	v4 =	vmul.u32 $0x30, v4  }
0x220: {  	v3 =	vand.u32 $0x7, v3  }
0x221: {  	v3 =	vor.u32 v3, v4  }
0x222: {  	v4 =	vperm.xlane v3, v0;
	_ =	sdelay $0x1  }
0x223: {  	v4 =	vadd.s32 v1, v4;
	_ =	sdelay $0x3  }
0x224: {  	s5 =	simm.s32 $0xC400;
	v3 =	vperm.xlane v3, v2  }
0x225: {  	[tilespmem:s5], [sflag:$0x2] =	stream.indirect_vreg.gather [hbm4b:s9+s31], $0x80, v4, vm0, $0xb8;
	[tilespmem:$0x1CC00] =	vst v63  }
0x226: {  	s1 =	simm.s32 $0xCC00;
	v3 =	vadd.s32 v1, v3  }
0x227: {  	[tilespmem:s1], [sflag:$0x2] =	stream.indirect_vreg.gather [hbm4b:s30+s31], $0x80, v4, vm0, $0xb8;
	[tilespmem:$0x1CC00] =	vst v63  }
0x228: {  	s5 =	simm.s32 $0xD400  }
0x229: {  	[tilespmem:s5], [sflag:$0x2] =	stream.indirect_vreg.gather [hbm4b:s4+s31], $0x80, v4, vm0, $0xb8;
	[tilespmem:$0x1CC00] =	vst v63  }
0x22a: {  	s1 =	simm.s32 $0xDC00  }
0x22b: {  	[tilespmem:s1], [sflag:$0x2] =	stream.indirect_vreg.gather [hbm4b:s9+s31], $0x80, v3, vm0, $0xb8;
	[tilespmem:$0x1CC00] =	vst v63  }
0x22c: {  	s5 =	simm.s32 $0xE400  }
0x22d: {  	[tilespmem:s5], [sflag:$0x2] =	stream.indirect_vreg.gather [hbm4b:s30+s31], $0x80, v3, vm0, $0xb8;
	[tilespmem:$0x1CC00] =	vst v63  }
0x22e: {  	s1 =	simm.s32 $0xEC00  }
0x22f: {  	[tilespmem:s1], [sflag:$0x2] =	stream.indirect_vreg.gather [hbm4b:s4+s31], $0x80, v3, vm0, $0xb8;
	[tilespmem:$0x1CC00] =	vst v63  }
0x230: {  	v3 =	vld [tilespmem:$0x220];
	_ =	sdelay $0x4  }
0x231: {  	v4 =	vshrl.u32 v3, $0x3  }
0x232: {  	v4 =	vmul.u32 $0x30, v4  }
0x233: {  	v3 =	vand.u32 $0x7, v3  }
0x234: {  	v3 =	vor.u32 v3, v4  }
0x235: {  	v4 =	vperm.xlane v3, v0;
	_ =	sdelay $0x1  }
0x236: {  	v4 =	vadd.s32 v1, v4;
	_ =	sdelay $0x3  }
0x237: {  	s5 =	simm.s32 $0xF400;
	v3 =	vperm.xlane v3, v2  }
0x238: {  	[tilespmem:s5], [sflag:$0x2] =	stream.indirect_vreg.gather [hbm4b:s9+s31], $0x80, v4, vm0, $0xb8;
	[tilespmem:$0x1CC00] =	vst v63  }
0x239: {  	s1 =	simm.s32 $0xFC00;
	v3 =	vadd.s32 v1, v3  }
0x23a: {  	[tilespmem:s1], [sflag:$0x2] =	stream.indirect_vreg.gather [hbm4b:s30+s31], $0x80, v4, vm0, $0xb8;
	[tilespmem:$0x1CC00] =	vst v63  }
0x23b: {  	s5 =	simm.s32 $0x10400  }
0x23c: {  	[tilespmem:s5], [sflag:$0x2] =	stream.indirect_vreg.gather [hbm4b:s4+s31], $0x80, v4, vm0, $0xb8;
	[tilespmem:$0x1CC00] =	vst v63  }
0x23d: {  	s1 =	simm.s32 $0x10C00  }
0x23e: {  	[tilespmem:s1], [sflag:$0x2] =	stream.indirect_vreg.gather [hbm4b:s9+s31], $0x80, v3, vm0, $0xb8;
	[tilespmem:$0x1CC00] =	vst v63  }
0x23f: {  	s5 =	simm.s32 $0x11400  }
0x240: {  	[tilespmem:s5], [sflag:$0x2] =	stream.indirect_vreg.gather [hbm4b:s30+s31], $0x80, v3, vm0, $0xb8;
	[tilespmem:$0x1CC00] =	vst v63  }
0x241: {  	s1 =	simm.s32 $0x11C00  }
0x242: {  	[tilespmem:s1], [sflag:$0x2] =	stream.indirect_vreg.gather [hbm4b:s4+s31], $0x80, v3, vm0, $0xb8;
	[tilespmem:$0x1CC00] =	vst v63  }
0x243: {  	_ =	swait.ge [sflag:s25], $0x9000  }
0x244: {  	s5 =	sand.u32 $0x1C00, s31;
	s4 =	sand.u32 $0x70, s31;
	[sflag:s25] =	ssyncset.done $0x0  }
0x245: {  	s4 =	sor.u32 s4, s5;
	[sflag:s25] =	ssyncadd.s32 $0xFFFF7000  }
0x246: {  	v3 =	vld [tilespmem:s4+$0x19E00]  }
0x247: {  	v5 =	vld [tilespmem:s4+$0x19E80]  }
0x248: {  	v4 =	vld [tilespmem:s4+$0x19C00]  }
0x249: {  	v6 =	vld [tilespmem:s4+$0x19C80]  }
0x24a: {  	v7 =	vld [tilespmem:s4+$0x18600]  }
0x24b: {  	v8 =	vld [tilespmem:s4+$0x18680]  }
0x24c: {  	v9 =	vld [tilespmem:s4+$0x18400]  }
0x24d: {  	v10 =	vld [tilespmem:s4+$0x18480]  }
0x24e: {  	v11 =	vld [tilespmem:s4+$0x16E00]  }
0x24f: {  	v12 =	vld [tilespmem:s4+$0x16E80]  }
0x250: {  	v13 =	vld [tilespmem:s4+$0x16C00]  }
0x251: {  	v14 =	vld [tilespmem:s4+$0x16C80]  }
0x252: {  	v15 =	vld [tilespmem:s4+$0x15600]  }
0x253: {  	v16 =	vld [tilespmem:s4+$0x15680]  }
0x254: {  	v17 =	vld [tilespmem:s4+$0x15400]  }
0x255: {  	v18 =	vld [tilespmem:s4+$0x15480]  }
0x256: {  	v19 =	vld [tilespmem:s4+$0x13E00]  }
0x257: {  	v20 =	vld [tilespmem:s4+$0x13E80]  }
0x258: {  	v21 =	vld [tilespmem:s4+$0x13C00]  }
0x259: {  	v22 =	vld [tilespmem:s4+$0x13C80]  }
0x25a: {  	v24 =	vld [tilespmem:s4+$0x12400]  }
0x25b: {  	s5 =	sadd.s32 $0x12400, s4;
	v23 =	vld [tilespmem:s4+$0x12500]  }
0x25c: {  	v25 =	vld [tilespmem:s5+$0x200]  }
0x25d: {  	v26 =	vld [tilespmem:s5+$0x280]  }
0x25e: {  	s0 =	simm.s32 $0x0;
	s30 =	simm.s32 $0x10;
	v27 =	vld [tilespmem:s5+$0x80]  }
.LBB2_6:
0x25f: {  	p0 =	sne.s32 s30, $0x2F0;
	v28 =	vld [tilespmem:s5+$0x300];
	s1 =	sor.u32 s0, s31;
	s31 =	smov.u32 s30  }
0x260: {  	v29 =	vld [tilespmem:s5+$0x180];
	s1 =	sor.u32 $0x380, s1  }
0x261: {  	v30 =	vld [tilespmem:s1+$0x12400]  }
0x262: {  	v31 =	vld [tilespmem:s4+$0x13D00]  }
0x263: {  	v32 =	vld [tilespmem:s4+$0x13D80]  }
0x264: {  	v33 =	vld [tilespmem:s4+$0x13F00]  }
0x265: {  	v24 =	vadd.f32 v25, v24;
	v25 =	vadd.f32 v26, v27;
	v26 =	vld [tilespmem:s4+$0x13F80]  }
0x266: {  	v23 =	vadd.f32 v28, v23;
	v27 =	vadd.f32 v30, v29;
	v28 =	vld [tilespmem:s4+$0x15500]  }
0x267: {  	v21 =	vadd.f32 v21, v24;
	v22 =	vadd.f32 v22, v25;
	v24 =	vld [tilespmem:s4+$0x15580]  }
0x268: {  	v23 =	vadd.f32 v31, v23;
	v25 =	vadd.f32 v32, v27;
	v27 =	vld [tilespmem:s4+$0x15700]  }
0x269: {  	v19 =	vadd.f32 v19, v21;
	v20 =	vadd.f32 v20, v22;
	v21 =	vld [tilespmem:s4+$0x15780]  }
0x26a: {  	v22 =	vadd.f32 v33, v23;
	v23 =	vadd.f32 v26, v25;
	v25 =	vld [tilespmem:s4+$0x16D00]  }
0x26b: {  	v17 =	vadd.f32 v17, v19;
	v18 =	vadd.f32 v18, v20;
	v19 =	vld [tilespmem:s4+$0x16D80]  }
0x26c: {  	v20 =	vadd.f32 v28, v22;
	v22 =	vadd.f32 v24, v23;
	v23 =	vld [tilespmem:s4+$0x16F00]  }
0x26d: {  	v15 =	vadd.f32 v15, v17;
	v16 =	vadd.f32 v16, v18;
	v17 =	vld [tilespmem:s4+$0x16F80]  }
0x26e: {  	v18 =	vadd.f32 v27, v20;
	v20 =	vadd.f32 v21, v22;
	v21 =	vld [tilespmem:s4+$0x18500]  }
0x26f: {  	v13 =	vadd.f32 v13, v15;
	v14 =	vadd.f32 v14, v16;
	v15 =	vld [tilespmem:s4+$0x18580]  }
0x270: {  	v16 =	vadd.f32 v25, v18;
	v18 =	vadd.f32 v19, v20;
	v19 =	vld [tilespmem:s4+$0x18700]  }
0x271: {  	v11 =	vadd.f32 v11, v13;
	v12 =	vadd.f32 v12, v14;
	v13 =	vld [tilespmem:s4+$0x18780]  }
0x272: {  	v14 =	vadd.f32 v23, v16;
	v16 =	vadd.f32 v17, v18;
	v17 =	vld [tilespmem:s4+$0x19D00]  }
0x273: {  	s0 =	sadd.s32 $0x80, s0;
	v9 =	vadd.f32 v9, v11;
	v10 =	vadd.f32 v10, v12;
	v11 =	vld [tilespmem:s4+$0x19D80]  }
0x274: {  	s5 =	sand.u32 $0x1C00, s0;
	s1 =	sand.u32 $0x70, s30;
	v12 =	vadd.f32 v21, v14;
	v14 =	vadd.f32 v15, v16;
	v15 =	vld [tilespmem:s4+$0x19F00]  }
0x275: {  	s1 =	sor.u32 s1, s5;
	v7 =	vadd.f32 v7, v9;
	v8 =	vadd.f32 v8, v10;
	v9 =	vld [tilespmem:s4+$0x19F80]  }
0x276: {  	v12 =	vadd.f32 v19, v12;
	v10 =	vld [tilespmem:s1+$0x19E00];
	v13 =	vadd.f32 v13, v14  }
0x277: {  	v7 =	vadd.f32 v4, v7;
	v8 =	vadd.f32 v6, v8;
	v14 =	vld [tilespmem:s1+$0x19E80]  }
0x278: {  	v12 =	vadd.f32 v17, v12;
	v4 =	vld [tilespmem:s1+$0x19C00];
	v11 =	vadd.f32 v11, v13  }
0x279: {  	v16 =	vadd.f32 v5, v8;
	v13 =	vadd.f32 v3, v7;
	v6 =	vld [tilespmem:s1+$0x19C80]  }
0x27a: {  	v12 =	vadd.f32 v15, v12;
	v7 =	vld [tilespmem:s1+$0x18600];
	v11 =	vadd.f32 v9, v11  }
0x27b: {  	v8 =	vld [tilespmem:s1+$0x18680];
	v3 =	vmov v10  }
0x27c: {  	v13 =	vadd.f32 v16, v13;
	v9 =	vld [tilespmem:s1+$0x18400];
	v12 =	vadd.f32 v11, v12;
	v5 =	vmov v14  }
0x27d: {  	v10 =	vld [tilespmem:s1+$0x18480]  }
0x27e: {  	v11 =	vld [tilespmem:s1+$0x16E00];
	v14 =	vadd.f32 v12, v13  }
0x27f: {  	v12 =	vld [tilespmem:s1+$0x16E80]  }
0x280: {  	v13 =	vld [tilespmem:s1+$0x16C00];
	v16 =	vmul.f32 $2.083333400e-02, v14  }
0x281: {  	v14 =	vld [tilespmem:s1+$0x16C80]  }
0x282: {  	v15 =	vld [tilespmem:s1+$0x15600];
	[tilespmem:s4+$0x1B500] =	vst v16;
	s4 =	smov.u32 s1  }
0x283: {  	v16 =	vld [tilespmem:s4+$0x15680]  }
0x284: {  	v17 =	vld [tilespmem:s4+$0x15400]  }
0x285: {  	v18 =	vld [tilespmem:s4+$0x15480]  }
0x286: {  	v19 =	vld [tilespmem:s4+$0x13E00]  }
0x287: {  	v20 =	vld [tilespmem:s4+$0x13E80]  }
0x288: {  	v21 =	vld [tilespmem:s4+$0x13C00]  }
0x289: {  	v22 =	vld [tilespmem:s4+$0x13C80]  }
.Ltmp2:
0x28a: {  	v24 =	vld [tilespmem:s4+$0x12400];
	(pc) =	sbr.rel @p0 .LBB2_6-.Ltmp2, $4  }
0x28b: {  	s5 =	sadd.s32 $0x12400, s4;
	v23 =	vld [tilespmem:s4+$0x12500]  }
0x28c: {  	v25 =	vld [tilespmem:s5+$0x200]  }
0x28d: {  	v26 =	vld [tilespmem:s5+$0x280]  }
0x28e: {  	s30 =	sadd.s32 $0x10, s30;
	v27 =	vld [tilespmem:s5+$0x80]  }
0x28f: {  	s0 =	sor.u32 s0, s31;
	v28 =	vld [tilespmem:s5+$0x300]  }
0x290: {  	v29 =	vld [tilespmem:s5+$0x180];
	s0 =	sor.u32 $0x380, s0  }
0x291: {  	v30 =	vld [tilespmem:s0+$0x12400]  }
0x292: {  	v31 =	vld [tilespmem:s4+$0x13D00]  }
0x293: {  	v32 =	vld [tilespmem:s4+$0x13D80];
	v24 =	vadd.f32 v25, v24  }
0x294: {  	v33 =	vld [tilespmem:s4+$0x13F00]  }
0x295: {  	v25 =	vadd.f32 v26, v27;
	v26 =	vld [tilespmem:s4+$0x13F80];
	v21 =	vadd.f32 v21, v24  }
0x296: {  	v24 =	vld [tilespmem:s4+$0x15580];
	v23 =	vadd.f32 v28, v23;
	v27 =	vadd.f32 v30, v29  }
0x297: {  	v28 =	vld [tilespmem:s4+$0x15500];
	v22 =	vadd.f32 v22, v25;
	v19 =	vadd.f32 v19, v21  }
0x298: {  	v21 =	vld [tilespmem:s4+$0x15780];
	v23 =	vadd.f32 v31, v23;
	v25 =	vadd.f32 v32, v27  }
0x299: {  	v20 =	vadd.f32 v20, v22;
	v17 =	vadd.f32 v17, v19;
	v27 =	vld [tilespmem:s4+$0x15700]  }
0x29a: {  	v19 =	vld [tilespmem:s4+$0x16D80];
	v22 =	vadd.f32 v33, v23;
	v23 =	vadd.f32 v26, v25  }
0x29b: {  	v18 =	vadd.f32 v18, v20;
	v15 =	vadd.f32 v15, v17;
	v25 =	vld [tilespmem:s4+$0x16D00]  }
0x29c: {  	v17 =	vld [tilespmem:s4+$0x16F80];
	v20 =	vadd.f32 v28, v22;
	v22 =	vadd.f32 v24, v23  }
0x29d: {  	v16 =	vadd.f32 v16, v18;
	v13 =	vadd.f32 v13, v15;
	v23 =	vld [tilespmem:s4+$0x16F00]  }
0x29e: {  	v15 =	vld [tilespmem:s4+$0x18580];
	v18 =	vadd.f32 v27, v20;
	v20 =	vadd.f32 v21, v22  }
0x29f: {  	v14 =	vadd.f32 v14, v16;
	v11 =	vadd.f32 v11, v13;
	v21 =	vld [tilespmem:s4+$0x18500]  }
0x2a0: {  	v13 =	vld [tilespmem:s4+$0x18780];
	v16 =	vadd.f32 v25, v18;
	v18 =	vadd.f32 v19, v20  }
0x2a1: {  	v12 =	vadd.f32 v12, v14;
	v9 =	vadd.f32 v9, v11;
	v19 =	vld [tilespmem:s4+$0x18700]  }
0x2a2: {  	v11 =	vld [tilespmem:s4+$0x19D80];
	v14 =	vadd.f32 v23, v16;
	v16 =	vadd.f32 v17, v18  }
0x2a3: {  	v10 =	vadd.f32 v10, v12;
	v7 =	vadd.f32 v7, v9;
	v17 =	vld [tilespmem:s4+$0x19D00]  }
0x2a4: {  	v9 =	vld [tilespmem:s4+$0x19F80];
	v12 =	vadd.f32 v21, v14;
	v14 =	vadd.f32 v15, v16  }
0x2a5: {  	v8 =	vadd.f32 v8, v10;
	v15 =	vld [tilespmem:s4+$0x19F00]  }
0x2a6: {  	v10 =	vadd.f32 v19, v12;
	v12 =	vadd.f32 v13, v14  }
0x2a7: {  	v4 =	vadd.f32 v4, v7;
	v6 =	vadd.f32 v6, v8  }
0x2a8: {  	v7 =	vadd.f32 v17, v10;
	v8 =	vadd.f32 v11, v12  }
0x2a9: {  	v3 =	vadd.f32 v3, v4;
	v4 =	vadd.f32 v5, v6  }
0x2aa: {  	v5 =	vadd.f32 v15, v7;
	v6 =	vadd.f32 v9, v8;
	_ =	sdelay $0x1  }
0x2ab: {  	v3 =	vadd.f32 v4, v3;
	v4 =	vadd.f32 v6, v5;
	_ =	sdelay $0x1  }
0x2ac: {  	v3 =	vadd.f32 v4, v3;
	_ =	sdelay $0x1  }
0x2ad: {  	v3 =	vmul.f32 $2.083333400e-02, v3;
	_ =	sdelay $0x1  }
0x2ae: {  	s1 =	simm.s32 $0x1B500;
	s0 =	simm.s32 $0x0;
	[tilespmem:s4+$0x1B500] =	vst v3  }
0x2af: {  	[hbm4b:s13+s0] =	stream.linear.scatter [tilespmem:s1], [sflag:$0x4], $0x80, $0x38;
	[tilespmem:$0x1CC00] =	vst v63  }
0x2b0: {  	s5 =	sadd.s32 $0x80, s13;
	s30 =	simm.s32 $0x1B900  }
0x2b1: {  	[hbm4b:s5+s0] =	stream.linear.scatter [tilespmem:s30], [sflag:$0x4], $0x80, $0x38;
	[tilespmem:$0x1CC00] =	vst v63  }
0x2b2: {  	s5 =	sadd.s32 $0x100, s13;
	s30 =	simm.s32 $0x1BD00  }
0x2b3: {  	[hbm4b:s5+s0] =	stream.linear.scatter [tilespmem:s30], [sflag:$0x4], $0x80, $0x38;
	[tilespmem:$0x1CC00] =	vst v63  }
0x2b4: {  	s5 =	sadd.s32 $0x180, s13;
	s30 =	simm.s32 $0x1C100  }
0x2b5: {  	[hbm4b:s5+s0] =	stream.linear.scatter [tilespmem:s30], [sflag:$0x4], $0x80, $0x38;
	[tilespmem:$0x1CC00] =	vst v63  }
0x2b6: {  	s5 =	sadd.s32 $0x200, s13;
	s30 =	simm.s32 $0x1C500  }
0x2b7: {  	[hbm4b:s5+s0] =	stream.linear.scatter [tilespmem:s30], [sflag:$0x4], $0x80, $0x38;
	[tilespmem:$0x1CC00] =	vst v63  }
0x2b8: {  	s5 =	sadd.s32 $0x280, s13;
	s30 =	simm.s32 $0x1C900  }
0x2b9: {  	[hbm4b:s5+s0] =	stream.linear.scatter [tilespmem:s30], [sflag:$0x4], $0x80, $0x38;
	[tilespmem:$0x1CC00] =	vst v63  }
0x2ba: {  	_ =	swait.ge [sflag:s23], $0x80  }
0x2bb: {  	[sflag:s23] =	ssyncset.done $0x0  }
0x2bc: {  	[sflag:s23] =	ssyncadd.s32 $0xFFFFFF80  }
0x2bd: {  	v3 =	vld [tilespmem:$0x280];
	_ =	sdelay $0x4  }
0x2be: {  	v4 =	vshrl.u32 v3, $0x3  }
0x2bf: {  	v4 =	vmul.u32 $0x30, v4  }
0x2c0: {  	v3 =	vand.u32 $0x7, v3  }
0x2c1: {  	v3 =	vor.u32 v3, v4  }
0x2c2: {  	v4 =	vperm.xlane v3, v0;
	_ =	sdelay $0x1  }
0x2c3: {  	v4 =	vadd.s32 v1, v4;
	_ =	sdelay $0x3  }
0x2c4: {  	s31 =	simm.s32 $0x12400;
	v3 =	vperm.xlane v3, v2  }
0x2c5: {  	[tilespmem:s31], [sflag:$0x3] =	stream.indirect_vreg.gather [hbm4b:s10+s0], $0x80, v4, vm0, $0xb8;
	[tilespmem:$0x1CC00] =	vst v63  }
0x2c6: {  	s5 =	simm.s32 $0x12C00;
	v3 =	vadd.s32 v1, v3  }
0x2c7: {  	[tilespmem:s5], [sflag:$0x3] =	stream.indirect_vreg.gather [hbm4b:s29+s0], $0x80, v4, vm0, $0xb8;
	[tilespmem:$0x1CC00] =	vst v63  }
0x2c8: {  	s30 =	simm.s32 $0x13400  }
0x2c9: {  	[tilespmem:s30], [sflag:$0x3] =	stream.indirect_vreg.gather [hbm4b:s3+s0], $0x80, v4, vm0, $0xb8;
	[tilespmem:$0x1CC00] =	vst v63  }
0x2ca: {  	s4 =	simm.s32 $0x13C00  }
0x2cb: {  	[tilespmem:s4], [sflag:$0x3] =	stream.indirect_vreg.gather [hbm4b:s10+s0], $0x80, v3, vm0, $0xb8;
	[tilespmem:$0x1CC00] =	vst v63  }
0x2cc: {  	s5 =	simm.s32 $0x14400  }
0x2cd: {  	[tilespmem:s5], [sflag:$0x3] =	stream.indirect_vreg.gather [hbm4b:s29+s0], $0x80, v3, vm0, $0xb8;
	[tilespmem:$0x1CC00] =	vst v63  }
0x2ce: {  	s30 =	simm.s32 $0x14C00  }
0x2cf: {  	[tilespmem:s30], [sflag:$0x3] =	stream.indirect_vreg.gather [hbm4b:s3+s0], $0x80, v3, vm0, $0xb8;
	[tilespmem:$0x1CC00] =	vst v63  }
0x2d0: {  	v3 =	vld [tilespmem:$0x290];
	_ =	sdelay $0x4  }
0x2d1: {  	v4 =	vshrl.u32 v3, $0x3  }
0x2d2: {  	v4 =	vmul.u32 $0x30, v4  }
0x2d3: {  	v3 =	vand.u32 $0x7, v3  }
0x2d4: {  	v3 =	vor.u32 v3, v4  }
0x2d5: {  	v4 =	vperm.xlane v3, v0;
	_ =	sdelay $0x1  }
0x2d6: {  	v4 =	vadd.s32 v1, v4;
	_ =	sdelay $0x3  }
0x2d7: {  	s4 =	simm.s32 $0x15400;
	v3 =	vperm.xlane v3, v2  }
0x2d8: {  	[tilespmem:s4], [sflag:$0x3] =	stream.indirect_vreg.gather [hbm4b:s10+s0], $0x80, v4, vm0, $0xb8;
	[tilespmem:$0x1CC00] =	vst v63  }
0x2d9: {  	s5 =	simm.s32 $0x15C00;
	v3 =	vadd.s32 v1, v3  }
0x2da: {  	[tilespmem:s5], [sflag:$0x3] =	stream.indirect_vreg.gather [hbm4b:s29+s0], $0x80, v4, vm0, $0xb8;
	[tilespmem:$0x1CC00] =	vst v63  }
0x2db: {  	s30 =	simm.s32 $0x16400  }
0x2dc: {  	[tilespmem:s30], [sflag:$0x3] =	stream.indirect_vreg.gather [hbm4b:s3+s0], $0x80, v4, vm0, $0xb8;
	[tilespmem:$0x1CC00] =	vst v63  }
0x2dd: {  	s4 =	simm.s32 $0x16C00  }
0x2de: {  	[tilespmem:s4], [sflag:$0x3] =	stream.indirect_vreg.gather [hbm4b:s10+s0], $0x80, v3, vm0, $0xb8;
	[tilespmem:$0x1CC00] =	vst v63  }
0x2df: {  	s5 =	simm.s32 $0x17400  }
0x2e0: {  	[tilespmem:s5], [sflag:$0x3] =	stream.indirect_vreg.gather [hbm4b:s29+s0], $0x80, v3, vm0, $0xb8;
	[tilespmem:$0x1CC00] =	vst v63  }
0x2e1: {  	_ = 	snop  }
0x2e2: {  	[tilespmem:s6], [sflag:$0x3] =	stream.indirect_vreg.gather [hbm4b:s3+s0], $0x80, v3, vm0, $0xb8;
	[tilespmem:$0x1CC00] =	vst v63  }
0x2e3: {  	v3 =	vld [tilespmem:$0x2A0];
	_ =	sdelay $0x4  }
0x2e4: {  	v4 =	vshrl.u32 v3, $0x3  }
0x2e5: {  	v4 =	vmul.u32 $0x30, v4  }
0x2e6: {  	v3 =	vand.u32 $0x7, v3  }
0x2e7: {  	v3 =	vor.u32 v3, v4  }
0x2e8: {  	v4 =	vperm.xlane v3, v0;
	_ =	sdelay $0x1  }
0x2e9: {  	v4 =	vadd.s32 v1, v4;
	_ =	sdelay $0x3  }
0x2ea: {  	v3 =	vperm.xlane v3, v2  }
0x2eb: {  	[tilespmem:s18], [sflag:$0x3] =	stream.indirect_vreg.gather [hbm4b:s10+s0], $0x80, v4, vm0, $0xb8;
	[tilespmem:$0x1CC00] =	vst v63  }
0x2ec: {  	v3 =	vadd.s32 v1, v3  }
0x2ed: {  	[tilespmem:s19], [sflag:$0x3] =	stream.indirect_vreg.gather [hbm4b:s29+s0], $0x80, v4, vm0, $0xb8;
	[tilespmem:$0x1CC00] =	vst v63  }
0x2ee: {  	_ = 	snop  }
0x2ef: {  	[tilespmem:s7], [sflag:$0x3] =	stream.indirect_vreg.gather [hbm4b:s3+s0], $0x80, v4, vm0, $0xb8;
	[tilespmem:$0x1CC00] =	vst v63  }
0x2f0: {  	_ = 	snop  }
0x2f1: {  	[tilespmem:s20], [sflag:$0x3] =	stream.indirect_vreg.gather [hbm4b:s10+s0], $0x80, v3, vm0, $0xb8;
	[tilespmem:$0x1CC00] =	vst v63  }
0x2f2: {  	_ = 	snop  }
0x2f3: {  	[tilespmem:s8], [sflag:$0x3] =	stream.indirect_vreg.gather [hbm4b:s29+s0], $0x80, v3, vm0, $0xb8;
	[tilespmem:$0x1CC00] =	vst v63  }
0x2f4: {  	_ = 	snop  }
0x2f5: {  	[tilespmem:s21], [sflag:$0x3] =	stream.indirect_vreg.gather [hbm4b:s3+s0], $0x80, v3, vm0, $0xb8;
	[tilespmem:$0x1CC00] =	vst v63  }
0x2f6: {  	_ =	swait.ge [sflag:s22], $0x9000  }
0x2f7: {  	s30 =	sand.u32 $0x1C00, s0;
	s29 =	sand.u32 $0x70, s0;
	[sflag:s22] =	ssyncset.done $0x0  }
0x2f8: {  	s3 =	sor.u32 s29, s30;
	[sflag:s22] =	ssyncadd.s32 $0xFFFF7000  }
0x2f9: {  	v3 =	vld [tilespmem:s3+$0x7E00]  }
0x2fa: {  	v5 =	vld [tilespmem:s3+$0x7E80]  }
0x2fb: {  	v4 =	vld [tilespmem:s3+$0x7C00]  }
0x2fc: {  	v6 =	vld [tilespmem:s3+$0x7C80]  }
0x2fd: {  	v7 =	vld [tilespmem:s3+$0x6600]  }
0x2fe: {  	v8 =	vld [tilespmem:s3+$0x6680]  }
0x2ff: {  	v9 =	vld [tilespmem:s3+$0x6400]  }
0x300: {  	v10 =	vld [tilespmem:s3+$0x6480]  }
0x301: {  	v11 =	vld [tilespmem:s3+$0x4E00]  }
0x302: {  	v12 =	vld [tilespmem:s3+$0x4E80]  }
0x303: {  	v13 =	vld [tilespmem:s3+$0x4C00]  }
0x304: {  	v14 =	vld [tilespmem:s3+$0x4C80]  }
0x305: {  	v15 =	vld [tilespmem:s3+$0x3600]  }
0x306: {  	v16 =	vld [tilespmem:s3+$0x3680]  }
0x307: {  	v17 =	vld [tilespmem:s3+$0x3400]  }
0x308: {  	v18 =	vld [tilespmem:s3+$0x3480]  }
0x309: {  	v19 =	vld [tilespmem:s3+$0x1E00]  }
0x30a: {  	v20 =	vld [tilespmem:s3+$0x1E80]  }
0x30b: {  	v21 =	vld [tilespmem:s3+$0x1C00]  }
0x30c: {  	v22 =	vld [tilespmem:s3+$0x1C80]  }
0x30d: {  	v24 =	vld [tilespmem:s3+$0x400]  }
0x30e: {  	v26 =	vld [tilespmem:s3+$0x480]  }
0x30f: {  	v23 =	vld [tilespmem:s3+$0x500]  }
0x310: {  	v25 =	vld [tilespmem:s3+$0x580]  }
0x311: {  	v27 =	vld [tilespmem:s3+$0x600]  }
0x312: {  	s1 =	sor.u32 s0, s0;
	s4 =	simm.s32 $0x10;
	v28 =	vld [tilespmem:s3+$0x680]  }
.LBB2_8:
0x313: {  	p0 =	sne.s32 s4, $0x2F0;
	v29 =	vld [tilespmem:s3+$0x700];
	s1 =	sor.u32 $0x380, s1  }
0x314: {  	v30 =	vld [tilespmem:s1+$0x400]  }
0x315: {  	v31 =	vld [tilespmem:s3+$0x1D00]  }
0x316: {  	v32 =	vld [tilespmem:s3+$0x1D80]  }
0x317: {  	v33 =	vld [tilespmem:s3+$0x1F00]  }
0x318: {  	v24 =	vadd.f32 v27, v24;
	v26 =	vadd.f32 v28, v26;
	v27 =	vld [tilespmem:s3+$0x1F80]  }
0x319: {  	v23 =	vadd.f32 v29, v23;
	v25 =	vadd.f32 v30, v25;
	v28 =	vld [tilespmem:s3+$0x3500]  }
0x31a: {  	v21 =	vadd.f32 v21, v24;
	v22 =	vadd.f32 v22, v26;
	v24 =	vld [tilespmem:s3+$0x3580]  }
0x31b: {  	v23 =	vadd.f32 v31, v23;
	v25 =	vadd.f32 v32, v25;
	v26 =	vld [tilespmem:s3+$0x3700]  }
0x31c: {  	v19 =	vadd.f32 v19, v21;
	v20 =	vadd.f32 v20, v22;
	v21 =	vld [tilespmem:s3+$0x3780]  }
0x31d: {  	v22 =	vadd.f32 v33, v23;
	v23 =	vadd.f32 v27, v25;
	v25 =	vld [tilespmem:s3+$0x4D00]  }
0x31e: {  	v17 =	vadd.f32 v17, v19;
	v18 =	vadd.f32 v18, v20;
	v19 =	vld [tilespmem:s3+$0x4D80]  }
0x31f: {  	v20 =	vadd.f32 v28, v22;
	v22 =	vadd.f32 v24, v23;
	v23 =	vld [tilespmem:s3+$0x4F00]  }
0x320: {  	v15 =	vadd.f32 v15, v17;
	v16 =	vadd.f32 v16, v18;
	v17 =	vld [tilespmem:s3+$0x4F80]  }
0x321: {  	v18 =	vadd.f32 v26, v20;
	v20 =	vadd.f32 v21, v22;
	v21 =	vld [tilespmem:s3+$0x6500]  }
0x322: {  	v13 =	vadd.f32 v13, v15;
	v14 =	vadd.f32 v14, v16;
	v15 =	vld [tilespmem:s3+$0x6580]  }
0x323: {  	v16 =	vadd.f32 v25, v18;
	v18 =	vadd.f32 v19, v20;
	v19 =	vld [tilespmem:s3+$0x6700]  }
0x324: {  	v11 =	vadd.f32 v11, v13;
	v12 =	vadd.f32 v12, v14;
	v13 =	vld [tilespmem:s3+$0x6780]  }
0x325: {  	v14 =	vadd.f32 v23, v16;
	v16 =	vadd.f32 v17, v18;
	v17 =	vld [tilespmem:s3+$0x7D00]  }
0x326: {  	s0 =	sadd.s32 $0x80, s0;
	v9 =	vadd.f32 v9, v11;
	v10 =	vadd.f32 v10, v12;
	v11 =	vld [tilespmem:s3+$0x7D80]  }
0x327: {  	s1 =	sand.u32 $0x70, s4;
	s5 =	sand.u32 $0x1C00, s0;
	v12 =	vadd.f32 v21, v14;
	v14 =	vadd.f32 v15, v16;
	v15 =	vld [tilespmem:s3+$0x7F00]  }
0x328: {  	s1 =	sor.u32 s1, s5;
	v7 =	vadd.f32 v7, v9;
	v8 =	vadd.f32 v8, v10;
	v9 =	vld [tilespmem:s3+$0x7F80]  }
0x329: {  	v12 =	vadd.f32 v19, v12;
	v10 =	vld [tilespmem:s1+$0x7E00];
	v13 =	vadd.f32 v13, v14  }
0x32a: {  	v7 =	vadd.f32 v4, v7;
	v8 =	vadd.f32 v6, v8;
	v14 =	vld [tilespmem:s1+$0x7E80]  }
0x32b: {  	v12 =	vadd.f32 v17, v12;
	v4 =	vld [tilespmem:s1+$0x7C00];
	v11 =	vadd.f32 v11, v13  }
0x32c: {  	v13 =	vadd.f32 v3, v7;
	v16 =	vadd.f32 v5, v8;
	v6 =	vld [tilespmem:s1+$0x7C80]  }
0x32d: {  	v12 =	vadd.f32 v15, v12;
	v7 =	vld [tilespmem:s1+$0x6600];
	v11 =	vadd.f32 v9, v11  }
0x32e: {  	v8 =	vld [tilespmem:s1+$0x6680];
	v3 =	vmov v10  }
0x32f: {  	v13 =	vadd.f32 v16, v13;
	v9 =	vld [tilespmem:s1+$0x6400];
	v12 =	vadd.f32 v11, v12;
	v5 =	vmov v14  }
0x330: {  	v10 =	vld [tilespmem:s1+$0x6480]  }
0x331: {  	v11 =	vld [tilespmem:s1+$0x4E00];
	v14 =	vadd.f32 v12, v13  }
0x332: {  	v12 =	vld [tilespmem:s1+$0x4E80]  }
0x333: {  	v13 =	vld [tilespmem:s1+$0x4C00];
	v16 =	vmul.f32 $2.083333400e-02, v14  }
0x334: {  	v14 =	vld [tilespmem:s1+$0x4C80]  }
0x335: {  	v15 =	vld [tilespmem:s1+$0x3600];
	[tilespmem:s3+$0x1B580] =	vst v16;
	s3 =	smov.u32 s1  }
0x336: {  	v16 =	vld [tilespmem:s3+$0x3680]  }
0x337: {  	v17 =	vld [tilespmem:s3+$0x3400]  }
0x338: {  	v18 =	vld [tilespmem:s3+$0x3480]  }
0x339: {  	v19 =	vld [tilespmem:s3+$0x1E00]  }
0x33a: {  	v20 =	vld [tilespmem:s3+$0x1E80]  }
0x33b: {  	v21 =	vld [tilespmem:s3+$0x1C00]  }
0x33c: {  	v22 =	vld [tilespmem:s3+$0x1C80]  }
0x33d: {  	v24 =	vld [tilespmem:s3+$0x400]  }
.Ltmp3:
0x33e: {  	v26 =	vld [tilespmem:s3+$0x480];
	(pc) =	sbr.rel @p0 .LBB2_8-.Ltmp3, $4  }
0x33f: {  	v23 =	vld [tilespmem:s3+$0x500]  }
0x340: {  	v25 =	vld [tilespmem:s3+$0x580]  }
0x341: {  	v27 =	vld [tilespmem:s3+$0x600]  }
0x342: {  	s1 =	sor.u32 s0, s4;
	s4 =	sadd.s32 $0x10, s4;
	v28 =	vld [tilespmem:s3+$0x680]  }
0x343: {  	v29 =	vld [tilespmem:s3+$0x700];
	s0 =	sor.u32 $0x380, s1  }
0x344: {  	v30 =	vld [tilespmem:s0+$0x400]  }
0x345: {  	v31 =	vld [tilespmem:s3+$0x1D00]  }
0x346: {  	v32 =	vld [tilespmem:s3+$0x1D80]  }
0x347: {  	v33 =	vld [tilespmem:s3+$0x1F00];
	v24 =	vadd.f32 v27, v24  }
0x348: {  	v27 =	vld [tilespmem:s3+$0x1F80];
	v26 =	vadd.f32 v28, v26;
	v23 =	vadd.f32 v29, v23  }
0x349: {  	v28 =	vld [tilespmem:s3+$0x3500];
	v21 =	vadd.f32 v21, v24;
	v25 =	vadd.f32 v30, v25  }
0x34a: {  	v24 =	vld [tilespmem:s3+$0x3580];
	v22 =	vadd.f32 v22, v26;
	v23 =	vadd.f32 v31, v23  }
0x34b: {  	v26 =	vld [tilespmem:s3+$0x3700];
	v19 =	vadd.f32 v19, v21;
	v25 =	vadd.f32 v32, v25  }
0x34c: {  	v21 =	vld [tilespmem:s3+$0x3780];
	v20 =	vadd.f32 v20, v22;
	v22 =	vadd.f32 v33, v23  }
0x34d: {  	v17 =	vadd.f32 v17, v19;
	v23 =	vadd.f32 v27, v25;
	v25 =	vld [tilespmem:s3+$0x4D00]  }
0x34e: {  	v19 =	vld [tilespmem:s3+$0x4D80];
	v18 =	vadd.f32 v18, v20;
	v20 =	vadd.f32 v28, v22  }
0x34f: {  	v15 =	vadd.f32 v15, v17;
	v22 =	vadd.f32 v24, v23;
	v23 =	vld [tilespmem:s3+$0x4F00]  }
0x350: {  	v17 =	vld [tilespmem:s3+$0x4F80];
	v16 =	vadd.f32 v16, v18;
	v18 =	vadd.f32 v26, v20  }
0x351: {  	v13 =	vadd.f32 v13, v15;
	v20 =	vadd.f32 v21, v22;
	v21 =	vld [tilespmem:s3+$0x6500]  }
0x352: {  	v15 =	vld [tilespmem:s3+$0x6580];
	v14 =	vadd.f32 v14, v16;
	v16 =	vadd.f32 v25, v18  }
0x353: {  	v11 =	vadd.f32 v11, v13;
	v13 =	vld [tilespmem:s3+$0x6780];
	v18 =	vadd.f32 v19, v20  }
0x354: {  	v19 =	vld [tilespmem:s3+$0x6700];
	v12 =	vadd.f32 v12, v14;
	v14 =	vadd.f32 v23, v16  }
0x355: {  	v9 =	vadd.f32 v9, v11;
	v11 =	vld [tilespmem:s3+$0x7D80];
	v16 =	vadd.f32 v17, v18  }
0x356: {  	v17 =	vld [tilespmem:s3+$0x7D00];
	v10 =	vadd.f32 v10, v12;
	v12 =	vadd.f32 v21, v14  }
0x357: {  	v7 =	vadd.f32 v7, v9;
	v9 =	vld [tilespmem:s3+$0x7F80];
	v14 =	vadd.f32 v15, v16  }
0x358: {  	v15 =	vld [tilespmem:s3+$0x7F00];
	v8 =	vadd.f32 v8, v10  }
0x359: {  	v10 =	vadd.f32 v19, v12;
	v12 =	vadd.f32 v13, v14  }
0x35a: {  	v4 =	vadd.f32 v4, v7;
	v6 =	vadd.f32 v6, v8  }
0x35b: {  	v7 =	vadd.f32 v17, v10;
	v8 =	vadd.f32 v11, v12  }
0x35c: {  	v3 =	vadd.f32 v3, v4;
	v4 =	vadd.f32 v5, v6  }
0x35d: {  	v5 =	vadd.f32 v15, v7;
	v6 =	vadd.f32 v9, v8;
	_ =	sdelay $0x1  }
0x35e: {  	v3 =	vadd.f32 v4, v3;
	v4 =	vadd.f32 v6, v5;
	_ =	sdelay $0x1  }
0x35f: {  	v3 =	vadd.f32 v4, v3;
	_ =	sdelay $0x1  }
0x360: {  	v3 =	vmul.f32 $2.083333400e-02, v3;
	_ =	sdelay $0x1  }
0x361: {  	s0 =	simm.s32 $0x0;
	[tilespmem:s3+$0x1B580] =	vst v3;
	s3 =	simm.s32 $0x1B580  }
0x362: {  	[hbm4b:s14+s0] =	stream.linear.scatter [tilespmem:s3], [sflag:$0x4], $0x80, $0x38;
	[tilespmem:$0x1CC00] =	vst v63  }
0x363: {  	s4 =	sadd.s32 $0x80, s14;
	s5 =	simm.s32 $0x1B980  }
0x364: {  	[hbm4b:s4+s0] =	stream.linear.scatter [tilespmem:s5], [sflag:$0x4], $0x80, $0x38;
	[tilespmem:$0x1CC00] =	vst v63  }
0x365: {  	s29 =	sadd.s32 $0x100, s14;
	s30 =	simm.s32 $0x1BD80  }
0x366: {  	[hbm4b:s29+s0] =	stream.linear.scatter [tilespmem:s30], [sflag:$0x4], $0x80, $0x38;
	[tilespmem:$0x1CC00] =	vst v63  }
0x367: {  	s4 =	sadd.s32 $0x180, s14;
	s5 =	simm.s32 $0x1C180  }
0x368: {  	[hbm4b:s4+s0] =	stream.linear.scatter [tilespmem:s5], [sflag:$0x4], $0x80, $0x38;
	[tilespmem:$0x1CC00] =	vst v63  }
0x369: {  	s29 =	sadd.s32 $0x200, s14;
	s30 =	simm.s32 $0x1C580  }
0x36a: {  	[hbm4b:s29+s0] =	stream.linear.scatter [tilespmem:s30], [sflag:$0x4], $0x80, $0x38;
	[tilespmem:$0x1CC00] =	vst v63  }
0x36b: {  	s4 =	sadd.s32 $0x280, s14;
	s5 =	simm.s32 $0x1C980  }
0x36c: {  	[hbm4b:s4+s0] =	stream.linear.scatter [tilespmem:s5], [sflag:$0x4], $0x80, $0x38;
	[tilespmem:$0x1CC00] =	vst v63  }
0x36d: {  	_ =	swait.ge [sflag:s24], $0x9000  }
0x36e: {  	s29 =	sand.u32 $0x70, s0;
	s30 =	sand.u32 $0x1C00, s0;
	[sflag:s24] =	ssyncset.done $0x0  }
0x36f: {  	s3 =	sor.u32 s29, s30;
	[sflag:s24] =	ssyncadd.s32 $0xFFFF7000  }
0x370: {  	v3 =	vld [tilespmem:s3+$0x10E00]  }
0x371: {  	v5 =	vld [tilespmem:s3+$0x10E80]  }
0x372: {  	v4 =	vld [tilespmem:s3+$0x10C00]  }
0x373: {  	v6 =	vld [tilespmem:s3+$0x10C80]  }
0x374: {  	v7 =	vld [tilespmem:s3+$0xF600]  }
0x375: {  	v8 =	vld [tilespmem:s3+$0xF680]  }
0x376: {  	v9 =	vld [tilespmem:s3+$0xF400]  }
0x377: {  	v10 =	vld [tilespmem:s3+$0xF480]  }
0x378: {  	v11 =	vld [tilespmem:s3+$0xDE00]  }
0x379: {  	v12 =	vld [tilespmem:s3+$0xDE80]  }
0x37a: {  	v13 =	vld [tilespmem:s3+$0xDC00]  }
0x37b: {  	v14 =	vld [tilespmem:s3+$0xDC80]  }
0x37c: {  	v15 =	vld [tilespmem:s3+$0xC600]  }
0x37d: {  	v16 =	vld [tilespmem:s3+$0xC680]  }
0x37e: {  	v17 =	vld [tilespmem:s3+$0xC400]  }
0x37f: {  	v18 =	vld [tilespmem:s3+$0xC480]  }
0x380: {  	v19 =	vld [tilespmem:s3+$0xAE00]  }
0x381: {  	v20 =	vld [tilespmem:s3+$0xAE80]  }
0x382: {  	v21 =	vld [tilespmem:s3+$0xAC00]  }
0x383: {  	v22 =	vld [tilespmem:s3+$0xAC80]  }
0x384: {  	v24 =	vld [tilespmem:s3+$0x9400]  }
0x385: {  	v26 =	vld [tilespmem:s3+$0x9480]  }
0x386: {  	v23 =	vld [tilespmem:s3+$0x9500]  }
0x387: {  	v25 =	vld [tilespmem:s3+$0x9580]  }
0x388: {  	v27 =	vld [tilespmem:s3+$0x9600]  }
0x389: {  	s1 =	sor.u32 s0, s0;
	s4 =	simm.s32 $0x10;
	v28 =	vld [tilespmem:s3+$0x9680]  }
.LBB2_10:
0x38a: {  	p0 =	sne.s32 s4, $0x2F0;
	v29 =	vld [tilespmem:s3+$0x9700];
	s1 =	sor.u32 $0x380, s1  }
0x38b: {  	v30 =	vld [tilespmem:s1+$0x9400]  }
0x38c: {  	v31 =	vld [tilespmem:s3+$0xAD00]  }
0x38d: {  	v32 =	vld [tilespmem:s3+$0xAD80]  }
0x38e: {  	v33 =	vld [tilespmem:s3+$0xAF00]  }
0x38f: {  	v24 =	vadd.f32 v27, v24;
	v26 =	vadd.f32 v28, v26;
	v27 =	vld [tilespmem:s3+$0xAF80]  }
0x390: {  	v23 =	vadd.f32 v29, v23;
	v25 =	vadd.f32 v30, v25;
	v28 =	vld [tilespmem:s3+$0xC500]  }
0x391: {  	v21 =	vadd.f32 v21, v24;
	v22 =	vadd.f32 v22, v26;
	v24 =	vld [tilespmem:s3+$0xC580]  }
0x392: {  	v23 =	vadd.f32 v31, v23;
	v25 =	vadd.f32 v32, v25;
	v26 =	vld [tilespmem:s3+$0xC700]  }
0x393: {  	v19 =	vadd.f32 v19, v21;
	v20 =	vadd.f32 v20, v22;
	v21 =	vld [tilespmem:s3+$0xC780]  }
0x394: {  	v22 =	vadd.f32 v33, v23;
	v23 =	vadd.f32 v27, v25;
	v25 =	vld [tilespmem:s3+$0xDD00]  }
0x395: {  	v17 =	vadd.f32 v17, v19;
	v18 =	vadd.f32 v18, v20;
	v19 =	vld [tilespmem:s3+$0xDD80]  }
0x396: {  	v20 =	vadd.f32 v28, v22;
	v22 =	vadd.f32 v24, v23;
	v23 =	vld [tilespmem:s3+$0xDF00]  }
0x397: {  	v15 =	vadd.f32 v15, v17;
	v16 =	vadd.f32 v16, v18;
	v17 =	vld [tilespmem:s3+$0xDF80]  }
0x398: {  	v18 =	vadd.f32 v26, v20;
	v20 =	vadd.f32 v21, v22;
	v21 =	vld [tilespmem:s3+$0xF500]  }
0x399: {  	v13 =	vadd.f32 v13, v15;
	v14 =	vadd.f32 v14, v16;
	v15 =	vld [tilespmem:s3+$0xF580]  }
0x39a: {  	v16 =	vadd.f32 v25, v18;
	v18 =	vadd.f32 v19, v20;
	v19 =	vld [tilespmem:s3+$0xF700]  }
0x39b: {  	v11 =	vadd.f32 v11, v13;
	v12 =	vadd.f32 v12, v14;
	v13 =	vld [tilespmem:s3+$0xF780]  }
0x39c: {  	v14 =	vadd.f32 v23, v16;
	v16 =	vadd.f32 v17, v18;
	v17 =	vld [tilespmem:s3+$0x10D00]  }
0x39d: {  	s0 =	sadd.s32 $0x80, s0;
	v9 =	vadd.f32 v9, v11;
	v10 =	vadd.f32 v10, v12;
	v11 =	vld [tilespmem:s3+$0x10D80]  }
0x39e: {  	s1 =	sand.u32 $0x70, s4;
	s5 =	sand.u32 $0x1C00, s0;
	v12 =	vadd.f32 v21, v14;
	v14 =	vadd.f32 v15, v16;
	v15 =	vld [tilespmem:s3+$0x10F00]  }
0x39f: {  	s1 =	sor.u32 s1, s5;
	v7 =	vadd.f32 v7, v9;
	v8 =	vadd.f32 v8, v10;
	v9 =	vld [tilespmem:s3+$0x10F80]  }
0x3a0: {  	v12 =	vadd.f32 v19, v12;
	v10 =	vld [tilespmem:s1+$0x10E00];
	v13 =	vadd.f32 v13, v14  }
0x3a1: {  	v7 =	vadd.f32 v4, v7;
	v8 =	vadd.f32 v6, v8;
	v14 =	vld [tilespmem:s1+$0x10E80]  }
0x3a2: {  	v12 =	vadd.f32 v17, v12;
	v4 =	vld [tilespmem:s1+$0x10C00];
	v11 =	vadd.f32 v11, v13  }
0x3a3: {  	v13 =	vadd.f32 v3, v7;
	v16 =	vadd.f32 v5, v8;
	v6 =	vld [tilespmem:s1+$0x10C80]  }
0x3a4: {  	v12 =	vadd.f32 v15, v12;
	v7 =	vld [tilespmem:s1+$0xF600];
	v11 =	vadd.f32 v9, v11  }
0x3a5: {  	v8 =	vld [tilespmem:s1+$0xF680];
	v3 =	vmov v10  }
0x3a6: {  	v13 =	vadd.f32 v16, v13;
	v9 =	vld [tilespmem:s1+$0xF400];
	v12 =	vadd.f32 v11, v12;
	v5 =	vmov v14  }
0x3a7: {  	v10 =	vld [tilespmem:s1+$0xF480]  }
0x3a8: {  	v11 =	vld [tilespmem:s1+$0xDE00];
	v14 =	vadd.f32 v12, v13  }
0x3a9: {  	v12 =	vld [tilespmem:s1+$0xDE80]  }
0x3aa: {  	v13 =	vld [tilespmem:s1+$0xDC00];
	v16 =	vmul.f32 $2.083333400e-02, v14  }
0x3ab: {  	v14 =	vld [tilespmem:s1+$0xDC80]  }
0x3ac: {  	v15 =	vld [tilespmem:s1+$0xC600];
	[tilespmem:s3+$0x1B600] =	vst v16;
	s3 =	smov.u32 s1  }
0x3ad: {  	v16 =	vld [tilespmem:s3+$0xC680]  }
0x3ae: {  	v17 =	vld [tilespmem:s3+$0xC400]  }
0x3af: {  	v18 =	vld [tilespmem:s3+$0xC480]  }
0x3b0: {  	v19 =	vld [tilespmem:s3+$0xAE00]  }
0x3b1: {  	v20 =	vld [tilespmem:s3+$0xAE80]  }
0x3b2: {  	v21 =	vld [tilespmem:s3+$0xAC00]  }
0x3b3: {  	v22 =	vld [tilespmem:s3+$0xAC80]  }
0x3b4: {  	v24 =	vld [tilespmem:s3+$0x9400]  }
.Ltmp4:
0x3b5: {  	v26 =	vld [tilespmem:s3+$0x9480];
	(pc) =	sbr.rel @p0 .LBB2_10-.Ltmp4, $4  }
0x3b6: {  	v23 =	vld [tilespmem:s3+$0x9500]  }
0x3b7: {  	v25 =	vld [tilespmem:s3+$0x9580]  }
0x3b8: {  	v27 =	vld [tilespmem:s3+$0x9600]  }
0x3b9: {  	s1 =	sor.u32 s0, s4;
	s4 =	sadd.s32 $0x10, s4;
	v28 =	vld [tilespmem:s3+$0x9680]  }
0x3ba: {  	v29 =	vld [tilespmem:s3+$0x9700];
	s0 =	sor.u32 $0x380, s1  }
0x3bb: {  	v30 =	vld [tilespmem:s0+$0x9400]  }
0x3bc: {  	v31 =	vld [tilespmem:s3+$0xAD00]  }
0x3bd: {  	v32 =	vld [tilespmem:s3+$0xAD80]  }
0x3be: {  	v33 =	vld [tilespmem:s3+$0xAF00];
	v24 =	vadd.f32 v27, v24  }
0x3bf: {  	v27 =	vld [tilespmem:s3+$0xAF80];
	v26 =	vadd.f32 v28, v26;
	v23 =	vadd.f32 v29, v23  }
0x3c0: {  	v28 =	vld [tilespmem:s3+$0xC500];
	v21 =	vadd.f32 v21, v24;
	v25 =	vadd.f32 v30, v25  }
0x3c1: {  	v24 =	vld [tilespmem:s3+$0xC580];
	v22 =	vadd.f32 v22, v26;
	v23 =	vadd.f32 v31, v23  }
0x3c2: {  	v26 =	vld [tilespmem:s3+$0xC700];
	v19 =	vadd.f32 v19, v21;
	v25 =	vadd.f32 v32, v25  }
0x3c3: {  	v21 =	vld [tilespmem:s3+$0xC780];
	v20 =	vadd.f32 v20, v22;
	v22 =	vadd.f32 v33, v23  }
0x3c4: {  	v17 =	vadd.f32 v17, v19;
	v23 =	vadd.f32 v27, v25;
	v25 =	vld [tilespmem:s3+$0xDD00]  }
0x3c5: {  	v19 =	vld [tilespmem:s3+$0xDD80];
	v18 =	vadd.f32 v18, v20;
	v20 =	vadd.f32 v28, v22  }
0x3c6: {  	v15 =	vadd.f32 v15, v17;
	v22 =	vadd.f32 v24, v23;
	v23 =	vld [tilespmem:s3+$0xDF00]  }
0x3c7: {  	v17 =	vld [tilespmem:s3+$0xDF80];
	v16 =	vadd.f32 v16, v18;
	v18 =	vadd.f32 v26, v20  }
0x3c8: {  	v13 =	vadd.f32 v13, v15;
	v20 =	vadd.f32 v21, v22;
	v21 =	vld [tilespmem:s3+$0xF500]  }
0x3c9: {  	v15 =	vld [tilespmem:s3+$0xF580];
	v14 =	vadd.f32 v14, v16;
	v16 =	vadd.f32 v25, v18  }
0x3ca: {  	v11 =	vadd.f32 v11, v13;
	v13 =	vld [tilespmem:s3+$0xF780];
	v18 =	vadd.f32 v19, v20  }
0x3cb: {  	v19 =	vld [tilespmem:s3+$0xF700];
	v12 =	vadd.f32 v12, v14;
	v14 =	vadd.f32 v23, v16  }
0x3cc: {  	v9 =	vadd.f32 v9, v11;
	v11 =	vld [tilespmem:s3+$0x10D80];
	v16 =	vadd.f32 v17, v18  }
0x3cd: {  	v17 =	vld [tilespmem:s3+$0x10D00];
	v10 =	vadd.f32 v10, v12;
	v12 =	vadd.f32 v21, v14  }
0x3ce: {  	v7 =	vadd.f32 v7, v9;
	v9 =	vld [tilespmem:s3+$0x10F80];
	v14 =	vadd.f32 v15, v16  }
0x3cf: {  	v15 =	vld [tilespmem:s3+$0x10F00];
	v8 =	vadd.f32 v8, v10  }
0x3d0: {  	v10 =	vadd.f32 v19, v12;
	v12 =	vadd.f32 v13, v14  }
0x3d1: {  	v4 =	vadd.f32 v4, v7;
	v6 =	vadd.f32 v6, v8  }
0x3d2: {  	v7 =	vadd.f32 v17, v10;
	v8 =	vadd.f32 v11, v12  }
0x3d3: {  	v3 =	vadd.f32 v3, v4;
	v4 =	vadd.f32 v5, v6  }
0x3d4: {  	v5 =	vadd.f32 v15, v7;
	v6 =	vadd.f32 v9, v8;
	_ =	sdelay $0x1  }
0x3d5: {  	v3 =	vadd.f32 v4, v3;
	v4 =	vadd.f32 v6, v5;
	_ =	sdelay $0x1  }
0x3d6: {  	v3 =	vadd.f32 v4, v3;
	_ =	sdelay $0x1  }
0x3d7: {  	v3 =	vmul.f32 $2.083333400e-02, v3;
	_ =	sdelay $0x1  }
0x3d8: {  	s30 =	simm.s32 $0x1B600;
	s0 =	simm.s32 $0x0;
	[tilespmem:s3+$0x1B600] =	vst v3  }
0x3d9: {  	[hbm4b:s15+s0] =	stream.linear.scatter [tilespmem:s30], [sflag:$0x4], $0x80, $0x38;
	[tilespmem:$0x1CC00] =	vst v63  }
0x3da: {  	s4 =	simm.s32 $0x1BA00;
	s3 =	sadd.s32 $0x80, s15  }
0x3db: {  	[hbm4b:s3+s0] =	stream.linear.scatter [tilespmem:s4], [sflag:$0x4], $0x80, $0x38;
	[tilespmem:$0x1CC00] =	vst v63  }
0x3dc: {  	s5 =	sadd.s32 $0x100, s15;
	s30 =	simm.s32 $0x1BE00  }
0x3dd: {  	[hbm4b:s5+s0] =	stream.linear.scatter [tilespmem:s30], [sflag:$0x4], $0x80, $0x38;
	[tilespmem:$0x1CC00] =	vst v63  }
0x3de: {  	s3 =	sadd.s32 $0x180, s15;
	s4 =	simm.s32 $0x1C200  }
0x3df: {  	[hbm4b:s3+s0] =	stream.linear.scatter [tilespmem:s4], [sflag:$0x4], $0x80, $0x38;
	[tilespmem:$0x1CC00] =	vst v63  }
0x3e0: {  	s5 =	sadd.s32 $0x200, s15;
	s30 =	simm.s32 $0x1C600  }
0x3e1: {  	[hbm4b:s5+s0] =	stream.linear.scatter [tilespmem:s30], [sflag:$0x4], $0x80, $0x38;
	[tilespmem:$0x1CC00] =	vst v63  }
0x3e2: {  	s3 =	sadd.s32 $0x280, s15;
	s4 =	simm.s32 $0x1CA00  }
0x3e3: {  	[hbm4b:s3+s0] =	stream.linear.scatter [tilespmem:s4], [sflag:$0x4], $0x80, $0x38;
	[tilespmem:$0x1CC00] =	vst v63  }
0x3e4: {  	_ =	swait.ge [sflag:s25], $0x9000  }
0x3e5: {  	s5 =	sand.u32 $0x70, s0;
	s30 =	sand.u32 $0x1C00, s0;
	[sflag:s25] =	ssyncset.done $0x0  }
0x3e6: {  	s3 =	sor.u32 s5, s30;
	[sflag:s25] =	ssyncadd.s32 $0xFFFF7000  }
0x3e7: {  	v3 =	vld [tilespmem:s3+$0x19E00]  }
0x3e8: {  	v5 =	vld [tilespmem:s3+$0x19E80]  }
0x3e9: {  	v4 =	vld [tilespmem:s3+$0x19C00]  }
0x3ea: {  	v6 =	vld [tilespmem:s3+$0x19C80]  }
0x3eb: {  	v7 =	vld [tilespmem:s3+$0x18600]  }
0x3ec: {  	v8 =	vld [tilespmem:s3+$0x18680]  }
0x3ed: {  	v9 =	vld [tilespmem:s3+$0x18400]  }
0x3ee: {  	v10 =	vld [tilespmem:s3+$0x18480]  }
0x3ef: {  	v11 =	vld [tilespmem:s3+$0x16E00]  }
0x3f0: {  	v12 =	vld [tilespmem:s3+$0x16E80]  }
0x3f1: {  	v13 =	vld [tilespmem:s3+$0x16C00]  }
0x3f2: {  	v14 =	vld [tilespmem:s3+$0x16C80]  }
0x3f3: {  	v15 =	vld [tilespmem:s3+$0x15600]  }
0x3f4: {  	v16 =	vld [tilespmem:s3+$0x15680]  }
0x3f5: {  	v17 =	vld [tilespmem:s3+$0x15400]  }
0x3f6: {  	v18 =	vld [tilespmem:s3+$0x15480]  }
0x3f7: {  	v19 =	vld [tilespmem:s3+$0x13E00]  }
0x3f8: {  	v20 =	vld [tilespmem:s3+$0x13E80]  }
0x3f9: {  	v21 =	vld [tilespmem:s3+$0x13C00]  }
0x3fa: {  	v22 =	vld [tilespmem:s3+$0x13C80]  }
0x3fb: {  	v23 =	vld [tilespmem:s3+$0x12400]  }
0x3fc: {  	s5 =	sadd.s32 $0x12400, s3;
	v24 =	vld [tilespmem:s3+$0x12680]  }
0x3fd: {  	v26 =	vld [tilespmem:s5+$0x200]  }
0x3fe: {  	v27 =	vld [tilespmem:s5+$0x80]  }
0x3ff: {  	s29 =	simm.s32 $0x10;
	s4 =	simm.s32 $0x0;
	v25 =	vld [tilespmem:s5+$0x100]  }
.LBB2_12:
0x400: {  	p0 =	sne.s32 s29, $0x2F0;
	v28 =	vld [tilespmem:s5+$0x300];
	s1 =	sor.u32 s4, s0;
	s0 =	smov.u32 s29  }
0x401: {  	v29 =	vld [tilespmem:s5+$0x180];
	s1 =	sor.u32 $0x380, s1  }
0x402: {  	v30 =	vld [tilespmem:s1+$0x12400]  }
0x403: {  	v31 =	vld [tilespmem:s3+$0x13D00]  }
0x404: {  	v32 =	vld [tilespmem:s3+$0x13D80]  }
0x405: {  	v33 =	vld [tilespmem:s3+$0x13F00]  }
0x406: {  	v23 =	vadd.f32 v26, v23;
	v24 =	vadd.f32 v24, v27;
	v26 =	vld [tilespmem:s3+$0x13F80]  }
0x407: {  	v25 =	vadd.f32 v28, v25;
	v27 =	vadd.f32 v30, v29;
	v28 =	vld [tilespmem:s3+$0x15500]  }
0x408: {  	v21 =	vadd.f32 v21, v23;
	v22 =	vadd.f32 v22, v24;
	v23 =	vld [tilespmem:s3+$0x15580]  }
0x409: {  	v24 =	vadd.f32 v31, v25;
	v25 =	vadd.f32 v32, v27;
	v27 =	vld [tilespmem:s3+$0x15700]  }
0x40a: {  	v19 =	vadd.f32 v19, v21;
	v20 =	vadd.f32 v20, v22;
	v21 =	vld [tilespmem:s3+$0x15780]  }
0x40b: {  	v22 =	vadd.f32 v33, v24;
	v24 =	vadd.f32 v26, v25;
	v25 =	vld [tilespmem:s3+$0x16D00]  }
0x40c: {  	v17 =	vadd.f32 v17, v19;
	v18 =	vadd.f32 v18, v20;
	v19 =	vld [tilespmem:s3+$0x16D80]  }
0x40d: {  	v20 =	vadd.f32 v28, v22;
	v22 =	vadd.f32 v23, v24;
	v23 =	vld [tilespmem:s3+$0x16F00]  }
0x40e: {  	v15 =	vadd.f32 v15, v17;
	v16 =	vadd.f32 v16, v18;
	v17 =	vld [tilespmem:s3+$0x16F80]  }
0x40f: {  	v18 =	vadd.f32 v27, v20;
	v20 =	vadd.f32 v21, v22;
	v21 =	vld [tilespmem:s3+$0x18500]  }
0x410: {  	v13 =	vadd.f32 v13, v15;
	v14 =	vadd.f32 v14, v16;
	v15 =	vld [tilespmem:s3+$0x18580]  }
0x411: {  	v16 =	vadd.f32 v25, v18;
	v18 =	vadd.f32 v19, v20;
	v19 =	vld [tilespmem:s3+$0x18700]  }
0x412: {  	v11 =	vadd.f32 v11, v13;
	v12 =	vadd.f32 v12, v14;
	v13 =	vld [tilespmem:s3+$0x18780]  }
0x413: {  	v14 =	vadd.f32 v23, v16;
	v16 =	vadd.f32 v17, v18;
	v17 =	vld [tilespmem:s3+$0x19D00]  }
0x414: {  	s4 =	sadd.s32 $0x80, s4;
	v9 =	vadd.f32 v9, v11;
	v10 =	vadd.f32 v10, v12;
	v11 =	vld [tilespmem:s3+$0x19D80]  }
0x415: {  	s5 =	sand.u32 $0x1C00, s4;
	s1 =	sand.u32 $0x70, s29;
	v12 =	vadd.f32 v21, v14;
	v14 =	vadd.f32 v15, v16;
	v15 =	vld [tilespmem:s3+$0x19F00]  }
0x416: {  	s1 =	sor.u32 s1, s5;
	v7 =	vadd.f32 v7, v9;
	v8 =	vadd.f32 v8, v10;
	v9 =	vld [tilespmem:s3+$0x19F80]  }
0x417: {  	v12 =	vadd.f32 v19, v12;
	v10 =	vld [tilespmem:s1+$0x19E00];
	v13 =	vadd.f32 v13, v14  }
0x418: {  	v7 =	vadd.f32 v4, v7;
	v8 =	vadd.f32 v6, v8;
	v14 =	vld [tilespmem:s1+$0x19E80]  }
0x419: {  	v12 =	vadd.f32 v17, v12;
	v4 =	vld [tilespmem:s1+$0x19C00];
	v11 =	vadd.f32 v11, v13  }
0x41a: {  	v16 =	vadd.f32 v5, v8;
	v13 =	vadd.f32 v3, v7;
	v6 =	vld [tilespmem:s1+$0x19C80]  }
0x41b: {  	v12 =	vadd.f32 v15, v12;
	v7 =	vld [tilespmem:s1+$0x18600];
	v11 =	vadd.f32 v9, v11  }
0x41c: {  	v8 =	vld [tilespmem:s1+$0x18680];
	v3 =	vmov v10  }
0x41d: {  	v13 =	vadd.f32 v16, v13;
	v9 =	vld [tilespmem:s1+$0x18400];
	v12 =	vadd.f32 v11, v12;
	v5 =	vmov v14  }
0x41e: {  	v10 =	vld [tilespmem:s1+$0x18480]  }
0x41f: {  	v11 =	vld [tilespmem:s1+$0x16E00];
	v14 =	vadd.f32 v12, v13  }
0x420: {  	v12 =	vld [tilespmem:s1+$0x16E80]  }
0x421: {  	v13 =	vld [tilespmem:s1+$0x16C00];
	v16 =	vmul.f32 $2.083333400e-02, v14  }
0x422: {  	v14 =	vld [tilespmem:s1+$0x16C80]  }
0x423: {  	v15 =	vld [tilespmem:s1+$0x15600];
	[tilespmem:s3+$0x1B680] =	vst v16;
	s3 =	smov.u32 s1  }
0x424: {  	v16 =	vld [tilespmem:s3+$0x15680]  }
0x425: {  	v17 =	vld [tilespmem:s3+$0x15400]  }
0x426: {  	v18 =	vld [tilespmem:s3+$0x15480]  }
0x427: {  	v19 =	vld [tilespmem:s3+$0x13E00]  }
0x428: {  	v20 =	vld [tilespmem:s3+$0x13E80]  }
0x429: {  	v21 =	vld [tilespmem:s3+$0x13C00]  }
0x42a: {  	v22 =	vld [tilespmem:s3+$0x13C80]  }
.Ltmp5:
0x42b: {  	v23 =	vld [tilespmem:s3+$0x12400];
	(pc) =	sbr.rel @p0 .LBB2_12-.Ltmp5, $4  }
0x42c: {  	s5 =	sadd.s32 $0x12400, s3;
	v24 =	vld [tilespmem:s3+$0x12680]  }
0x42d: {  	v26 =	vld [tilespmem:s5+$0x200]  }
0x42e: {  	v27 =	vld [tilespmem:s5+$0x80]  }
0x42f: {  	s29 =	sadd.s32 $0x10, s29;
	v25 =	vld [tilespmem:s5+$0x100]  }
0x430: {  	v28 =	vld [tilespmem:s5+$0x300];
	s0 =	sor.u32 s4, s0  }
0x431: {  	v29 =	vld [tilespmem:s5+$0x180];
	s0 =	sor.u32 $0x380, s0  }
0x432: {  	v30 =	vld [tilespmem:s0+$0x12400]  }
0x433: {  	v31 =	vld [tilespmem:s3+$0x13D00]  }
0x434: {  	v32 =	vld [tilespmem:s3+$0x13D80]  }
0x435: {  	v33 =	vld [tilespmem:s3+$0x13F00]  }
0x436: {  	v58 =	vld [tilespmem:s3+$0x13F80];
	v23 =	vadd.f32 v26, v23;
	v24 =	vadd.f32 v24, v27  }
0x437: {  	v60 =	vld [tilespmem:s3+$0x15500];
	v25 =	vadd.f32 v28, v25;
	v59 =	vadd.f32 v30, v29  }
0x438: {  	v61 =	vld [tilespmem:s3+$0x15580];
	v21 =	vadd.f32 v21, v23;
	v22 =	vadd.f32 v22, v24  }
0x439: {  	v62 =	vadd.f32 v31, v25;
	v30 =	vld [tilespmem:s3+$0x15700];
	v63 =	vadd.f32 v32, v59  }
0x43a: {  	v19 =	vadd.f32 v19, v21;
	v20 =	vadd.f32 v20, v22;
	v31 =	vld [tilespmem:s3+$0x15780]  }
0x43b: {  	v34 =	vld [tilespmem:s3+$0x16D00];
	v32 =	vadd.f32 v33, v62;
	v33 =	vadd.f32 v58, v63  }
0x43c: {  	v35 =	vld [tilespmem:s3+$0x16D80];
	v17 =	vadd.f32 v17, v19;
	v18 =	vadd.f32 v18, v20  }
0x43d: {  	v38 =	vld [tilespmem:s3+$0x16F00];
	v36 =	vadd.f32 v60, v32;
	v37 =	vadd.f32 v61, v33  }
0x43e: {  	v39 =	vld [tilespmem:s3+$0x16F80];
	v15 =	vadd.f32 v15, v17;
	v16 =	vadd.f32 v16, v18  }
0x43f: {  	v42 =	vld [tilespmem:s3+$0x18500];
	v40 =	vadd.f32 v30, v36;
	v41 =	vadd.f32 v31, v37  }
0x440: {  	v43 =	vld [tilespmem:s3+$0x18580];
	v13 =	vadd.f32 v13, v15;
	v14 =	vadd.f32 v14, v16  }
0x441: {  	v46 =	vld [tilespmem:s3+$0x18700];
	v44 =	vadd.f32 v34, v40;
	v45 =	vadd.f32 v35, v41  }
0x442: {  	v47 =	vld [tilespmem:s3+$0x18780];
	v11 =	vadd.f32 v11, v13;
	v12 =	vadd.f32 v12, v14  }
0x443: {  	v50 =	vld [tilespmem:s3+$0x19D00];
	v48 =	vadd.f32 v38, v44;
	v49 =	vadd.f32 v39, v45  }
0x444: {  	v51 =	vld [tilespmem:s3+$0x19D80];
	v9 =	vadd.f32 v9, v11;
	v10 =	vadd.f32 v10, v12  }
0x445: {  	v54 =	vld [tilespmem:s3+$0x19F00];
	v52 =	vadd.f32 v42, v48;
	v53 =	vadd.f32 v43, v49  }
0x446: {  	v55 =	vld [tilespmem:s3+$0x19F80];
	v7 =	vadd.f32 v7, v9;
	v8 =	vadd.f32 v8, v10  }
0x447: {  	v56 =	vadd.f32 v46, v52;
	v57 =	vadd.f32 v47, v53  }
0x448: {  	v4 =	vadd.f32 v4, v7;
	v6 =	vadd.f32 v6, v8  }
0x449: {  	v58 =	vadd.f32 v50, v56;
	v59 =	vadd.f32 v51, v57  }
0x44a: {  	v3 =	vadd.f32 v3, v4;
	v60 =	vadd.f32 v5, v6  }
0x44b: {  	v61 =	vadd.f32 v54, v58;
	v62 =	vadd.f32 v55, v59;
	_ =	sdelay $0x1  }
0x44c: {  	v3 =	vadd.f32 v60, v3;
	v63 =	vadd.f32 v62, v61;
	_ =	sdelay $0x1  }
0x44d: {  	v3 =	vadd.f32 v63, v3;
	_ =	sdelay $0x1  }
0x44e: {  	v3 =	vmul.f32 $2.083333400e-02, v3;
	_ =	sdelay $0x1  }
0x44f: {  	s1 =	simm.s32 $0x1B680;
	[tilespmem:s3+$0x1B680] =	vst v3  }
0x450: {  	[hbm4b:s16+s2] =	stream.linear.scatter [tilespmem:s1], [sflag:$0x4], $0x80, $0x38;
	[tilespmem:$0x1CC00] =	vst v63  }
0x451: {  	s3 =	sadd.s32 $0x80, s16;
	s1 =	simm.s32 $0x1BA80  }
0x452: {  	[hbm4b:s3+s2] =	stream.linear.scatter [tilespmem:s1], [sflag:$0x4], $0x80, $0x38;
	[tilespmem:$0x1CC00] =	vst v63  }
0x453: {  	s4 =	sadd.s32 $0x100, s16;
	s5 =	simm.s32 $0x1BE80  }
0x454: {  	[hbm4b:s4+s2] =	stream.linear.scatter [tilespmem:s5], [sflag:$0x4], $0x80, $0x38;
	[tilespmem:$0x1CC00] =	vst v63  }
0x455: {  	s29 =	sadd.s32 $0x180, s16;
	s30 =	simm.s32 $0x1C280  }
0x456: {  	[hbm4b:s29+s2] =	stream.linear.scatter [tilespmem:s30], [sflag:$0x4], $0x80, $0x38;
	[tilespmem:$0x1CC00] =	vst v63  }
0x457: {  	s3 =	sadd.s32 $0x200, s16;
	s4 =	simm.s32 $0x1C680  }
0x458: {  	[hbm4b:s3+s2] =	stream.linear.scatter [tilespmem:s4], [sflag:$0x4], $0x80, $0x38;
	[tilespmem:$0x1CC00] =	vst v63  }
0x459: {  	s5 =	sadd.s32 $0x280, s16;
	s29 =	simm.s32 $0x1CA80  }
0x45a: {  	[hbm4b:s5+s2] =	stream.linear.scatter [tilespmem:s29], [sflag:$0x4], $0x80, $0x38;
	[tilespmem:$0x1CC00] =	vst v63  }
0x45b: {  	_ =	swait.ge [sflag:s26], $0x300  }
0x45c: {  	[sflag:s26] =	ssyncset.done $0x0  }
0x45d: {  	[sflag:s26] =	ssyncadd.s32 $0xFFFFFD00  }
0x45e: {  	_ =	swait.ge [sflag:s26], $0x300  }
0x45f: {  	[sflag:s26] =	ssyncset.done $0x0  }
0x460: {  	[sflag:s26] =	ssyncadd.s32 $0xFFFFFD00  }
0x461: {  	_ =	swait.ge [sflag:s26], $0x300  }
0x462: {  	[sflag:s26] =	ssyncset.done $0x0  }
0x463: {  	[sflag:s26] =	ssyncadd.s32 $0xFFFFFD00  }
0x464: {  	_ =	swait.ge [sflag:s26], $0x300  }
0x465: {  	[sflag:s26] =	ssyncset.done $0x0  }
0x466: {  	[sflag:s26] =	ssyncadd.s32 $0xFFFFFD00  }
0x467: {  	_ =	swait.ge [sflag:s26], $0x300  }
0x468: {  	[sflag:s26] =	ssyncset.done $0x0  }
0x469: {  	[sflag:s26] =	ssyncadd.s32 $0xFFFFFD00  }
0x46a: {  	_ =	swait.ge [sflag:s26], $0x300  }
0x46b: {  	s28 =	sadd.s32 $0x1, s28;
	s30 =	rddreg [dreg:$0xc]  }
0x46c: {  	p0 =	sne.s32 s28, s30  }
.Ltmp6:
0x46d: {  	_ = 	snop;
	(pc) =	sbr.rel @p0 .LBB2_1-.Ltmp6, $3  }
0x46e: {  	_ =	sdelay $0x1  }
0x46f: {  	[sflag:s26] =	ssyncset.done $0x0  }
0x470: {  	[sflag:s26] =	ssyncadd.s32 $0xFFFFFD00  }
0x471: {  	_ =	sfence.sel $0x180000  }
0x472: {  	[bflag:$0x0] =	sbarrier.arrive $0xFFFF  }
0x473: {  	_ =	strace $0x90000047  }
0x474: {  	s0 =	stileid.u32;
	[bflag:$0x2] =	sbarrier.arrive $0xFFFF  }
0x475: {  	p0 =	sne.s32 s0, $0x0;
	s0 =	rddreg [dreg:$0x5]  }
0x476: {  	s0 =	sadd.s32 @!p0 $0x100000, s0  }
0x477: {  	[sflag:s0] =	ssyncadd.tile.s32 @!p0 $0x1;
	_ =	shalt  }
.Lfunc_end2:
_tile_overlayer_lowered:
.L_overlay_start_2:
0x478: {  	(tag) =	ssettag $0x2  }
0x479: {  	s0 =	rddreg [dreg:$0x0];
	s2 =	stileid.u32  }
0x47a: {  	s1 =	rddreg [dreg:$0x1];
	p0 =	sne.s32 s2, $0x0  }
0x47b: {  	s3 =	rddreg [dreg:$0x2];
	[bflag:$0x3] =	sbarrier.arrive $0xFFFF;
	s2 =	simm.s32 @!p0 $0x1C06  }
0x47c: {  	[timem:s3], [sflag:s2] =	dma.local @!p0 [hbm:s0], s1  }
0x47d: {  	s0 =	simm.s32 @!p0 $0x6  }
0x47e: {  	_ =	swait.ge @!p0 [sflag:s0], s1  }
0x47f: {  	s1 =	ssub.s32 @!p0 $0x0, s1;
	[sflag:s0] =	ssyncset.done @!p0 $0x0  }
0x480: {  	[sflag:s0] =	ssyncadd.s32 @!p0 s1  }
0x481: {  	[bflag:$0x3] =	sbarrier.arrive $0xFFFF  }
0x482: {  	_ =	shalt  }

</sc_bundles>
